<compile_context>
chip_gen: v7x
topology: tpu7x:2x2x1
jax: 0.10.2.dev20260603
libtpu: 0.0.44.dev20260713+nightly
codegen_flags: <defaults>
</compile_context>

<pallas_src>
import functools

import jax
import jax.numpy as jnp
from jax import lax
from jax.experimental import pallas as pl
from jax.experimental.pallas import tpu as pltpu
from jax.experimental.pallas import tpu_sc as plsc

N = 10000
E = 320000
NW = 32
CH = 80
CHS = 40
EPW = CH * 128
EPAD = NW * EPW
N1 = 10112
RPT = N1 // 16
DEGW = 16

_MESH = plsc.VectorSubcoreMesh(core_axis_name="c", subcore_axis_name="s")


def _sc_degree():

    @functools.partial(
        pl.kernel,
        out_type=jax.ShapeDtypeStruct((2, N1, DEGW), jnp.float32),
        mesh=_MESH,
        scratch_types=[
            pltpu.VMEM((CH, 128), jnp.int32),
            pltpu.VMEM((128, DEGW), jnp.float32),
            pltpu.VMEM_SHARED((N1, DEGW), jnp.float32),
        ],
        compiler_params=pltpu.CompilerParams(use_tc_tiling_on_sc=False),
    )
    def k(dstp_hbm, ones_hbm, zeros_hbm, out_hbm, dst_v, ones_v, acc):
        c = lax.axis_index("c")
        s = lax.axis_index("s")
        wid = s * 2 + c
        row0 = s * RPT
        pltpu.sync_copy(zeros_hbm.at[pl.ds(row0, RPT)], acc.at[pl.ds(row0, RPT)])
        pltpu.sync_copy(dstp_hbm.at[wid], dst_v)
        pltpu.sync_copy(ones_hbm, ones_v)
        plsc.subcore_barrier()

        def body(j, carry):
            pltpu.sync_copy(ones_v, acc.at[dst_v.at[j]], add=True)
            return carry

        lax.fori_loop(0, CH, body, 0)
        plsc.subcore_barrier()
        pltpu.sync_copy(acc.at[pl.ds(row0, RPT)], out_hbm.at[c, pl.ds(row0, RPT)])

    return k


def _sc_spmm(D):

    @functools.partial(
        pl.kernel,
        out_type=jax.ShapeDtypeStruct((2, N1, D), jnp.float32),
        mesh=_MESH,
        scratch_types=[
            pltpu.VMEM((CHS, 128), jnp.int32),
            pltpu.VMEM((CHS, 128), jnp.int32),
            pltpu.VMEM((2, 128, D), jnp.float32),
            pltpu.VMEM_SHARED((N1, D), jnp.float32),
            pltpu.SemaphoreType.DMA,
            pltpu.SemaphoreType.DMA,
        ],
        compiler_params=pltpu.CompilerParams(use_tc_tiling_on_sc=False),
    )
    def k(g_hbm, srcp_hbm, dstp_hbm, zeros_hbm, out_hbm,
          src_v, dst_v, rows_v, acc, sem0, sem1):
        c = lax.axis_index("c")
        s = lax.axis_index("s")
        wid = s * 2 + c
        row0 = s * RPT
        pltpu.sync_copy(zeros_hbm.at[pl.ds(row0, RPT)], acc.at[pl.ds(row0, RPT)])
        plsc.subcore_barrier()

        sems = (sem0, sem1)
        for half in range(CH // CHS):
            pltpu.sync_copy(srcp_hbm.at[wid, pl.ds(half * CHS, CHS)], src_v)
            pltpu.sync_copy(dstp_hbm.at[wid, pl.ds(half * CHS, CHS)], dst_v)
            pltpu.async_copy(g_hbm.at[src_v.at[0]], rows_v.at[0], sem0)
            pltpu.async_copy(g_hbm.at[src_v.at[1]], rows_v.at[1], sem1)

            def body(i, carry):
                g0 = i * 2
                for b in range(2):
                    j = g0 + b
                    pltpu.make_async_copy(
                        g_hbm.at[src_v.at[j]], rows_v.at[b], sems[b]).wait()
                    pltpu.sync_copy(rows_v.at[b], acc.at[dst_v.at[j]], add=True)

                    @pl.when(j + 2 < CHS)
                    def _():
                        pltpu.async_copy(
                            g_hbm.at[src_v.at[j + 2]], rows_v.at[b], sems[b])
                return carry

            lax.fori_loop(0, CHS // 2, body, 0)
        plsc.subcore_barrier()
        pltpu.sync_copy(acc.at[pl.ds(row0, RPT)], out_hbm.at[c, pl.ds(row0, RPT)])

    return k


def _sc_spmm_deep(D, NBUF=4, G=2):

    @functools.partial(
        pl.kernel,
        out_type=jax.ShapeDtypeStruct((2, N1, D), jnp.float32),
        mesh=_MESH,
        scratch_types=[
            pltpu.VMEM((CH, 128), jnp.int32),
            pltpu.VMEM((CH, 128), jnp.int32),
            pltpu.VMEM((NBUF, 128, D), jnp.float32),
            pltpu.VMEM_SHARED((N1, D), jnp.float32),
            [pltpu.SemaphoreType.DMA] * NBUF,
            [pltpu.SemaphoreType.DMA] * NBUF,
        ],
        compiler_params=pltpu.CompilerParams(
            use_tc_tiling_on_sc=False) if D % 128 else None,
    )
    def k(g_hbm, srcp_hbm, dstp_hbm, zeros_hbm, out_hbm,
          src_v, dst_v, rows_v, acc, gsem, ssem):
        c = lax.axis_index("c")
        s = lax.axis_index("s")
        wid = s * 2 + c
        row0 = s * RPT
        pltpu.sync_copy(zeros_hbm.at[pl.ds(row0, RPT)], acc.at[pl.ds(row0, RPT)])
        pltpu.sync_copy(srcp_hbm.at[wid], src_v)
        pltpu.sync_copy(dstp_hbm.at[wid], dst_v)
        plsc.subcore_barrier()

        for j in range(G):
            pltpu.async_copy(g_hbm.at[src_v.at[j]], rows_v.at[j], gsem[j])

        def body(io, carry):
            j0 = io * NBUF
            for b in range(NBUF):
                j = j0 + b
                pltpu.make_async_copy(
                    g_hbm.at[src_v.at[j]], rows_v.at[b], gsem[b]).wait()
                pltpu.async_copy(rows_v.at[b], acc.at[dst_v.at[j]], ssem[b],
                                 add=True)
                k_next = j + G
                rk = (b + G) % NBUF

                @pl.when(k_next < CH)
                def _():
                    @pl.when(k_next >= NBUF)
                    def _():
                        pltpu.make_async_copy(
                            rows_v.at[rk],
                            acc.at[dst_v.at[jnp.maximum(k_next - NBUF, 0)]],
                            ssem[rk]).wait()

                    pltpu.async_copy(
                        g_hbm.at[src_v.at[k_next]], rows_v.at[rk], gsem[rk])
            return carry

        lax.fori_loop(0, CH // NBUF, body, 0)
        for d in range(NBUF):
            j = CH - NBUF + d
            pltpu.make_async_copy(
                rows_v.at[j % NBUF], acc.at[dst_v.at[j]],
                ssem[j % NBUF]).wait()
        plsc.subcore_barrier()
        pltpu.sync_copy(acc.at[pl.ds(row0, RPT)], out_hbm.at[c, pl.ds(row0, RPT)])

    return k


_RB = 1000


def _row_spec(D):
    return pl.BlockSpec((_RB, D), lambda i: (i, 0))


def _part_specs(D):
    return [pl.BlockSpec((1, _RB, D), lambda i, c=c: (c, i, 0)) for c in (0, 1)]


def _full_spec(shape):
    return pl.BlockSpec(shape, lambda i: tuple(0 for _ in shape))


def _tc_call(body, in_specs, out_specs, out_shapes, args):
    return pl.pallas_call(
        body,
        grid=(N // _RB,),
        in_specs=in_specs,
        out_specs=out_specs,
        out_shape=out_shapes,
    )(*args)


def _tc_b(degp, x, w1t):
    def body(p0, p1, x_r, w_r, dinv_r, g_r):
        deg = p0[0, :, 0:1] + p1[0, :, 0:1] + 1.0
        dinv = lax.rsqrt(deg)
        dinv_r[...] = dinv
        g_r[...] = dinv * jnp.dot(x_r[...], w_r[...],
                                  preferred_element_type=jnp.float32)

    return _tc_call(
        body,
        _part_specs(DEGW) + [_row_spec(128), _full_spec((128, 128))],
        [_row_spec(1), _row_spec(128)],
        [jax.ShapeDtypeStruct((N, 1), jnp.float32),
         jax.ShapeDtypeStruct((N, 128), jnp.float32)],
        (degp, degp, x, w1t),
    )


def _tc_mid(parts, g, dinv, b, wnext, D, DN):
    def body(p0, p1, g_r, dinv_r, b_r, w_r, gn_r):
        h = dinv_r[...] * (p0[0] + p1[0] + g_r[...]) + b_r[...]
        gn_r[...] = dinv_r[...] * jnp.dot(h, w_r[...],
                                          preferred_element_type=jnp.float32)

    return _tc_call(
        body,
        _part_specs(D) + [_row_spec(D), _row_spec(1), _full_spec((1, D)),
                          _full_spec((D, DN))],
        [_row_spec(DN)],
        [jax.ShapeDtypeStruct((N, DN), jnp.float32)],
        (parts, parts, g, dinv, b, wnext),
    )[0]


def _tc_f(parts, g2, dinv, b2, head1, w2):
    def body(p0, p1, g_r, dinv_r, b_r, h1_r, w2_r, h2_r, z_r, g3_r):
        h2 = dinv_r[...] * (p0[0] + p1[0] + g_r[...]) + b_r[...]
        z = jnp.dot(h2, h1_r[...], preferred_element_type=jnp.float32)
        h2_r[...] = h2
        z_r[...] = z
        g3_r[...] = dinv_r[...] * jnp.dot(z, w2_r[...],
                                          preferred_element_type=jnp.float32)

    return _tc_call(
        body,
        _part_specs(64) + [_row_spec(64), _row_spec(1), _full_spec((1, 64)),
                           _full_spec((64, 64)), _full_spec((64, 128))],
        [_row_spec(64), _row_spec(64), _row_spec(128)],
        [jax.ShapeDtypeStruct((N, 64), jnp.float32),
         jax.ShapeDtypeStruct((N, 64), jnp.float32),
         jax.ShapeDtypeStruct((N, 128), jnp.float32)],
        (parts, parts, g2, dinv, b2, head1, w2),
    )


def _tc_last(parts, g4, dinv, b4):
    def body(p0, p1, g_r, dinv_r, b_r, h_r):
        h_r[...] = dinv_r[...] * (p0[0] + p1[0] + g_r[...]) + b_r[...]

    return _tc_call(
        body,
        _part_specs(128) + [_row_spec(128), _row_spec(1), _full_spec((1, 128))],
        [_row_spec(128)],
        [jax.ShapeDtypeStruct((N, 128), jnp.float32)],
        (parts, parts, g4, dinv, b4),
    )[0]


def kernel(features, edge_index, W1, b1, W2, b2, b3, b4, head1):
    src, dst = edge_index[0], edge_index[1]
    ppw = EPW - E // NW
    dsrc = jnp.zeros((NW, ppw), jnp.int32)
    ddst = jnp.broadcast_to(N + (jnp.arange(ppw, dtype=jnp.int32) % (N1 - N)),
                            (NW, ppw))
    srcp = jnp.concatenate(
        [src.reshape(NW, E // NW), dsrc], axis=1).reshape(NW, CH, 128)
    dstp = jnp.concatenate(
        [dst.reshape(NW, E // NW), ddst], axis=1).reshape(NW, CH, 128)

    zeros16 = jnp.zeros((N1, DEGW), jnp.float32)
    zeros64 = jnp.zeros((N1, 64), jnp.float32)
    zeros128 = jnp.zeros((N1, 128), jnp.float32)
    ones16 = jnp.zeros((128, DEGW), jnp.float32).at[:, 0].set(1.0)

    degp = _sc_degree()(dstp, ones16, zeros16)
    dinv, g1 = _tc_b(degp, features, W1.T)

    spmm128 = _sc_spmm(128)
    spmm64 = _sc_spmm_deep(64)

    p1 = spmm128(g1, srcp, dstp, zeros128)
    g2 = _tc_mid(p1, g1, dinv, b1.reshape(1, -1), W2.T, 128, 64)

    p2 = spmm64(g2, srcp, dstp, zeros64)
    h2, z, g3 = _tc_f(p2, g2, dinv, b2.reshape(1, -1), head1, W2)

    p3 = spmm128(g3, srcp, dstp, zeros128)
    g4 = _tc_mid(p3, g3, dinv, b3.reshape(1, -1), W1, 128, 128)

    p4 = spmm128(g4, srcp, dstp, zeros128)
    h4 = _tc_last(p4, g4, dinv, b4.reshape(1, -1))

    return (z, h2, h4)

# --- scband reference (transcript-rebuilt; emitter-appended) ---
"""Pipeline reference for scband-gae-65618510348475 (READ-ONLY COPY).

The authoritative reference and input builder live on the scoring server;
editing this copy changes nothing except your own understanding.
"""

import jax, jax.numpy as jnp
import numpy as np

N_NODES = 10000
N_EDGES = 320000
IN_DIM = 128
HID = 128
OUT = 64


def _xavier(key, shape):
    a = float(np.sqrt(6.0 / (shape[0] + shape[1])))
    return jax.random.uniform(key, shape, minval=-a, maxval=a, dtype=jnp.float32)


def setup_inputs(seed: int = 0) -> dict:
    key = jax.random.key(seed)
    ks = jax.random.split(key, 6)
    features = jax.random.normal(ks[0], (N_NODES, IN_DIM), dtype=jnp.float32)
    edge_index = jax.random.randint(ks[1], (2, N_EDGES), 0, N_NODES, dtype=jnp.int32)
    # GCNConv-style linear weights, PyG layout [out_features, in_features]
    W1 = _xavier(ks[2], (HID, IN_DIM))
    b1 = jnp.zeros((HID,), dtype=jnp.float32)
    W2 = _xavier(ks[3], (OUT, HID))
    b2 = jnp.zeros((OUT,), dtype=jnp.float32)
    b3 = jnp.zeros((HID,), dtype=jnp.float32)
    b4 = jnp.zeros((IN_DIM,), dtype=jnp.float32)
    head1 = _xavier(ks[4], (OUT, OUT))
    return {"features": features, "edge_index": edge_index, "W1": W1, "b1": b1,
            "W2": W2, "b2": b2, "b3": b3, "b4": b4, "head1": head1}


def _gcn_conv(x, src, dst, W, b):
    # GCNConv: add self-loops, symmetric deg^{-1/2} normalization, linear, scatter-add
    N = x.shape[0]
    loop = jnp.arange(N, dtype=src.dtype)
    s = jnp.concatenate([src, loop])
    d = jnp.concatenate([dst, loop])
    deg = jax.ops.segment_sum(jnp.ones(s.shape[0], dtype=x.dtype), d, num_segments=N)
    dinv = jnp.where(deg > 0, deg ** -0.5, 0.0)
    h = x @ W.T
    norm = dinv[s] * dinv[d]
    msg = h[s] * norm[:, None]
    out = jax.ops.segment_sum(msg, d, num_segments=N)
    return out + b


def reference(features, edge_index, W1, b1, W2, b2, b3, b4, head1):
    src, dst = edge_index[0], edge_index[1]
    h1 = _gcn_conv(features, src, dst, W1, b1)
    h2 = _gcn_conv(h1, src, dst, W2, b2)
    z = h2 @ head1
    # conv3/conv4 weights are tied via .data assignment (no grad flow in torch)
    W3 = jax.lax.stop_gradient(W2).T  # [HID, OUT]
    h3 = _gcn_conv(z, src, dst, W3, b3)
    W4 = jax.lax.stop_gradient(W1).T  # [IN_DIM, HID]
    h4 = _gcn_conv(h3, src, dst, W4, b4)
    return (z, h2, h4)

if __name__ == "__main__":
    import jax
    _d = setup_inputs()
    print(jax.jit(kernel)(*tuple(_d.values())))

</pallas_src>

<mosaic_0001>
#map = affine_map<(d0, d1) -> (0, 0)>
#map1 = affine_map<(d0, d1) -> (0, 0, 0)>
module attributes {stable_mosaic.version = 14 : i64} {
  func.func @k(%arg0: i32, %arg1: i32, %arg2: memref<10000x128xf32, #tpu.memory_space<hbm>>, %arg3: memref<32x80x128xi32, #tpu.memory_space<hbm>>, %arg4: memref<32x80x128xi32, #tpu.memory_space<hbm>>, %arg5: memref<10112x128xf32, #tpu.memory_space<hbm>>, %arg6: memref<2x10112x128xf32, #tpu.memory_space<hbm>>, %arg7: memref<40x128xi32, #tpu.memory_space<vmem>>, %arg8: memref<40x128xi32, #tpu.memory_space<vmem>>, %arg9: memref<2x128x128xf32, #tpu.memory_space<vmem>>, %arg10: memref<10112x128xf32, #tpu.memory_space<vmem_shared>>, %arg11: memref<!tpu.dma_semaphore, #tpu.memory_space<semaphore_mem>>, %arg12: memref<!tpu.dma_semaphore, #tpu.memory_space<semaphore_mem>>) attributes {dimension_semantics = [#tpu.dimension_semantics<core_parallel>, #tpu.dimension_semantics<subcore_parallel>], iteration_bounds = array<i64: 2, 16>, scalar_prefetch = 0 : i64, scratch_operands = 6 : i64, tpu.core_type = #tpu.core_type<sc_vector_subcore>, window_params = [{transform_indices = #map}, {transform_indices = #map1}, {transform_indices = #map1}, {transform_indices = #map}, {transform_indices = #map1}]} {
    %mul3A = arith.constant 2 : i32
    %mul3A_0 = arith.muli %arg1, %mul3A : i32
    %add3A = arith.addi %mul3A_0, %arg0 : i32
    %mul3A_1 = arith.constant 632 : i32
    %mul3A_2 = arith.muli %arg1, %mul3A_1 : i32
    "tpu.region"() ({
      %run_scoped3A = tpu.sem_alloc : memref<!tpu.dma_semaphore, #tpu.memory_space<semaphore_mem>>
      %dma_start3A_62 = arith.constant 0 : i32
      %dma_start3A_63 = tpu.memref_slice %arg10[%mul3A_2, %dma_start3A_62] : memref<10112x128xf32, #tpu.memory_space<vmem_shared>> -> memref<632x128xf32, #tpu.memory_space<vmem_shared>>
      %dma_start3A_64 = arith.constant 0 : i32
      %dma_start3A_65 = tpu.memref_slice %arg5[%mul3A_2, %dma_start3A_64] : memref<10112x128xf32, #tpu.memory_space<hbm>> -> memref<632x128xf32, #tpu.memory_space<hbm>>
      tpu.enqueue_dma source(%dma_start3A_65 : memref<632x128xf32, #tpu.memory_space<hbm>>) target(%dma_start3A_63 : memref<632x128xf32, #tpu.memory_space<vmem_shared>>) target_semaphore(%run_scoped3A : memref<!tpu.dma_semaphore, #tpu.memory_space<semaphore_mem>>)
      %dma_wait3A = arith.constant 0 : i32
      %dma_wait3A_66 = tpu.memref_slice %arg10[%mul3A_2, %dma_wait3A] : memref<10112x128xf32, #tpu.memory_space<vmem_shared>> -> memref<632x128xf32, #tpu.memory_space<vmem_shared>>
      %dma_wait3A_67 = arith.constant 0 : i32
      %dma_wait3A_68 = tpu.memref_slice %arg5[%mul3A_2, %dma_wait3A_67] : memref<10112x128xf32, #tpu.memory_space<hbm>> -> memref<632x128xf32, #tpu.memory_space<hbm>>
      tpu.wait_dma2 semaphore(%run_scoped3A : memref<!tpu.dma_semaphore, #tpu.memory_space<semaphore_mem>>) src(%dma_wait3A_68 : memref<632x128xf32, #tpu.memory_space<hbm>>) dst(%dma_wait3A_66 : memref<632x128xf32, #tpu.memory_space<vmem_shared>>)
      tpu.yield
    }) : () -> ()
    %barrier3A = arith.constant 0 : index
    tpu.barrier barrier_id(%barrier3A)
    "tpu.region"() ({
      %run_scoped3A = tpu.sem_alloc : memref<!tpu.dma_semaphore, #tpu.memory_space<semaphore_mem>>
      %dma_start3A_62 = arith.constant 0 : i32
      %dma_start3A_63 = arith.constant 0 : i32
      %dma_start3A_64 = tpu.memref_slice %arg3[%add3A, %dma_start3A_62, %dma_start3A_63] : memref<32x80x128xi32, #tpu.memory_space<hbm>> -> memref<1x40x128xi32, #tpu.memory_space<hbm>>
      %dma_start3A_65 = tpu.memref_squeeze %dma_start3A_64 : memref<1x40x128xi32, #tpu.memory_space<hbm>> -> memref<40x128xi32, #tpu.memory_space<hbm>>
      %dma_start3A_66 = arith.constant 0 : i32
      %dma_start3A_67 = arith.constant 0 : i32
      %dma_start3A_68 = tpu.memref_slice %arg3[%add3A, %dma_start3A_66, %dma_start3A_67] : memref<32x80x128xi32, #tpu.memory_space<hbm>> -> memref<1x40x128xi32, #tpu.memory_space<hbm>>
      %dma_start3A_69 = tpu.memref_squeeze %dma_start3A_68 : memref<1x40x128xi32, #tpu.memory_space<hbm>> -> memref<40x128xi32, #tpu.memory_space<hbm>>
      tpu.enqueue_dma source(%dma_start3A_69 : memref<40x128xi32, #tpu.memory_space<hbm>>) target(%arg7 : memref<40x128xi32, #tpu.memory_space<vmem>>) target_semaphore(%run_scoped3A : memref<!tpu.dma_semaphore, #tpu.memory_space<semaphore_mem>>)
      %dma_wait3A = arith.constant 0 : i32
      %dma_wait3A_70 = arith.constant 0 : i32
      %dma_wait3A_71 = tpu.memref_slice %arg3[%add3A, %dma_wait3A, %dma_wait3A_70] : memref<32x80x128xi32, #tpu.memory_space<hbm>> -> memref<1x40x128xi32, #tpu.memory_space<hbm>>
      %dma_wait3A_72 = tpu.memref_squeeze %dma_wait3A_71 : memref<1x40x128xi32, #tpu.memory_space<hbm>> -> memref<40x128xi32, #tpu.memory_space<hbm>>
      %dma_wait3A_73 = arith.constant 0 : i32
      %dma_wait3A_74 = arith.constant 0 : i32
      %dma_wait3A_75 = tpu.memref_slice %arg3[%add3A, %dma_wait3A_73, %dma_wait3A_74] : memref<32x80x128xi32, #tpu.memory_space<hbm>> -> memref<1x40x128xi32, #tpu.memory_space<hbm>>
      %dma_wait3A_76 = tpu.memref_squeeze %dma_wait3A_75 : memref<1x40x128xi32, #tpu.memory_space<hbm>> -> memref<40x128xi32, #tpu.memory_space<hbm>>
      tpu.wait_dma2 semaphore(%run_scoped3A : memref<!tpu.dma_semaphore, #tpu.memory_space<semaphore_mem>>) src(%dma_wait3A_76 : memref<40x128xi32, #tpu.memory_space<hbm>>) dst(%arg7 : memref<40x128xi32, #tpu.memory_space<vmem>>)
      tpu.yield
    }) : () -> ()
    "tpu.region"() ({
      %run_scoped3A = tpu.sem_alloc : memref<!tpu.dma_semaphore, #tpu.memory_space<semaphore_mem>>
      %dma_start3A_62 = arith.constant 0 : i32
      %dma_start3A_63 = arith.constant 0 : i32
      %dma_start3A_64 = tpu.memref_slice %arg4[%add3A, %dma_start3A_62, %dma_start3A_63] : memref<32x80x128xi32, #tpu.memory_space<hbm>> -> memref<1x40x128xi32, #tpu.memory_space<hbm>>
      %dma_start3A_65 = tpu.memref_squeeze %dma_start3A_64 : memref<1x40x128xi32, #tpu.memory_space<hbm>> -> memref<40x128xi32, #tpu.memory_space<hbm>>
      %dma_start3A_66 = arith.constant 0 : i32
      %dma_start3A_67 = arith.constant 0 : i32
      %dma_start3A_68 = tpu.memref_slice %arg4[%add3A, %dma_start3A_66, %dma_start3A_67] : memref<32x80x128xi32, #tpu.memory_space<hbm>> -> memref<1x40x128xi32, #tpu.memory_space<hbm>>
      %dma_start3A_69 = tpu.memref_squeeze %dma_start3A_68 : memref<1x40x128xi32, #tpu.memory_space<hbm>> -> memref<40x128xi32, #tpu.memory_space<hbm>>
      tpu.enqueue_dma source(%dma_start3A_69 : memref<40x128xi32, #tpu.memory_space<hbm>>) target(%arg8 : memref<40x128xi32, #tpu.memory_space<vmem>>) target_semaphore(%run_scoped3A : memref<!tpu.dma_semaphore, #tpu.memory_space<semaphore_mem>>)
      %dma_wait3A = arith.constant 0 : i32
      %dma_wait3A_70 = arith.constant 0 : i32
      %dma_wait3A_71 = tpu.memref_slice %arg4[%add3A, %dma_wait3A, %dma_wait3A_70] : memref<32x80x128xi32, #tpu.memory_space<hbm>> -> memref<1x40x128xi32, #tpu.memory_space<hbm>>
      %dma_wait3A_72 = tpu.memref_squeeze %dma_wait3A_71 : memref<1x40x128xi32, #tpu.memory_space<hbm>> -> memref<40x128xi32, #tpu.memory_space<hbm>>
      %dma_wait3A_73 = arith.constant 0 : i32
      %dma_wait3A_74 = arith.constant 0 : i32
      %dma_wait3A_75 = tpu.memref_slice %arg4[%add3A, %dma_wait3A_73, %dma_wait3A_74] : memref<32x80x128xi32, #tpu.memory_space<hbm>> -> memref<1x40x128xi32, #tpu.memory_space<hbm>>
      %dma_wait3A_76 = tpu.memref_squeeze %dma_wait3A_75 : memref<1x40x128xi32, #tpu.memory_space<hbm>> -> memref<40x128xi32, #tpu.memory_space<hbm>>
      tpu.wait_dma2 semaphore(%run_scoped3A : memref<!tpu.dma_semaphore, #tpu.memory_space<semaphore_mem>>) src(%dma_wait3A_76 : memref<40x128xi32, #tpu.memory_space<hbm>>) dst(%arg8 : memref<40x128xi32, #tpu.memory_space<vmem>>)
      tpu.yield
    }) : () -> ()
    %dma_start3A = arith.constant 0 : i32
    %dma_start3A_3 = arith.constant 0 : i32
    %dma_start3A_4 = arith.constant 0 : i32
    %dma_start3A_5 = arith.constant 0 : i32
    %dma_start3A_6 = tpu.memref_slice %arg9[%dma_start3A_3, %dma_start3A_4, %dma_start3A_5] : memref<2x128x128xf32, #tpu.memory_space<vmem>> -> memref<1x128x128xf32, #tpu.memory_space<vmem>>
    %dma_start3A_7 = tpu.memref_squeeze %dma_start3A_6 : memref<1x128x128xf32, #tpu.memory_space<vmem>> -> memref<128x128xf32, #tpu.memory_space<vmem>>
    %dma_start3A_8 = arith.constant 0 : i32
    %dma_start3A_9 = tpu.memref_slice %arg7[%dma_start3A, %dma_start3A_8] : memref<40x128xi32, #tpu.memory_space<vmem>> -> memref<1x128xi32, #tpu.memory_space<vmem>>
    %dma_start3A_10 = tpu.memref_squeeze %dma_start3A_9 : memref<1x128xi32, #tpu.memory_space<vmem>> -> memref<128xi32, #tpu.memory_space<vmem>>
    %dma_start3A_11 = arith.constant 0 : i32
    %dma_start3A_12 = arith.constant 0 : i32
    %dma_start3A_13 = tpu.memref_slice %arg2[%dma_start3A_11, %dma_start3A_12] : memref<10000x128xf32, #tpu.memory_space<hbm>> -> memref<10000x128xf32, #tpu.memory_space<hbm>>
    tpu.enqueue_indirect_dma source(%dma_start3A_13 : memref<10000x128xf32, #tpu.memory_space<hbm>>) target(%dma_start3A_7 : memref<128x128xf32, #tpu.memory_space<vmem>>) offsets(%dma_start3A_10 : memref<128xi32, #tpu.memory_space<vmem>>) semaphore(%arg11 : memref<!tpu.dma_semaphore, #tpu.memory_space<semaphore_mem>>)
    %dma_start3A_14 = arith.constant 1 : i32
    %dma_start3A_15 = arith.constant 1 : i32
    %dma_start3A_16 = arith.constant 0 : i32
    %dma_start3A_17 = arith.constant 0 : i32
    %dma_start3A_18 = tpu.memref_slice %arg9[%dma_start3A_15, %dma_start3A_16, %dma_start3A_17] : memref<2x128x128xf32, #tpu.memory_space<vmem>> -> memref<1x128x128xf32, #tpu.memory_space<vmem>>
    %dma_start3A_19 = tpu.memref_squeeze %dma_start3A_18 : memref<1x128x128xf32, #tpu.memory_space<vmem>> -> memref<128x128xf32, #tpu.memory_space<vmem>>
    %dma_start3A_20 = arith.constant 0 : i32
    %dma_start3A_21 = tpu.memref_slice %arg7[%dma_start3A_14, %dma_start3A_20] : memref<40x128xi32, #tpu.memory_space<vmem>> -> memref<1x128xi32, #tpu.memory_space<vmem>>
    %dma_start3A_22 = tpu.memref_squeeze %dma_start3A_21 : memref<1x128xi32, #tpu.memory_space<vmem>> -> memref<128xi32, #tpu.memory_space<vmem>>
    %dma_start3A_23 = arith.constant 0 : i32
    %dma_start3A_24 = arith.constant 0 : i32
    %dma_start3A_25 = tpu.memref_slice %arg2[%dma_start3A_23, %dma_start3A_24] : memref<10000x128xf32, #tpu.memory_space<hbm>> -> memref<10000x128xf32, #tpu.memory_space<hbm>>
    tpu.enqueue_indirect_dma source(%dma_start3A_25 : memref<10000x128xf32, #tpu.memory_space<hbm>>) target(%dma_start3A_19 : memref<128x128xf32, #tpu.memory_space<vmem>>) offsets(%dma_start3A_22 : memref<128xi32, #tpu.memory_space<vmem>>) semaphore(%arg12 : memref<!tpu.dma_semaphore, #tpu.memory_space<semaphore_mem>>)
    %scan3A = arith.constant 0 : i32
    %scan3A_26 = arith.constant 0 : i32
    %scan3A_27 = arith.constant 20 : i32
    %scan3A_28 = arith.addi %scan3A_26, %scan3A_27 : i32
    %scan3A_29 = arith.constant 1 : i32
    scf.for %scan3A_62 = %scan3A_26 to %scan3A_28 step %scan3A_29  : i32 {
      %mul3A_63 = arith.constant 2 : i32
      %mul3A_64 = arith.muli %scan3A_62, %mul3A_63 : i32
      %add3A_65 = arith.constant 0 : i32
      %add3A_66 = arith.addi %mul3A_64, %add3A_65 : i32
      %dma_wait3A = arith.constant 0 : i32
      %dma_wait3A_67 = arith.constant 0 : i32
      %dma_wait3A_68 = arith.constant 0 : i32
      %dma_wait3A_69 = tpu.memref_slice %arg9[%dma_wait3A, %dma_wait3A_67, %dma_wait3A_68] : memref<2x128x128xf32, #tpu.memory_space<vmem>> -> memref<1x128x128xf32, #tpu.memory_space<vmem>>
      %dma_wait3A_70 = tpu.memref_squeeze %dma_wait3A_69 : memref<1x128x128xf32, #tpu.memory_space<vmem>> -> memref<128x128xf32, #tpu.memory_space<vmem>>
      %dma_wait3A_71 = arith.constant 0 : i32
      %dma_wait3A_72 = tpu.memref_slice %arg7[%add3A_66, %dma_wait3A_71] : memref<40x128xi32, #tpu.memory_space<vmem>> -> memref<1x128xi32, #tpu.memory_space<vmem>>
      %dma_wait3A_73 = tpu.memref_squeeze %dma_wait3A_72 : memref<1x128xi32, #tpu.memory_space<vmem>> -> memref<128xi32, #tpu.memory_space<vmem>>
      %dma_wait3A_74 = arith.constant 0 : i32
      %dma_wait3A_75 = arith.constant 0 : i32
      %dma_wait3A_76 = tpu.memref_slice %arg2[%dma_wait3A_74, %dma_wait3A_75] : memref<10000x128xf32, #tpu.memory_space<hbm>> -> memref<10000x128xf32, #tpu.memory_space<hbm>>
      tpu.wait_indirect_dma semaphore(%arg11 : memref<!tpu.dma_semaphore, #tpu.memory_space<semaphore_mem>>) src(%dma_wait3A_76 : memref<10000x128xf32, #tpu.memory_space<hbm>>) dst(%dma_wait3A_70 : memref<128x128xf32, #tpu.memory_space<vmem>>)
      %run_scoped3A = arith.constant 0 : i32
      "tpu.region"() ({
        %run_scoped3A_102 = tpu.sem_alloc : memref<!tpu.dma_semaphore, #tpu.memory_space<semaphore_mem>>
        %dma_start3A_103 = arith.constant 0 : i32
        %dma_start3A_104 = arith.constant 0 : i32
        %dma_start3A_105 = tpu.memref_slice %arg9[%run_scoped3A, %dma_start3A_103, %dma_start3A_104] : memref<2x128x128xf32, #tpu.memory_space<vmem>> -> memref<1x128x128xf32, #tpu.memory_space<vmem>>
        %dma_start3A_106 = tpu.memref_squeeze %dma_start3A_105 : memref<1x128x128xf32, #tpu.memory_space<vmem>> -> memref<128x128xf32, #tpu.memory_space<vmem>>
        %dma_start3A_107 = arith.constant 0 : i32
        %dma_start3A_108 = tpu.memref_slice %arg8[%add3A_66, %dma_start3A_107] : memref<40x128xi32, #tpu.memory_space<vmem>> -> memref<1x128xi32, #tpu.memory_space<vmem>>
        %dma_start3A_109 = tpu.memref_squeeze %dma_start3A_108 : memref<1x128xi32, #tpu.memory_space<vmem>> -> memref<128xi32, #tpu.memory_space<vmem>>
        %dma_start3A_110 = arith.constant 0 : i32
        %dma_start3A_111 = arith.constant 0 : i32
        %dma_start3A_112 = tpu.memref_slice %arg10[%dma_start3A_110, %dma_start3A_111] : memref<10112x128xf32, #tpu.memory_space<vmem_shared>> -> memref<10112x128xf32, #tpu.memory_space<vmem_shared>>
        tpu.enqueue_indirect_dma source(%dma_start3A_106 : memref<128x128xf32, #tpu.memory_space<vmem>>) target(%dma_start3A_112 : memref<10112x128xf32, #tpu.memory_space<vmem_shared>>) offsets(%dma_start3A_109 : memref<128xi32, #tpu.memory_space<vmem>>) semaphore(%run_scoped3A_102 : memref<!tpu.dma_semaphore, #tpu.memory_space<semaphore_mem>>) {add = true}
        %dma_wait3A_113 = arith.constant 0 : i32
        %dma_wait3A_114 = arith.constant 0 : i32
        %dma_wait3A_115 = tpu.memref_slice %arg9[%run_scoped3A, %dma_wait3A_113, %dma_wait3A_114] : memref<2x128x128xf32, #tpu.memory_space<vmem>> -> memref<1x128x128xf32, #tpu.memory_space<vmem>>
        %dma_wait3A_116 = tpu.memref_squeeze %dma_wait3A_115 : memref<1x128x128xf32, #tpu.memory_space<vmem>> -> memref<128x128xf32, #tpu.memory_space<vmem>>
        %dma_wait3A_117 = arith.constant 0 : i32
        %dma_wait3A_118 = tpu.memref_slice %arg8[%add3A_66, %dma_wait3A_117] : memref<40x128xi32, #tpu.memory_space<vmem>> -> memref<1x128xi32, #tpu.memory_space<vmem>>
        %dma_wait3A_119 = tpu.memref_squeeze %dma_wait3A_118 : memref<1x128xi32, #tpu.memory_space<vmem>> -> memref<128xi32, #tpu.memory_space<vmem>>
        %dma_wait3A_120 = arith.constant 0 : i32
        %dma_wait3A_121 = arith.constant 0 : i32
        %dma_wait3A_122 = tpu.memref_slice %arg10[%dma_wait3A_120, %dma_wait3A_121] : memref<10112x128xf32, #tpu.memory_space<vmem_shared>> -> memref<10112x128xf32, #tpu.memory_space<vmem_shared>>
        tpu.wait_indirect_dma semaphore(%run_scoped3A_102 : memref<!tpu.dma_semaphore, #tpu.memory_space<semaphore_mem>>) src(%dma_wait3A_116 : memref<128x128xf32, #tpu.memory_space<vmem>>) dst(%dma_wait3A_122 : memref<10112x128xf32, #tpu.memory_space<vmem_shared>>)
        tpu.yield
      }) : () -> ()
      %add3A_77 = arith.constant 2 : i32
      %add3A_78 = arith.addi %add3A_66, %add3A_77 : i32
      %lt3A = arith.constant 40 : i32
      %lt3A_79 = arith.cmpi slt, %add3A_78, %lt3A : i32
      %convert_element_type3A = arith.extui %lt3A_79 : i1 to i32
      %cond3A = arith.constant 0 : i32
      %cond3A_80 = arith.cmpi ne, %convert_element_type3A, %cond3A : i32
      scf.if %cond3A_80 {
        %add3A_102 = arith.constant 2 : i32
        %add3A_103 = arith.addi %add3A_66, %add3A_102 : i32
        %dma_start3A_104 = arith.constant 0 : i32
        %dma_start3A_105 = arith.constant 0 : i32
        %dma_start3A_106 = arith.constant 0 : i32
        %dma_start3A_107 = tpu.memref_slice %arg9[%dma_start3A_104, %dma_start3A_105, %dma_start3A_106] : memref<2x128x128xf32, #tpu.memory_space<vmem>> -> memref<1x128x128xf32, #tpu.memory_space<vmem>>
        %dma_start3A_108 = tpu.memref_squeeze %dma_start3A_107 : memref<1x128x128xf32, #tpu.memory_space<vmem>> -> memref<128x128xf32, #tpu.memory_space<vmem>>
        %dma_start3A_109 = arith.constant 0 : i32
        %dma_start3A_110 = tpu.memref_slice %arg7[%add3A_103, %dma_start3A_109] : memref<40x128xi32, #tpu.memory_space<vmem>> -> memref<1x128xi32, #tpu.memory_space<vmem>>
        %dma_start3A_111 = tpu.memref_squeeze %dma_start3A_110 : memref<1x128xi32, #tpu.memory_space<vmem>> -> memref<128xi32, #tpu.memory_space<vmem>>
        %dma_start3A_112 = arith.constant 0 : i32
        %dma_start3A_113 = arith.constant 0 : i32
        %dma_start3A_114 = tpu.memref_slice %arg2[%dma_start3A_112, %dma_start3A_113] : memref<10000x128xf32, #tpu.memory_space<hbm>> -> memref<10000x128xf32, #tpu.memory_space<hbm>>
        tpu.enqueue_indirect_dma source(%dma_start3A_114 : memref<10000x128xf32, #tpu.memory_space<hbm>>) target(%dma_start3A_108 : memref<128x128xf32, #tpu.memory_space<vmem>>) offsets(%dma_start3A_111 : memref<128xi32, #tpu.memory_space<vmem>>) semaphore(%arg11 : memref<!tpu.dma_semaphore, #tpu.memory_space<semaphore_mem>>)
      } else {
      }
      %add3A_81 = arith.constant 1 : i32
      %add3A_82 = arith.addi %mul3A_64, %add3A_81 : i32
      %dma_wait3A_83 = arith.constant 1 : i32
      %dma_wait3A_84 = arith.constant 0 : i32
      %dma_wait3A_85 = arith.constant 0 : i32
      %dma_wait3A_86 = tpu.memref_slice %arg9[%dma_wait3A_83, %dma_wait3A_84, %dma_wait3A_85] : memref<2x128x128xf32, #tpu.memory_space<vmem>> -> memref<1x128x128xf32, #tpu.memory_space<vmem>>
      %dma_wait3A_87 = tpu.memref_squeeze %dma_wait3A_86 : memref<1x128x128xf32, #tpu.memory_space<vmem>> -> memref<128x128xf32, #tpu.memory_space<vmem>>
      %dma_wait3A_88 = arith.constant 0 : i32
      %dma_wait3A_89 = tpu.memref_slice %arg7[%add3A_82, %dma_wait3A_88] : memref<40x128xi32, #tpu.memory_space<vmem>> -> memref<1x128xi32, #tpu.memory_space<vmem>>
      %dma_wait3A_90 = tpu.memref_squeeze %dma_wait3A_89 : memref<1x128xi32, #tpu.memory_space<vmem>> -> memref<128xi32, #tpu.memory_space<vmem>>
      %dma_wait3A_91 = arith.constant 0 : i32
      %dma_wait3A_92 = arith.constant 0 : i32
      %dma_wait3A_93 = tpu.memref_slice %arg2[%dma_wait3A_91, %dma_wait3A_92] : memref<10000x128xf32, #tpu.memory_space<hbm>> -> memref<10000x128xf32, #tpu.memory_space<hbm>>
      tpu.wait_indirect_dma semaphore(%arg12 : memref<!tpu.dma_semaphore, #tpu.memory_space<semaphore_mem>>) src(%dma_wait3A_93 : memref<10000x128xf32, #tpu.memory_space<hbm>>) dst(%dma_wait3A_87 : memref<128x128xf32, #tpu.memory_space<vmem>>)
      %run_scoped3A_94 = arith.constant 1 : i32
      "tpu.region"() ({
        %run_scoped3A_102 = tpu.sem_alloc : memref<!tpu.dma_semaphore, #tpu.memory_space<semaphore_mem>>
        %dma_start3A_103 = arith.constant 0 : i32
        %dma_start3A_104 = arith.constant 0 : i32
        %dma_start3A_105 = tpu.memref_slice %arg9[%run_scoped3A_94, %dma_start3A_103, %dma_start3A_104] : memref<2x128x128xf32, #tpu.memory_space<vmem>> -> memref<1x128x128xf32, #tpu.memory_space<vmem>>
        %dma_start3A_106 = tpu.memref_squeeze %dma_start3A_105 : memref<1x128x128xf32, #tpu.memory_space<vmem>> -> memref<128x128xf32, #tpu.memory_space<vmem>>
        %dma_start3A_107 = arith.constant 0 : i32
        %dma_start3A_108 = tpu.memref_slice %arg8[%add3A_82, %dma_start3A_107] : memref<40x128xi32, #tpu.memory_space<vmem>> -> memref<1x128xi32, #tpu.memory_space<vmem>>
        %dma_start3A_109 = tpu.memref_squeeze %dma_start3A_108 : memref<1x128xi32, #tpu.memory_space<vmem>> -> memref<128xi32, #tpu.memory_space<vmem>>
        %dma_start3A_110 = arith.constant 0 : i32
        %dma_start3A_111 = arith.constant 0 : i32
        %dma_start3A_112 = tpu.memref_slice %arg10[%dma_start3A_110, %dma_start3A_111] : memref<10112x128xf32, #tpu.memory_space<vmem_shared>> -> memref<10112x128xf32, #tpu.memory_space<vmem_shared>>
        tpu.enqueue_indirect_dma source(%dma_start3A_106 : memref<128x128xf32, #tpu.memory_space<vmem>>) target(%dma_start3A_112 : memref<10112x128xf32, #tpu.memory_space<vmem_shared>>) offsets(%dma_start3A_109 : memref<128xi32, #tpu.memory_space<vmem>>) semaphore(%run_scoped3A_102 : memref<!tpu.dma_semaphore, #tpu.memory_space<semaphore_mem>>) {add = true}
        %dma_wait3A_113 = arith.constant 0 : i32
        %dma_wait3A_114 = arith.constant 0 : i32
        %dma_wait3A_115 = tpu.memref_slice %arg9[%run_scoped3A_94, %dma_wait3A_113, %dma_wait3A_114] : memref<2x128x128xf32, #tpu.memory_space<vmem>> -> memref<1x128x128xf32, #tpu.memory_space<vmem>>
        %dma_wait3A_116 = tpu.memref_squeeze %dma_wait3A_115 : memref<1x128x128xf32, #tpu.memory_space<vmem>> -> memref<128x128xf32, #tpu.memory_space<vmem>>
        %dma_wait3A_117 = arith.constant 0 : i32
        %dma_wait3A_118 = tpu.memref_slice %arg8[%add3A_82, %dma_wait3A_117] : memref<40x128xi32, #tpu.memory_space<vmem>> -> memref<1x128xi32, #tpu.memory_space<vmem>>
        %dma_wait3A_119 = tpu.memref_squeeze %dma_wait3A_118 : memref<1x128xi32, #tpu.memory_space<vmem>> -> memref<128xi32, #tpu.memory_space<vmem>>
        %dma_wait3A_120 = arith.constant 0 : i32
        %dma_wait3A_121 = arith.constant 0 : i32
        %dma_wait3A_122 = tpu.memref_slice %arg10[%dma_wait3A_120, %dma_wait3A_121] : memref<10112x128xf32, #tpu.memory_space<vmem_shared>> -> memref<10112x128xf32, #tpu.memory_space<vmem_shared>>
        tpu.wait_indirect_dma semaphore(%run_scoped3A_102 : memref<!tpu.dma_semaphore, #tpu.memory_space<semaphore_mem>>) src(%dma_wait3A_116 : memref<128x128xf32, #tpu.memory_space<vmem>>) dst(%dma_wait3A_122 : memref<10112x128xf32, #tpu.memory_space<vmem_shared>>)
        tpu.yield
      }) : () -> ()
      %add3A_95 = arith.constant 2 : i32
      %add3A_96 = arith.addi %add3A_82, %add3A_95 : i32
      %lt3A_97 = arith.constant 40 : i32
      %lt3A_98 = arith.cmpi slt, %add3A_96, %lt3A_97 : i32
      %convert_element_type3A_99 = arith.extui %lt3A_98 : i1 to i32
      %cond3A_100 = arith.constant 0 : i32
      %cond3A_101 = arith.cmpi ne, %convert_element_type3A_99, %cond3A_100 : i32
      scf.if %cond3A_101 {
        %add3A_102 = arith.constant 2 : i32
        %add3A_103 = arith.addi %add3A_82, %add3A_102 : i32
        %dma_start3A_104 = arith.constant 1 : i32
        %dma_start3A_105 = arith.constant 0 : i32
        %dma_start3A_106 = arith.constant 0 : i32
        %dma_start3A_107 = tpu.memref_slice %arg9[%dma_start3A_104, %dma_start3A_105, %dma_start3A_106] : memref<2x128x128xf32, #tpu.memory_space<vmem>> -> memref<1x128x128xf32, #tpu.memory_space<vmem>>
        %dma_start3A_108 = tpu.memref_squeeze %dma_start3A_107 : memref<1x128x128xf32, #tpu.memory_space<vmem>> -> memref<128x128xf32, #tpu.memory_space<vmem>>
        %dma_start3A_109 = arith.constant 0 : i32
        %dma_start3A_110 = tpu.memref_slice %arg7[%add3A_103, %dma_start3A_109] : memref<40x128xi32, #tpu.memory_space<vmem>> -> memref<1x128xi32, #tpu.memory_space<vmem>>
        %dma_start3A_111 = tpu.memref_squeeze %dma_start3A_110 : memref<1x128xi32, #tpu.memory_space<vmem>> -> memref<128xi32, #tpu.memory_space<vmem>>
        %dma_start3A_112 = arith.constant 0 : i32
        %dma_start3A_113 = arith.constant 0 : i32
        %dma_start3A_114 = tpu.memref_slice %arg2[%dma_start3A_112, %dma_start3A_113] : memref<10000x128xf32, #tpu.memory_space<hbm>> -> memref<10000x128xf32, #tpu.memory_space<hbm>>
        tpu.enqueue_indirect_dma source(%dma_start3A_114 : memref<10000x128xf32, #tpu.memory_space<hbm>>) target(%dma_start3A_108 : memref<128x128xf32, #tpu.memory_space<vmem>>) offsets(%dma_start3A_111 : memref<128xi32, #tpu.memory_space<vmem>>) semaphore(%arg12 : memref<!tpu.dma_semaphore, #tpu.memory_space<semaphore_mem>>)
      } else {
      }
    }
    %scan3A_30 = arith.constant 20 : i32
    "tpu.region"() ({
      %run_scoped3A = tpu.sem_alloc : memref<!tpu.dma_semaphore, #tpu.memory_space<semaphore_mem>>
      %dma_start3A_62 = arith.constant 40 : i32
      %dma_start3A_63 = arith.constant 0 : i32
      %dma_start3A_64 = tpu.memref_slice %arg3[%add3A, %dma_start3A_62, %dma_start3A_63] : memref<32x80x128xi32, #tpu.memory_space<hbm>> -> memref<1x40x128xi32, #tpu.memory_space<hbm>>
      %dma_start3A_65 = tpu.memref_squeeze %dma_start3A_64 : memref<1x40x128xi32, #tpu.memory_space<hbm>> -> memref<40x128xi32, #tpu.memory_space<hbm>>
      %dma_start3A_66 = arith.constant 40 : i32
      %dma_start3A_67 = arith.constant 0 : i32
      %dma_start3A_68 = tpu.memref_slice %arg3[%add3A, %dma_start3A_66, %dma_start3A_67] : memref<32x80x128xi32, #tpu.memory_space<hbm>> -> memref<1x40x128xi32, #tpu.memory_space<hbm>>
      %dma_start3A_69 = tpu.memref_squeeze %dma_start3A_68 : memref<1x40x128xi32, #tpu.memory_space<hbm>> -> memref<40x128xi32, #tpu.memory_space<hbm>>
      tpu.enqueue_dma source(%dma_start3A_69 : memref<40x128xi32, #tpu.memory_space<hbm>>) target(%arg7 : memref<40x128xi32, #tpu.memory_space<vmem>>) target_semaphore(%run_scoped3A : memref<!tpu.dma_semaphore, #tpu.memory_space<semaphore_mem>>)
      %dma_wait3A = arith.constant 40 : i32
      %dma_wait3A_70 = arith.constant 0 : i32
      %dma_wait3A_71 = tpu.memref_slice %arg3[%add3A, %dma_wait3A, %dma_wait3A_70] : memref<32x80x128xi32, #tpu.memory_space<hbm>> -> memref<1x40x128xi32, #tpu.memory_space<hbm>>
      %dma_wait3A_72 = tpu.memref_squeeze %dma_wait3A_71 : memref<1x40x128xi32, #tpu.memory_space<hbm>> -> memref<40x128xi32, #tpu.memory_space<hbm>>
      %dma_wait3A_73 = arith.constant 40 : i32
      %dma_wait3A_74 = arith.constant 0 : i32
      %dma_wait3A_75 = tpu.memref_slice %arg3[%add3A, %dma_wait3A_73, %dma_wait3A_74] : memref<32x80x128xi32, #tpu.memory_space<hbm>> -> memref<1x40x128xi32, #tpu.memory_space<hbm>>
      %dma_wait3A_76 = tpu.memref_squeeze %dma_wait3A_75 : memref<1x40x128xi32, #tpu.memory_space<hbm>> -> memref<40x128xi32, #tpu.memory_space<hbm>>
      tpu.wait_dma2 semaphore(%run_scoped3A : memref<!tpu.dma_semaphore, #tpu.memory_space<semaphore_mem>>) src(%dma_wait3A_76 : memref<40x128xi32, #tpu.memory_space<hbm>>) dst(%arg7 : memref<40x128xi32, #tpu.memory_space<vmem>>)
      tpu.yield
    }) : () -> ()
    "tpu.region"() ({
      %run_scoped3A = tpu.sem_alloc : memref<!tpu.dma_semaphore, #tpu.memory_space<semaphore_mem>>
      %dma_start3A_62 = arith.constant 40 : i32
      %dma_start3A_63 = arith.constant 0 : i32
      %dma_start3A_64 = tpu.memref_slice %arg4[%add3A, %dma_start3A_62, %dma_start3A_63] : memref<32x80x128xi32, #tpu.memory_space<hbm>> -> memref<1x40x128xi32, #tpu.memory_space<hbm>>
      %dma_start3A_65 = tpu.memref_squeeze %dma_start3A_64 : memref<1x40x128xi32, #tpu.memory_space<hbm>> -> memref<40x128xi32, #tpu.memory_space<hbm>>
      %dma_start3A_66 = arith.constant 40 : i32
      %dma_start3A_67 = arith.constant 0 : i32
      %dma_start3A_68 = tpu.memref_slice %arg4[%add3A, %dma_start3A_66, %dma_start3A_67] : memref<32x80x128xi32, #tpu.memory_space<hbm>> -> memref<1x40x128xi32, #tpu.memory_space<hbm>>
      %dma_start3A_69 = tpu.memref_squeeze %dma_start3A_68 : memref<1x40x128xi32, #tpu.memory_space<hbm>> -> memref<40x128xi32, #tpu.memory_space<hbm>>
      tpu.enqueue_dma source(%dma_start3A_69 : memref<40x128xi32, #tpu.memory_space<hbm>>) target(%arg8 : memref<40x128xi32, #tpu.memory_space<vmem>>) target_semaphore(%run_scoped3A : memref<!tpu.dma_semaphore, #tpu.memory_space<semaphore_mem>>)
      %dma_wait3A = arith.constant 40 : i32
      %dma_wait3A_70 = arith.constant 0 : i32
      %dma_wait3A_71 = tpu.memref_slice %arg4[%add3A, %dma_wait3A, %dma_wait3A_70] : memref<32x80x128xi32, #tpu.memory_space<hbm>> -> memref<1x40x128xi32, #tpu.memory_space<hbm>>
      %dma_wait3A_72 = tpu.memref_squeeze %dma_wait3A_71 : memref<1x40x128xi32, #tpu.memory_space<hbm>> -> memref<40x128xi32, #tpu.memory_space<hbm>>
      %dma_wait3A_73 = arith.constant 40 : i32
      %dma_wait3A_74 = arith.constant 0 : i32
      %dma_wait3A_75 = tpu.memref_slice %arg4[%add3A, %dma_wait3A_73, %dma_wait3A_74] : memref<32x80x128xi32, #tpu.memory_space<hbm>> -> memref<1x40x128xi32, #tpu.memory_space<hbm>>
      %dma_wait3A_76 = tpu.memref_squeeze %dma_wait3A_75 : memref<1x40x128xi32, #tpu.memory_space<hbm>> -> memref<40x128xi32, #tpu.memory_space<hbm>>
      tpu.wait_dma2 semaphore(%run_scoped3A : memref<!tpu.dma_semaphore, #tpu.memory_space<semaphore_mem>>) src(%dma_wait3A_76 : memref<40x128xi32, #tpu.memory_space<hbm>>) dst(%arg8 : memref<40x128xi32, #tpu.memory_space<vmem>>)
      tpu.yield
    }) : () -> ()
    %dma_start3A_31 = arith.constant 0 : i32
    %dma_start3A_32 = arith.constant 0 : i32
    %dma_start3A_33 = arith.constant 0 : i32
    %dma_start3A_34 = arith.constant 0 : i32
    %dma_start3A_35 = tpu.memref_slice %arg9[%dma_start3A_32, %dma_start3A_33, %dma_start3A_34] : memref<2x128x128xf32, #tpu.memory_space<vmem>> -> memref<1x128x128xf32, #tpu.memory_space<vmem>>
    %dma_start3A_36 = tpu.memref_squeeze %dma_start3A_35 : memref<1x128x128xf32, #tpu.memory_space<vmem>> -> memref<128x128xf32, #tpu.memory_space<vmem>>
    %dma_start3A_37 = arith.constant 0 : i32
    %dma_start3A_38 = tpu.memref_slice %arg7[%dma_start3A_31, %dma_start3A_37] : memref<40x128xi32, #tpu.memory_space<vmem>> -> memref<1x128xi32, #tpu.memory_space<vmem>>
    %dma_start3A_39 = tpu.memref_squeeze %dma_start3A_38 : memref<1x128xi32, #tpu.memory_space<vmem>> -> memref<128xi32, #tpu.memory_space<vmem>>
    %dma_start3A_40 = arith.constant 0 : i32
    %dma_start3A_41 = arith.constant 0 : i32
    %dma_start3A_42 = tpu.memref_slice %arg2[%dma_start3A_40, %dma_start3A_41] : memref<10000x128xf32, #tpu.memory_space<hbm>> -> memref<10000x128xf32, #tpu.memory_space<hbm>>
    tpu.enqueue_indirect_dma source(%dma_start3A_42 : memref<10000x128xf32, #tpu.memory_space<hbm>>) target(%dma_start3A_36 : memref<128x128xf32, #tpu.memory_space<vmem>>) offsets(%dma_start3A_39 : memref<128xi32, #tpu.memory_space<vmem>>) semaphore(%arg11 : memref<!tpu.dma_semaphore, #tpu.memory_space<semaphore_mem>>)
    %dma_start3A_43 = arith.constant 1 : i32
    %dma_start3A_44 = arith.constant 1 : i32
    %dma_start3A_45 = arith.constant 0 : i32
    %dma_start3A_46 = arith.constant 0 : i32
    %dma_start3A_47 = tpu.memref_slice %arg9[%dma_start3A_44, %dma_start3A_45, %dma_start3A_46] : memref<2x128x128xf32, #tpu.memory_space<vmem>> -> memref<1x128x128xf32, #tpu.memory_space<vmem>>
    %dma_start3A_48 = tpu.memref_squeeze %dma_start3A_47 : memref<1x128x128xf32, #tpu.memory_space<vmem>> -> memref<128x128xf32, #tpu.memory_space<vmem>>
    %dma_start3A_49 = arith.constant 0 : i32
    %dma_start3A_50 = tpu.memref_slice %arg7[%dma_start3A_43, %dma_start3A_49] : memref<40x128xi32, #tpu.memory_space<vmem>> -> memref<1x128xi32, #tpu.memory_space<vmem>>
    %dma_start3A_51 = tpu.memref_squeeze %dma_start3A_50 : memref<1x128xi32, #tpu.memory_space<vmem>> -> memref<128xi32, #tpu.memory_space<vmem>>
    %dma_start3A_52 = arith.constant 0 : i32
    %dma_start3A_53 = arith.constant 0 : i32
    %dma_start3A_54 = tpu.memref_slice %arg2[%dma_start3A_52, %dma_start3A_53] : memref<10000x128xf32, #tpu.memory_space<hbm>> -> memref<10000x128xf32, #tpu.memory_space<hbm>>
    tpu.enqueue_indirect_dma source(%dma_start3A_54 : memref<10000x128xf32, #tpu.memory_space<hbm>>) target(%dma_start3A_48 : memref<128x128xf32, #tpu.memory_space<vmem>>) offsets(%dma_start3A_51 : memref<128xi32, #tpu.memory_space<vmem>>) semaphore(%arg12 : memref<!tpu.dma_semaphore, #tpu.memory_space<semaphore_mem>>)
    %scan3A_55 = arith.constant 0 : i32
    %scan3A_56 = arith.constant 0 : i32
    %scan3A_57 = arith.constant 20 : i32
    %scan3A_58 = arith.addi %scan3A_56, %scan3A_57 : i32
    %scan3A_59 = arith.constant 1 : i32
    scf.for %scan3A_62 = %scan3A_56 to %scan3A_58 step %scan3A_59  : i32 {
      %mul3A_63 = arith.constant 2 : i32
      %mul3A_64 = arith.muli %scan3A_62, %mul3A_63 : i32
      %add3A_65 = arith.constant 0 : i32
      %add3A_66 = arith.addi %mul3A_64, %add3A_65 : i32
      %dma_wait3A = arith.constant 0 : i32
      %dma_wait3A_67 = arith.constant 0 : i32
      %dma_wait3A_68 = arith.constant 0 : i32
      %dma_wait3A_69 = tpu.memref_slice %arg9[%dma_wait3A, %dma_wait3A_67, %dma_wait3A_68] : memref<2x128x128xf32, #tpu.memory_space<vmem>> -> memref<1x128x128xf32, #tpu.memory_space<vmem>>
      %dma_wait3A_70 = tpu.memref_squeeze %dma_wait3A_69 : memref<1x128x128xf32, #tpu.memory_space<vmem>> -> memref<128x128xf32, #tpu.memory_space<vmem>>
      %dma_wait3A_71 = arith.constant 0 : i32
      %dma_wait3A_72 = tpu.memref_slice %arg7[%add3A_66, %dma_wait3A_71] : memref<40x128xi32, #tpu.memory_space<vmem>> -> memref<1x128xi32, #tpu.memory_space<vmem>>
      %dma_wait3A_73 = tpu.memref_squeeze %dma_wait3A_72 : memref<1x128xi32, #tpu.memory_space<vmem>> -> memref<128xi32, #tpu.memory_space<vmem>>
      %dma_wait3A_74 = arith.constant 0 : i32
      %dma_wait3A_75 = arith.constant 0 : i32
      %dma_wait3A_76 = tpu.memref_slice %arg2[%dma_wait3A_74, %dma_wait3A_75] : memref<10000x128xf32, #tpu.memory_space<hbm>> -> memref<10000x128xf32, #tpu.memory_space<hbm>>
      tpu.wait_indirect_dma semaphore(%arg11 : memref<!tpu.dma_semaphore, #tpu.memory_space<semaphore_mem>>) src(%dma_wait3A_76 : memref<10000x128xf32, #tpu.memory_space<hbm>>) dst(%dma_wait3A_70 : memref<128x128xf32, #tpu.memory_space<vmem>>)
      %run_scoped3A = arith.constant 0 : i32
      "tpu.region"() ({
        %run_scoped3A_102 = tpu.sem_alloc : memref<!tpu.dma_semaphore, #tpu.memory_space<semaphore_mem>>
        %dma_start3A_103 = arith.constant 0 : i32
        %dma_start3A_104 = arith.constant 0 : i32
        %dma_start3A_105 = tpu.memref_slice %arg9[%run_scoped3A, %dma_start3A_103, %dma_start3A_104] : memref<2x128x128xf32, #tpu.memory_space<vmem>> -> memref<1x128x128xf32, #tpu.memory_space<vmem>>
        %dma_start3A_106 = tpu.memref_squeeze %dma_start3A_105 : memref<1x128x128xf32, #tpu.memory_space<vmem>> -> memref<128x128xf32, #tpu.memory_space<vmem>>
        %dma_start3A_107 = arith.constant 0 : i32
        %dma_start3A_108 = tpu.memref_slice %arg8[%add3A_66, %dma_start3A_107] : memref<40x128xi32, #tpu.memory_space<vmem>> -> memref<1x128xi32, #tpu.memory_space<vmem>>
        %dma_start3A_109 = tpu.memref_squeeze %dma_start3A_108 : memref<1x128xi32, #tpu.memory_space<vmem>> -> memref<128xi32, #tpu.memory_space<vmem>>
        %dma_start3A_110 = arith.constant 0 : i32
        %dma_start3A_111 = arith.constant 0 : i32
        %dma_start3A_112 = tpu.memref_slice %arg10[%dma_start3A_110, %dma_start3A_111] : memref<10112x128xf32, #tpu.memory_space<vmem_shared>> -> memref<10112x128xf32, #tpu.memory_space<vmem_shared>>
        tpu.enqueue_indirect_dma source(%dma_start3A_106 : memref<128x128xf32, #tpu.memory_space<vmem>>) target(%dma_start3A_112 : memref<10112x128xf32, #tpu.memory_space<vmem_shared>>) offsets(%dma_start3A_109 : memref<128xi32, #tpu.memory_space<vmem>>) semaphore(%run_scoped3A_102 : memref<!tpu.dma_semaphore, #tpu.memory_space<semaphore_mem>>) {add = true}
        %dma_wait3A_113 = arith.constant 0 : i32
        %dma_wait3A_114 = arith.constant 0 : i32
        %dma_wait3A_115 = tpu.memref_slice %arg9[%run_scoped3A, %dma_wait3A_113, %dma_wait3A_114] : memref<2x128x128xf32, #tpu.memory_space<vmem>> -> memref<1x128x128xf32, #tpu.memory_space<vmem>>
        %dma_wait3A_116 = tpu.memref_squeeze %dma_wait3A_115 : memref<1x128x128xf32, #tpu.memory_space<vmem>> -> memref<128x128xf32, #tpu.memory_space<vmem>>
        %dma_wait3A_117 = arith.constant 0 : i32
        %dma_wait3A_118 = tpu.memref_slice %arg8[%add3A_66, %dma_wait3A_117] : memref<40x128xi32, #tpu.memory_space<vmem>> -> memref<1x128xi32, #tpu.memory_space<vmem>>
        %dma_wait3A_119 = tpu.memref_squeeze %dma_wait3A_118 : memref<1x128xi32, #tpu.memory_space<vmem>> -> memref<128xi32, #tpu.memory_space<vmem>>
        %dma_wait3A_120 = arith.constant 0 : i32
        %dma_wait3A_121 = arith.constant 0 : i32
        %dma_wait3A_122 = tpu.memref_slice %arg10[%dma_wait3A_120, %dma_wait3A_121] : memref<10112x128xf32, #tpu.memory_space<vmem_shared>> -> memref<10112x128xf32, #tpu.memory_space<vmem_shared>>
        tpu.wait_indirect_dma semaphore(%run_scoped3A_102 : memref<!tpu.dma_semaphore, #tpu.memory_space<semaphore_mem>>) src(%dma_wait3A_116 : memref<128x128xf32, #tpu.memory_space<vmem>>) dst(%dma_wait3A_122 : memref<10112x128xf32, #tpu.memory_space<vmem_shared>>)
        tpu.yield
      }) : () -> ()
      %add3A_77 = arith.constant 2 : i32
      %add3A_78 = arith.addi %add3A_66, %add3A_77 : i32
      %lt3A = arith.constant 40 : i32
      %lt3A_79 = arith.cmpi slt, %add3A_78, %lt3A : i32
      %convert_element_type3A = arith.extui %lt3A_79 : i1 to i32
      %cond3A = arith.constant 0 : i32
      %cond3A_80 = arith.cmpi ne, %convert_element_type3A, %cond3A : i32
      scf.if %cond3A_80 {
        %add3A_102 = arith.constant 2 : i32
        %add3A_103 = arith.addi %add3A_66, %add3A_102 : i32
        %dma_start3A_104 = arith.constant 0 : i32
        %dma_start3A_105 = arith.constant 0 : i32
        %dma_start3A_106 = arith.constant 0 : i32
        %dma_start3A_107 = tpu.memref_slice %arg9[%dma_start3A_104, %dma_start3A_105, %dma_start3A_106] : memref<2x128x128xf32, #tpu.memory_space<vmem>> -> memref<1x128x128xf32, #tpu.memory_space<vmem>>
        %dma_start3A_108 = tpu.memref_squeeze %dma_start3A_107 : memref<1x128x128xf32, #tpu.memory_space<vmem>> -> memref<128x128xf32, #tpu.memory_space<vmem>>
        %dma_start3A_109 = arith.constant 0 : i32
        %dma_start3A_110 = tpu.memref_slice %arg7[%add3A_103, %dma_start3A_109] : memref<40x128xi32, #tpu.memory_space<vmem>> -> memref<1x128xi32, #tpu.memory_space<vmem>>
        %dma_start3A_111 = tpu.memref_squeeze %dma_start3A_110 : memref<1x128xi32, #tpu.memory_space<vmem>> -> memref<128xi32, #tpu.memory_space<vmem>>
        %dma_start3A_112 = arith.constant 0 : i32
        %dma_start3A_113 = arith.constant 0 : i32
        %dma_start3A_114 = tpu.memref_slice %arg2[%dma_start3A_112, %dma_start3A_113] : memref<10000x128xf32, #tpu.memory_space<hbm>> -> memref<10000x128xf32, #tpu.memory_space<hbm>>
        tpu.enqueue_indirect_dma source(%dma_start3A_114 : memref<10000x128xf32, #tpu.memory_space<hbm>>) target(%dma_start3A_108 : memref<128x128xf32, #tpu.memory_space<vmem>>) offsets(%dma_start3A_111 : memref<128xi32, #tpu.memory_space<vmem>>) semaphore(%arg11 : memref<!tpu.dma_semaphore, #tpu.memory_space<semaphore_mem>>)
      } else {
      }
      %add3A_81 = arith.constant 1 : i32
      %add3A_82 = arith.addi %mul3A_64, %add3A_81 : i32
      %dma_wait3A_83 = arith.constant 1 : i32
      %dma_wait3A_84 = arith.constant 0 : i32
      %dma_wait3A_85 = arith.constant 0 : i32
      %dma_wait3A_86 = tpu.memref_slice %arg9[%dma_wait3A_83, %dma_wait3A_84, %dma_wait3A_85] : memref<2x128x128xf32, #tpu.memory_space<vmem>> -> memref<1x128x128xf32, #tpu.memory_space<vmem>>
      %dma_wait3A_87 = tpu.memref_squeeze %dma_wait3A_86 : memref<1x128x128xf32, #tpu.memory_space<vmem>> -> memref<128x128xf32, #tpu.memory_space<vmem>>
      %dma_wait3A_88 = arith.constant 0 : i32
      %dma_wait3A_89 = tpu.memref_slice %arg7[%add3A_82, %dma_wait3A_88] : memref<40x128xi32, #tpu.memory_space<vmem>> -> memref<1x128xi32, #tpu.memory_space<vmem>>
      %dma_wait3A_90 = tpu.memref_squeeze %dma_wait3A_89 : memref<1x128xi32, #tpu.memory_space<vmem>> -> memref<128xi32, #tpu.memory_space<vmem>>
      %dma_wait3A_91 = arith.constant 0 : i32
      %dma_wait3A_92 = arith.constant 0 : i32
      %dma_wait3A_93 = tpu.memref_slice %arg2[%dma_wait3A_91, %dma_wait3A_92] : memref<10000x128xf32, #tpu.memory_space<hbm>> -> memref<10000x128xf32, #tpu.memory_space<hbm>>
      tpu.wait_indirect_dma semaphore(%arg12 : memref<!tpu.dma_semaphore, #tpu.memory_space<semaphore_mem>>) src(%dma_wait3A_93 : memref<10000x128xf32, #tpu.memory_space<hbm>>) dst(%dma_wait3A_87 : memref<128x128xf32, #tpu.memory_space<vmem>>)
      %run_scoped3A_94 = arith.constant 1 : i32
      "tpu.region"() ({
        %run_scoped3A_102 = tpu.sem_alloc : memref<!tpu.dma_semaphore, #tpu.memory_space<semaphore_mem>>
        %dma_start3A_103 = arith.constant 0 : i32
        %dma_start3A_104 = arith.constant 0 : i32
        %dma_start3A_105 = tpu.memref_slice %arg9[%run_scoped3A_94, %dma_start3A_103, %dma_start3A_104] : memref<2x128x128xf32, #tpu.memory_space<vmem>> -> memref<1x128x128xf32, #tpu.memory_space<vmem>>
        %dma_start3A_106 = tpu.memref_squeeze %dma_start3A_105 : memref<1x128x128xf32, #tpu.memory_space<vmem>> -> memref<128x128xf32, #tpu.memory_space<vmem>>
        %dma_start3A_107 = arith.constant 0 : i32
        %dma_start3A_108 = tpu.memref_slice %arg8[%add3A_82, %dma_start3A_107] : memref<40x128xi32, #tpu.memory_space<vmem>> -> memref<1x128xi32, #tpu.memory_space<vmem>>
        %dma_start3A_109 = tpu.memref_squeeze %dma_start3A_108 : memref<1x128xi32, #tpu.memory_space<vmem>> -> memref<128xi32, #tpu.memory_space<vmem>>
        %dma_start3A_110 = arith.constant 0 : i32
        %dma_start3A_111 = arith.constant 0 : i32
        %dma_start3A_112 = tpu.memref_slice %arg10[%dma_start3A_110, %dma_start3A_111] : memref<10112x128xf32, #tpu.memory_space<vmem_shared>> -> memref<10112x128xf32, #tpu.memory_space<vmem_shared>>
        tpu.enqueue_indirect_dma source(%dma_start3A_106 : memref<128x128xf32, #tpu.memory_space<vmem>>) target(%dma_start3A_112 : memref<10112x128xf32, #tpu.memory_space<vmem_shared>>) offsets(%dma_start3A_109 : memref<128xi32, #tpu.memory_space<vmem>>) semaphore(%run_scoped3A_102 : memref<!tpu.dma_semaphore, #tpu.memory_space<semaphore_mem>>) {add = true}
        %dma_wait3A_113 = arith.constant 0 : i32
        %dma_wait3A_114 = arith.constant 0 : i32
        %dma_wait3A_115 = tpu.memref_slice %arg9[%run_scoped3A_94, %dma_wait3A_113, %dma_wait3A_114] : memref<2x128x128xf32, #tpu.memory_space<vmem>> -> memref<1x128x128xf32, #tpu.memory_space<vmem>>
        %dma_wait3A_116 = tpu.memref_squeeze %dma_wait3A_115 : memref<1x128x128xf32, #tpu.memory_space<vmem>> -> memref<128x128xf32, #tpu.memory_space<vmem>>
        %dma_wait3A_117 = arith.constant 0 : i32
        %dma_wait3A_118 = tpu.memref_slice %arg8[%add3A_82, %dma_wait3A_117] : memref<40x128xi32, #tpu.memory_space<vmem>> -> memref<1x128xi32, #tpu.memory_space<vmem>>
        %dma_wait3A_119 = tpu.memref_squeeze %dma_wait3A_118 : memref<1x128xi32, #tpu.memory_space<vmem>> -> memref<128xi32, #tpu.memory_space<vmem>>
        %dma_wait3A_120 = arith.constant 0 : i32
        %dma_wait3A_121 = arith.constant 0 : i32
        %dma_wait3A_122 = tpu.memref_slice %arg10[%dma_wait3A_120, %dma_wait3A_121] : memref<10112x128xf32, #tpu.memory_space<vmem_shared>> -> memref<10112x128xf32, #tpu.memory_space<vmem_shared>>
        tpu.wait_indirect_dma semaphore(%run_scoped3A_102 : memref<!tpu.dma_semaphore, #tpu.memory_space<semaphore_mem>>) src(%dma_wait3A_116 : memref<128x128xf32, #tpu.memory_space<vmem>>) dst(%dma_wait3A_122 : memref<10112x128xf32, #tpu.memory_space<vmem_shared>>)
        tpu.yield
      }) : () -> ()
      %add3A_95 = arith.constant 2 : i32
      %add3A_96 = arith.addi %add3A_82, %add3A_95 : i32
      %lt3A_97 = arith.constant 40 : i32
      %lt3A_98 = arith.cmpi slt, %add3A_96, %lt3A_97 : i32
      %convert_element_type3A_99 = arith.extui %lt3A_98 : i1 to i32
      %cond3A_100 = arith.constant 0 : i32
      %cond3A_101 = arith.cmpi ne, %convert_element_type3A_99, %cond3A_100 : i32
      scf.if %cond3A_101 {
        %add3A_102 = arith.constant 2 : i32
        %add3A_103 = arith.addi %add3A_82, %add3A_102 : i32
        %dma_start3A_104 = arith.constant 1 : i32
        %dma_start3A_105 = arith.constant 0 : i32
        %dma_start3A_106 = arith.constant 0 : i32
        %dma_start3A_107 = tpu.memref_slice %arg9[%dma_start3A_104, %dma_start3A_105, %dma_start3A_106] : memref<2x128x128xf32, #tpu.memory_space<vmem>> -> memref<1x128x128xf32, #tpu.memory_space<vmem>>
        %dma_start3A_108 = tpu.memref_squeeze %dma_start3A_107 : memref<1x128x128xf32, #tpu.memory_space<vmem>> -> memref<128x128xf32, #tpu.memory_space<vmem>>
        %dma_start3A_109 = arith.constant 0 : i32
        %dma_start3A_110 = tpu.memref_slice %arg7[%add3A_103, %dma_start3A_109] : memref<40x128xi32, #tpu.memory_space<vmem>> -> memref<1x128xi32, #tpu.memory_space<vmem>>
        %dma_start3A_111 = tpu.memref_squeeze %dma_start3A_110 : memref<1x128xi32, #tpu.memory_space<vmem>> -> memref<128xi32, #tpu.memory_space<vmem>>
        %dma_start3A_112 = arith.constant 0 : i32
        %dma_start3A_113 = arith.constant 0 : i32
        %dma_start3A_114 = tpu.memref_slice %arg2[%dma_start3A_112, %dma_start3A_113] : memref<10000x128xf32, #tpu.memory_space<hbm>> -> memref<10000x128xf32, #tpu.memory_space<hbm>>
        tpu.enqueue_indirect_dma source(%dma_start3A_114 : memref<10000x128xf32, #tpu.memory_space<hbm>>) target(%dma_start3A_108 : memref<128x128xf32, #tpu.memory_space<vmem>>) offsets(%dma_start3A_111 : memref<128xi32, #tpu.memory_space<vmem>>) semaphore(%arg12 : memref<!tpu.dma_semaphore, #tpu.memory_space<semaphore_mem>>)
      } else {
      }
    }
    %scan3A_60 = arith.constant 20 : i32
    %barrier3A_61 = arith.constant 0 : index
    tpu.barrier barrier_id(%barrier3A_61)
    "tpu.region"() ({
      %run_scoped3A = tpu.sem_alloc : memref<!tpu.dma_semaphore, #tpu.memory_space<semaphore_mem>>
      %dma_start3A_62 = arith.constant 0 : i32
      %dma_start3A_63 = tpu.memref_slice %arg6[%arg0, %mul3A_2, %dma_start3A_62] : memref<2x10112x128xf32, #tpu.memory_space<hbm>> -> memref<1x632x128xf32, #tpu.memory_space<hbm>>
      %dma_start3A_64 = tpu.memref_squeeze %dma_start3A_63 : memref<1x632x128xf32, #tpu.memory_space<hbm>> -> memref<632x128xf32, #tpu.memory_space<hbm>>
      %dma_start3A_65 = arith.constant 0 : i32
      %dma_start3A_66 = tpu.memref_slice %arg10[%mul3A_2, %dma_start3A_65] : memref<10112x128xf32, #tpu.memory_space<vmem_shared>> -> memref<632x128xf32, #tpu.memory_space<vmem_shared>>
      tpu.enqueue_dma source(%dma_start3A_66 : memref<632x128xf32, #tpu.memory_space<vmem_shared>>) target(%dma_start3A_64 : memref<632x128xf32, #tpu.memory_space<hbm>>) target_semaphore(%run_scoped3A : memref<!tpu.dma_semaphore, #tpu.memory_space<semaphore_mem>>)
      %dma_wait3A = arith.constant 0 : i32
      %dma_wait3A_67 = tpu.memref_slice %arg6[%arg0, %mul3A_2, %dma_wait3A] : memref<2x10112x128xf32, #tpu.memory_space<hbm>> -> memref<1x632x128xf32, #tpu.memory_space<hbm>>
      %dma_wait3A_68 = tpu.memref_squeeze %dma_wait3A_67 : memref<1x632x128xf32, #tpu.memory_space<hbm>> -> memref<632x128xf32, #tpu.memory_space<hbm>>
      %dma_wait3A_69 = arith.constant 0 : i32
      %dma_wait3A_70 = tpu.memref_slice %arg10[%mul3A_2, %dma_wait3A_69] : memref<10112x128xf32, #tpu.memory_space<vmem_shared>> -> memref<632x128xf32, #tpu.memory_space<vmem_shared>>
      tpu.wait_dma2 semaphore(%run_scoped3A : memref<!tpu.dma_semaphore, #tpu.memory_space<semaphore_mem>>) src(%dma_wait3A_70 : memref<632x128xf32, #tpu.memory_space<vmem_shared>>) dst(%dma_wait3A_68 : memref<632x128xf32, #tpu.memory_space<hbm>>)
      tpu.yield
    }) : () -> ()
    return
  }
}

#map = affine_map<(d0, d1) -> (0, 0)>
#map1 = affine_map<(d0, d1) -> (0, 0, 0)>
module attributes {stable_mosaic.version = 14 : i64} {
  func.func @k(%arg0: i32, %arg1: i32, %arg2: memref<10000x64xf32, #tpu.memory_space<hbm>>, %arg3: memref<32x80x128xi32, #tpu.memory_space<hbm>>, %arg4: memref<32x80x128xi32, #tpu.memory_space<hbm>>, %arg5: memref<10112x64xf32, #tpu.memory_space<hbm>>, %arg6: memref<2x10112x64xf32, #tpu.memory_space<hbm>>, %arg7: memref<80x128xi32, #tpu.memory_space<vmem>>, %arg8: memref<80x128xi32, #tpu.memory_space<vmem>>, %arg9: memref<4x128x64xf32, #tpu.memory_space<vmem>>, %arg10: memref<10112x64xf32, #tpu.memory_space<vmem_shared>>, %arg11: memref<!tpu.dma_semaphore, #tpu.memory_space<semaphore_mem>>, %arg12: memref<!tpu.dma_semaphore, #tpu.memory_space<semaphore_mem>>, %arg13: memref<!tpu.dma_semaphore, #tpu.memory_space<semaphore_mem>>, %arg14: memref<!tpu.dma_semaphore, #tpu.memory_space<semaphore_mem>>, %arg15: memref<!tpu.dma_semaphore, #tpu.memory_space<semaphore_mem>>, %arg16: memref<!tpu.dma_semaphore, #tpu.memory_space<semaphore_mem>>, %arg17: memref<!tpu.dma_semaphore, #tpu.memory_space<semaphore_mem>>, %arg18: memref<!tpu.dma_semaphore, #tpu.memory_space<semaphore_mem>>) attributes {dimension_semantics = [#tpu.dimension_semantics<core_parallel>, #tpu.dimension_semantics<subcore_parallel>], iteration_bounds = array<i64: 2, 16>, scalar_prefetch = 0 : i64, scratch_operands = 12 : i64, tpu.core_type = #tpu.core_type<sc_vector_subcore>, window_params = [{transform_indices = #map}, {transform_indices = #map1}, {transform_indices = #map1}, {transform_indices = #map}, {transform_indices = #map1}]} {
    %mul3A = arith.constant 2 : i32
    %mul3A_0 = arith.muli %arg1, %mul3A : i32
    %add3A = arith.addi %mul3A_0, %arg0 : i32
    %mul3A_1 = arith.constant 632 : i32
    %mul3A_2 = arith.muli %arg1, %mul3A_1 : i32
    "tpu.region"() ({
      %run_scoped3A = tpu.sem_alloc : memref<!tpu.dma_semaphore, #tpu.memory_space<semaphore_mem>>
      %dma_start3A_79 = arith.constant 0 : i32
      %dma_start3A_80 = tpu.memref_slice %arg10[%mul3A_2, %dma_start3A_79] : memref<10112x64xf32, #tpu.memory_space<vmem_shared>> -> memref<632x64xf32, #tpu.memory_space<vmem_shared>>
      %dma_start3A_81 = arith.constant 0 : i32
      %dma_start3A_82 = tpu.memref_slice %arg5[%mul3A_2, %dma_start3A_81] : memref<10112x64xf32, #tpu.memory_space<hbm>> -> memref<632x64xf32, #tpu.memory_space<hbm>>
      tpu.enqueue_dma source(%dma_start3A_82 : memref<632x64xf32, #tpu.memory_space<hbm>>) target(%dma_start3A_80 : memref<632x64xf32, #tpu.memory_space<vmem_shared>>) target_semaphore(%run_scoped3A : memref<!tpu.dma_semaphore, #tpu.memory_space<semaphore_mem>>)
      %dma_wait3A_83 = arith.constant 0 : i32
      %dma_wait3A_84 = tpu.memref_slice %arg10[%mul3A_2, %dma_wait3A_83] : memref<10112x64xf32, #tpu.memory_space<vmem_shared>> -> memref<632x64xf32, #tpu.memory_space<vmem_shared>>
      %dma_wait3A_85 = arith.constant 0 : i32
      %dma_wait3A_86 = tpu.memref_slice %arg5[%mul3A_2, %dma_wait3A_85] : memref<10112x64xf32, #tpu.memory_space<hbm>> -> memref<632x64xf32, #tpu.memory_space<hbm>>
      tpu.wait_dma2 semaphore(%run_scoped3A : memref<!tpu.dma_semaphore, #tpu.memory_space<semaphore_mem>>) src(%dma_wait3A_86 : memref<632x64xf32, #tpu.memory_space<hbm>>) dst(%dma_wait3A_84 : memref<632x64xf32, #tpu.memory_space<vmem_shared>>)
      tpu.yield
    }) : () -> ()
    "tpu.region"() ({
      %run_scoped3A = tpu.sem_alloc : memref<!tpu.dma_semaphore, #tpu.memory_space<semaphore_mem>>
      %dma_start3A_79 = arith.constant 0 : i32
      %dma_start3A_80 = arith.constant 0 : i32
      %dma_start3A_81 = tpu.memref_slice %arg3[%add3A, %dma_start3A_79, %dma_start3A_80] : memref<32x80x128xi32, #tpu.memory_space<hbm>> -> memref<1x80x128xi32, #tpu.memory_space<hbm>>
      %dma_start3A_82 = tpu.memref_squeeze %dma_start3A_81 : memref<1x80x128xi32, #tpu.memory_space<hbm>> -> memref<80x128xi32, #tpu.memory_space<hbm>>
      %dma_start3A_83 = arith.constant 0 : i32
      %dma_start3A_84 = arith.constant 0 : i32
      %dma_start3A_85 = tpu.memref_slice %arg3[%add3A, %dma_start3A_83, %dma_start3A_84] : memref<32x80x128xi32, #tpu.memory_space<hbm>> -> memref<1x80x128xi32, #tpu.memory_space<hbm>>
      %dma_start3A_86 = tpu.memref_squeeze %dma_start3A_85 : memref<1x80x128xi32, #tpu.memory_space<hbm>> -> memref<80x128xi32, #tpu.memory_space<hbm>>
      tpu.enqueue_dma source(%dma_start3A_86 : memref<80x128xi32, #tpu.memory_space<hbm>>) target(%arg7 : memref<80x128xi32, #tpu.memory_space<vmem>>) target_semaphore(%run_scoped3A : memref<!tpu.dma_semaphore, #tpu.memory_space<semaphore_mem>>)
      %dma_wait3A_87 = arith.constant 0 : i32
      %dma_wait3A_88 = arith.constant 0 : i32
      %dma_wait3A_89 = tpu.memref_slice %arg3[%add3A, %dma_wait3A_87, %dma_wait3A_88] : memref<32x80x128xi32, #tpu.memory_space<hbm>> -> memref<1x80x128xi32, #tpu.memory_space<hbm>>
      %dma_wait3A_90 = tpu.memref_squeeze %dma_wait3A_89 : memref<1x80x128xi32, #tpu.memory_space<hbm>> -> memref<80x128xi32, #tpu.memory_space<hbm>>
      %dma_wait3A_91 = arith.constant 0 : i32
      %dma_wait3A_92 = arith.constant 0 : i32
      %dma_wait3A_93 = tpu.memref_slice %arg3[%add3A, %dma_wait3A_91, %dma_wait3A_92] : memref<32x80x128xi32, #tpu.memory_space<hbm>> -> memref<1x80x128xi32, #tpu.memory_space<hbm>>
      %dma_wait3A_94 = tpu.memref_squeeze %dma_wait3A_93 : memref<1x80x128xi32, #tpu.memory_space<hbm>> -> memref<80x128xi32, #tpu.memory_space<hbm>>
      tpu.wait_dma2 semaphore(%run_scoped3A : memref<!tpu.dma_semaphore, #tpu.memory_space<semaphore_mem>>) src(%dma_wait3A_94 : memref<80x128xi32, #tpu.memory_space<hbm>>) dst(%arg7 : memref<80x128xi32, #tpu.memory_space<vmem>>)
      tpu.yield
    }) : () -> ()
    "tpu.region"() ({
      %run_scoped3A = tpu.sem_alloc : memref<!tpu.dma_semaphore, #tpu.memory_space<semaphore_mem>>
      %dma_start3A_79 = arith.constant 0 : i32
      %dma_start3A_80 = arith.constant 0 : i32
      %dma_start3A_81 = tpu.memref_slice %arg4[%add3A, %dma_start3A_79, %dma_start3A_80] : memref<32x80x128xi32, #tpu.memory_space<hbm>> -> memref<1x80x128xi32, #tpu.memory_space<hbm>>
      %dma_start3A_82 = tpu.memref_squeeze %dma_start3A_81 : memref<1x80x128xi32, #tpu.memory_space<hbm>> -> memref<80x128xi32, #tpu.memory_space<hbm>>
      %dma_start3A_83 = arith.constant 0 : i32
      %dma_start3A_84 = arith.constant 0 : i32
      %dma_start3A_85 = tpu.memref_slice %arg4[%add3A, %dma_start3A_83, %dma_start3A_84] : memref<32x80x128xi32, #tpu.memory_space<hbm>> -> memref<1x80x128xi32, #tpu.memory_space<hbm>>
      %dma_start3A_86 = tpu.memref_squeeze %dma_start3A_85 : memref<1x80x128xi32, #tpu.memory_space<hbm>> -> memref<80x128xi32, #tpu.memory_space<hbm>>
      tpu.enqueue_dma source(%dma_start3A_86 : memref<80x128xi32, #tpu.memory_space<hbm>>) target(%arg8 : memref<80x128xi32, #tpu.memory_space<vmem>>) target_semaphore(%run_scoped3A : memref<!tpu.dma_semaphore, #tpu.memory_space<semaphore_mem>>)
      %dma_wait3A_87 = arith.constant 0 : i32
      %dma_wait3A_88 = arith.constant 0 : i32
      %dma_wait3A_89 = tpu.memref_slice %arg4[%add3A, %dma_wait3A_87, %dma_wait3A_88] : memref<32x80x128xi32, #tpu.memory_space<hbm>> -> memref<1x80x128xi32, #tpu.memory_space<hbm>>
      %dma_wait3A_90 = tpu.memref_squeeze %dma_wait3A_89 : memref<1x80x128xi32, #tpu.memory_space<hbm>> -> memref<80x128xi32, #tpu.memory_space<hbm>>
      %dma_wait3A_91 = arith.constant 0 : i32
      %dma_wait3A_92 = arith.constant 0 : i32
      %dma_wait3A_93 = tpu.memref_slice %arg4[%add3A, %dma_wait3A_91, %dma_wait3A_92] : memref<32x80x128xi32, #tpu.memory_space<hbm>> -> memref<1x80x128xi32, #tpu.memory_space<hbm>>
      %dma_wait3A_94 = tpu.memref_squeeze %dma_wait3A_93 : memref<1x80x128xi32, #tpu.memory_space<hbm>> -> memref<80x128xi32, #tpu.memory_space<hbm>>
      tpu.wait_dma2 semaphore(%run_scoped3A : memref<!tpu.dma_semaphore, #tpu.memory_space<semaphore_mem>>) src(%dma_wait3A_94 : memref<80x128xi32, #tpu.memory_space<hbm>>) dst(%arg8 : memref<80x128xi32, #tpu.memory_space<vmem>>)
      tpu.yield
    }) : () -> ()
    %barrier3A = arith.constant 0 : index
    tpu.barrier barrier_id(%barrier3A)
    %dma_start3A = arith.constant 0 : i32
    %dma_start3A_3 = arith.constant 0 : i32
    %dma_start3A_4 = arith.constant 0 : i32
    %dma_start3A_5 = arith.constant 0 : i32
    %dma_start3A_6 = tpu.memref_slice %arg9[%dma_start3A_3, %dma_start3A_4, %dma_start3A_5] : memref<4x128x64xf32, #tpu.memory_space<vmem>> -> memref<1x128x64xf32, #tpu.memory_space<vmem>>
    %dma_start3A_7 = tpu.memref_squeeze %dma_start3A_6 : memref<1x128x64xf32, #tpu.memory_space<vmem>> -> memref<128x64xf32, #tpu.memory_space<vmem>>
    %dma_start3A_8 = arith.constant 0 : i32
    %dma_start3A_9 = tpu.memref_slice %arg7[%dma_start3A, %dma_start3A_8] : memref<80x128xi32, #tpu.memory_space<vmem>> -> memref<1x128xi32, #tpu.memory_space<vmem>>
    %dma_start3A_10 = tpu.memref_squeeze %dma_start3A_9 : memref<1x128xi32, #tpu.memory_space<vmem>> -> memref<128xi32, #tpu.memory_space<vmem>>
    %dma_start3A_11 = arith.constant 0 : i32
    %dma_start3A_12 = arith.constant 0 : i32
    %dma_start3A_13 = tpu.memref_slice %arg2[%dma_start3A_11, %dma_start3A_12] : memref<10000x64xf32, #tpu.memory_space<hbm>> -> memref<10000x64xf32, #tpu.memory_space<hbm>>
    tpu.enqueue_indirect_dma source(%dma_start3A_13 : memref<10000x64xf32, #tpu.memory_space<hbm>>) target(%dma_start3A_7 : memref<128x64xf32, #tpu.memory_space<vmem>>) offsets(%dma_start3A_10 : memref<128xi32, #tpu.memory_space<vmem>>) semaphore(%arg11 : memref<!tpu.dma_semaphore, #tpu.memory_space<semaphore_mem>>)
    %dma_start3A_14 = arith.constant 1 : i32
    %dma_start3A_15 = arith.constant 1 : i32
    %dma_start3A_16 = arith.constant 0 : i32
    %dma_start3A_17 = arith.constant 0 : i32
    %dma_start3A_18 = tpu.memref_slice %arg9[%dma_start3A_15, %dma_start3A_16, %dma_start3A_17] : memref<4x128x64xf32, #tpu.memory_space<vmem>> -> memref<1x128x64xf32, #tpu.memory_space<vmem>>
    %dma_start3A_19 = tpu.memref_squeeze %dma_start3A_18 : memref<1x128x64xf32, #tpu.memory_space<vmem>> -> memref<128x64xf32, #tpu.memory_space<vmem>>
    %dma_start3A_20 = arith.constant 0 : i32
    %dma_start3A_21 = tpu.memref_slice %arg7[%dma_start3A_14, %dma_start3A_20] : memref<80x128xi32, #tpu.memory_space<vmem>> -> memref<1x128xi32, #tpu.memory_space<vmem>>
    %dma_start3A_22 = tpu.memref_squeeze %dma_start3A_21 : memref<1x128xi32, #tpu.memory_space<vmem>> -> memref<128xi32, #tpu.memory_space<vmem>>
    %dma_start3A_23 = arith.constant 0 : i32
    %dma_start3A_24 = arith.constant 0 : i32
    %dma_start3A_25 = tpu.memref_slice %arg2[%dma_start3A_23, %dma_start3A_24] : memref<10000x64xf32, #tpu.memory_space<hbm>> -> memref<10000x64xf32, #tpu.memory_space<hbm>>
    tpu.enqueue_indirect_dma source(%dma_start3A_25 : memref<10000x64xf32, #tpu.memory_space<hbm>>) target(%dma_start3A_19 : memref<128x64xf32, #tpu.memory_space<vmem>>) offsets(%dma_start3A_22 : memref<128xi32, #tpu.memory_space<vmem>>) semaphore(%arg12 : memref<!tpu.dma_semaphore, #tpu.memory_space<semaphore_mem>>)
    %scan3A = arith.constant 0 : i32
    %scan3A_26 = arith.constant 0 : i32
    %scan3A_27 = arith.constant 20 : i32
    %scan3A_28 = arith.addi %scan3A_26, %scan3A_27 : i32
    %scan3A_29 = arith.constant 1 : i32
    scf.for %scan3A_79 = %scan3A_26 to %scan3A_28 step %scan3A_29  : i32 {
      %mul3A_80 = arith.constant 4 : i32
      %mul3A_81 = arith.muli %scan3A_79, %mul3A_80 : i32
      %add3A_82 = arith.constant 0 : i32
      %add3A_83 = arith.addi %mul3A_81, %add3A_82 : i32
      %dma_wait3A_84 = arith.constant 0 : i32
      %dma_wait3A_85 = arith.constant 0 : i32
      %dma_wait3A_86 = arith.constant 0 : i32
      %dma_wait3A_87 = tpu.memref_slice %arg9[%dma_wait3A_84, %dma_wait3A_85, %dma_wait3A_86] : memref<4x128x64xf32, #tpu.memory_space<vmem>> -> memref<1x128x64xf32, #tpu.memory_space<vmem>>
      %dma_wait3A_88 = tpu.memref_squeeze %dma_wait3A_87 : memref<1x128x64xf32, #tpu.memory_space<vmem>> -> memref<128x64xf32, #tpu.memory_space<vmem>>
      %dma_wait3A_89 = arith.constant 0 : i32
      %dma_wait3A_90 = tpu.memref_slice %arg7[%add3A_83, %dma_wait3A_89] : memref<80x128xi32, #tpu.memory_space<vmem>> -> memref<1x128xi32, #tpu.memory_space<vmem>>
      %dma_wait3A_91 = tpu.memref_squeeze %dma_wait3A_90 : memref<1x128xi32, #tpu.memory_space<vmem>> -> memref<128xi32, #tpu.memory_space<vmem>>
      %dma_wait3A_92 = arith.constant 0 : i32
      %dma_wait3A_93 = arith.constant 0 : i32
      %dma_wait3A_94 = tpu.memref_slice %arg2[%dma_wait3A_92, %dma_wait3A_93] : memref<10000x64xf32, #tpu.memory_space<hbm>> -> memref<10000x64xf32, #tpu.memory_space<hbm>>
      tpu.wait_indirect_dma semaphore(%arg11 : memref<!tpu.dma_semaphore, #tpu.memory_space<semaphore_mem>>) src(%dma_wait3A_94 : memref<10000x64xf32, #tpu.memory_space<hbm>>) dst(%dma_wait3A_88 : memref<128x64xf32, #tpu.memory_space<vmem>>)
      %dma_start3A_95 = arith.constant 0 : i32
      %dma_start3A_96 = arith.constant 0 : i32
      %dma_start3A_97 = arith.constant 0 : i32
      %dma_start3A_98 = tpu.memref_slice %arg9[%dma_start3A_95, %dma_start3A_96, %dma_start3A_97] : memref<4x128x64xf32, #tpu.memory_space<vmem>> -> memref<1x128x64xf32, #tpu.memory_space<vmem>>
      %dma_start3A_99 = tpu.memref_squeeze %dma_start3A_98 : memref<1x128x64xf32, #tpu.memory_space<vmem>> -> memref<128x64xf32, #tpu.memory_space<vmem>>
      %dma_start3A_100 = arith.constant 0 : i32
      %dma_start3A_101 = tpu.memref_slice %arg8[%add3A_83, %dma_start3A_100] : memref<80x128xi32, #tpu.memory_space<vmem>> -> memref<1x128xi32, #tpu.memory_space<vmem>>
      %dma_start3A_102 = tpu.memref_squeeze %dma_start3A_101 : memref<1x128xi32, #tpu.memory_space<vmem>> -> memref<128xi32, #tpu.memory_space<vmem>>
      %dma_start3A_103 = arith.constant 0 : i32
      %dma_start3A_104 = arith.constant 0 : i32
      %dma_start3A_105 = tpu.memref_slice %arg10[%dma_start3A_103, %dma_start3A_104] : memref<10112x64xf32, #tpu.memory_space<vmem_shared>> -> memref<10112x64xf32, #tpu.memory_space<vmem_shared>>
      tpu.enqueue_indirect_dma source(%dma_start3A_99 : memref<128x64xf32, #tpu.memory_space<vmem>>) target(%dma_start3A_105 : memref<10112x64xf32, #tpu.memory_space<vmem_shared>>) offsets(%dma_start3A_102 : memref<128xi32, #tpu.memory_space<vmem>>) semaphore(%arg15 : memref<!tpu.dma_semaphore, #tpu.memory_space<semaphore_mem>>) {add = true}
      %add3A_106 = arith.constant 2 : i32
      %add3A_107 = arith.addi %add3A_83, %add3A_106 : i32
      %lt3A = arith.constant 80 : i32
      %lt3A_108 = arith.cmpi slt, %add3A_107, %lt3A : i32
      %convert_element_type3A = arith.extui %lt3A_108 : i1 to i32
      %cond3A = arith.constant 0 : i32
      %cond3A_109 = arith.cmpi ne, %convert_element_type3A, %cond3A : i32
      scf.if %cond3A_109 {
        %ge3A = arith.constant 4 : i32
        %ge3A_203 = arith.cmpi sge, %add3A_107, %ge3A : i32
        %convert_element_type3A_204 = arith.extui %ge3A_203 : i1 to i32
        %cond3A_205 = arith.constant 0 : i32
        %cond3A_206 = arith.cmpi ne, %convert_element_type3A_204, %cond3A_205 : i32
        scf.if %cond3A_206 {
          %sub3A = arith.constant 4 : i32
          %sub3A_218 = arith.subi %add3A_107, %sub3A : i32
          %max3A = arith.constant 0 : i32
          %max3A_219 = arith.maxsi %sub3A_218, %max3A : i32
          %dma_wait3A_220 = arith.constant 2 : i32
          %dma_wait3A_221 = arith.constant 0 : i32
          %dma_wait3A_222 = arith.constant 0 : i32
          %dma_wait3A_223 = tpu.memref_slice %arg9[%dma_wait3A_220, %dma_wait3A_221, %dma_wait3A_222] : memref<4x128x64xf32, #tpu.memory_space<vmem>> -> memref<1x128x64xf32, #tpu.memory_space<vmem>>
          %dma_wait3A_224 = tpu.memref_squeeze %dma_wait3A_223 : memref<1x128x64xf32, #tpu.memory_space<vmem>> -> memref<128x64xf32, #tpu.memory_space<vmem>>
          %dma_wait3A_225 = arith.constant 0 : i32
          %dma_wait3A_226 = tpu.memref_slice %arg8[%max3A_219, %dma_wait3A_225] : memref<80x128xi32, #tpu.memory_space<vmem>> -> memref<1x128xi32, #tpu.memory_space<vmem>>
          %dma_wait3A_227 = tpu.memref_squeeze %dma_wait3A_226 : memref<1x128xi32, #tpu.memory_space<vmem>> -> memref<128xi32, #tpu.memory_space<vmem>>
          %dma_wait3A_228 = arith.constant 0 : i32
          %dma_wait3A_229 = arith.constant 0 : i32
          %dma_wait3A_230 = tpu.memref_slice %arg10[%dma_wait3A_228, %dma_wait3A_229] : memref<10112x64xf32, #tpu.memory_space<vmem_shared>> -> memref<10112x64xf32, #tpu.memory_space<vmem_shared>>
          tpu.wait_indirect_dma semaphore(%arg17 : memref<!tpu.dma_semaphore, #tpu.memory_space<semaphore_mem>>) src(%dma_wait3A_224 : memref<128x64xf32, #tpu.memory_space<vmem>>) dst(%dma_wait3A_230 : memref<10112x64xf32, #tpu.memory_space<vmem_shared>>)
        } else {
        }
        %dma_start3A_207 = arith.constant 2 : i32
        %dma_start3A_208 = arith.constant 0 : i32
        %dma_start3A_209 = arith.constant 0 : i32
        %dma_start3A_210 = tpu.memref_slice %arg9[%dma_start3A_207, %dma_start3A_208, %dma_start3A_209] : memref<4x128x64xf32, #tpu.memory_space<vmem>> -> memref<1x128x64xf32, #tpu.memory_space<vmem>>
        %dma_start3A_211 = tpu.memref_squeeze %dma_start3A_210 : memref<1x128x64xf32, #tpu.memory_space<vmem>> -> memref<128x64xf32, #tpu.memory_space<vmem>>
        %dma_start3A_212 = arith.constant 0 : i32
        %dma_start3A_213 = tpu.memref_slice %arg7[%add3A_107, %dma_start3A_212] : memref<80x128xi32, #tpu.memory_space<vmem>> -> memref<1x128xi32, #tpu.memory_space<vmem>>
        %dma_start3A_214 = tpu.memref_squeeze %dma_start3A_213 : memref<1x128xi32, #tpu.memory_space<vmem>> -> memref<128xi32, #tpu.memory_space<vmem>>
        %dma_start3A_215 = arith.constant 0 : i32
        %dma_start3A_216 = arith.constant 0 : i32
        %dma_start3A_217 = tpu.memref_slice %arg2[%dma_start3A_215, %dma_start3A_216] : memref<10000x64xf32, #tpu.memory_space<hbm>> -> memref<10000x64xf32, #tpu.memory_space<hbm>>
        tpu.enqueue_indirect_dma source(%dma_start3A_217 : memref<10000x64xf32, #tpu.memory_space<hbm>>) target(%dma_start3A_211 : memref<128x64xf32, #tpu.memory_space<vmem>>) offsets(%dma_start3A_214 : memref<128xi32, #tpu.memory_space<vmem>>) semaphore(%arg13 : memref<!tpu.dma_semaphore, #tpu.memory_space<semaphore_mem>>)
      } else {
      }
      %add3A_110 = arith.constant 1 : i32
      %add3A_111 = arith.addi %mul3A_81, %add3A_110 : i32
      %dma_wait3A_112 = arith.constant 1 : i32
      %dma_wait3A_113 = arith.constant 0 : i32
      %dma_wait3A_114 = arith.constant 0 : i32
      %dma_wait3A_115 = tpu.memref_slice %arg9[%dma_wait3A_112, %dma_wait3A_113, %dma_wait3A_114] : memref<4x128x64xf32, #tpu.memory_space<vmem>> -> memref<1x128x64xf32, #tpu.memory_space<vmem>>
      %dma_wait3A_116 = tpu.memref_squeeze %dma_wait3A_115 : memref<1x128x64xf32, #tpu.memory_space<vmem>> -> memref<128x64xf32, #tpu.memory_space<vmem>>
      %dma_wait3A_117 = arith.constant 0 : i32
      %dma_wait3A_118 = tpu.memref_slice %arg7[%add3A_111, %dma_wait3A_117] : memref<80x128xi32, #tpu.memory_space<vmem>> -> memref<1x128xi32, #tpu.memory_space<vmem>>
      %dma_wait3A_119 = tpu.memref_squeeze %dma_wait3A_118 : memref<1x128xi32, #tpu.memory_space<vmem>> -> memref<128xi32, #tpu.memory_space<vmem>>
      %dma_wait3A_120 = arith.constant 0 : i32
      %dma_wait3A_121 = arith.constant 0 : i32
      %dma_wait3A_122 = tpu.memref_slice %arg2[%dma_wait3A_120, %dma_wait3A_121] : memref<10000x64xf32, #tpu.memory_space<hbm>> -> memref<10000x64xf32, #tpu.memory_space<hbm>>
      tpu.wait_indirect_dma semaphore(%arg12 : memref<!tpu.dma_semaphore, #tpu.memory_space<semaphore_mem>>) src(%dma_wait3A_122 : memref<10000x64xf32, #tpu.memory_space<hbm>>) dst(%dma_wait3A_116 : memref<128x64xf32, #tpu.memory_space<vmem>>)
      %dma_start3A_123 = arith.constant 1 : i32
      %dma_start3A_124 = arith.constant 0 : i32
      %dma_start3A_125 = arith.constant 0 : i32
      %dma_start3A_126 = tpu.memref_slice %arg9[%dma_start3A_123, %dma_start3A_124, %dma_start3A_125] : memref<4x128x64xf32, #tpu.memory_space<vmem>> -> memref<1x128x64xf32, #tpu.memory_space<vmem>>
      %dma_start3A_127 = tpu.memref_squeeze %dma_start3A_126 : memref<1x128x64xf32, #tpu.memory_space<vmem>> -> memref<128x64xf32, #tpu.memory_space<vmem>>
      %dma_start3A_128 = arith.constant 0 : i32
      %dma_start3A_129 = tpu.memref_slice %arg8[%add3A_111, %dma_start3A_128] : memref<80x128xi32, #tpu.memory_space<vmem>> -> memref<1x128xi32, #tpu.memory_space<vmem>>
      %dma_start3A_130 = tpu.memref_squeeze %dma_start3A_129 : memref<1x128xi32, #tpu.memory_space<vmem>> -> memref<128xi32, #tpu.memory_space<vmem>>
      %dma_start3A_131 = arith.constant 0 : i32
      %dma_start3A_132 = arith.constant 0 : i32
      %dma_start3A_133 = tpu.memref_slice %arg10[%dma_start3A_131, %dma_start3A_132] : memref<10112x64xf32, #tpu.memory_space<vmem_shared>> -> memref<10112x64xf32, #tpu.memory_space<vmem_shared>>
      tpu.enqueue_indirect_dma source(%dma_start3A_127 : memref<128x64xf32, #tpu.memory_space<vmem>>) target(%dma_start3A_133 : memref<10112x64xf32, #tpu.memory_space<vmem_shared>>) offsets(%dma_start3A_130 : memref<128xi32, #tpu.memory_space<vmem>>) semaphore(%arg16 : memref<!tpu.dma_semaphore, #tpu.memory_space<semaphore_mem>>) {add = true}
      %add3A_134 = arith.constant 2 : i32
      %add3A_135 = arith.addi %add3A_111, %add3A_134 : i32
      %lt3A_136 = arith.constant 80 : i32
      %lt3A_137 = arith.cmpi slt, %add3A_135, %lt3A_136 : i32
      %convert_element_type3A_138 = arith.extui %lt3A_137 : i1 to i32
      %cond3A_139 = arith.constant 0 : i32
      %cond3A_140 = arith.cmpi ne, %convert_element_type3A_138, %cond3A_139 : i32
      scf.if %cond3A_140 {
        %ge3A = arith.constant 4 : i32
        %ge3A_203 = arith.cmpi sge, %add3A_135, %ge3A : i32
        %convert_element_type3A_204 = arith.extui %ge3A_203 : i1 to i32
        %cond3A_205 = arith.constant 0 : i32
        %cond3A_206 = arith.cmpi ne, %convert_element_type3A_204, %cond3A_205 : i32
        scf.if %cond3A_206 {
          %sub3A = arith.constant 4 : i32
          %sub3A_218 = arith.subi %add3A_135, %sub3A : i32
          %max3A = arith.constant 0 : i32
          %max3A_219 = arith.maxsi %sub3A_218, %max3A : i32
          %dma_wait3A_220 = arith.constant 3 : i32
          %dma_wait3A_221 = arith.constant 0 : i32
          %dma_wait3A_222 = arith.constant 0 : i32
          %dma_wait3A_223 = tpu.memref_slice %arg9[%dma_wait3A_220, %dma_wait3A_221, %dma_wait3A_222] : memref<4x128x64xf32, #tpu.memory_space<vmem>> -> memref<1x128x64xf32, #tpu.memory_space<vmem>>
          %dma_wait3A_224 = tpu.memref_squeeze %dma_wait3A_223 : memref<1x128x64xf32, #tpu.memory_space<vmem>> -> memref<128x64xf32, #tpu.memory_space<vmem>>
          %dma_wait3A_225 = arith.constant 0 : i32
          %dma_wait3A_226 = tpu.memref_slice %arg8[%max3A_219, %dma_wait3A_225] : memref<80x128xi32, #tpu.memory_space<vmem>> -> memref<1x128xi32, #tpu.memory_space<vmem>>
          %dma_wait3A_227 = tpu.memref_squeeze %dma_wait3A_226 : memref<1x128xi32, #tpu.memory_space<vmem>> -> memref<128xi32, #tpu.memory_space<vmem>>
          %dma_wait3A_228 = arith.constant 0 : i32
          %dma_wait3A_229 = arith.constant 0 : i32
          %dma_wait3A_230 = tpu.memref_slice %arg10[%dma_wait3A_228, %dma_wait3A_229] : memref<10112x64xf32, #tpu.memory_space<vmem_shared>> -> memref<10112x64xf32, #tpu.memory_space<vmem_shared>>
          tpu.wait_indirect_dma semaphore(%arg18 : memref<!tpu.dma_semaphore, #tpu.memory_space<semaphore_mem>>) src(%dma_wait3A_224 : memref<128x64xf32, #tpu.memory_space<vmem>>) dst(%dma_wait3A_230 : memref<10112x64xf32, #tpu.memory_space<vmem_shared>>)
        } else {
        }
        %dma_start3A_207 = arith.constant 3 : i32
        %dma_start3A_208 = arith.constant 0 : i32
        %dma_start3A_209 = arith.constant 0 : i32
        %dma_start3A_210 = tpu.memref_slice %arg9[%dma_start3A_207, %dma_start3A_208, %dma_start3A_209] : memref<4x128x64xf32, #tpu.memory_space<vmem>> -> memref<1x128x64xf32, #tpu.memory_space<vmem>>
        %dma_start3A_211 = tpu.memref_squeeze %dma_start3A_210 : memref<1x128x64xf32, #tpu.memory_space<vmem>> -> memref<128x64xf32, #tpu.memory_space<vmem>>
        %dma_start3A_212 = arith.constant 0 : i32
        %dma_start3A_213 = tpu.memref_slice %arg7[%add3A_135, %dma_start3A_212] : memref<80x128xi32, #tpu.memory_space<vmem>> -> memref<1x128xi32, #tpu.memory_space<vmem>>
        %dma_start3A_214 = tpu.memref_squeeze %dma_start3A_213 : memref<1x128xi32, #tpu.memory_space<vmem>> -> memref<128xi32, #tpu.memory_space<vmem>>
        %dma_start3A_215 = arith.constant 0 : i32
        %dma_start3A_216 = arith.constant 0 : i32
        %dma_start3A_217 = tpu.memref_slice %arg2[%dma_start3A_215, %dma_start3A_216] : memref<10000x64xf32, #tpu.memory_space<hbm>> -> memref<10000x64xf32, #tpu.memory_space<hbm>>
        tpu.enqueue_indirect_dma source(%dma_start3A_217 : memref<10000x64xf32, #tpu.memory_space<hbm>>) target(%dma_start3A_211 : memref<128x64xf32, #tpu.memory_space<vmem>>) offsets(%dma_start3A_214 : memref<128xi32, #tpu.memory_space<vmem>>) semaphore(%arg14 : memref<!tpu.dma_semaphore, #tpu.memory_space<semaphore_mem>>)
      } else {
      }
      %add3A_141 = arith.constant 2 : i32
      %add3A_142 = arith.addi %mul3A_81, %add3A_141 : i32
      %dma_wait3A_143 = arith.constant 2 : i32
      %dma_wait3A_144 = arith.constant 0 : i32
      %dma_wait3A_145 = arith.constant 0 : i32
      %dma_wait3A_146 = tpu.memref_slice %arg9[%dma_wait3A_143, %dma_wait3A_144, %dma_wait3A_145] : memref<4x128x64xf32, #tpu.memory_space<vmem>> -> memref<1x128x64xf32, #tpu.memory_space<vmem>>
      %dma_wait3A_147 = tpu.memref_squeeze %dma_wait3A_146 : memref<1x128x64xf32, #tpu.memory_space<vmem>> -> memref<128x64xf32, #tpu.memory_space<vmem>>
      %dma_wait3A_148 = arith.constant 0 : i32
      %dma_wait3A_149 = tpu.memref_slice %arg7[%add3A_142, %dma_wait3A_148] : memref<80x128xi32, #tpu.memory_space<vmem>> -> memref<1x128xi32, #tpu.memory_space<vmem>>
      %dma_wait3A_150 = tpu.memref_squeeze %dma_wait3A_149 : memref<1x128xi32, #tpu.memory_space<vmem>> -> memref<128xi32, #tpu.memory_space<vmem>>
      %dma_wait3A_151 = arith.constant 0 : i32
      %dma_wait3A_152 = arith.constant 0 : i32
      %dma_wait3A_153 = tpu.memref_slice %arg2[%dma_wait3A_151, %dma_wait3A_152] : memref<10000x64xf32, #tpu.memory_space<hbm>> -> memref<10000x64xf32, #tpu.memory_space<hbm>>
      tpu.wait_indirect_dma semaphore(%arg13 : memref<!tpu.dma_semaphore, #tpu.memory_space<semaphore_mem>>) src(%dma_wait3A_153 : memref<10000x64xf32, #tpu.memory_space<hbm>>) dst(%dma_wait3A_147 : memref<128x64xf32, #tpu.memory_space<vmem>>)
      %dma_start3A_154 = arith.constant 2 : i32
      %dma_start3A_155 = arith.constant 0 : i32
      %dma_start3A_156 = arith.constant 0 : i32
      %dma_start3A_157 = tpu.memref_slice %arg9[%dma_start3A_154, %dma_start3A_155, %dma_start3A_156] : memref<4x128x64xf32, #tpu.memory_space<vmem>> -> memref<1x128x64xf32, #tpu.memory_space<vmem>>
      %dma_start3A_158 = tpu.memref_squeeze %dma_start3A_157 : memref<1x128x64xf32, #tpu.memory_space<vmem>> -> memref<128x64xf32, #tpu.memory_space<vmem>>
      %dma_start3A_159 = arith.constant 0 : i32
      %dma_start3A_160 = tpu.memref_slice %arg8[%add3A_142, %dma_start3A_159] : memref<80x128xi32, #tpu.memory_space<vmem>> -> memref<1x128xi32, #tpu.memory_space<vmem>>
      %dma_start3A_161 = tpu.memref_squeeze %dma_start3A_160 : memref<1x128xi32, #tpu.memory_space<vmem>> -> memref<128xi32, #tpu.memory_space<vmem>>
      %dma_start3A_162 = arith.constant 0 : i32
      %dma_start3A_163 = arith.constant 0 : i32
      %dma_start3A_164 = tpu.memref_slice %arg10[%dma_start3A_162, %dma_start3A_163] : memref<10112x64xf32, #tpu.memory_space<vmem_shared>> -> memref<10112x64xf32, #tpu.memory_space<vmem_shared>>
      tpu.enqueue_indirect_dma source(%dma_start3A_158 : memref<128x64xf32, #tpu.memory_space<vmem>>) target(%dma_start3A_164 : memref<10112x64xf32, #tpu.memory_space<vmem_shared>>) offsets(%dma_start3A_161 : memref<128xi32, #tpu.memory_space<vmem>>) semaphore(%arg17 : memref<!tpu.dma_semaphore, #tpu.memory_space<semaphore_mem>>) {add = true}
      %add3A_165 = arith.constant 2 : i32
      %add3A_166 = arith.addi %add3A_142, %add3A_165 : i32
      %lt3A_167 = arith.constant 80 : i32
      %lt3A_168 = arith.cmpi slt, %add3A_166, %lt3A_167 : i32
      %convert_element_type3A_169 = arith.extui %lt3A_168 : i1 to i32
      %cond3A_170 = arith.constant 0 : i32
      %cond3A_171 = arith.cmpi ne, %convert_element_type3A_169, %cond3A_170 : i32
      scf.if %cond3A_171 {
        %ge3A = arith.constant 4 : i32
        %ge3A_203 = arith.cmpi sge, %add3A_166, %ge3A : i32
        %convert_element_type3A_204 = arith.extui %ge3A_203 : i1 to i32
        %cond3A_205 = arith.constant 0 : i32
        %cond3A_206 = arith.cmpi ne, %convert_element_type3A_204, %cond3A_205 : i32
        scf.if %cond3A_206 {
          %sub3A = arith.constant 4 : i32
          %sub3A_218 = arith.subi %add3A_166, %sub3A : i32
          %max3A = arith.constant 0 : i32
          %max3A_219 = arith.maxsi %sub3A_218, %max3A : i32
          %dma_wait3A_220 = arith.constant 0 : i32
          %dma_wait3A_221 = arith.constant 0 : i32
          %dma_wait3A_222 = arith.constant 0 : i32
          %dma_wait3A_223 = tpu.memref_slice %arg9[%dma_wait3A_220, %dma_wait3A_221, %dma_wait3A_222] : memref<4x128x64xf32, #tpu.memory_space<vmem>> -> memref<1x128x64xf32, #tpu.memory_space<vmem>>
          %dma_wait3A_224 = tpu.memref_squeeze %dma_wait3A_223 : memref<1x128x64xf32, #tpu.memory_space<vmem>> -> memref<128x64xf32, #tpu.memory_space<vmem>>
          %dma_wait3A_225 = arith.constant 0 : i32
          %dma_wait3A_226 = tpu.memref_slice %arg8[%max3A_219, %dma_wait3A_225] : memref<80x128xi32, #tpu.memory_space<vmem>> -> memref<1x128xi32, #tpu.memory_space<vmem>>
          %dma_wait3A_227 = tpu.memref_squeeze %dma_wait3A_226 : memref<1x128xi32, #tpu.memory_space<vmem>> -> memref<128xi32, #tpu.memory_space<vmem>>
          %dma_wait3A_228 = arith.constant 0 : i32
          %dma_wait3A_229 = arith.constant 0 : i32
          %dma_wait3A_230 = tpu.memref_slice %arg10[%dma_wait3A_228, %dma_wait3A_229] : memref<10112x64xf32, #tpu.memory_space<vmem_shared>> -> memref<10112x64xf32, #tpu.memory_space<vmem_shared>>
          tpu.wait_indirect_dma semaphore(%arg15 : memref<!tpu.dma_semaphore, #tpu.memory_space<semaphore_mem>>) src(%dma_wait3A_224 : memref<128x64xf32, #tpu.memory_space<vmem>>) dst(%dma_wait3A_230 : memref<10112x64xf32, #tpu.memory_space<vmem_shared>>)
        } else {
        }
        %dma_start3A_207 = arith.constant 0 : i32
        %dma_start3A_208 = arith.constant 0 : i32
        %dma_start3A_209 = arith.constant 0 : i32
        %dma_start3A_210 = tpu.memref_slice %arg9[%dma_start3A_207, %dma_start3A_208, %dma_start3A_209] : memref<4x128x64xf32, #tpu.memory_space<vmem>> -> memref<1x128x64xf32, #tpu.memory_space<vmem>>
        %dma_start3A_211 = tpu.memref_squeeze %dma_start3A_210 : memref<1x128x64xf32, #tpu.memory_space<vmem>> -> memref<128x64xf32, #tpu.memory_space<vmem>>
        %dma_start3A_212 = arith.constant 0 : i32
        %dma_start3A_213 = tpu.memref_slice %arg7[%add3A_166, %dma_start3A_212] : memref<80x128xi32, #tpu.memory_space<vmem>> -> memref<1x128xi32, #tpu.memory_space<vmem>>
        %dma_start3A_214 = tpu.memref_squeeze %dma_start3A_213 : memref<1x128xi32, #tpu.memory_space<vmem>> -> memref<128xi32, #tpu.memory_space<vmem>>
        %dma_start3A_215 = arith.constant 0 : i32
        %dma_start3A_216 = arith.constant 0 : i32
        %dma_start3A_217 = tpu.memref_slice %arg2[%dma_start3A_215, %dma_start3A_216] : memref<10000x64xf32, #tpu.memory_space<hbm>> -> memref<10000x64xf32, #tpu.memory_space<hbm>>
        tpu.enqueue_indirect_dma source(%dma_start3A_217 : memref<10000x64xf32, #tpu.memory_space<hbm>>) target(%dma_start3A_211 : memref<128x64xf32, #tpu.memory_space<vmem>>) offsets(%dma_start3A_214 : memref<128xi32, #tpu.memory_space<vmem>>) semaphore(%arg11 : memref<!tpu.dma_semaphore, #tpu.memory_space<semaphore_mem>>)
      } else {
      }
      %add3A_172 = arith.constant 3 : i32
      %add3A_173 = arith.addi %mul3A_81, %add3A_172 : i32
      %dma_wait3A_174 = arith.constant 3 : i32
      %dma_wait3A_175 = arith.constant 0 : i32
      %dma_wait3A_176 = arith.constant 0 : i32
      %dma_wait3A_177 = tpu.memref_slice %arg9[%dma_wait3A_174, %dma_wait3A_175, %dma_wait3A_176] : memref<4x128x64xf32, #tpu.memory_space<vmem>> -> memref<1x128x64xf32, #tpu.memory_space<vmem>>
      %dma_wait3A_178 = tpu.memref_squeeze %dma_wait3A_177 : memref<1x128x64xf32, #tpu.memory_space<vmem>> -> memref<128x64xf32, #tpu.memory_space<vmem>>
      %dma_wait3A_179 = arith.constant 0 : i32
      %dma_wait3A_180 = tpu.memref_slice %arg7[%add3A_173, %dma_wait3A_179] : memref<80x128xi32, #tpu.memory_space<vmem>> -> memref<1x128xi32, #tpu.memory_space<vmem>>
      %dma_wait3A_181 = tpu.memref_squeeze %dma_wait3A_180 : memref<1x128xi32, #tpu.memory_space<vmem>> -> memref<128xi32, #tpu.memory_space<vmem>>
      %dma_wait3A_182 = arith.constant 0 : i32
      %dma_wait3A_183 = arith.constant 0 : i32
      %dma_wait3A_184 = tpu.memref_slice %arg2[%dma_wait3A_182, %dma_wait3A_183] : memref<10000x64xf32, #tpu.memory_space<hbm>> -> memref<10000x64xf32, #tpu.memory_space<hbm>>
      tpu.wait_indirect_dma semaphore(%arg14 : memref<!tpu.dma_semaphore, #tpu.memory_space<semaphore_mem>>) src(%dma_wait3A_184 : memref<10000x64xf32, #tpu.memory_space<hbm>>) dst(%dma_wait3A_178 : memref<128x64xf32, #tpu.memory_space<vmem>>)
      %dma_start3A_185 = arith.constant 3 : i32
      %dma_start3A_186 = arith.constant 0 : i32
      %dma_start3A_187 = arith.constant 0 : i32
      %dma_start3A_188 = tpu.memref_slice %arg9[%dma_start3A_185, %dma_start3A_186, %dma_start3A_187] : memref<4x128x64xf32, #tpu.memory_space<vmem>> -> memref<1x128x64xf32, #tpu.memory_space<vmem>>
      %dma_start3A_189 = tpu.memref_squeeze %dma_start3A_188 : memref<1x128x64xf32, #tpu.memory_space<vmem>> -> memref<128x64xf32, #tpu.memory_space<vmem>>
      %dma_start3A_190 = arith.constant 0 : i32
      %dma_start3A_191 = tpu.memref_slice %arg8[%add3A_173, %dma_start3A_190] : memref<80x128xi32, #tpu.memory_space<vmem>> -> memref<1x128xi32, #tpu.memory_space<vmem>>
      %dma_start3A_192 = tpu.memref_squeeze %dma_start3A_191 : memref<1x128xi32, #tpu.memory_space<vmem>> -> memref<128xi32, #tpu.memory_space<vmem>>
      %dma_start3A_193 = arith.constant 0 : i32
      %dma_start3A_194 = arith.constant 0 : i32
      %dma_start3A_195 = tpu.memref_slice %arg10[%dma_start3A_193, %dma_start3A_194] : memref<10112x64xf32, #tpu.memory_space<vmem_shared>> -> memref<10112x64xf32, #tpu.memory_space<vmem_shared>>
      tpu.enqueue_indirect_dma source(%dma_start3A_189 : memref<128x64xf32, #tpu.memory_space<vmem>>) target(%dma_start3A_195 : memref<10112x64xf32, #tpu.memory_space<vmem_shared>>) offsets(%dma_start3A_192 : memref<128xi32, #tpu.memory_space<vmem>>) semaphore(%arg18 : memref<!tpu.dma_semaphore, #tpu.memory_space<semaphore_mem>>) {add = true}
      %add3A_196 = arith.constant 2 : i32
      %add3A_197 = arith.addi %add3A_173, %add3A_196 : i32
      %lt3A_198 = arith.constant 80 : i32
      %lt3A_199 = arith.cmpi slt, %add3A_197, %lt3A_198 : i32
      %convert_element_type3A_200 = arith.extui %lt3A_199 : i1 to i32
      %cond3A_201 = arith.constant 0 : i32
      %cond3A_202 = arith.cmpi ne, %convert_element_type3A_200, %cond3A_201 : i32
      scf.if %cond3A_202 {
        %ge3A = arith.constant 4 : i32
        %ge3A_203 = arith.cmpi sge, %add3A_197, %ge3A : i32
        %convert_element_type3A_204 = arith.extui %ge3A_203 : i1 to i32
        %cond3A_205 = arith.constant 0 : i32
        %cond3A_206 = arith.cmpi ne, %convert_element_type3A_204, %cond3A_205 : i32
        scf.if %cond3A_206 {
          %sub3A = arith.constant 4 : i32
          %sub3A_218 = arith.subi %add3A_197, %sub3A : i32
          %max3A = arith.constant 0 : i32
          %max3A_219 = arith.maxsi %sub3A_218, %max3A : i32
          %dma_wait3A_220 = arith.constant 1 : i32
          %dma_wait3A_221 = arith.constant 0 : i32
          %dma_wait3A_222 = arith.constant 0 : i32
          %dma_wait3A_223 = tpu.memref_slice %arg9[%dma_wait3A_220, %dma_wait3A_221, %dma_wait3A_222] : memref<4x128x64xf32, #tpu.memory_space<vmem>> -> memref<1x128x64xf32, #tpu.memory_space<vmem>>
          %dma_wait3A_224 = tpu.memref_squeeze %dma_wait3A_223 : memref<1x128x64xf32, #tpu.memory_space<vmem>> -> memref<128x64xf32, #tpu.memory_space<vmem>>
          %dma_wait3A_225 = arith.constant 0 : i32
          %dma_wait3A_226 = tpu.memref_slice %arg8[%max3A_219, %dma_wait3A_225] : memref<80x128xi32, #tpu.memory_space<vmem>> -> memref<1x128xi32, #tpu.memory_space<vmem>>
          %dma_wait3A_227 = tpu.memref_squeeze %dma_wait3A_226 : memref<1x128xi32, #tpu.memory_space<vmem>> -> memref<128xi32, #tpu.memory_space<vmem>>
          %dma_wait3A_228 = arith.constant 0 : i32
          %dma_wait3A_229 = arith.constant 0 : i32
          %dma_wait3A_230 = tpu.memref_slice %arg10[%dma_wait3A_228, %dma_wait3A_229] : memref<10112x64xf32, #tpu.memory_space<vmem_shared>> -> memref<10112x64xf32, #tpu.memory_space<vmem_shared>>
          tpu.wait_indirect_dma semaphore(%arg16 : memref<!tpu.dma_semaphore, #tpu.memory_space<semaphore_mem>>) src(%dma_wait3A_224 : memref<128x64xf32, #tpu.memory_space<vmem>>) dst(%dma_wait3A_230 : memref<10112x64xf32, #tpu.memory_space<vmem_shared>>)
        } else {
        }
        %dma_start3A_207 = arith.constant 1 : i32
        %dma_start3A_208 = arith.constant 0 : i32
        %dma_start3A_209 = arith.constant 0 : i32
        %dma_start3A_210 = tpu.memref_slice %arg9[%dma_start3A_207, %dma_start3A_208, %dma_start3A_209] : memref<4x128x64xf32, #tpu.memory_space<vmem>> -> memref<1x128x64xf32, #tpu.memory_space<vmem>>
        %dma_start3A_211 = tpu.memref_squeeze %dma_start3A_210 : memref<1x128x64xf32, #tpu.memory_space<vmem>> -> memref<128x64xf32, #tpu.memory_space<vmem>>
        %dma_start3A_212 = arith.constant 0 : i32
        %dma_start3A_213 = tpu.memref_slice %arg7[%add3A_197, %dma_start3A_212] : memref<80x128xi32, #tpu.memory_space<vmem>> -> memref<1x128xi32, #tpu.memory_space<vmem>>
        %dma_start3A_214 = tpu.memref_squeeze %dma_start3A_213 : memref<1x128xi32, #tpu.memory_space<vmem>> -> memref<128xi32, #tpu.memory_space<vmem>>
        %dma_start3A_215 = arith.constant 0 : i32
        %dma_start3A_216 = arith.constant 0 : i32
        %dma_start3A_217 = tpu.memref_slice %arg2[%dma_start3A_215, %dma_start3A_216] : memref<10000x64xf32, #tpu.memory_space<hbm>> -> memref<10000x64xf32, #tpu.memory_space<hbm>>
        tpu.enqueue_indirect_dma source(%dma_start3A_217 : memref<10000x64xf32, #tpu.memory_space<hbm>>) target(%dma_start3A_211 : memref<128x64xf32, #tpu.memory_space<vmem>>) offsets(%dma_start3A_214 : memref<128xi32, #tpu.memory_space<vmem>>) semaphore(%arg12 : memref<!tpu.dma_semaphore, #tpu.memory_space<semaphore_mem>>)
      } else {
      }
    }
    %scan3A_30 = arith.constant 20 : i32
    %dma_wait3A = arith.constant 0 : i32
    %dma_wait3A_31 = arith.constant 76 : i32
    %dma_wait3A_32 = arith.constant 0 : i32
    %dma_wait3A_33 = arith.constant 0 : i32
    %dma_wait3A_34 = tpu.memref_slice %arg9[%dma_wait3A, %dma_wait3A_32, %dma_wait3A_33] : memref<4x128x64xf32, #tpu.memory_space<vmem>> -> memref<1x128x64xf32, #tpu.memory_space<vmem>>
    %dma_wait3A_35 = tpu.memref_squeeze %dma_wait3A_34 : memref<1x128x64xf32, #tpu.memory_space<vmem>> -> memref<128x64xf32, #tpu.memory_space<vmem>>
    %dma_wait3A_36 = arith.constant 0 : i32
    %dma_wait3A_37 = tpu.memref_slice %arg8[%dma_wait3A_31, %dma_wait3A_36] : memref<80x128xi32, #tpu.memory_space<vmem>> -> memref<1x128xi32, #tpu.memory_space<vmem>>
    %dma_wait3A_38 = tpu.memref_squeeze %dma_wait3A_37 : memref<1x128xi32, #tpu.memory_space<vmem>> -> memref<128xi32, #tpu.memory_space<vmem>>
    %dma_wait3A_39 = arith.constant 0 : i32
    %dma_wait3A_40 = arith.constant 0 : i32
    %dma_wait3A_41 = tpu.memref_slice %arg10[%dma_wait3A_39, %dma_wait3A_40] : memref<10112x64xf32, #tpu.memory_space<vmem_shared>> -> memref<10112x64xf32, #tpu.memory_space<vmem_shared>>
    tpu.wait_indirect_dma semaphore(%arg15 : memref<!tpu.dma_semaphore, #tpu.memory_space<semaphore_mem>>) src(%dma_wait3A_35 : memref<128x64xf32, #tpu.memory_space<vmem>>) dst(%dma_wait3A_41 : memref<10112x64xf32, #tpu.memory_space<vmem_shared>>)
    %dma_wait3A_42 = arith.constant 1 : i32
    %dma_wait3A_43 = arith.constant 77 : i32
    %dma_wait3A_44 = arith.constant 0 : i32
    %dma_wait3A_45 = arith.constant 0 : i32
    %dma_wait3A_46 = tpu.memref_slice %arg9[%dma_wait3A_42, %dma_wait3A_44, %dma_wait3A_45] : memref<4x128x64xf32, #tpu.memory_space<vmem>> -> memref<1x128x64xf32, #tpu.memory_space<vmem>>
    %dma_wait3A_47 = tpu.memref_squeeze %dma_wait3A_46 : memref<1x128x64xf32, #tpu.memory_space<vmem>> -> memref<128x64xf32, #tpu.memory_space<vmem>>
    %dma_wait3A_48 = arith.constant 0 : i32
    %dma_wait3A_49 = tpu.memref_slice %arg8[%dma_wait3A_43, %dma_wait3A_48] : memref<80x128xi32, #tpu.memory_space<vmem>> -> memref<1x128xi32, #tpu.memory_space<vmem>>
    %dma_wait3A_50 = tpu.memref_squeeze %dma_wait3A_49 : memref<1x128xi32, #tpu.memory_space<vmem>> -> memref<128xi32, #tpu.memory_space<vmem>>
    %dma_wait3A_51 = arith.constant 0 : i32
    %dma_wait3A_52 = arith.constant 0 : i32
    %dma_wait3A_53 = tpu.memref_slice %arg10[%dma_wait3A_51, %dma_wait3A_52] : memref<10112x64xf32, #tpu.memory_space<vmem_shared>> -> memref<10112x64xf32, #tpu.memory_space<vmem_shared>>
    tpu.wait_indirect_dma semaphore(%arg16 : memref<!tpu.dma_semaphore, #tpu.memory_space<semaphore_mem>>) src(%dma_wait3A_47 : memref<128x64xf32, #tpu.memory_space<vmem>>) dst(%dma_wait3A_53 : memref<10112x64xf32, #tpu.memory_space<vmem_shared>>)
    %dma_wait3A_54 = arith.constant 2 : i32
    %dma_wait3A_55 = arith.constant 78 : i32
    %dma_wait3A_56 = arith.constant 0 : i32
    %dma_wait3A_57 = arith.constant 0 : i32
    %dma_wait3A_58 = tpu.memref_slice %arg9[%dma_wait3A_54, %dma_wait3A_56, %dma_wait3A_57] : memref<4x128x64xf32, #tpu.memory_space<vmem>> -> memref<1x128x64xf32, #tpu.memory_space<vmem>>
    %dma_wait3A_59 = tpu.memref_squeeze %dma_wait3A_58 : memref<1x128x64xf32, #tpu.memory_space<vmem>> -> memref<128x64xf32, #tpu.memory_space<vmem>>
    %dma_wait3A_60 = arith.constant 0 : i32
    %dma_wait3A_61 = tpu.memref_slice %arg8[%dma_wait3A_55, %dma_wait3A_60] : memref<80x128xi32, #tpu.memory_space<vmem>> -> memref<1x128xi32, #tpu.memory_space<vmem>>
    %dma_wait3A_62 = tpu.memref_squeeze %dma_wait3A_61 : memref<1x128xi32, #tpu.memory_space<vmem>> -> memref<128xi32, #tpu.memory_space<vmem>>
    %dma_wait3A_63 = arith.constant 0 : i32
    %dma_wait3A_64 = arith.constant 0 : i32
    %dma_wait3A_65 = tpu.memref_slice %arg10[%dma_wait3A_63, %dma_wait3A_64] : memref<10112x64xf32, #tpu.memory_space<vmem_shared>> -> memref<10112x64xf32, #tpu.memory_space<vmem_shared>>
    tpu.wait_indirect_dma semaphore(%arg17 : memref<!tpu.dma_semaphore, #tpu.memory_space<semaphore_mem>>) src(%dma_wait3A_59 : memref<128x64xf32, #tpu.memory_space<vmem>>) dst(%dma_wait3A_65 : memref<10112x64xf32, #tpu.memory_space<vmem_shared>>)
    %dma_wait3A_66 = arith.constant 3 : i32
    %dma_wait3A_67 = arith.constant 79 : i32
    %dma_wait3A_68 = arith.constant 0 : i32
    %dma_wait3A_69 = arith.constant 0 : i32
    %dma_wait3A_70 = tpu.memref_slice %arg9[%dma_wait3A_66, %dma_wait3A_68, %dma_wait3A_69] : memref<4x128x64xf32, #tpu.memory_space<vmem>> -> memref<1x128x64xf32, #tpu.memory_space<vmem>>
    %dma_wait3A_71 = tpu.memref_squeeze %dma_wait3A_70 : memref<1x128x64xf32, #tpu.memory_space<vmem>> -> memref<128x64xf32, #tpu.memory_space<vmem>>
    %dma_wait3A_72 = arith.constant 0 : i32
    %dma_wait3A_73 = tpu.memref_slice %arg8[%dma_wait3A_67, %dma_wait3A_72] : memref<80x128xi32, #tpu.memory_space<vmem>> -> memref<1x128xi32, #tpu.memory_space<vmem>>
    %dma_wait3A_74 = tpu.memref_squeeze %dma_wait3A_73 : memref<1x128xi32, #tpu.memory_space<vmem>> -> memref<128xi32, #tpu.memory_space<vmem>>
    %dma_wait3A_75 = arith.constant 0 : i32
    %dma_wait3A_76 = arith.constant 0 : i32
    %dma_wait3A_77 = tpu.memref_slice %arg10[%dma_wait3A_75, %dma_wait3A_76] : memref<10112x64xf32, #tpu.memory_space<vmem_shared>> -> memref<10112x64xf32, #tpu.memory_space<vmem_shared>>
    tpu.wait_indirect_dma semaphore(%arg18 : memref<!tpu.dma_semaphore, #tpu.memory_space<semaphore_mem>>) src(%dma_wait3A_71 : memref<128x64xf32, #tpu.memory_space<vmem>>) dst(%dma_wait3A_77 : memref<10112x64xf32, #tpu.memory_space<vmem_shared>>)
    %barrier3A_78 = arith.constant 0 : index
    tpu.barrier barrier_id(%barrier3A_78)
    "tpu.region"() ({
      %run_scoped3A = tpu.sem_alloc : memref<!tpu.dma_semaphore, #tpu.memory_space<semaphore_mem>>
      %dma_start3A_79 = arith.constant 0 : i32
      %dma_start3A_80 = tpu.memref_slice %arg6[%arg0, %mul3A_2, %dma_start3A_79] : memref<2x10112x64xf32, #tpu.memory_space<hbm>> -> memref<1x632x64xf32, #tpu.memory_space<hbm>>
      %dma_start3A_81 = tpu.memref_squeeze %dma_start3A_80 : memref<1x632x64xf32, #tpu.memory_space<hbm>> -> memref<632x64xf32, #tpu.memory_space<hbm>>
      %dma_start3A_82 = arith.constant 0 : i32
      %dma_start3A_83 = tpu.memref_slice %arg10[%mul3A_2, %dma_start3A_82] : memref<10112x64xf32, #tpu.memory_space<vmem_shared>> -> memref<632x64xf32, #tpu.memory_space<vmem_shared>>
      tpu.enqueue_dma source(%dma_start3A_83 : memref<632x64xf32, #tpu.memory_space<vmem_shared>>) target(%dma_start3A_81 : memref<632x64xf32, #tpu.memory_space<hbm>>) target_semaphore(%run_scoped3A : memref<!tpu.dma_semaphore, #tpu.memory_space<semaphore_mem>>)
      %dma_wait3A_84 = arith.constant 0 : i32
      %dma_wait3A_85 = tpu.memref_slice %arg6[%arg0, %mul3A_2, %dma_wait3A_84] : memref<2x10112x64xf32, #tpu.memory_space<hbm>> -> memref<1x632x64xf32, #tpu.memory_space<hbm>>
      %dma_wait3A_86 = tpu.memref_squeeze %dma_wait3A_85 : memref<1x632x64xf32, #tpu.memory_space<hbm>> -> memref<632x64xf32, #tpu.memory_space<hbm>>
      %dma_wait3A_87 = arith.constant 0 : i32
      %dma_wait3A_88 = tpu.memref_slice %arg10[%mul3A_2, %dma_wait3A_87] : memref<10112x64xf32, #tpu.memory_space<vmem_shared>> -> memref<632x64xf32, #tpu.memory_space<vmem_shared>>
      tpu.wait_dma2 semaphore(%run_scoped3A : memref<!tpu.dma_semaphore, #tpu.memory_space<semaphore_mem>>) src(%dma_wait3A_88 : memref<632x64xf32, #tpu.memory_space<vmem_shared>>) dst(%dma_wait3A_86 : memref<632x64xf32, #tpu.memory_space<hbm>>)
      tpu.yield
    }) : () -> ()
    return
  }
}

#map = affine_map<(d0, d1) -> (0, 0, 0)>
#map1 = affine_map<(d0, d1) -> (0, 0)>
module attributes {stable_mosaic.version = 14 : i64} {
  func.func @k(%arg0: i32, %arg1: i32, %arg2: memref<32x80x128xi32, #tpu.memory_space<hbm>>, %arg3: memref<128x16xf32, #tpu.memory_space<hbm>>, %arg4: memref<10112x16xf32, #tpu.memory_space<hbm>>, %arg5: memref<2x10112x16xf32, #tpu.memory_space<hbm>>, %arg6: memref<80x128xi32, #tpu.memory_space<vmem>>, %arg7: memref<128x16xf32, #tpu.memory_space<vmem>>, %arg8: memref<10112x16xf32, #tpu.memory_space<vmem_shared>>) attributes {dimension_semantics = [#tpu.dimension_semantics<core_parallel>, #tpu.dimension_semantics<subcore_parallel>], iteration_bounds = array<i64: 2, 16>, scalar_prefetch = 0 : i64, scratch_operands = 3 : i64, tpu.core_type = #tpu.core_type<sc_vector_subcore>, window_params = [{transform_indices = #map}, {transform_indices = #map1}, {transform_indices = #map1}, {transform_indices = #map}]} {
    %mul3A = arith.constant 2 : i32
    %mul3A_0 = arith.muli %arg1, %mul3A : i32
    %add3A = arith.addi %mul3A_0, %arg0 : i32
    %mul3A_1 = arith.constant 632 : i32
    %mul3A_2 = arith.muli %arg1, %mul3A_1 : i32
    "tpu.region"() ({
      %run_scoped3A = tpu.sem_alloc : memref<!tpu.dma_semaphore, #tpu.memory_space<semaphore_mem>>
      %dma_start3A = arith.constant 0 : i32
      %dma_start3A_9 = tpu.memref_slice %arg8[%mul3A_2, %dma_start3A] : memref<10112x16xf32, #tpu.memory_space<vmem_shared>> -> memref<632x16xf32, #tpu.memory_space<vmem_shared>>
      %dma_start3A_10 = arith.constant 0 : i32
      %dma_start3A_11 = tpu.memref_slice %arg4[%mul3A_2, %dma_start3A_10] : memref<10112x16xf32, #tpu.memory_space<hbm>> -> memref<632x16xf32, #tpu.memory_space<hbm>>
      tpu.enqueue_dma source(%dma_start3A_11 : memref<632x16xf32, #tpu.memory_space<hbm>>) target(%dma_start3A_9 : memref<632x16xf32, #tpu.memory_space<vmem_shared>>) target_semaphore(%run_scoped3A : memref<!tpu.dma_semaphore, #tpu.memory_space<semaphore_mem>>)
      %dma_wait3A = arith.constant 0 : i32
      %dma_wait3A_12 = tpu.memref_slice %arg8[%mul3A_2, %dma_wait3A] : memref<10112x16xf32, #tpu.memory_space<vmem_shared>> -> memref<632x16xf32, #tpu.memory_space<vmem_shared>>
      %dma_wait3A_13 = arith.constant 0 : i32
      %dma_wait3A_14 = tpu.memref_slice %arg4[%mul3A_2, %dma_wait3A_13] : memref<10112x16xf32, #tpu.memory_space<hbm>> -> memref<632x16xf32, #tpu.memory_space<hbm>>
      tpu.wait_dma2 semaphore(%run_scoped3A : memref<!tpu.dma_semaphore, #tpu.memory_space<semaphore_mem>>) src(%dma_wait3A_14 : memref<632x16xf32, #tpu.memory_space<hbm>>) dst(%dma_wait3A_12 : memref<632x16xf32, #tpu.memory_space<vmem_shared>>)
      tpu.yield
    }) : () -> ()
    "tpu.region"() ({
      %run_scoped3A = tpu.sem_alloc : memref<!tpu.dma_semaphore, #tpu.memory_space<semaphore_mem>>
      %dma_start3A = arith.constant 0 : i32
      %dma_start3A_9 = arith.constant 0 : i32
      %dma_start3A_10 = tpu.memref_slice %arg2[%add3A, %dma_start3A, %dma_start3A_9] : memref<32x80x128xi32, #tpu.memory_space<hbm>> -> memref<1x80x128xi32, #tpu.memory_space<hbm>>
      %dma_start3A_11 = tpu.memref_squeeze %dma_start3A_10 : memref<1x80x128xi32, #tpu.memory_space<hbm>> -> memref<80x128xi32, #tpu.memory_space<hbm>>
      %dma_start3A_12 = arith.constant 0 : i32
      %dma_start3A_13 = arith.constant 0 : i32
      %dma_start3A_14 = tpu.memref_slice %arg2[%add3A, %dma_start3A_12, %dma_start3A_13] : memref<32x80x128xi32, #tpu.memory_space<hbm>> -> memref<1x80x128xi32, #tpu.memory_space<hbm>>
      %dma_start3A_15 = tpu.memref_squeeze %dma_start3A_14 : memref<1x80x128xi32, #tpu.memory_space<hbm>> -> memref<80x128xi32, #tpu.memory_space<hbm>>
      tpu.enqueue_dma source(%dma_start3A_15 : memref<80x128xi32, #tpu.memory_space<hbm>>) target(%arg6 : memref<80x128xi32, #tpu.memory_space<vmem>>) target_semaphore(%run_scoped3A : memref<!tpu.dma_semaphore, #tpu.memory_space<semaphore_mem>>)
      %dma_wait3A = arith.constant 0 : i32
      %dma_wait3A_16 = arith.constant 0 : i32
      %dma_wait3A_17 = tpu.memref_slice %arg2[%add3A, %dma_wait3A, %dma_wait3A_16] : memref<32x80x128xi32, #tpu.memory_space<hbm>> -> memref<1x80x128xi32, #tpu.memory_space<hbm>>
      %dma_wait3A_18 = tpu.memref_squeeze %dma_wait3A_17 : memref<1x80x128xi32, #tpu.memory_space<hbm>> -> memref<80x128xi32, #tpu.memory_space<hbm>>
      %dma_wait3A_19 = arith.constant 0 : i32
      %dma_wait3A_20 = arith.constant 0 : i32
      %dma_wait3A_21 = tpu.memref_slice %arg2[%add3A, %dma_wait3A_19, %dma_wait3A_20] : memref<32x80x128xi32, #tpu.memory_space<hbm>> -> memref<1x80x128xi32, #tpu.memory_space<hbm>>
      %dma_wait3A_22 = tpu.memref_squeeze %dma_wait3A_21 : memref<1x80x128xi32, #tpu.memory_space<hbm>> -> memref<80x128xi32, #tpu.memory_space<hbm>>
      tpu.wait_dma2 semaphore(%run_scoped3A : memref<!tpu.dma_semaphore, #tpu.memory_space<semaphore_mem>>) src(%dma_wait3A_22 : memref<80x128xi32, #tpu.memory_space<hbm>>) dst(%arg6 : memref<80x128xi32, #tpu.memory_space<vmem>>)
      tpu.yield
    }) : () -> ()
    "tpu.region"() ({
      %run_scoped3A = tpu.sem_alloc : memref<!tpu.dma_semaphore, #tpu.memory_space<semaphore_mem>>
      tpu.enqueue_dma source(%arg3 : memref<128x16xf32, #tpu.memory_space<hbm>>) target(%arg7 : memref<128x16xf32, #tpu.memory_space<vmem>>) target_semaphore(%run_scoped3A : memref<!tpu.dma_semaphore, #tpu.memory_space<semaphore_mem>>)
      tpu.wait_dma2 semaphore(%run_scoped3A : memref<!tpu.dma_semaphore, #tpu.memory_space<semaphore_mem>>) src(%arg3 : memref<128x16xf32, #tpu.memory_space<hbm>>) dst(%arg7 : memref<128x16xf32, #tpu.memory_space<vmem>>)
      tpu.yield
    }) : () -> ()
    %barrier3A = arith.constant 0 : index
    tpu.barrier barrier_id(%barrier3A)
    %scan3A = arith.constant 0 : i32
    %scan3A_3 = arith.constant 0 : i32
    %scan3A_4 = arith.constant 80 : i32
    %scan3A_5 = arith.addi %scan3A_3, %scan3A_4 : i32
    %scan3A_6 = arith.constant 1 : i32
    scf.for %scan3A_9 = %scan3A_3 to %scan3A_5 step %scan3A_6  : i32 {
      "tpu.region"() ({
        %run_scoped3A = tpu.sem_alloc : memref<!tpu.dma_semaphore, #tpu.memory_space<semaphore_mem>>
        %dma_start3A = arith.constant 0 : i32
        %dma_start3A_10 = tpu.memref_slice %arg6[%scan3A_9, %dma_start3A] : memref<80x128xi32, #tpu.memory_space<vmem>> -> memref<1x128xi32, #tpu.memory_space<vmem>>
        %dma_start3A_11 = tpu.memref_squeeze %dma_start3A_10 : memref<1x128xi32, #tpu.memory_space<vmem>> -> memref<128xi32, #tpu.memory_space<vmem>>
        %dma_start3A_12 = arith.constant 0 : i32
        %dma_start3A_13 = arith.constant 0 : i32
        %dma_start3A_14 = tpu.memref_slice %arg8[%dma_start3A_12, %dma_start3A_13] : memref<10112x16xf32, #tpu.memory_space<vmem_shared>> -> memref<10112x16xf32, #tpu.memory_space<vmem_shared>>
        tpu.enqueue_indirect_dma source(%arg7 : memref<128x16xf32, #tpu.memory_space<vmem>>) target(%dma_start3A_14 : memref<10112x16xf32, #tpu.memory_space<vmem_shared>>) offsets(%dma_start3A_11 : memref<128xi32, #tpu.memory_space<vmem>>) semaphore(%run_scoped3A : memref<!tpu.dma_semaphore, #tpu.memory_space<semaphore_mem>>) {add = true}
        %dma_wait3A = arith.constant 0 : i32
        %dma_wait3A_15 = tpu.memref_slice %arg6[%scan3A_9, %dma_wait3A] : memref<80x128xi32, #tpu.memory_space<vmem>> -> memref<1x128xi32, #tpu.memory_space<vmem>>
        %dma_wait3A_16 = tpu.memref_squeeze %dma_wait3A_15 : memref<1x128xi32, #tpu.memory_space<vmem>> -> memref<128xi32, #tpu.memory_space<vmem>>
        %dma_wait3A_17 = arith.constant 0 : i32
        %dma_wait3A_18 = arith.constant 0 : i32
        %dma_wait3A_19 = tpu.memref_slice %arg8[%dma_wait3A_17, %dma_wait3A_18] : memref<10112x16xf32, #tpu.memory_space<vmem_shared>> -> memref<10112x16xf32, #tpu.memory_space<vmem_shared>>
        tpu.wait_indirect_dma semaphore(%run_scoped3A : memref<!tpu.dma_semaphore, #tpu.memory_space<semaphore_mem>>) src(%arg7 : memref<128x16xf32, #tpu.memory_space<vmem>>) dst(%dma_wait3A_19 : memref<10112x16xf32, #tpu.memory_space<vmem_shared>>)
        tpu.yield
      }) : () -> ()
    }
    %scan3A_7 = arith.constant 80 : i32
    %barrier3A_8 = arith.constant 0 : index
    tpu.barrier barrier_id(%barrier3A_8)
    "tpu.region"() ({
      %run_scoped3A = tpu.sem_alloc : memref<!tpu.dma_semaphore, #tpu.memory_space<semaphore_mem>>
      %dma_start3A = arith.constant 0 : i32
      %dma_start3A_9 = tpu.memref_slice %arg5[%arg0, %mul3A_2, %dma_start3A] : memref<2x10112x16xf32, #tpu.memory_space<hbm>> -> memref<1x632x16xf32, #tpu.memory_space<hbm>>
      %dma_start3A_10 = tpu.memref_squeeze %dma_start3A_9 : memref<1x632x16xf32, #tpu.memory_space<hbm>> -> memref<632x16xf32, #tpu.memory_space<hbm>>
      %dma_start3A_11 = arith.constant 0 : i32
      %dma_start3A_12 = tpu.memref_slice %arg8[%mul3A_2, %dma_start3A_11] : memref<10112x16xf32, #tpu.memory_space<vmem_shared>> -> memref<632x16xf32, #tpu.memory_space<vmem_shared>>
      tpu.enqueue_dma source(%dma_start3A_12 : memref<632x16xf32, #tpu.memory_space<vmem_shared>>) target(%dma_start3A_10 : memref<632x16xf32, #tpu.memory_space<hbm>>) target_semaphore(%run_scoped3A : memref<!tpu.dma_semaphore, #tpu.memory_space<semaphore_mem>>)
      %dma_wait3A = arith.constant 0 : i32
      %dma_wait3A_13 = tpu.memref_slice %arg5[%arg0, %mul3A_2, %dma_wait3A] : memref<2x10112x16xf32, #tpu.memory_space<hbm>> -> memref<1x632x16xf32, #tpu.memory_space<hbm>>
      %dma_wait3A_14 = tpu.memref_squeeze %dma_wait3A_13 : memref<1x632x16xf32, #tpu.memory_space<hbm>> -> memref<632x16xf32, #tpu.memory_space<hbm>>
      %dma_wait3A_15 = arith.constant 0 : i32
      %dma_wait3A_16 = tpu.memref_slice %arg8[%mul3A_2, %dma_wait3A_15] : memref<10112x16xf32, #tpu.memory_space<vmem_shared>> -> memref<632x16xf32, #tpu.memory_space<vmem_shared>>
      tpu.wait_dma2 semaphore(%run_scoped3A : memref<!tpu.dma_semaphore, #tpu.memory_space<semaphore_mem>>) src(%dma_wait3A_16 : memref<632x16xf32, #tpu.memory_space<vmem_shared>>) dst(%dma_wait3A_14 : memref<632x16xf32, #tpu.memory_space<hbm>>)
      tpu.yield
    }) : () -> ()
    return
  }
}

#map = affine_map<(d0, d1) -> (0, 0)>
#map1 = affine_map<(d0, d1) -> (0, 0, 0)>
module attributes {stable_mosaic.version = 14 : i64} {
  func.func @k(%arg0: i32, %arg1: i32, %arg2: memref<10000x128xf32, #tpu.memory_space<hbm>>, %arg3: memref<32x80x128xi32, #tpu.memory_space<hbm>>, %arg4: memref<32x80x128xi32, #tpu.memory_space<hbm>>, %arg5: memref<10112x128xf32, #tpu.memory_space<hbm>>, %arg6: memref<2x10112x128xf32, #tpu.memory_space<hbm>>, %arg7: memref<40x128xi32, #tpu.memory_space<vmem>>, %arg8: memref<40x128xi32, #tpu.memory_space<vmem>>, %arg9: memref<2x128x128xf32, #tpu.memory_space<vmem>>, %arg10: memref<10112x128xf32, #tpu.memory_space<vmem_shared>>, %arg11: memref<!tpu.dma_semaphore, #tpu.memory_space<semaphore_mem>>, %arg12: memref<!tpu.dma_semaphore, #tpu.memory_space<semaphore_mem>>) attributes {dimension_semantics = [#tpu.dimension_semantics<core_parallel>, #tpu.dimension_semantics<subcore_parallel>], iteration_bounds = array<i64: 2, 16>, scalar_prefetch = 0 : i64, scratch_operands = 6 : i64, tpu.core_type = #tpu.core_type<sc_vector_subcore>, window_params = [{transform_indices = #map}, {transform_indices = #map1}, {transform_indices = #map1}, {transform_indices = #map}, {transform_indices = #map1}]} {
    %mul3A = arith.constant 2 : i32
    %mul3A_0 = arith.muli %arg1, %mul3A : i32
    %add3A = arith.addi %mul3A_0, %arg0 : i32
    %mul3A_1 = arith.constant 632 : i32
    %mul3A_2 = arith.muli %arg1, %mul3A_1 : i32
    "tpu.region"() ({
      %run_scoped3A = tpu.sem_alloc : memref<!tpu.dma_semaphore, #tpu.memory_space<semaphore_mem>>
      %dma_start3A_62 = arith.constant 0 : i32
      %dma_start3A_63 = tpu.memref_slice %arg10[%mul3A_2, %dma_start3A_62] : memref<10112x128xf32, #tpu.memory_space<vmem_shared>> -> memref<632x128xf32, #tpu.memory_space<vmem_shared>>
      %dma_start3A_64 = arith.constant 0 : i32
      %dma_start3A_65 = tpu.memref_slice %arg5[%mul3A_2, %dma_start3A_64] : memref<10112x128xf32, #tpu.memory_space<hbm>> -> memref<632x128xf32, #tpu.memory_space<hbm>>
      tpu.enqueue_dma source(%dma_start3A_65 : memref<632x128xf32, #tpu.memory_space<hbm>>) target(%dma_start3A_63 : memref<632x128xf32, #tpu.memory_space<vmem_shared>>) target_semaphore(%run_scoped3A : memref<!tpu.dma_semaphore, #tpu.memory_space<semaphore_mem>>)
      %dma_wait3A = arith.constant 0 : i32
      %dma_wait3A_66 = tpu.memref_slice %arg10[%mul3A_2, %dma_wait3A] : memref<10112x128xf32, #tpu.memory_space<vmem_shared>> -> memref<632x128xf32, #tpu.memory_space<vmem_shared>>
      %dma_wait3A_67 = arith.constant 0 : i32
      %dma_wait3A_68 = tpu.memref_slice %arg5[%mul3A_2, %dma_wait3A_67] : memref<10112x128xf32, #tpu.memory_space<hbm>> -> memref<632x128xf32, #tpu.memory_space<hbm>>
      tpu.wait_dma2 semaphore(%run_scoped3A : memref<!tpu.dma_semaphore, #tpu.memory_space<semaphore_mem>>) src(%dma_wait3A_68 : memref<632x128xf32, #tpu.memory_space<hbm>>) dst(%dma_wait3A_66 : memref<632x128xf32, #tpu.memory_space<vmem_shared>>)
      tpu.yield
    }) : () -> ()
    %barrier3A = arith.constant 0 : index
    tpu.barrier barrier_id(%barrier3A)
    "tpu.region"() ({
      %run_scoped3A = tpu.sem_alloc : memref<!tpu.dma_semaphore, #tpu.memory_space<semaphore_mem>>
      %dma_start3A_62 = arith.constant 0 : i32
      %dma_start3A_63 = arith.constant 0 : i32
      %dma_start3A_64 = tpu.memref_slice %arg3[%add3A, %dma_start3A_62, %dma_start3A_63] : memref<32x80x128xi32, #tpu.memory_space<hbm>> -> memref<1x40x128xi32, #tpu.memory_space<hbm>>
      %dma_start3A_65 = tpu.memref_squeeze %dma_start3A_64 : memref<1x40x128xi32, #tpu.memory_space<hbm>> -> memref<40x128xi32, #tpu.memory_space<hbm>>
      %dma_start3A_66 = arith.constant 0 : i32
      %dma_start3A_67 = arith.constant 0 : i32
      %dma_start3A_68 = tpu.memref_slice %arg3[%add3A, %dma_start3A_66, %dma_start3A_67] : memref<32x80x128xi32, #tpu.memory_space<hbm>> -> memref<1x40x128xi32, #tpu.memory_space<hbm>>
      %dma_start3A_69 = tpu.memref_squeeze %dma_start3A_68 : memref<1x40x128xi32, #tpu.memory_space<hbm>> -> memref<40x128xi32, #tpu.memory_space<hbm>>
      tpu.enqueue_dma source(%dma_start3A_69 : memref<40x128xi32, #tpu.memory_space<hbm>>) target(%arg7 : memref<40x128xi32, #tpu.memory_space<vmem>>) target_semaphore(%run_scoped3A : memref<!tpu.dma_semaphore, #tpu.memory_space<semaphore_mem>>)
      %dma_wait3A = arith.constant 0 : i32
      %dma_wait3A_70 = arith.constant 0 : i32
      %dma_wait3A_71 = tpu.memref_slice %arg3[%add3A, %dma_wait3A, %dma_wait3A_70] : memref<32x80x128xi32, #tpu.memory_space<hbm>> -> memref<1x40x128xi32, #tpu.memory_space<hbm>>
      %dma_wait3A_72 = tpu.memref_squeeze %dma_wait3A_71 : memref<1x40x128xi32, #tpu.memory_space<hbm>> -> memref<40x128xi32, #tpu.memory_space<hbm>>
      %dma_wait3A_73 = arith.constant 0 : i32
      %dma_wait3A_74 = arith.constant 0 : i32
      %dma_wait3A_75 = tpu.memref_slice %arg3[%add3A, %dma_wait3A_73, %dma_wait3A_74] : memref<32x80x128xi32, #tpu.memory_space<hbm>> -> memref<1x40x128xi32, #tpu.memory_space<hbm>>
      %dma_wait3A_76 = tpu.memref_squeeze %dma_wait3A_75 : memref<1x40x128xi32, #tpu.memory_space<hbm>> -> memref<40x128xi32, #tpu.memory_space<hbm>>
      tpu.wait_dma2 semaphore(%run_scoped3A : memref<!tpu.dma_semaphore, #tpu.memory_space<semaphore_mem>>) src(%dma_wait3A_76 : memref<40x128xi32, #tpu.memory_space<hbm>>) dst(%arg7 : memref<40x128xi32, #tpu.memory_space<vmem>>)
      tpu.yield
    }) : () -> ()
    "tpu.region"() ({
      %run_scoped3A = tpu.sem_alloc : memref<!tpu.dma_semaphore, #tpu.memory_space<semaphore_mem>>
      %dma_start3A_62 = arith.constant 0 : i32
      %dma_start3A_63 = arith.constant 0 : i32
      %dma_start3A_64 = tpu.memref_slice %arg4[%add3A, %dma_start3A_62, %dma_start3A_63] : memref<32x80x128xi32, #tpu.memory_space<hbm>> -> memref<1x40x128xi32, #tpu.memory_space<hbm>>
      %dma_start3A_65 = tpu.memref_squeeze %dma_start3A_64 : memref<1x40x128xi32, #tpu.memory_space<hbm>> -> memref<40x128xi32, #tpu.memory_space<hbm>>
      %dma_start3A_66 = arith.constant 0 : i32
      %dma_start3A_67 = arith.constant 0 : i32
      %dma_start3A_68 = tpu.memref_slice %arg4[%add3A, %dma_start3A_66, %dma_start3A_67] : memref<32x80x128xi32, #tpu.memory_space<hbm>> -> memref<1x40x128xi32, #tpu.memory_space<hbm>>
      %dma_start3A_69 = tpu.memref_squeeze %dma_start3A_68 : memref<1x40x128xi32, #tpu.memory_space<hbm>> -> memref<40x128xi32, #tpu.memory_space<hbm>>
      tpu.enqueue_dma source(%dma_start3A_69 : memref<40x128xi32, #tpu.memory_space<hbm>>) target(%arg8 : memref<40x128xi32, #tpu.memory_space<vmem>>) target_semaphore(%run_scoped3A : memref<!tpu.dma_semaphore, #tpu.memory_space<semaphore_mem>>)
      %dma_wait3A = arith.constant 0 : i32
      %dma_wait3A_70 = arith.constant 0 : i32
      %dma_wait3A_71 = tpu.memref_slice %arg4[%add3A, %dma_wait3A, %dma_wait3A_70] : memref<32x80x128xi32, #tpu.memory_space<hbm>> -> memref<1x40x128xi32, #tpu.memory_space<hbm>>
      %dma_wait3A_72 = tpu.memref_squeeze %dma_wait3A_71 : memref<1x40x128xi32, #tpu.memory_space<hbm>> -> memref<40x128xi32, #tpu.memory_space<hbm>>
      %dma_wait3A_73 = arith.constant 0 : i32
      %dma_wait3A_74 = arith.constant 0 : i32
      %dma_wait3A_75 = tpu.memref_slice %arg4[%add3A, %dma_wait3A_73, %dma_wait3A_74] : memref<32x80x128xi32, #tpu.memory_space<hbm>> -> memref<1x40x128xi32, #tpu.memory_space<hbm>>
      %dma_wait3A_76 = tpu.memref_squeeze %dma_wait3A_75 : memref<1x40x128xi32, #tpu.memory_space<hbm>> -> memref<40x128xi32, #tpu.memory_space<hbm>>
      tpu.wait_dma2 semaphore(%run_scoped3A : memref<!tpu.dma_semaphore, #tpu.memory_space<semaphore_mem>>) src(%dma_wait3A_76 : memref<40x128xi32, #tpu.memory_space<hbm>>) dst(%arg8 : memref<40x128xi32, #tpu.memory_space<vmem>>)
      tpu.yield
    }) : () -> ()
    %dma_start3A = arith.constant 0 : i32
    %dma_start3A_3 = arith.constant 0 : i32
    %dma_start3A_4 = arith.constant 0 : i32
    %dma_start3A_5 = arith.constant 0 : i32
    %dma_start3A_6 = tpu.memref_slice %arg9[%dma_start3A_3, %dma_start3A_4, %dma_start3A_5] : memref<2x128x128xf32, #tpu.memory_space<vmem>> -> memref<1x128x128xf32, #tpu.memory_space<vmem>>
    %dma_start3A_7 = tpu.memref_squeeze %dma_start3A_6 : memref<1x128x128xf32, #tpu.memory_space<vmem>> -> memref<128x128xf32, #tpu.memory_space<vmem>>
    %dma_start3A_8 = arith.constant 0 : i32
    %dma_start3A_9 = tpu.memref_slice %arg7[%dma_start3A, %dma_start3A_8] : memref<40x128xi32, #tpu.memory_space<vmem>> -> memref<1x128xi32, #tpu.memory_space<vmem>>
    %dma_start3A_10 = tpu.memref_squeeze %dma_start3A_9 : memref<1x128xi32, #tpu.memory_space<vmem>> -> memref<128xi32, #tpu.memory_space<vmem>>
    %dma_start3A_11 = arith.constant 0 : i32
    %dma_start3A_12 = arith.constant 0 : i32
    %dma_start3A_13 = tpu.memref_slice %arg2[%dma_start3A_11, %dma_start3A_12] : memref<10000x128xf32, #tpu.memory_space<hbm>> -> memref<10000x128xf32, #tpu.memory_space<hbm>>
    tpu.enqueue_indirect_dma source(%dma_start3A_13 : memref<10000x128xf32, #tpu.memory_space<hbm>>) target(%dma_start3A_7 : memref<128x128xf32, #tpu.memory_space<vmem>>) offsets(%dma_start3A_10 : memref<128xi32, #tpu.memory_space<vmem>>) semaphore(%arg11 : memref<!tpu.dma_semaphore, #tpu.memory_space<semaphore_mem>>)
    %dma_start3A_14 = arith.constant 1 : i32
    %dma_start3A_15 = arith.constant 1 : i32
    %dma_start3A_16 = arith.constant 0 : i32
    %dma_start3A_17 = arith.constant 0 : i32
    %dma_start3A_18 = tpu.memref_slice %arg9[%dma_start3A_15, %dma_start3A_16, %dma_start3A_17] : memref<2x128x128xf32, #tpu.memory_space<vmem>> -> memref<1x128x128xf32, #tpu.memory_space<vmem>>
    %dma_start3A_19 = tpu.memref_squeeze %dma_start3A_18 : memref<1x128x128xf32, #tpu.memory_space<vmem>> -> memref<128x128xf32, #tpu.memory_space<vmem>>
    %dma_start3A_20 = arith.constant 0 : i32
    %dma_start3A_21 = tpu.memref_slice %arg7[%dma_start3A_14, %dma_start3A_20] : memref<40x128xi32, #tpu.memory_space<vmem>> -> memref<1x128xi32, #tpu.memory_space<vmem>>
    %dma_start3A_22 = tpu.memref_squeeze %dma_start3A_21 : memref<1x128xi32, #tpu.memory_space<vmem>> -> memref<128xi32, #tpu.memory_space<vmem>>
    %dma_start3A_23 = arith.constant 0 : i32
    %dma_start3A_24 = arith.constant 0 : i32
    %dma_start3A_25 = tpu.memref_slice %arg2[%dma_start3A_23, %dma_start3A_24] : memref<10000x128xf32, #tpu.memory_space<hbm>> -> memref<10000x128xf32, #tpu.memory_space<hbm>>
    tpu.enqueue_indirect_dma source(%dma_start3A_25 : memref<10000x128xf32, #tpu.memory_space<hbm>>) target(%dma_start3A_19 : memref<128x128xf32, #tpu.memory_space<vmem>>) offsets(%dma_start3A_22 : memref<128xi32, #tpu.memory_space<vmem>>) semaphore(%arg12 : memref<!tpu.dma_semaphore, #tpu.memory_space<semaphore_mem>>)
    %scan3A = arith.constant 0 : i32
    %scan3A_26 = arith.constant 0 : i32
    %scan3A_27 = arith.constant 20 : i32
    %scan3A_28 = arith.addi %scan3A_26, %scan3A_27 : i32
    %scan3A_29 = arith.constant 1 : i32
    scf.for %scan3A_62 = %scan3A_26 to %scan3A_28 step %scan3A_29  : i32 {
      %mul3A_63 = arith.constant 2 : i32
      %mul3A_64 = arith.muli %scan3A_62, %mul3A_63 : i32
      %add3A_65 = arith.constant 0 : i32
      %add3A_66 = arith.addi %mul3A_64, %add3A_65 : i32
      %dma_wait3A = arith.constant 0 : i32
      %dma_wait3A_67 = arith.constant 0 : i32
      %dma_wait3A_68 = arith.constant 0 : i32
      %dma_wait3A_69 = tpu.memref_slice %arg9[%dma_wait3A, %dma_wait3A_67, %dma_wait3A_68] : memref<2x128x128xf32, #tpu.memory_space<vmem>> -> memref<1x128x128xf32, #tpu.memory_space<vmem>>
      %dma_wait3A_70 = tpu.memref_squeeze %dma_wait3A_69 : memref<1x128x128xf32, #tpu.memory_space<vmem>> -> memref<128x128xf32, #tpu.memory_space<vmem>>
      %dma_wait3A_71 = arith.constant 0 : i32
      %dma_wait3A_72 = tpu.memref_slice %arg7[%add3A_66, %dma_wait3A_71] : memref<40x128xi32, #tpu.memory_space<vmem>> -> memref<1x128xi32, #tpu.memory_space<vmem>>
      %dma_wait3A_73 = tpu.memref_squeeze %dma_wait3A_72 : memref<1x128xi32, #tpu.memory_space<vmem>> -> memref<128xi32, #tpu.memory_space<vmem>>
      %dma_wait3A_74 = arith.constant 0 : i32
      %dma_wait3A_75 = arith.constant 0 : i32
      %dma_wait3A_76 = tpu.memref_slice %arg2[%dma_wait3A_74, %dma_wait3A_75] : memref<10000x128xf32, #tpu.memory_space<hbm>> -> memref<10000x128xf32, #tpu.memory_space<hbm>>
      tpu.wait_indirect_dma semaphore(%arg11 : memref<!tpu.dma_semaphore, #tpu.memory_space<semaphore_mem>>) src(%dma_wait3A_76 : memref<10000x128xf32, #tpu.memory_space<hbm>>) dst(%dma_wait3A_70 : memref<128x128xf32, #tpu.memory_space<vmem>>)
      %run_scoped3A = arith.constant 0 : i32
      "tpu.region"() ({
        %run_scoped3A_102 = tpu.sem_alloc : memref<!tpu.dma_semaphore, #tpu.memory_space<semaphore_mem>>
        %dma_start3A_103 = arith.constant 0 : i32
        %dma_start3A_104 = arith.constant 0 : i32
        %dma_start3A_105 = tpu.memref_slice %arg9[%run_scoped3A, %dma_start3A_103, %dma_start3A_104] : memref<2x128x128xf32, #tpu.memory_space<vmem>> -> memref<1x128x128xf32, #tpu.memory_space<vmem>>
        %dma_start3A_106 = tpu.memref_squeeze %dma_start3A_105 : memref<1x128x128xf32, #tpu.memory_space<vmem>> -> memref<128x128xf32, #tpu.memory_space<vmem>>
        %dma_start3A_107 = arith.constant 0 : i32
        %dma_start3A_108 = tpu.memref_slice %arg8[%add3A_66, %dma_start3A_107] : memref<40x128xi32, #tpu.memory_space<vmem>> -> memref<1x128xi32, #tpu.memory_space<vmem>>
        %dma_start3A_109 = tpu.memref_squeeze %dma_start3A_108 : memref<1x128xi32, #tpu.memory_space<vmem>> -> memref<128xi32, #tpu.memory_space<vmem>>
        %dma_start3A_110 = arith.constant 0 : i32
        %dma_start3A_111 = arith.constant 0 : i32
        %dma_start3A_112 = tpu.memref_slice %arg10[%dma_start3A_110, %dma_start3A_111] : memref<10112x128xf32, #tpu.memory_space<vmem_shared>> -> memref<10112x128xf32, #tpu.memory_space<vmem_shared>>
        tpu.enqueue_indirect_dma source(%dma_start3A_106 : memref<128x128xf32, #tpu.memory_space<vmem>>) target(%dma_start3A_112 : memref<10112x128xf32, #tpu.memory_space<vmem_shared>>) offsets(%dma_start3A_109 : memref<128xi32, #tpu.memory_space<vmem>>) semaphore(%run_scoped3A_102 : memref<!tpu.dma_semaphore, #tpu.memory_space<semaphore_mem>>) {add = true}
        %dma_wait3A_113 = arith.constant 0 : i32
        %dma_wait3A_114 = arith.constant 0 : i32
        %dma_wait3A_115 = tpu.memref_slice %arg9[%run_scoped3A, %dma_wait3A_113, %dma_wait3A_114] : memref<2x128x128xf32, #tpu.memory_space<vmem>> -> memref<1x128x128xf32, #tpu.memory_space<vmem>>
        %dma_wait3A_116 = tpu.memref_squeeze %dma_wait3A_115 : memref<1x128x128xf32, #tpu.memory_space<vmem>> -> memref<128x128xf32, #tpu.memory_space<vmem>>
        %dma_wait3A_117 = arith.constant 0 : i32
        %dma_wait3A_118 = tpu.memref_slice %arg8[%add3A_66, %dma_wait3A_117] : memref<40x128xi32, #tpu.memory_space<vmem>> -> memref<1x128xi32, #tpu.memory_space<vmem>>
        %dma_wait3A_119 = tpu.memref_squeeze %dma_wait3A_118 : memref<1x128xi32, #tpu.memory_space<vmem>> -> memref<128xi32, #tpu.memory_space<vmem>>
        %dma_wait3A_120 = arith.constant 0 : i32
        %dma_wait3A_121 = arith.constant 0 : i32
        %dma_wait3A_122 = tpu.memref_slice %arg10[%dma_wait3A_120, %dma_wait3A_121] : memref<10112x128xf32, #tpu.memory_space<vmem_shared>> -> memref<10112x128xf32, #tpu.memory_space<vmem_shared>>
        tpu.wait_indirect_dma semaphore(%run_scoped3A_102 : memref<!tpu.dma_semaphore, #tpu.memory_space<semaphore_mem>>) src(%dma_wait3A_116 : memref<128x128xf32, #tpu.memory_space<vmem>>) dst(%dma_wait3A_122 : memref<10112x128xf32, #tpu.memory_space<vmem_shared>>)
        tpu.yield
      }) : () -> ()
      %add3A_77 = arith.constant 2 : i32
      %add3A_78 = arith.addi %add3A_66, %add3A_77 : i32
      %lt3A = arith.constant 40 : i32
      %lt3A_79 = arith.cmpi slt, %add3A_78, %lt3A : i32
      %convert_element_type3A = arith.extui %lt3A_79 : i1 to i32
      %cond3A = arith.constant 0 : i32
      %cond3A_80 = arith.cmpi ne, %convert_element_type3A, %cond3A : i32
      scf.if %cond3A_80 {
        %add3A_102 = arith.constant 2 : i32
        %add3A_103 = arith.addi %add3A_66, %add3A_102 : i32
        %dma_start3A_104 = arith.constant 0 : i32
        %dma_start3A_105 = arith.constant 0 : i32
        %dma_start3A_106 = arith.constant 0 : i32
        %dma_start3A_107 = tpu.memref_slice %arg9[%dma_start3A_104, %dma_start3A_105, %dma_start3A_106] : memref<2x128x128xf32, #tpu.memory_space<vmem>> -> memref<1x128x128xf32, #tpu.memory_space<vmem>>
        %dma_start3A_108 = tpu.memref_squeeze %dma_start3A_107 : memref<1x128x128xf32, #tpu.memory_space<vmem>> -> memref<128x128xf32, #tpu.memory_space<vmem>>
        %dma_start3A_109 = arith.constant 0 : i32
        %dma_start3A_110 = tpu.memref_slice %arg7[%add3A_103, %dma_start3A_109] : memref<40x128xi32, #tpu.memory_space<vmem>> -> memref<1x128xi32, #tpu.memory_space<vmem>>
        %dma_start3A_111 = tpu.memref_squeeze %dma_start3A_110 : memref<1x128xi32, #tpu.memory_space<vmem>> -> memref<128xi32, #tpu.memory_space<vmem>>
        %dma_start3A_112 = arith.constant 0 : i32
        %dma_start3A_113 = arith.constant 0 : i32
        %dma_start3A_114 = tpu.memref_slice %arg2[%dma_start3A_112, %dma_start3A_113] : memref<10000x128xf32, #tpu.memory_space<hbm>> -> memref<10000x128xf32, #tpu.memory_space<hbm>>
        tpu.enqueue_indirect_dma source(%dma_start3A_114 : memref<10000x128xf32, #tpu.memory_space<hbm>>) target(%dma_start3A_108 : memref<128x128xf32, #tpu.memory_space<vmem>>) offsets(%dma_start3A_111 : memref<128xi32, #tpu.memory_space<vmem>>) semaphore(%arg11 : memref<!tpu.dma_semaphore, #tpu.memory_space<semaphore_mem>>)
      } else {
      }
      %add3A_81 = arith.constant 1 : i32
      %add3A_82 = arith.addi %mul3A_64, %add3A_81 : i32
      %dma_wait3A_83 = arith.constant 1 : i32
      %dma_wait3A_84 = arith.constant 0 : i32
      %dma_wait3A_85 = arith.constant 0 : i32
      %dma_wait3A_86 = tpu.memref_slice %arg9[%dma_wait3A_83, %dma_wait3A_84, %dma_wait3A_85] : memref<2x128x128xf32, #tpu.memory_space<vmem>> -> memref<1x128x128xf32, #tpu.memory_space<vmem>>
      %dma_wait3A_87 = tpu.memref_squeeze %dma_wait3A_86 : memref<1x128x128xf32, #tpu.memory_space<vmem>> -> memref<128x128xf32, #tpu.memory_space<vmem>>
      %dma_wait3A_88 = arith.constant 0 : i32
      %dma_wait3A_89 = tpu.memref_slice %arg7[%add3A_82, %dma_wait3A_88] : memref<40x128xi32, #tpu.memory_space<vmem>> -> memref<1x128xi32, #tpu.memory_space<vmem>>
      %dma_wait3A_90 = tpu.memref_squeeze %dma_wait3A_89 : memref<1x128xi32, #tpu.memory_space<vmem>> -> memref<128xi32, #tpu.memory_space<vmem>>
      %dma_wait3A_91 = arith.constant 0 : i32
      %dma_wait3A_92 = arith.constant 0 : i32
      %dma_wait3A_93 = tpu.memref_slice %arg2[%dma_wait3A_91, %dma_wait3A_92] : memref<10000x128xf32, #tpu.memory_space<hbm>> -> memref<10000x128xf32, #tpu.memory_space<hbm>>
      tpu.wait_indirect_dma semaphore(%arg12 : memref<!tpu.dma_semaphore, #tpu.memory_space<semaphore_mem>>) src(%dma_wait3A_93 : memref<10000x128xf32, #tpu.memory_space<hbm>>) dst(%dma_wait3A_87 : memref<128x128xf32, #tpu.memory_space<vmem>>)
      %run_scoped3A_94 = arith.constant 1 : i32
      "tpu.region"() ({
        %run_scoped3A_102 = tpu.sem_alloc : memref<!tpu.dma_semaphore, #tpu.memory_space<semaphore_mem>>
        %dma_start3A_103 = arith.constant 0 : i32
        %dma_start3A_104 = arith.constant 0 : i32
        %dma_start3A_105 = tpu.memref_slice %arg9[%run_scoped3A_94, %dma_start3A_103, %dma_start3A_104] : memref<2x128x128xf32, #tpu.memory_space<vmem>> -> memref<1x128x128xf32, #tpu.memory_space<vmem>>
        %dma_start3A_106 = tpu.memref_squeeze %dma_start3A_105 : memref<1x128x128xf32, #tpu.memory_space<vmem>> -> memref<128x128xf32, #tpu.memory_space<vmem>>
        %dma_start3A_107 = arith.constant 0 : i32
        %dma_start3A_108 = tpu.memref_slice %arg8[%add3A_82, %dma_start3A_107] : memref<40x128xi32, #tpu.memory_space<vmem>> -> memref<1x128xi32, #tpu.memory_space<vmem>>
        %dma_start3A_109 = tpu.memref_squeeze %dma_start3A_108 : memref<1x128xi32, #tpu.memory_space<vmem>> -> memref<128xi32, #tpu.memory_space<vmem>>
        %dma_start3A_110 = arith.constant 0 : i32
        %dma_start3A_111 = arith.constant 0 : i32
        %dma_start3A_112 = tpu.memref_slice %arg10[%dma_start3A_110, %dma_start3A_111] : memref<10112x128xf32, #tpu.memory_space<vmem_shared>> -> memref<10112x128xf32, #tpu.memory_space<vmem_shared>>
        tpu.enqueue_indirect_dma source(%dma_start3A_106 : memref<128x128xf32, #tpu.memory_space<vmem>>) target(%dma_start3A_112 : memref<10112x128xf32, #tpu.memory_space<vmem_shared>>) offsets(%dma_start3A_109 : memref<128xi32, #tpu.memory_space<vmem>>) semaphore(%run_scoped3A_102 : memref<!tpu.dma_semaphore, #tpu.memory_space<semaphore_mem>>) {add = true}
        %dma_wait3A_113 = arith.constant 0 : i32
        %dma_wait3A_114 = arith.constant 0 : i32
        %dma_wait3A_115 = tpu.memref_slice %arg9[%run_scoped3A_94, %dma_wait3A_113, %dma_wait3A_114] : memref<2x128x128xf32, #tpu.memory_space<vmem>> -> memref<1x128x128xf32, #tpu.memory_space<vmem>>
        %dma_wait3A_116 = tpu.memref_squeeze %dma_wait3A_115 : memref<1x128x128xf32, #tpu.memory_space<vmem>> -> memref<128x128xf32, #tpu.memory_space<vmem>>
        %dma_wait3A_117 = arith.constant 0 : i32
        %dma_wait3A_118 = tpu.memref_slice %arg8[%add3A_82, %dma_wait3A_117] : memref<40x128xi32, #tpu.memory_space<vmem>> -> memref<1x128xi32, #tpu.memory_space<vmem>>
        %dma_wait3A_119 = tpu.memref_squeeze %dma_wait3A_118 : memref<1x128xi32, #tpu.memory_space<vmem>> -> memref<128xi32, #tpu.memory_space<vmem>>
        %dma_wait3A_120 = arith.constant 0 : i32
        %dma_wait3A_121 = arith.constant 0 : i32
        %dma_wait3A_122 = tpu.memref_slice %arg10[%dma_wait3A_120, %dma_wait3A_121] : memref<10112x128xf32, #tpu.memory_space<vmem_shared>> -> memref<10112x128xf32, #tpu.memory_space<vmem_shared>>
        tpu.wait_indirect_dma semaphore(%run_scoped3A_102 : memref<!tpu.dma_semaphore, #tpu.memory_space<semaphore_mem>>) src(%dma_wait3A_116 : memref<128x128xf32, #tpu.memory_space<vmem>>) dst(%dma_wait3A_122 : memref<10112x128xf32, #tpu.memory_space<vmem_shared>>)
        tpu.yield
      }) : () -> ()
      %add3A_95 = arith.constant 2 : i32
      %add3A_96 = arith.addi %add3A_82, %add3A_95 : i32
      %lt3A_97 = arith.constant 40 : i32
      %lt3A_98 = arith.cmpi slt, %add3A_96, %lt3A_97 : i32
      %convert_element_type3A_99 = arith.extui %lt3A_98 : i1 to i32
      %cond3A_100 = arith.constant 0 : i32
      %cond3A_101 = arith.cmpi ne, %convert_element_type3A_99, %cond3A_100 : i32
      scf.if %cond3A_101 {
        %add3A_102 = arith.constant 2 : i32
        %add3A_103 = arith.addi %add3A_82, %add3A_102 : i32
        %dma_start3A_104 = arith.constant 1 : i32
        %dma_start3A_105 = arith.constant 0 : i32
        %dma_start3A_106 = arith.constant 0 : i32
        %dma_start3A_107 = tpu.memref_slice %arg9[%dma_start3A_104, %dma_start3A_105, %dma_start3A_106] : memref<2x128x128xf32, #tpu.memory_space<vmem>> -> memref<1x128x128xf32, #tpu.memory_space<vmem>>
        %dma_start3A_108 = tpu.memref_squeeze %dma_start3A_107 : memref<1x128x128xf32, #tpu.memory_space<vmem>> -> memref<128x128xf32, #tpu.memory_space<vmem>>
        %dma_start3A_109 = arith.constant 0 : i32
        %dma_start3A_110 = tpu.memref_slice %arg7[%add3A_103, %dma_start3A_109] : memref<40x128xi32, #tpu.memory_space<vmem>> -> memref<1x128xi32, #tpu.memory_space<vmem>>
        %dma_start3A_111 = tpu.memref_squeeze %dma_start3A_110 : memref<1x128xi32, #tpu.memory_space<vmem>> -> memref<128xi32, #tpu.memory_space<vmem>>
        %dma_start3A_112 = arith.constant 0 : i32
        %dma_start3A_113 = arith.constant 0 : i32
        %dma_start3A_114 = tpu.memref_slice %arg2[%dma_start3A_112, %dma_start3A_113] : memref<10000x128xf32, #tpu.memory_space<hbm>> -> memref<10000x128xf32, #tpu.memory_space<hbm>>
        tpu.enqueue_indirect_dma source(%dma_start3A_114 : memref<10000x128xf32, #tpu.memory_space<hbm>>) target(%dma_start3A_108 : memref<128x128xf32, #tpu.memory_space<vmem>>) offsets(%dma_start3A_111 : memref<128xi32, #tpu.memory_space<vmem>>) semaphore(%arg12 : memref<!tpu.dma_semaphore, #tpu.memory_space<semaphore_mem>>)
      } else {
      }
    }
    %scan3A_30 = arith.constant 20 : i32
    "tpu.region"() ({
      %run_scoped3A = tpu.sem_alloc : memref<!tpu.dma_semaphore, #tpu.memory_space<semaphore_mem>>
      %dma_start3A_62 = arith.constant 40 : i32
      %dma_start3A_63 = arith.constant 0 : i32
      %dma_start3A_64 = tpu.memref_slice %arg3[%add3A, %dma_start3A_62, %dma_start3A_63] : memref<32x80x128xi32, #tpu.memory_space<hbm>> -> memref<1x40x128xi32, #tpu.memory_space<hbm>>
      %dma_start3A_65 = tpu.memref_squeeze %dma_start3A_64 : memref<1x40x128xi32, #tpu.memory_space<hbm>> -> memref<40x128xi32, #tpu.memory_space<hbm>>
      %dma_start3A_66 = arith.constant 40 : i32
      %dma_start3A_67 = arith.constant 0 : i32
      %dma_start3A_68 = tpu.memref_slice %arg3[%add3A, %dma_start3A_66, %dma_start3A_67] : memref<32x80x128xi32, #tpu.memory_space<hbm>> -> memref<1x40x128xi32, #tpu.memory_space<hbm>>
      %dma_start3A_69 = tpu.memref_squeeze %dma_start3A_68 : memref<1x40x128xi32, #tpu.memory_space<hbm>> -> memref<40x128xi32, #tpu.memory_space<hbm>>
      tpu.enqueue_dma source(%dma_start3A_69 : memref<40x128xi32, #tpu.memory_space<hbm>>) target(%arg7 : memref<40x128xi32, #tpu.memory_space<vmem>>) target_semaphore(%run_scoped3A : memref<!tpu.dma_semaphore, #tpu.memory_space<semaphore_mem>>)
      %dma_wait3A = arith.constant 40 : i32
      %dma_wait3A_70 = arith.constant 0 : i32
      %dma_wait3A_71 = tpu.memref_slice %arg3[%add3A, %dma_wait3A, %dma_wait3A_70] : memref<32x80x128xi32, #tpu.memory_space<hbm>> -> memref<1x40x128xi32, #tpu.memory_space<hbm>>
      %dma_wait3A_72 = tpu.memref_squeeze %dma_wait3A_71 : memref<1x40x128xi32, #tpu.memory_space<hbm>> -> memref<40x128xi32, #tpu.memory_space<hbm>>
      %dma_wait3A_73 = arith.constant 40 : i32
      %dma_wait3A_74 = arith.constant 0 : i32
      %dma_wait3A_75 = tpu.memref_slice %arg3[%add3A, %dma_wait3A_73, %dma_wait3A_74] : memref<32x80x128xi32, #tpu.memory_space<hbm>> -> memref<1x40x128xi32, #tpu.memory_space<hbm>>
      %dma_wait3A_76 = tpu.memref_squeeze %dma_wait3A_75 : memref<1x40x128xi32, #tpu.memory_space<hbm>> -> memref<40x128xi32, #tpu.memory_space<hbm>>
      tpu.wait_dma2 semaphore(%run_scoped3A : memref<!tpu.dma_semaphore, #tpu.memory_space<semaphore_mem>>) src(%dma_wait3A_76 : memref<40x128xi32, #tpu.memory_space<hbm>>) dst(%arg7 : memref<40x128xi32, #tpu.memory_space<vmem>>)
      tpu.yield
    }) : () -> ()
    "tpu.region"() ({
      %run_scoped3A = tpu.sem_alloc : memref<!tpu.dma_semaphore, #tpu.memory_space<semaphore_mem>>
      %dma_start3A_62 = arith.constant 40 : i32
      %dma_start3A_63 = arith.constant 0 : i32
      %dma_start3A_64 = tpu.memref_slice %arg4[%add3A, %dma_start3A_62, %dma_start3A_63] : memref<32x80x128xi32, #tpu.memory_space<hbm>> -> memref<1x40x128xi32, #tpu.memory_space<hbm>>
      %dma_start3A_65 = tpu.memref_squeeze %dma_start3A_64 : memref<1x40x128xi32, #tpu.memory_space<hbm>> -> memref<40x128xi32, #tpu.memory_space<hbm>>
      %dma_start3A_66 = arith.constant 40 : i32
      %dma_start3A_67 = arith.constant 0 : i32
      %dma_start3A_68 = tpu.memref_slice %arg4[%add3A, %dma_start3A_66, %dma_start3A_67] : memref<32x80x128xi32, #tpu.memory_space<hbm>> -> memref<1x40x128xi32, #tpu.memory_space<hbm>>
      %dma_start3A_69 = tpu.memref_squeeze %dma_start3A_68 : memref<1x40x128xi32, #tpu.memory_space<hbm>> -> memref<40x128xi32, #tpu.memory_space<hbm>>
      tpu.enqueue_dma source(%dma_start3A_69 : memref<40x128xi32, #tpu.memory_space<hbm>>) target(%arg8 : memref<40x128xi32, #tpu.memory_space<vmem>>) target_semaphore(%run_scoped3A : memref<!tpu.dma_semaphore, #tpu.memory_space<semaphore_mem>>)
      %dma_wait3A = arith.constant 40 : i32
      %dma_wait3A_70 = arith.constant 0 : i32
      %dma_wait3A_71 = tpu.memref_slice %arg4[%add3A, %dma_wait3A, %dma_wait3A_70] : memref<32x80x128xi32, #tpu.memory_space<hbm>> -> memref<1x40x128xi32, #tpu.memory_space<hbm>>
      %dma_wait3A_72 = tpu.memref_squeeze %dma_wait3A_71 : memref<1x40x128xi32, #tpu.memory_space<hbm>> -> memref<40x128xi32, #tpu.memory_space<hbm>>
      %dma_wait3A_73 = arith.constant 40 : i32
      %dma_wait3A_74 = arith.constant 0 : i32
      %dma_wait3A_75 = tpu.memref_slice %arg4[%add3A, %dma_wait3A_73, %dma_wait3A_74] : memref<32x80x128xi32, #tpu.memory_space<hbm>> -> memref<1x40x128xi32, #tpu.memory_space<hbm>>
      %dma_wait3A_76 = tpu.memref_squeeze %dma_wait3A_75 : memref<1x40x128xi32, #tpu.memory_space<hbm>> -> memref<40x128xi32, #tpu.memory_space<hbm>>
      tpu.wait_dma2 semaphore(%run_scoped3A : memref<!tpu.dma_semaphore, #tpu.memory_space<semaphore_mem>>) src(%dma_wait3A_76 : memref<40x128xi32, #tpu.memory_space<hbm>>) dst(%arg8 : memref<40x128xi32, #tpu.memory_space<vmem>>)
      tpu.yield
    }) : () -> ()
    %dma_start3A_31 = arith.constant 0 : i32
    %dma_start3A_32 = arith.constant 0 : i32
    %dma_start3A_33 = arith.constant 0 : i32
    %dma_start3A_34 = arith.constant 0 : i32
    %dma_start3A_35 = tpu.memref_slice %arg9[%dma_start3A_32, %dma_start3A_33, %dma_start3A_34] : memref<2x128x128xf32, #tpu.memory_space<vmem>> -> memref<1x128x128xf32, #tpu.memory_space<vmem>>
    %dma_start3A_36 = tpu.memref_squeeze %dma_start3A_35 : memref<1x128x128xf32, #tpu.memory_space<vmem>> -> memref<128x128xf32, #tpu.memory_space<vmem>>
    %dma_start3A_37 = arith.constant 0 : i32
    %dma_start3A_38 = tpu.memref_slice %arg7[%dma_start3A_31, %dma_start3A_37] : memref<40x128xi32, #tpu.memory_space<vmem>> -> memref<1x128xi32, #tpu.memory_space<vmem>>
    %dma_start3A_39 = tpu.memref_squeeze %dma_start3A_38 : memref<1x128xi32, #tpu.memory_space<vmem>> -> memref<128xi32, #tpu.memory_space<vmem>>
    %dma_start3A_40 = arith.constant 0 : i32
    %dma_start3A_41 = arith.constant 0 : i32
    %dma_start3A_42 = tpu.memref_slice %arg2[%dma_start3A_40, %dma_start3A_41] : memref<10000x128xf32, #tpu.memory_space<hbm>> -> memref<10000x128xf32, #tpu.memory_space<hbm>>
    tpu.enqueue_indirect_dma source(%dma_start3A_42 : memref<10000x128xf32, #tpu.memory_space<hbm>>) target(%dma_start3A_36 : memref<128x128xf32, #tpu.memory_space<vmem>>) offsets(%dma_start3A_39 : memref<128xi32, #tpu.memory_space<vmem>>) semaphore(%arg11 : memref<!tpu.dma_semaphore, #tpu.memory_space<semaphore_mem>>)
    %dma_start3A_43 = arith.constant 1 : i32
    %dma_start3A_44 = arith.constant 1 : i32
    %dma_start3A_45 = arith.constant 0 : i32
    %dma_start3A_46 = arith.constant 0 : i32
    %dma_start3A_47 = tpu.memref_slice %arg9[%dma_start3A_44, %dma_start3A_45, %dma_start3A_46] : memref<2x128x128xf32, #tpu.memory_space<vmem>> -> memref<1x128x128xf32, #tpu.memory_space<vmem>>
    %dma_start3A_48 = tpu.memref_squeeze %dma_start3A_47 : memref<1x128x128xf32, #tpu.memory_space<vmem>> -> memref<128x128xf32, #tpu.memory_space<vmem>>
    %dma_start3A_49 = arith.constant 0 : i32
    %dma_start3A_50 = tpu.memref_slice %arg7[%dma_start3A_43, %dma_start3A_49] : memref<40x128xi32, #tpu.memory_space<vmem>> -> memref<1x128xi32, #tpu.memory_space<vmem>>
    %dma_start3A_51 = tpu.memref_squeeze %dma_start3A_50 : memref<1x128xi32, #tpu.memory_space<vmem>> -> memref<128xi32, #tpu.memory_space<vmem>>
    %dma_start3A_52 = arith.constant 0 : i32
    %dma_start3A_53 = arith.constant 0 : i32
    %dma_start3A_54 = tpu.memref_slice %arg2[%dma_start3A_52, %dma_start3A_53] : memref<10000x128xf32, #tpu.memory_space<hbm>> -> memref<10000x128xf32, #tpu.memory_space<hbm>>
    tpu.enqueue_indirect_dma source(%dma_start3A_54 : memref<10000x128xf32, #tpu.memory_space<hbm>>) target(%dma_start3A_48 : memref<128x128xf32, #tpu.memory_space<vmem>>) offsets(%dma_start3A_51 : memref<128xi32, #tpu.memory_space<vmem>>) semaphore(%arg12 : memref<!tpu.dma_semaphore, #tpu.memory_space<semaphore_mem>>)
    %scan3A_55 = arith.constant 0 : i32
    %scan3A_56 = arith.constant 0 : i32
    %scan3A_57 = arith.constant 20 : i32
    %scan3A_58 = arith.addi %scan3A_56, %scan3A_57 : i32
    %scan3A_59 = arith.constant 1 : i32
    scf.for %scan3A_62 = %scan3A_56 to %scan3A_58 step %scan3A_59  : i32 {
      %mul3A_63 = arith.constant 2 : i32
      %mul3A_64 = arith.muli %scan3A_62, %mul3A_63 : i32
      %add3A_65 = arith.constant 0 : i32
      %add3A_66 = arith.addi %mul3A_64, %add3A_65 : i32
      %dma_wait3A = arith.constant 0 : i32
      %dma_wait3A_67 = arith.constant 0 : i32
      %dma_wait3A_68 = arith.constant 0 : i32
      %dma_wait3A_69 = tpu.memref_slice %arg9[%dma_wait3A, %dma_wait3A_67, %dma_wait3A_68] : memref<2x128x128xf32, #tpu.memory_space<vmem>> -> memref<1x128x128xf32, #tpu.memory_space<vmem>>
      %dma_wait3A_70 = tpu.memref_squeeze %dma_wait3A_69 : memref<1x128x128xf32, #tpu.memory_space<vmem>> -> memref<128x128xf32, #tpu.memory_space<vmem>>
      %dma_wait3A_71 = arith.constant 0 : i32
      %dma_wait3A_72 = tpu.memref_slice %arg7[%add3A_66, %dma_wait3A_71] : memref<40x128xi32, #tpu.memory_space<vmem>> -> memref<1x128xi32, #tpu.memory_space<vmem>>
      %dma_wait3A_73 = tpu.memref_squeeze %dma_wait3A_72 : memref<1x128xi32, #tpu.memory_space<vmem>> -> memref<128xi32, #tpu.memory_space<vmem>>
      %dma_wait3A_74 = arith.constant 0 : i32
      %dma_wait3A_75 = arith.constant 0 : i32
      %dma_wait3A_76 = tpu.memref_slice %arg2[%dma_wait3A_74, %dma_wait3A_75] : memref<10000x128xf32, #tpu.memory_space<hbm>> -> memref<10000x128xf32, #tpu.memory_space<hbm>>
      tpu.wait_indirect_dma semaphore(%arg11 : memref<!tpu.dma_semaphore, #tpu.memory_space<semaphore_mem>>) src(%dma_wait3A_76 : memref<10000x128xf32, #tpu.memory_space<hbm>>) dst(%dma_wait3A_70 : memref<128x128xf32, #tpu.memory_space<vmem>>)
      %run_scoped3A = arith.constant 0 : i32
      "tpu.region"() ({
        %run_scoped3A_102 = tpu.sem_alloc : memref<!tpu.dma_semaphore, #tpu.memory_space<semaphore_mem>>
        %dma_start3A_103 = arith.constant 0 : i32
        %dma_start3A_104 = arith.constant 0 : i32
        %dma_start3A_105 = tpu.memref_slice %arg9[%run_scoped3A, %dma_start3A_103, %dma_start3A_104] : memref<2x128x128xf32, #tpu.memory_space<vmem>> -> memref<1x128x128xf32, #tpu.memory_space<vmem>>
        %dma_start3A_106 = tpu.memref_squeeze %dma_start3A_105 : memref<1x128x128xf32, #tpu.memory_space<vmem>> -> memref<128x128xf32, #tpu.memory_space<vmem>>
        %dma_start3A_107 = arith.constant 0 : i32
        %dma_start3A_108 = tpu.memref_slice %arg8[%add3A_66, %dma_start3A_107] : memref<40x128xi32, #tpu.memory_space<vmem>> -> memref<1x128xi32, #tpu.memory_space<vmem>>
        %dma_start3A_109 = tpu.memref_squeeze %dma_start3A_108 : memref<1x128xi32, #tpu.memory_space<vmem>> -> memref<128xi32, #tpu.memory_space<vmem>>
        %dma_start3A_110 = arith.constant 0 : i32
        %dma_start3A_111 = arith.constant 0 : i32
        %dma_start3A_112 = tpu.memref_slice %arg10[%dma_start3A_110, %dma_start3A_111] : memref<10112x128xf32, #tpu.memory_space<vmem_shared>> -> memref<10112x128xf32, #tpu.memory_space<vmem_shared>>
        tpu.enqueue_indirect_dma source(%dma_start3A_106 : memref<128x128xf32, #tpu.memory_space<vmem>>) target(%dma_start3A_112 : memref<10112x128xf32, #tpu.memory_space<vmem_shared>>) offsets(%dma_start3A_109 : memref<128xi32, #tpu.memory_space<vmem>>) semaphore(%run_scoped3A_102 : memref<!tpu.dma_semaphore, #tpu.memory_space<semaphore_mem>>) {add = true}
        %dma_wait3A_113 = arith.constant 0 : i32
        %dma_wait3A_114 = arith.constant 0 : i32
        %dma_wait3A_115 = tpu.memref_slice %arg9[%run_scoped3A, %dma_wait3A_113, %dma_wait3A_114] : memref<2x128x128xf32, #tpu.memory_space<vmem>> -> memref<1x128x128xf32, #tpu.memory_space<vmem>>
        %dma_wait3A_116 = tpu.memref_squeeze %dma_wait3A_115 : memref<1x128x128xf32, #tpu.memory_space<vmem>> -> memref<128x128xf32, #tpu.memory_space<vmem>>
        %dma_wait3A_117 = arith.constant 0 : i32
        %dma_wait3A_118 = tpu.memref_slice %arg8[%add3A_66, %dma_wait3A_117] : memref<40x128xi32, #tpu.memory_space<vmem>> -> memref<1x128xi32, #tpu.memory_space<vmem>>
        %dma_wait3A_119 = tpu.memref_squeeze %dma_wait3A_118 : memref<1x128xi32, #tpu.memory_space<vmem>> -> memref<128xi32, #tpu.memory_space<vmem>>
        %dma_wait3A_120 = arith.constant 0 : i32
        %dma_wait3A_121 = arith.constant 0 : i32
        %dma_wait3A_122 = tpu.memref_slice %arg10[%dma_wait3A_120, %dma_wait3A_121] : memref<10112x128xf32, #tpu.memory_space<vmem_shared>> -> memref<10112x128xf32, #tpu.memory_space<vmem_shared>>
        tpu.wait_indirect_dma semaphore(%run_scoped3A_102 : memref<!tpu.dma_semaphore, #tpu.memory_space<semaphore_mem>>) src(%dma_wait3A_116 : memref<128x128xf32, #tpu.memory_space<vmem>>) dst(%dma_wait3A_122 : memref<10112x128xf32, #tpu.memory_space<vmem_shared>>)
        tpu.yield
      }) : () -> ()
      %add3A_77 = arith.constant 2 : i32
      %add3A_78 = arith.addi %add3A_66, %add3A_77 : i32
      %lt3A = arith.constant 40 : i32
      %lt3A_79 = arith.cmpi slt, %add3A_78, %lt3A : i32
      %convert_element_type3A = arith.extui %lt3A_79 : i1 to i32
      %cond3A = arith.constant 0 : i32
      %cond3A_80 = arith.cmpi ne, %convert_element_type3A, %cond3A : i32
      scf.if %cond3A_80 {
        %add3A_102 = arith.constant 2 : i32
        %add3A_103 = arith.addi %add3A_66, %add3A_102 : i32
        %dma_start3A_104 = arith.constant 0 : i32
        %dma_start3A_105 = arith.constant 0 : i32
        %dma_start3A_106 = arith.constant 0 : i32
        %dma_start3A_107 = tpu.memref_slice %arg9[%dma_start3A_104, %dma_start3A_105, %dma_start3A_106] : memref<2x128x128xf32, #tpu.memory_space<vmem>> -> memref<1x128x128xf32, #tpu.memory_space<vmem>>
        %dma_start3A_108 = tpu.memref_squeeze %dma_start3A_107 : memref<1x128x128xf32, #tpu.memory_space<vmem>> -> memref<128x128xf32, #tpu.memory_space<vmem>>
        %dma_start3A_109 = arith.constant 0 : i32
        %dma_start3A_110 = tpu.memref_slice %arg7[%add3A_103, %dma_start3A_109] : memref<40x128xi32, #tpu.memory_space<vmem>> -> memref<1x128xi32, #tpu.memory_space<vmem>>
        %dma_start3A_111 = tpu.memref_squeeze %dma_start3A_110 : memref<1x128xi32, #tpu.memory_space<vmem>> -> memref<128xi32, #tpu.memory_space<vmem>>
        %dma_start3A_112 = arith.constant 0 : i32
        %dma_start3A_113 = arith.constant 0 : i32
        %dma_start3A_114 = tpu.memref_slice %arg2[%dma_start3A_112, %dma_start3A_113] : memref<10000x128xf32, #tpu.memory_space<hbm>> -> memref<10000x128xf32, #tpu.memory_space<hbm>>
        tpu.enqueue_indirect_dma source(%dma_start3A_114 : memref<10000x128xf32, #tpu.memory_space<hbm>>) target(%dma_start3A_108 : memref<128x128xf32, #tpu.memory_space<vmem>>) offsets(%dma_start3A_111 : memref<128xi32, #tpu.memory_space<vmem>>) semaphore(%arg11 : memref<!tpu.dma_semaphore, #tpu.memory_space<semaphore_mem>>)
      } else {
      }
      %add3A_81 = arith.constant 1 : i32
      %add3A_82 = arith.addi %mul3A_64, %add3A_81 : i32
      %dma_wait3A_83 = arith.constant 1 : i32
      %dma_wait3A_84 = arith.constant 0 : i32
      %dma_wait3A_85 = arith.constant 0 : i32
      %dma_wait3A_86 = tpu.memref_slice %arg9[%dma_wait3A_83, %dma_wait3A_84, %dma_wait3A_85] : memref<2x128x128xf32, #tpu.memory_space<vmem>> -> memref<1x128x128xf32, #tpu.memory_space<vmem>>
      %dma_wait3A_87 = tpu.memref_squeeze %dma_wait3A_86 : memref<1x128x128xf32, #tpu.memory_space<vmem>> -> memref<128x128xf32, #tpu.memory_space<vmem>>
      %dma_wait3A_88 = arith.constant 0 : i32
      %dma_wait3A_89 = tpu.memref_slice %arg7[%add3A_82, %dma_wait3A_88] : memref<40x128xi32, #tpu.memory_space<vmem>> -> memref<1x128xi32, #tpu.memory_space<vmem>>
      %dma_wait3A_90 = tpu.memref_squeeze %dma_wait3A_89 : memref<1x128xi32, #tpu.memory_space<vmem>> -> memref<128xi32, #tpu.memory_space<vmem>>
      %dma_wait3A_91 = arith.constant 0 : i32
      %dma_wait3A_92 = arith.constant 0 : i32
      %dma_wait3A_93 = tpu.memref_slice %arg2[%dma_wait3A_91, %dma_wait3A_92] : memref<10000x128xf32, #tpu.memory_space<hbm>> -> memref<10000x128xf32, #tpu.memory_space<hbm>>
      tpu.wait_indirect_dma semaphore(%arg12 : memref<!tpu.dma_semaphore, #tpu.memory_space<semaphore_mem>>) src(%dma_wait3A_93 : memref<10000x128xf32, #tpu.memory_space<hbm>>) dst(%dma_wait3A_87 : memref<128x128xf32, #tpu.memory_space<vmem>>)
      %run_scoped3A_94 = arith.constant 1 : i32
      "tpu.region"() ({
        %run_scoped3A_102 = tpu.sem_alloc : memref<!tpu.dma_semaphore, #tpu.memory_space<semaphore_mem>>
        %dma_start3A_103 = arith.constant 0 : i32
        %dma_start3A_104 = arith.constant 0 : i32
        %dma_start3A_105 = tpu.memref_slice %arg9[%run_scoped3A_94, %dma_start3A_103, %dma_start3A_104] : memref<2x128x128xf32, #tpu.memory_space<vmem>> -> memref<1x128x128xf32, #tpu.memory_space<vmem>>
        %dma_start3A_106 = tpu.memref_squeeze %dma_start3A_105 : memref<1x128x128xf32, #tpu.memory_space<vmem>> -> memref<128x128xf32, #tpu.memory_space<vmem>>
        %dma_start3A_107 = arith.constant 0 : i32
        %dma_start3A_108 = tpu.memref_slice %arg8[%add3A_82, %dma_start3A_107] : memref<40x128xi32, #tpu.memory_space<vmem>> -> memref<1x128xi32, #tpu.memory_space<vmem>>
        %dma_start3A_109 = tpu.memref_squeeze %dma_start3A_108 : memref<1x128xi32, #tpu.memory_space<vmem>> -> memref<128xi32, #tpu.memory_space<vmem>>
        %dma_start3A_110 = arith.constant 0 : i32
        %dma_start3A_111 = arith.constant 0 : i32
        %dma_start3A_112 = tpu.memref_slice %arg10[%dma_start3A_110, %dma_start3A_111] : memref<10112x128xf32, #tpu.memory_space<vmem_shared>> -> memref<10112x128xf32, #tpu.memory_space<vmem_shared>>
        tpu.enqueue_indirect_dma source(%dma_start3A_106 : memref<128x128xf32, #tpu.memory_space<vmem>>) target(%dma_start3A_112 : memref<10112x128xf32, #tpu.memory_space<vmem_shared>>) offsets(%dma_start3A_109 : memref<128xi32, #tpu.memory_space<vmem>>) semaphore(%run_scoped3A_102 : memref<!tpu.dma_semaphore, #tpu.memory_space<semaphore_mem>>) {add = true}
        %dma_wait3A_113 = arith.constant 0 : i32
        %dma_wait3A_114 = arith.constant 0 : i32
        %dma_wait3A_115 = tpu.memref_slice %arg9[%run_scoped3A_94, %dma_wait3A_113, %dma_wait3A_114] : memref<2x128x128xf32, #tpu.memory_space<vmem>> -> memref<1x128x128xf32, #tpu.memory_space<vmem>>
        %dma_wait3A_116 = tpu.memref_squeeze %dma_wait3A_115 : memref<1x128x128xf32, #tpu.memory_space<vmem>> -> memref<128x128xf32, #tpu.memory_space<vmem>>
        %dma_wait3A_117 = arith.constant 0 : i32
        %dma_wait3A_118 = tpu.memref_slice %arg8[%add3A_82, %dma_wait3A_117] : memref<40x128xi32, #tpu.memory_space<vmem>> -> memref<1x128xi32, #tpu.memory_space<vmem>>
        %dma_wait3A_119 = tpu.memref_squeeze %dma_wait3A_118 : memref<1x128xi32, #tpu.memory_space<vmem>> -> memref<128xi32, #tpu.memory_space<vmem>>
        %dma_wait3A_120 = arith.constant 0 : i32
        %dma_wait3A_121 = arith.constant 0 : i32
        %dma_wait3A_122 = tpu.memref_slice %arg10[%dma_wait3A_120, %dma_wait3A_121] : memref<10112x128xf32, #tpu.memory_space<vmem_shared>> -> memref<10112x128xf32, #tpu.memory_space<vmem_shared>>
        tpu.wait_indirect_dma semaphore(%run_scoped3A_102 : memref<!tpu.dma_semaphore, #tpu.memory_space<semaphore_mem>>) src(%dma_wait3A_116 : memref<128x128xf32, #tpu.memory_space<vmem>>) dst(%dma_wait3A_122 : memref<10112x128xf32, #tpu.memory_space<vmem_shared>>)
        tpu.yield
      }) : () -> ()
      %add3A_95 = arith.constant 2 : i32
      %add3A_96 = arith.addi %add3A_82, %add3A_95 : i32
      %lt3A_97 = arith.constant 40 : i32
      %lt3A_98 = arith.cmpi slt, %add3A_96, %lt3A_97 : i32
      %convert_element_type3A_99 = arith.extui %lt3A_98 : i1 to i32
      %cond3A_100 = arith.constant 0 : i32
      %cond3A_101 = arith.cmpi ne, %convert_element_type3A_99, %cond3A_100 : i32
      scf.if %cond3A_101 {
        %add3A_102 = arith.constant 2 : i32
        %add3A_103 = arith.addi %add3A_82, %add3A_102 : i32
        %dma_start3A_104 = arith.constant 1 : i32
        %dma_start3A_105 = arith.constant 0 : i32
        %dma_start3A_106 = arith.constant 0 : i32
        %dma_start3A_107 = tpu.memref_slice %arg9[%dma_start3A_104, %dma_start3A_105, %dma_start3A_106] : memref<2x128x128xf32, #tpu.memory_space<vmem>> -> memref<1x128x128xf32, #tpu.memory_space<vmem>>
        %dma_start3A_108 = tpu.memref_squeeze %dma_start3A_107 : memref<1x128x128xf32, #tpu.memory_space<vmem>> -> memref<128x128xf32, #tpu.memory_space<vmem>>
        %dma_start3A_109 = arith.constant 0 : i32
        %dma_start3A_110 = tpu.memref_slice %arg7[%add3A_103, %dma_start3A_109] : memref<40x128xi32, #tpu.memory_space<vmem>> -> memref<1x128xi32, #tpu.memory_space<vmem>>
        %dma_start3A_111 = tpu.memref_squeeze %dma_start3A_110 : memref<1x128xi32, #tpu.memory_space<vmem>> -> memref<128xi32, #tpu.memory_space<vmem>>
        %dma_start3A_112 = arith.constant 0 : i32
        %dma_start3A_113 = arith.constant 0 : i32
        %dma_start3A_114 = tpu.memref_slice %arg2[%dma_start3A_112, %dma_start3A_113] : memref<10000x128xf32, #tpu.memory_space<hbm>> -> memref<10000x128xf32, #tpu.memory_space<hbm>>
        tpu.enqueue_indirect_dma source(%dma_start3A_114 : memref<10000x128xf32, #tpu.memory_space<hbm>>) target(%dma_start3A_108 : memref<128x128xf32, #tpu.memory_space<vmem>>) offsets(%dma_start3A_111 : memref<128xi32, #tpu.memory_space<vmem>>) semaphore(%arg12 : memref<!tpu.dma_semaphore, #tpu.memory_space<semaphore_mem>>)
      } else {
      }
    }
    %scan3A_60 = arith.constant 20 : i32
    %barrier3A_61 = arith.constant 0 : index
    tpu.barrier barrier_id(%barrier3A_61)
    "tpu.region"() ({
      %run_scoped3A = tpu.sem_alloc : memref<!tpu.dma_semaphore, #tpu.memory_space<semaphore_mem>>
      %dma_start3A_62 = arith.constant 0 : i32
      %dma_start3A_63 = tpu.memref_slice %arg6[%arg0, %mul3A_2, %dma_start3A_62] : memref<2x10112x128xf32, #tpu.memory_space<hbm>> -> memref<1x632x128xf32, #tpu.memory_space<hbm>>
      %dma_start3A_64 = tpu.memref_squeeze %dma_start3A_63 : memref<1x632x128xf32, #tpu.memory_space<hbm>> -> memref<632x128xf32, #tpu.memory_space<hbm>>
      %dma_start3A_65 = arith.constant 0 : i32
      %dma_start3A_66 = tpu.memref_slice %arg10[%mul3A_2, %dma_start3A_65] : memref<10112x128xf32, #tpu.memory_space<vmem_shared>> -> memref<632x128xf32, #tpu.memory_space<vmem_shared>>
      tpu.enqueue_dma source(%dma_start3A_66 : memref<632x128xf32, #tpu.memory_space<vmem_shared>>) target(%dma_start3A_64 : memref<632x128xf32, #tpu.memory_space<hbm>>) target_semaphore(%run_scoped3A : memref<!tpu.dma_semaphore, #tpu.memory_space<semaphore_mem>>)
      %dma_wait3A = arith.constant 0 : i32
      %dma_wait3A_67 = tpu.memref_slice %arg6[%arg0, %mul3A_2, %dma_wait3A] : memref<2x10112x128xf32, #tpu.memory_space<hbm>> -> memref<1x632x128xf32, #tpu.memory_space<hbm>>
      %dma_wait3A_68 = tpu.memref_squeeze %dma_wait3A_67 : memref<1x632x128xf32, #tpu.memory_space<hbm>> -> memref<632x128xf32, #tpu.memory_space<hbm>>
      %dma_wait3A_69 = arith.constant 0 : i32
      %dma_wait3A_70 = tpu.memref_slice %arg10[%mul3A_2, %dma_wait3A_69] : memref<10112x128xf32, #tpu.memory_space<vmem_shared>> -> memref<632x128xf32, #tpu.memory_space<vmem_shared>>
      tpu.wait_dma2 semaphore(%run_scoped3A : memref<!tpu.dma_semaphore, #tpu.memory_space<semaphore_mem>>) src(%dma_wait3A_70 : memref<632x128xf32, #tpu.memory_space<vmem_shared>>) dst(%dma_wait3A_68 : memref<632x128xf32, #tpu.memory_space<hbm>>)
      tpu.yield
    }) : () -> ()
    return
  }
}

#map = affine_map<(d0, d1) -> (0, 0)>
#map1 = affine_map<(d0, d1) -> (0, 0, 0)>
module attributes {stable_mosaic.version = 14 : i64} {
  func.func @k(%arg0: i32, %arg1: i32, %arg2: memref<10000x128xf32, #tpu.memory_space<hbm>>, %arg3: memref<32x80x128xi32, #tpu.memory_space<hbm>>, %arg4: memref<32x80x128xi32, #tpu.memory_space<hbm>>, %arg5: memref<10112x128xf32, #tpu.memory_space<hbm>>, %arg6: memref<2x10112x128xf32, #tpu.memory_space<hbm>>, %arg7: memref<40x128xi32, #tpu.memory_space<vmem>>, %arg8: memref<40x128xi32, #tpu.memory_space<vmem>>, %arg9: memref<2x128x128xf32, #tpu.memory_space<vmem>>, %arg10: memref<10112x128xf32, #tpu.memory_space<vmem_shared>>, %arg11: memref<!tpu.dma_semaphore, #tpu.memory_space<semaphore_mem>>, %arg12: memref<!tpu.dma_semaphore, #tpu.memory_space<semaphore_mem>>) attributes {dimension_semantics = [#tpu.dimension_semantics<core_parallel>, #tpu.dimension_semantics<subcore_parallel>], iteration_bounds = array<i64: 2, 16>, scalar_prefetch = 0 : i64, scratch_operands = 6 : i64, tpu.core_type = #tpu.core_type<sc_vector_subcore>, window_params = [{transform_indices = #map}, {transform_indices = #map1}, {transform_indices = #map1}, {transform_indices = #map}, {transform_indices = #map1}]} {
    %mul3A = arith.constant 2 : i32
    %mul3A_0 = arith.muli %arg1, %mul3A : i32
    %add3A = arith.addi %mul3A_0, %arg0 : i32
    %mul3A_1 = arith.constant 632 : i32
    %mul3A_2 = arith.muli %arg1, %mul3A_1 : i32
    "tpu.region"() ({
      %run_scoped3A = tpu.sem_alloc : memref<!tpu.dma_semaphore, #tpu.memory_space<semaphore_mem>>
      %dma_start3A_62 = arith.constant 0 : i32
      %dma_start3A_63 = tpu.memref_slice %arg10[%mul3A_2, %dma_start3A_62] : memref<10112x128xf32, #tpu.memory_space<vmem_shared>> -> memref<632x128xf32, #tpu.memory_space<vmem_shared>>
      %dma_start3A_64 = arith.constant 0 : i32
      %dma_start3A_65 = tpu.memref_slice %arg5[%mul3A_2, %dma_start3A_64] : memref<10112x128xf32, #tpu.memory_space<hbm>> -> memref<632x128xf32, #tpu.memory_space<hbm>>
      tpu.enqueue_dma source(%dma_start3A_65 : memref<632x128xf32, #tpu.memory_space<hbm>>) target(%dma_start3A_63 : memref<632x128xf32, #tpu.memory_space<vmem_shared>>) target_semaphore(%run_scoped3A : memref<!tpu.dma_semaphore, #tpu.memory_space<semaphore_mem>>)
      %dma_wait3A = arith.constant 0 : i32
      %dma_wait3A_66 = tpu.memref_slice %arg10[%mul3A_2, %dma_wait3A] : memref<10112x128xf32, #tpu.memory_space<vmem_shared>> -> memref<632x128xf32, #tpu.memory_space<vmem_shared>>
      %dma_wait3A_67 = arith.constant 0 : i32
      %dma_wait3A_68 = tpu.memref_slice %arg5[%mul3A_2, %dma_wait3A_67] : memref<10112x128xf32, #tpu.memory_space<hbm>> -> memref<632x128xf32, #tpu.memory_space<hbm>>
      tpu.wait_dma2 semaphore(%run_scoped3A : memref<!tpu.dma_semaphore, #tpu.memory_space<semaphore_mem>>) src(%dma_wait3A_68 : memref<632x128xf32, #tpu.memory_space<hbm>>) dst(%dma_wait3A_66 : memref<632x128xf32, #tpu.memory_space<vmem_shared>>)
      tpu.yield
    }) : () -> ()
    %barrier3A = arith.constant 0 : index
    tpu.barrier barrier_id(%barrier3A)
    "tpu.region"() ({
      %run_scoped3A = tpu.sem_alloc : memref<!tpu.dma_semaphore, #tpu.memory_space<semaphore_mem>>
      %dma_start3A_62 = arith.constant 0 : i32
      %dma_start3A_63 = arith.constant 0 : i32
      %dma_start3A_64 = tpu.memref_slice %arg3[%add3A, %dma_start3A_62, %dma_start3A_63] : memref<32x80x128xi32, #tpu.memory_space<hbm>> -> memref<1x40x128xi32, #tpu.memory_space<hbm>>
      %dma_start3A_65 = tpu.memref_squeeze %dma_start3A_64 : memref<1x40x128xi32, #tpu.memory_space<hbm>> -> memref<40x128xi32, #tpu.memory_space<hbm>>
      %dma_start3A_66 = arith.constant 0 : i32
      %dma_start3A_67 = arith.constant 0 : i32
      %dma_start3A_68 = tpu.memref_slice %arg3[%add3A, %dma_start3A_66, %dma_start3A_67] : memref<32x80x128xi32, #tpu.memory_space<hbm>> -> memref<1x40x128xi32, #tpu.memory_space<hbm>>
      %dma_start3A_69 = tpu.memref_squeeze %dma_start3A_68 : memref<1x40x128xi32, #tpu.memory_space<hbm>> -> memref<40x128xi32, #tpu.memory_space<hbm>>
      tpu.enqueue_dma source(%dma_start3A_69 : memref<40x128xi32, #tpu.memory_space<hbm>>) target(%arg7 : memref<40x128xi32, #tpu.memory_space<vmem>>) target_semaphore(%run_scoped3A : memref<!tpu.dma_semaphore, #tpu.memory_space<semaphore_mem>>)
      %dma_wait3A = arith.constant 0 : i32
      %dma_wait3A_70 = arith.constant 0 : i32
      %dma_wait3A_71 = tpu.memref_slice %arg3[%add3A, %dma_wait3A, %dma_wait3A_70] : memref<32x80x128xi32, #tpu.memory_space<hbm>> -> memref<1x40x128xi32, #tpu.memory_space<hbm>>
      %dma_wait3A_72 = tpu.memref_squeeze %dma_wait3A_71 : memref<1x40x128xi32, #tpu.memory_space<hbm>> -> memref<40x128xi32, #tpu.memory_space<hbm>>
      %dma_wait3A_73 = arith.constant 0 : i32
      %dma_wait3A_74 = arith.constant 0 : i32
      %dma_wait3A_75 = tpu.memref_slice %arg3[%add3A, %dma_wait3A_73, %dma_wait3A_74] : memref<32x80x128xi32, #tpu.memory_space<hbm>> -> memref<1x40x128xi32, #tpu.memory_space<hbm>>
      %dma_wait3A_76 = tpu.memref_squeeze %dma_wait3A_75 : memref<1x40x128xi32, #tpu.memory_space<hbm>> -> memref<40x128xi32, #tpu.memory_space<hbm>>
      tpu.wait_dma2 semaphore(%run_scoped3A : memref<!tpu.dma_semaphore, #tpu.memory_space<semaphore_mem>>) src(%dma_wait3A_76 : memref<40x128xi32, #tpu.memory_space<hbm>>) dst(%arg7 : memref<40x128xi32, #tpu.memory_space<vmem>>)
      tpu.yield
    }) : () -> ()
    "tpu.region"() ({
      %run_scoped3A = tpu.sem_alloc : memref<!tpu.dma_semaphore, #tpu.memory_space<semaphore_mem>>
      %dma_start3A_62 = arith.constant 0 : i32
      %dma_start3A_63 = arith.constant 0 : i32
      %dma_start3A_64 = tpu.memref_slice %arg4[%add3A, %dma_start3A_62, %dma_start3A_63] : memref<32x80x128xi32, #tpu.memory_space<hbm>> -> memref<1x40x128xi32, #tpu.memory_space<hbm>>
      %dma_start3A_65 = tpu.memref_squeeze %dma_start3A_64 : memref<1x40x128xi32, #tpu.memory_space<hbm>> -> memref<40x128xi32, #tpu.memory_space<hbm>>
      %dma_start3A_66 = arith.constant 0 : i32
      %dma_start3A_67 = arith.constant 0 : i32
      %dma_start3A_68 = tpu.memref_slice %arg4[%add3A, %dma_start3A_66, %dma_start3A_67] : memref<32x80x128xi32, #tpu.memory_space<hbm>> -> memref<1x40x128xi32, #tpu.memory_space<hbm>>
      %dma_start3A_69 = tpu.memref_squeeze %dma_start3A_68 : memref<1x40x128xi32, #tpu.memory_space<hbm>> -> memref<40x128xi32, #tpu.memory_space<hbm>>
      tpu.enqueue_dma source(%dma_start3A_69 : memref<40x128xi32, #tpu.memory_space<hbm>>) target(%arg8 : memref<40x128xi32, #tpu.memory_space<vmem>>) target_semaphore(%run_scoped3A : memref<!tpu.dma_semaphore, #tpu.memory_space<semaphore_mem>>)
      %dma_wait3A = arith.constant 0 : i32
      %dma_wait3A_70 = arith.constant 0 : i32
      %dma_wait3A_71 = tpu.memref_slice %arg4[%add3A, %dma_wait3A, %dma_wait3A_70] : memref<32x80x128xi32, #tpu.memory_space<hbm>> -> memref<1x40x128xi32, #tpu.memory_space<hbm>>
      %dma_wait3A_72 = tpu.memref_squeeze %dma_wait3A_71 : memref<1x40x128xi32, #tpu.memory_space<hbm>> -> memref<40x128xi32, #tpu.memory_space<hbm>>
      %dma_wait3A_73 = arith.constant 0 : i32
      %dma_wait3A_74 = arith.constant 0 : i32
      %dma_wait3A_75 = tpu.memref_slice %arg4[%add3A, %dma_wait3A_73, %dma_wait3A_74] : memref<32x80x128xi32, #tpu.memory_space<hbm>> -> memref<1x40x128xi32, #tpu.memory_space<hbm>>
      %dma_wait3A_76 = tpu.memref_squeeze %dma_wait3A_75 : memref<1x40x128xi32, #tpu.memory_space<hbm>> -> memref<40x128xi32, #tpu.memory_space<hbm>>
      tpu.wait_dma2 semaphore(%run_scoped3A : memref<!tpu.dma_semaphore, #tpu.memory_space<semaphore_mem>>) src(%dma_wait3A_76 : memref<40x128xi32, #tpu.memory_space<hbm>>) dst(%arg8 : memref<40x128xi32, #tpu.memory_space<vmem>>)
      tpu.yield
    }) : () -> ()
    %dma_start3A = arith.constant 0 : i32
    %dma_start3A_3 = arith.constant 0 : i32
    %dma_start3A_4 = arith.constant 0 : i32
    %dma_start3A_5 = arith.constant 0 : i32
    %dma_start3A_6 = tpu.memref_slice %arg9[%dma_start3A_3, %dma_start3A_4, %dma_start3A_5] : memref<2x128x128xf32, #tpu.memory_space<vmem>> -> memref<1x128x128xf32, #tpu.memory_space<vmem>>
    %dma_start3A_7 = tpu.memref_squeeze %dma_start3A_6 : memref<1x128x128xf32, #tpu.memory_space<vmem>> -> memref<128x128xf32, #tpu.memory_space<vmem>>
    %dma_start3A_8 = arith.constant 0 : i32
    %dma_start3A_9 = tpu.memref_slice %arg7[%dma_start3A, %dma_start3A_8] : memref<40x128xi32, #tpu.memory_space<vmem>> -> memref<1x128xi32, #tpu.memory_space<vmem>>
    %dma_start3A_10 = tpu.memref_squeeze %dma_start3A_9 : memref<1x128xi32, #tpu.memory_space<vmem>> -> memref<128xi32, #tpu.memory_space<vmem>>
    %dma_start3A_11 = arith.constant 0 : i32
    %dma_start3A_12 = arith.constant 0 : i32
    %dma_start3A_13 = tpu.memref_slice %arg2[%dma_start3A_11, %dma_start3A_12] : memref<10000x128xf32, #tpu.memory_space<hbm>> -> memref<10000x128xf32, #tpu.memory_space<hbm>>
    tpu.enqueue_indirect_dma source(%dma_start3A_13 : memref<10000x128xf32, #tpu.memory_space<hbm>>) target(%dma_start3A_7 : memref<128x128xf32, #tpu.memory_space<vmem>>) offsets(%dma_start3A_10 : memref<128xi32, #tpu.memory_space<vmem>>) semaphore(%arg11 : memref<!tpu.dma_semaphore, #tpu.memory_space<semaphore_mem>>)
    %dma_start3A_14 = arith.constant 1 : i32
    %dma_start3A_15 = arith.constant 1 : i32
    %dma_start3A_16 = arith.constant 0 : i32
    %dma_start3A_17 = arith.constant 0 : i32
    %dma_start3A_18 = tpu.memref_slice %arg9[%dma_start3A_15, %dma_start3A_16, %dma_start3A_17] : memref<2x128x128xf32, #tpu.memory_space<vmem>> -> memref<1x128x128xf32, #tpu.memory_space<vmem>>
    %dma_start3A_19 = tpu.memref_squeeze %dma_start3A_18 : memref<1x128x128xf32, #tpu.memory_space<vmem>> -> memref<128x128xf32, #tpu.memory_space<vmem>>
    %dma_start3A_20 = arith.constant 0 : i32
    %dma_start3A_21 = tpu.memref_slice %arg7[%dma_start3A_14, %dma_start3A_20] : memref<40x128xi32, #tpu.memory_space<vmem>> -> memref<1x128xi32, #tpu.memory_space<vmem>>
    %dma_start3A_22 = tpu.memref_squeeze %dma_start3A_21 : memref<1x128xi32, #tpu.memory_space<vmem>> -> memref<128xi32, #tpu.memory_space<vmem>>
    %dma_start3A_23 = arith.constant 0 : i32
    %dma_start3A_24 = arith.constant 0 : i32
    %dma_start3A_25 = tpu.memref_slice %arg2[%dma_start3A_23, %dma_start3A_24] : memref<10000x128xf32, #tpu.memory_space<hbm>> -> memref<10000x128xf32, #tpu.memory_space<hbm>>
    tpu.enqueue_indirect_dma source(%dma_start3A_25 : memref<10000x128xf32, #tpu.memory_space<hbm>>) target(%dma_start3A_19 : memref<128x128xf32, #tpu.memory_space<vmem>>) offsets(%dma_start3A_22 : memref<128xi32, #tpu.memory_space<vmem>>) semaphore(%arg12 : memref<!tpu.dma_semaphore, #tpu.memory_space<semaphore_mem>>)
    %scan3A = arith.constant 0 : i32
    %scan3A_26 = arith.constant 0 : i32
    %scan3A_27 = arith.constant 20 : i32
    %scan3A_28 = arith.addi %scan3A_26, %scan3A_27 : i32
    %scan3A_29 = arith.constant 1 : i32
    scf.for %scan3A_62 = %scan3A_26 to %scan3A_28 step %scan3A_29  : i32 {
      %mul3A_63 = arith.constant 2 : i32
      %mul3A_64 = arith.muli %scan3A_62, %mul3A_63 : i32
      %add3A_65 = arith.constant 0 : i32
      %add3A_66 = arith.addi %mul3A_64, %add3A_65 : i32
      %dma_wait3A = arith.constant 0 : i32
      %dma_wait3A_67 = arith.constant 0 : i32
      %dma_wait3A_68 = arith.constant 0 : i32
      %dma_wait3A_69 = tpu.memref_slice %arg9[%dma_wait3A, %dma_wait3A_67, %dma_wait3A_68] : memref<2x128x128xf32, #tpu.memory_space<vmem>> -> memref<1x128x128xf32, #tpu.memory_space<vmem>>
      %dma_wait3A_70 = tpu.memref_squeeze %dma_wait3A_69 : memref<1x128x128xf32, #tpu.memory_space<vmem>> -> memref<128x128xf32, #tpu.memory_space<vmem>>
      %dma_wait3A_71 = arith.constant 0 : i32
      %dma_wait3A_72 = tpu.memref_slice %arg7[%add3A_66, %dma_wait3A_71] : memref<40x128xi32, #tpu.memory_space<vmem>> -> memref<1x128xi32, #tpu.memory_space<vmem>>
      %dma_wait3A_73 = tpu.memref_squeeze %dma_wait3A_72 : memref<1x128xi32, #tpu.memory_space<vmem>> -> memref<128xi32, #tpu.memory_space<vmem>>
      %dma_wait3A_74 = arith.constant 0 : i32
      %dma_wait3A_75 = arith.constant 0 : i32
      %dma_wait3A_76 = tpu.memref_slice %arg2[%dma_wait3A_74, %dma_wait3A_75] : memref<10000x128xf32, #tpu.memory_space<hbm>> -> memref<10000x128xf32, #tpu.memory_space<hbm>>
      tpu.wait_indirect_dma semaphore(%arg11 : memref<!tpu.dma_semaphore, #tpu.memory_space<semaphore_mem>>) src(%dma_wait3A_76 : memref<10000x128xf32, #tpu.memory_space<hbm>>) dst(%dma_wait3A_70 : memref<128x128xf32, #tpu.memory_space<vmem>>)
      %run_scoped3A = arith.constant 0 : i32
      "tpu.region"() ({
        %run_scoped3A_102 = tpu.sem_alloc : memref<!tpu.dma_semaphore, #tpu.memory_space<semaphore_mem>>
        %dma_start3A_103 = arith.constant 0 : i32
        %dma_start3A_104 = arith.constant 0 : i32
        %dma_start3A_105 = tpu.memref_slice %arg9[%run_scoped3A, %dma_start3A_103, %dma_start3A_104] : memref<2x128x128xf32, #tpu.memory_space<vmem>> -> memref<1x128x128xf32, #tpu.memory_space<vmem>>
        %dma_start3A_106 = tpu.memref_squeeze %dma_start3A_105 : memref<1x128x128xf32, #tpu.memory_space<vmem>> -> memref<128x128xf32, #tpu.memory_space<vmem>>
        %dma_start3A_107 = arith.constant 0 : i32
        %dma_start3A_108 = tpu.memref_slice %arg8[%add3A_66, %dma_start3A_107] : memref<40x128xi32, #tpu.memory_space<vmem>> -> memref<1x128xi32, #tpu.memory_space<vmem>>
        %dma_start3A_109 = tpu.memref_squeeze %dma_start3A_108 : memref<1x128xi32, #tpu.memory_space<vmem>> -> memref<128xi32, #tpu.memory_space<vmem>>
        %dma_start3A_110 = arith.constant 0 : i32
        %dma_start3A_111 = arith.constant 0 : i32
        %dma_start3A_112 = tpu.memref_slice %arg10[%dma_start3A_110, %dma_start3A_111] : memref<10112x128xf32, #tpu.memory_space<vmem_shared>> -> memref<10112x128xf32, #tpu.memory_space<vmem_shared>>
        tpu.enqueue_indirect_dma source(%dma_start3A_106 : memref<128x128xf32, #tpu.memory_space<vmem>>) target(%dma_start3A_112 : memref<10112x128xf32, #tpu.memory_space<vmem_shared>>) offsets(%dma_start3A_109 : memref<128xi32, #tpu.memory_space<vmem>>) semaphore(%run_scoped3A_102 : memref<!tpu.dma_semaphore, #tpu.memory_space<semaphore_mem>>) {add = true}
        %dma_wait3A_113 = arith.constant 0 : i32
        %dma_wait3A_114 = arith.constant 0 : i32
        %dma_wait3A_115 = tpu.memref_slice %arg9[%run_scoped3A, %dma_wait3A_113, %dma_wait3A_114] : memref<2x128x128xf32, #tpu.memory_space<vmem>> -> memref<1x128x128xf32, #tpu.memory_space<vmem>>
        %dma_wait3A_116 = tpu.memref_squeeze %dma_wait3A_115 : memref<1x128x128xf32, #tpu.memory_space<vmem>> -> memref<128x128xf32, #tpu.memory_space<vmem>>
        %dma_wait3A_117 = arith.constant 0 : i32
        %dma_wait3A_118 = tpu.memref_slice %arg8[%add3A_66, %dma_wait3A_117] : memref<40x128xi32, #tpu.memory_space<vmem>> -> memref<1x128xi32, #tpu.memory_space<vmem>>
        %dma_wait3A_119 = tpu.memref_squeeze %dma_wait3A_118 : memref<1x128xi32, #tpu.memory_space<vmem>> -> memref<128xi32, #tpu.memory_space<vmem>>
        %dma_wait3A_120 = arith.constant 0 : i32
        %dma_wait3A_121 = arith.constant 0 : i32
        %dma_wait3A_122 = tpu.memref_slice %arg10[%dma_wait3A_120, %dma_wait3A_121] : memref<10112x128xf32, #tpu.memory_space<vmem_shared>> -> memref<10112x128xf32, #tpu.memory_space<vmem_shared>>
        tpu.wait_indirect_dma semaphore(%run_scoped3A_102 : memref<!tpu.dma_semaphore, #tpu.memory_space<semaphore_mem>>) src(%dma_wait3A_116 : memref<128x128xf32, #tpu.memory_space<vmem>>) dst(%dma_wait3A_122 : memref<10112x128xf32, #tpu.memory_space<vmem_shared>>)
        tpu.yield
      }) : () -> ()
      %add3A_77 = arith.constant 2 : i32
      %add3A_78 = arith.addi %add3A_66, %add3A_77 : i32
      %lt3A = arith.constant 40 : i32
      %lt3A_79 = arith.cmpi slt, %add3A_78, %lt3A : i32
      %convert_element_type3A = arith.extui %lt3A_79 : i1 to i32
      %cond3A = arith.constant 0 : i32
      %cond3A_80 = arith.cmpi ne, %convert_element_type3A, %cond3A : i32
      scf.if %cond3A_80 {
        %add3A_102 = arith.constant 2 : i32
        %add3A_103 = arith.addi %add3A_66, %add3A_102 : i32
        %dma_start3A_104 = arith.constant 0 : i32
        %dma_start3A_105 = arith.constant 0 : i32
        %dma_start3A_106 = arith.constant 0 : i32
        %dma_start3A_107 = tpu.memref_slice %arg9[%dma_start3A_104, %dma_start3A_105, %dma_start3A_106] : memref<2x128x128xf32, #tpu.memory_space<vmem>> -> memref<1x128x128xf32, #tpu.memory_space<vmem>>
        %dma_start3A_108 = tpu.memref_squeeze %dma_start3A_107 : memref<1x128x128xf32, #tpu.memory_space<vmem>> -> memref<128x128xf32, #tpu.memory_space<vmem>>
        %dma_start3A_109 = arith.constant 0 : i32
        %dma_start3A_110 = tpu.memref_slice %arg7[%add3A_103, %dma_start3A_109] : memref<40x128xi32, #tpu.memory_space<vmem>> -> memref<1x128xi32, #tpu.memory_space<vmem>>
        %dma_start3A_111 = tpu.memref_squeeze %dma_start3A_110 : memref<1x128xi32, #tpu.memory_space<vmem>> -> memref<128xi32, #tpu.memory_space<vmem>>
        %dma_start3A_112 = arith.constant 0 : i32
        %dma_start3A_113 = arith.constant 0 : i32
        %dma_start3A_114 = tpu.memref_slice %arg2[%dma_start3A_112, %dma_start3A_113] : memref<10000x128xf32, #tpu.memory_space<hbm>> -> memref<10000x128xf32, #tpu.memory_space<hbm>>
        tpu.enqueue_indirect_dma source(%dma_start3A_114 : memref<10000x128xf32, #tpu.memory_space<hbm>>) target(%dma_start3A_108 : memref<128x128xf32, #tpu.memory_space<vmem>>) offsets(%dma_start3A_111 : memref<128xi32, #tpu.memory_space<vmem>>) semaphore(%arg11 : memref<!tpu.dma_semaphore, #tpu.memory_space<semaphore_mem>>)
      } else {
      }
      %add3A_81 = arith.constant 1 : i32
      %add3A_82 = arith.addi %mul3A_64, %add3A_81 : i32
      %dma_wait3A_83 = arith.constant 1 : i32
      %dma_wait3A_84 = arith.constant 0 : i32
      %dma_wait3A_85 = arith.constant 0 : i32
      %dma_wait3A_86 = tpu.memref_slice %arg9[%dma_wait3A_83, %dma_wait3A_84, %dma_wait3A_85] : memref<2x128x128xf32, #tpu.memory_space<vmem>> -> memref<1x128x128xf32, #tpu.memory_space<vmem>>
      %dma_wait3A_87 = tpu.memref_squeeze %dma_wait3A_86 : memref<1x128x128xf32, #tpu.memory_space<vmem>> -> memref<128x128xf32, #tpu.memory_space<vmem>>
      %dma_wait3A_88 = arith.constant 0 : i32
      %dma_wait3A_89 = tpu.memref_slice %arg7[%add3A_82, %dma_wait3A_88] : memref<40x128xi32, #tpu.memory_space<vmem>> -> memref<1x128xi32, #tpu.memory_space<vmem>>
      %dma_wait3A_90 = tpu.memref_squeeze %dma_wait3A_89 : memref<1x128xi32, #tpu.memory_space<vmem>> -> memref<128xi32, #tpu.memory_space<vmem>>
      %dma_wait3A_91 = arith.constant 0 : i32
      %dma_wait3A_92 = arith.constant 0 : i32
      %dma_wait3A_93 = tpu.memref_slice %arg2[%dma_wait3A_91, %dma_wait3A_92] : memref<10000x128xf32, #tpu.memory_space<hbm>> -> memref<10000x128xf32, #tpu.memory_space<hbm>>
      tpu.wait_indirect_dma semaphore(%arg12 : memref<!tpu.dma_semaphore, #tpu.memory_space<semaphore_mem>>) src(%dma_wait3A_93 : memref<10000x128xf32, #tpu.memory_space<hbm>>) dst(%dma_wait3A_87 : memref<128x128xf32, #tpu.memory_space<vmem>>)
      %run_scoped3A_94 = arith.constant 1 : i32
      "tpu.region"() ({
        %run_scoped3A_102 = tpu.sem_alloc : memref<!tpu.dma_semaphore, #tpu.memory_space<semaphore_mem>>
        %dma_start3A_103 = arith.constant 0 : i32
        %dma_start3A_104 = arith.constant 0 : i32
        %dma_start3A_105 = tpu.memref_slice %arg9[%run_scoped3A_94, %dma_start3A_103, %dma_start3A_104] : memref<2x128x128xf32, #tpu.memory_space<vmem>> -> memref<1x128x128xf32, #tpu.memory_space<vmem>>
        %dma_start3A_106 = tpu.memref_squeeze %dma_start3A_105 : memref<1x128x128xf32, #tpu.memory_space<vmem>> -> memref<128x128xf32, #tpu.memory_space<vmem>>
        %dma_start3A_107 = arith.constant 0 : i32
        %dma_start3A_108 = tpu.memref_slice %arg8[%add3A_82, %dma_start3A_107] : memref<40x128xi32, #tpu.memory_space<vmem>> -> memref<1x128xi32, #tpu.memory_space<vmem>>
        %dma_start3A_109 = tpu.memref_squeeze %dma_start3A_108 : memref<1x128xi32, #tpu.memory_space<vmem>> -> memref<128xi32, #tpu.memory_space<vmem>>
        %dma_start3A_110 = arith.constant 0 : i32
        %dma_start3A_111 = arith.constant 0 : i32
        %dma_start3A_112 = tpu.memref_slice %arg10[%dma_start3A_110, %dma_start3A_111] : memref<10112x128xf32, #tpu.memory_space<vmem_shared>> -> memref<10112x128xf32, #tpu.memory_space<vmem_shared>>
        tpu.enqueue_indirect_dma source(%dma_start3A_106 : memref<128x128xf32, #tpu.memory_space<vmem>>) target(%dma_start3A_112 : memref<10112x128xf32, #tpu.memory_space<vmem_shared>>) offsets(%dma_start3A_109 : memref<128xi32, #tpu.memory_space<vmem>>) semaphore(%run_scoped3A_102 : memref<!tpu.dma_semaphore, #tpu.memory_space<semaphore_mem>>) {add = true}
        %dma_wait3A_113 = arith.constant 0 : i32
        %dma_wait3A_114 = arith.constant 0 : i32
        %dma_wait3A_115 = tpu.memref_slice %arg9[%run_scoped3A_94, %dma_wait3A_113, %dma_wait3A_114] : memref<2x128x128xf32, #tpu.memory_space<vmem>> -> memref<1x128x128xf32, #tpu.memory_space<vmem>>
        %dma_wait3A_116 = tpu.memref_squeeze %dma_wait3A_115 : memref<1x128x128xf32, #tpu.memory_space<vmem>> -> memref<128x128xf32, #tpu.memory_space<vmem>>
        %dma_wait3A_117 = arith.constant 0 : i32
        %dma_wait3A_118 = tpu.memref_slice %arg8[%add3A_82, %dma_wait3A_117] : memref<40x128xi32, #tpu.memory_space<vmem>> -> memref<1x128xi32, #tpu.memory_space<vmem>>
        %dma_wait3A_119 = tpu.memref_squeeze %dma_wait3A_118 : memref<1x128xi32, #tpu.memory_space<vmem>> -> memref<128xi32, #tpu.memory_space<vmem>>
        %dma_wait3A_120 = arith.constant 0 : i32
        %dma_wait3A_121 = arith.constant 0 : i32
        %dma_wait3A_122 = tpu.memref_slice %arg10[%dma_wait3A_120, %dma_wait3A_121] : memref<10112x128xf32, #tpu.memory_space<vmem_shared>> -> memref<10112x128xf32, #tpu.memory_space<vmem_shared>>
        tpu.wait_indirect_dma semaphore(%run_scoped3A_102 : memref<!tpu.dma_semaphore, #tpu.memory_space<semaphore_mem>>) src(%dma_wait3A_116 : memref<128x128xf32, #tpu.memory_space<vmem>>) dst(%dma_wait3A_122 : memref<10112x128xf32, #tpu.memory_space<vmem_shared>>)
        tpu.yield
      }) : () -> ()
      %add3A_95 = arith.constant 2 : i32
      %add3A_96 = arith.addi %add3A_82, %add3A_95 : i32
      %lt3A_97 = arith.constant 40 : i32
      %lt3A_98 = arith.cmpi slt, %add3A_96, %lt3A_97 : i32
      %convert_element_type3A_99 = arith.extui %lt3A_98 : i1 to i32
      %cond3A_100 = arith.constant 0 : i32
      %cond3A_101 = arith.cmpi ne, %convert_element_type3A_99, %cond3A_100 : i32
      scf.if %cond3A_101 {
        %add3A_102 = arith.constant 2 : i32
        %add3A_103 = arith.addi %add3A_82, %add3A_102 : i32
        %dma_start3A_104 = arith.constant 1 : i32
        %dma_start3A_105 = arith.constant 0 : i32
        %dma_start3A_106 = arith.constant 0 : i32
        %dma_start3A_107 = tpu.memref_slice %arg9[%dma_start3A_104, %dma_start3A_105, %dma_start3A_106] : memref<2x128x128xf32, #tpu.memory_space<vmem>> -> memref<1x128x128xf32, #tpu.memory_space<vmem>>
        %dma_start3A_108 = tpu.memref_squeeze %dma_start3A_107 : memref<1x128x128xf32, #tpu.memory_space<vmem>> -> memref<128x128xf32, #tpu.memory_space<vmem>>
        %dma_start3A_109 = arith.constant 0 : i32
        %dma_start3A_110 = tpu.memref_slice %arg7[%add3A_103, %dma_start3A_109] : memref<40x128xi32, #tpu.memory_space<vmem>> -> memref<1x128xi32, #tpu.memory_space<vmem>>
        %dma_start3A_111 = tpu.memref_squeeze %dma_start3A_110 : memref<1x128xi32, #tpu.memory_space<vmem>> -> memref<128xi32, #tpu.memory_space<vmem>>
        %dma_start3A_112 = arith.constant 0 : i32
        %dma_start3A_113 = arith.constant 0 : i32
        %dma_start3A_114 = tpu.memref_slice %arg2[%dma_start3A_112, %dma_start3A_113] : memref<10000x128xf32, #tpu.memory_space<hbm>> -> memref<10000x128xf32, #tpu.memory_space<hbm>>
        tpu.enqueue_indirect_dma source(%dma_start3A_114 : memref<10000x128xf32, #tpu.memory_space<hbm>>) target(%dma_start3A_108 : memref<128x128xf32, #tpu.memory_space<vmem>>) offsets(%dma_start3A_111 : memref<128xi32, #tpu.memory_space<vmem>>) semaphore(%arg12 : memref<!tpu.dma_semaphore, #tpu.memory_space<semaphore_mem>>)
      } else {
      }
    }
    %scan3A_30 = arith.constant 20 : i32
    "tpu.region"() ({
      %run_scoped3A = tpu.sem_alloc : memref<!tpu.dma_semaphore, #tpu.memory_space<semaphore_mem>>
      %dma_start3A_62 = arith.constant 40 : i32
      %dma_start3A_63 = arith.constant 0 : i32
      %dma_start3A_64 = tpu.memref_slice %arg3[%add3A, %dma_start3A_62, %dma_start3A_63] : memref<32x80x128xi32, #tpu.memory_space<hbm>> -> memref<1x40x128xi32, #tpu.memory_space<hbm>>
      %dma_start3A_65 = tpu.memref_squeeze %dma_start3A_64 : memref<1x40x128xi32, #tpu.memory_space<hbm>> -> memref<40x128xi32, #tpu.memory_space<hbm>>
      %dma_start3A_66 = arith.constant 40 : i32
      %dma_start3A_67 = arith.constant 0 : i32
      %dma_start3A_68 = tpu.memref_slice %arg3[%add3A, %dma_start3A_66, %dma_start3A_67] : memref<32x80x128xi32, #tpu.memory_space<hbm>> -> memref<1x40x128xi32, #tpu.memory_space<hbm>>
      %dma_start3A_69 = tpu.memref_squeeze %dma_start3A_68 : memref<1x40x128xi32, #tpu.memory_space<hbm>> -> memref<40x128xi32, #tpu.memory_space<hbm>>
      tpu.enqueue_dma source(%dma_start3A_69 : memref<40x128xi32, #tpu.memory_space<hbm>>) target(%arg7 : memref<40x128xi32, #tpu.memory_space<vmem>>) target_semaphore(%run_scoped3A : memref<!tpu.dma_semaphore, #tpu.memory_space<semaphore_mem>>)
      %dma_wait3A = arith.constant 40 : i32
      %dma_wait3A_70 = arith.constant 0 : i32
      %dma_wait3A_71 = tpu.memref_slice %arg3[%add3A, %dma_wait3A, %dma_wait3A_70] : memref<32x80x128xi32, #tpu.memory_space<hbm>> -> memref<1x40x128xi32, #tpu.memory_space<hbm>>
      %dma_wait3A_72 = tpu.memref_squeeze %dma_wait3A_71 : memref<1x40x128xi32, #tpu.memory_space<hbm>> -> memref<40x128xi32, #tpu.memory_space<hbm>>
      %dma_wait3A_73 = arith.constant 40 : i32
      %dma_wait3A_74 = arith.constant 0 : i32
      %dma_wait3A_75 = tpu.memref_slice %arg3[%add3A, %dma_wait3A_73, %dma_wait3A_74] : memref<32x80x128xi32, #tpu.memory_space<hbm>> -> memref<1x40x128xi32, #tpu.memory_space<hbm>>
      %dma_wait3A_76 = tpu.memref_squeeze %dma_wait3A_75 : memref<1x40x128xi32, #tpu.memory_space<hbm>> -> memref<40x128xi32, #tpu.memory_space<hbm>>
      tpu.wait_dma2 semaphore(%run_scoped3A : memref<!tpu.dma_semaphore, #tpu.memory_space<semaphore_mem>>) src(%dma_wait3A_76 : memref<40x128xi32, #tpu.memory_space<hbm>>) dst(%arg7 : memref<40x128xi32, #tpu.memory_space<vmem>>)
      tpu.yield
    }) : () -> ()
    "tpu.region"() ({
      %run_scoped3A = tpu.sem_alloc : memref<!tpu.dma_semaphore, #tpu.memory_space<semaphore_mem>>
      %dma_start3A_62 = arith.constant 40 : i32
      %dma_start3A_63 = arith.constant 0 : i32
      %dma_start3A_64 = tpu.memref_slice %arg4[%add3A, %dma_start3A_62, %dma_start3A_63] : memref<32x80x128xi32, #tpu.memory_space<hbm>> -> memref<1x40x128xi32, #tpu.memory_space<hbm>>
      %dma_start3A_65 = tpu.memref_squeeze %dma_start3A_64 : memref<1x40x128xi32, #tpu.memory_space<hbm>> -> memref<40x128xi32, #tpu.memory_space<hbm>>
      %dma_start3A_66 = arith.constant 40 : i32
      %dma_start3A_67 = arith.constant 0 : i32
      %dma_start3A_68 = tpu.memref_slice %arg4[%add3A, %dma_start3A_66, %dma_start3A_67] : memref<32x80x128xi32, #tpu.memory_space<hbm>> -> memref<1x40x128xi32, #tpu.memory_space<hbm>>
      %dma_start3A_69 = tpu.memref_squeeze %dma_start3A_68 : memref<1x40x128xi32, #tpu.memory_space<hbm>> -> memref<40x128xi32, #tpu.memory_space<hbm>>
      tpu.enqueue_dma source(%dma_start3A_69 : memref<40x128xi32, #tpu.memory_space<hbm>>) target(%arg8 : memref<40x128xi32, #tpu.memory_space<vmem>>) target_semaphore(%run_scoped3A : memref<!tpu.dma_semaphore, #tpu.memory_space<semaphore_mem>>)
      %dma_wait3A = arith.constant 40 : i32
      %dma_wait3A_70 = arith.constant 0 : i32
      %dma_wait3A_71 = tpu.memref_slice %arg4[%add3A, %dma_wait3A, %dma_wait3A_70] : memref<32x80x128xi32, #tpu.memory_space<hbm>> -> memref<1x40x128xi32, #tpu.memory_space<hbm>>
      %dma_wait3A_72 = tpu.memref_squeeze %dma_wait3A_71 : memref<1x40x128xi32, #tpu.memory_space<hbm>> -> memref<40x128xi32, #tpu.memory_space<hbm>>
      %dma_wait3A_73 = arith.constant 40 : i32
      %dma_wait3A_74 = arith.constant 0 : i32
      %dma_wait3A_75 = tpu.memref_slice %arg4[%add3A, %dma_wait3A_73, %dma_wait3A_74] : memref<32x80x128xi32, #tpu.memory_space<hbm>> -> memref<1x40x128xi32, #tpu.memory_space<hbm>>
      %dma_wait3A_76 = tpu.memref_squeeze %dma_wait3A_75 : memref<1x40x128xi32, #tpu.memory_space<hbm>> -> memref<40x128xi32, #tpu.memory_space<hbm>>
      tpu.wait_dma2 semaphore(%run_scoped3A : memref<!tpu.dma_semaphore, #tpu.memory_space<semaphore_mem>>) src(%dma_wait3A_76 : memref<40x128xi32, #tpu.memory_space<hbm>>) dst(%arg8 : memref<40x128xi32, #tpu.memory_space<vmem>>)
      tpu.yield
    }) : () -> ()
    %dma_start3A_31 = arith.constant 0 : i32
    %dma_start3A_32 = arith.constant 0 : i32
    %dma_start3A_33 = arith.constant 0 : i32
    %dma_start3A_34 = arith.constant 0 : i32
    %dma_start3A_35 = tpu.memref_slice %arg9[%dma_start3A_32, %dma_start3A_33, %dma_start3A_34] : memref<2x128x128xf32, #tpu.memory_space<vmem>> -> memref<1x128x128xf32, #tpu.memory_space<vmem>>
    %dma_start3A_36 = tpu.memref_squeeze %dma_start3A_35 : memref<1x128x128xf32, #tpu.memory_space<vmem>> -> memref<128x128xf32, #tpu.memory_space<vmem>>
    %dma_start3A_37 = arith.constant 0 : i32
    %dma_start3A_38 = tpu.memref_slice %arg7[%dma_start3A_31, %dma_start3A_37] : memref<40x128xi32, #tpu.memory_space<vmem>> -> memref<1x128xi32, #tpu.memory_space<vmem>>
    %dma_start3A_39 = tpu.memref_squeeze %dma_start3A_38 : memref<1x128xi32, #tpu.memory_space<vmem>> -> memref<128xi32, #tpu.memory_space<vmem>>
    %dma_start3A_40 = arith.constant 0 : i32
    %dma_start3A_41 = arith.constant 0 : i32
    %dma_start3A_42 = tpu.memref_slice %arg2[%dma_start3A_40, %dma_start3A_41] : memref<10000x128xf32, #tpu.memory_space<hbm>> -> memref<10000x128xf32, #tpu.memory_space<hbm>>
    tpu.enqueue_indirect_dma source(%dma_start3A_42 : memref<10000x128xf32, #tpu.memory_space<hbm>>) target(%dma_start3A_36 : memref<128x128xf32, #tpu.memory_space<vmem>>) offsets(%dma_start3A_39 : memref<128xi32, #tpu.memory_space<vmem>>) semaphore(%arg11 : memref<!tpu.dma_semaphore, #tpu.memory_space<semaphore_mem>>)
    %dma_start3A_43 = arith.constant 1 : i32
    %dma_start3A_44 = arith.constant 1 : i32
    %dma_start3A_45 = arith.constant 0 : i32
    %dma_start3A_46 = arith.constant 0 : i32
    %dma_start3A_47 = tpu.memref_slice %arg9[%dma_start3A_44, %dma_start3A_45, %dma_start3A_46] : memref<2x128x128xf32, #tpu.memory_space<vmem>> -> memref<1x128x128xf32, #tpu.memory_space<vmem>>
    %dma_start3A_48 = tpu.memref_squeeze %dma_start3A_47 : memref<1x128x128xf32, #tpu.memory_space<vmem>> -> memref<128x128xf32, #tpu.memory_space<vmem>>
    %dma_start3A_49 = arith.constant 0 : i32
    %dma_start3A_50 = tpu.memref_slice %arg7[%dma_start3A_43, %dma_start3A_49] : memref<40x128xi32, #tpu.memory_space<vmem>> -> memref<1x128xi32, #tpu.memory_space<vmem>>
    %dma_start3A_51 = tpu.memref_squeeze %dma_start3A_50 : memref<1x128xi32, #tpu.memory_space<vmem>> -> memref<128xi32, #tpu.memory_space<vmem>>
    %dma_start3A_52 = arith.constant 0 : i32
    %dma_start3A_53 = arith.constant 0 : i32
    %dma_start3A_54 = tpu.memref_slice %arg2[%dma_start3A_52, %dma_start3A_53] : memref<10000x128xf32, #tpu.memory_space<hbm>> -> memref<10000x128xf32, #tpu.memory_space<hbm>>
    tpu.enqueue_indirect_dma source(%dma_start3A_54 : memref<10000x128xf32, #tpu.memory_space<hbm>>) target(%dma_start3A_48 : memref<128x128xf32, #tpu.memory_space<vmem>>) offsets(%dma_start3A_51 : memref<128xi32, #tpu.memory_space<vmem>>) semaphore(%arg12 : memref<!tpu.dma_semaphore, #tpu.memory_space<semaphore_mem>>)
    %scan3A_55 = arith.constant 0 : i32
    %scan3A_56 = arith.constant 0 : i32
    %scan3A_57 = arith.constant 20 : i32
    %scan3A_58 = arith.addi %scan3A_56, %scan3A_57 : i32
    %scan3A_59 = arith.constant 1 : i32
    scf.for %scan3A_62 = %scan3A_56 to %scan3A_58 step %scan3A_59  : i32 {
      %mul3A_63 = arith.constant 2 : i32
      %mul3A_64 = arith.muli %scan3A_62, %mul3A_63 : i32
      %add3A_65 = arith.constant 0 : i32
      %add3A_66 = arith.addi %mul3A_64, %add3A_65 : i32
      %dma_wait3A = arith.constant 0 : i32
      %dma_wait3A_67 = arith.constant 0 : i32
      %dma_wait3A_68 = arith.constant 0 : i32
      %dma_wait3A_69 = tpu.memref_slice %arg9[%dma_wait3A, %dma_wait3A_67, %dma_wait3A_68] : memref<2x128x128xf32, #tpu.memory_space<vmem>> -> memref<1x128x128xf32, #tpu.memory_space<vmem>>
      %dma_wait3A_70 = tpu.memref_squeeze %dma_wait3A_69 : memref<1x128x128xf32, #tpu.memory_space<vmem>> -> memref<128x128xf32, #tpu.memory_space<vmem>>
      %dma_wait3A_71 = arith.constant 0 : i32
      %dma_wait3A_72 = tpu.memref_slice %arg7[%add3A_66, %dma_wait3A_71] : memref<40x128xi32, #tpu.memory_space<vmem>> -> memref<1x128xi32, #tpu.memory_space<vmem>>
      %dma_wait3A_73 = tpu.memref_squeeze %dma_wait3A_72 : memref<1x128xi32, #tpu.memory_space<vmem>> -> memref<128xi32, #tpu.memory_space<vmem>>
      %dma_wait3A_74 = arith.constant 0 : i32
      %dma_wait3A_75 = arith.constant 0 : i32
      %dma_wait3A_76 = tpu.memref_slice %arg2[%dma_wait3A_74, %dma_wait3A_75] : memref<10000x128xf32, #tpu.memory_space<hbm>> -> memref<10000x128xf32, #tpu.memory_space<hbm>>
      tpu.wait_indirect_dma semaphore(%arg11 : memref<!tpu.dma_semaphore, #tpu.memory_space<semaphore_mem>>) src(%dma_wait3A_76 : memref<10000x128xf32, #tpu.memory_space<hbm>>) dst(%dma_wait3A_70 : memref<128x128xf32, #tpu.memory_space<vmem>>)
      %run_scoped3A = arith.constant 0 : i32
      "tpu.region"() ({
        %run_scoped3A_102 = tpu.sem_alloc : memref<!tpu.dma_semaphore, #tpu.memory_space<semaphore_mem>>
        %dma_start3A_103 = arith.constant 0 : i32
        %dma_start3A_104 = arith.constant 0 : i32
        %dma_start3A_105 = tpu.memref_slice %arg9[%run_scoped3A, %dma_start3A_103, %dma_start3A_104] : memref<2x128x128xf32, #tpu.memory_space<vmem>> -> memref<1x128x128xf32, #tpu.memory_space<vmem>>
        %dma_start3A_106 = tpu.memref_squeeze %dma_start3A_105 : memref<1x128x128xf32, #tpu.memory_space<vmem>> -> memref<128x128xf32, #tpu.memory_space<vmem>>
        %dma_start3A_107 = arith.constant 0 : i32
        %dma_start3A_108 = tpu.memref_slice %arg8[%add3A_66, %dma_start3A_107] : memref<40x128xi32, #tpu.memory_space<vmem>> -> memref<1x128xi32, #tpu.memory_space<vmem>>
        %dma_start3A_109 = tpu.memref_squeeze %dma_start3A_108 : memref<1x128xi32, #tpu.memory_space<vmem>> -> memref<128xi32, #tpu.memory_space<vmem>>
        %dma_start3A_110 = arith.constant 0 : i32
        %dma_start3A_111 = arith.constant 0 : i32
        %dma_start3A_112 = tpu.memref_slice %arg10[%dma_start3A_110, %dma_start3A_111] : memref<10112x128xf32, #tpu.memory_space<vmem_shared>> -> memref<10112x128xf32, #tpu.memory_space<vmem_shared>>
        tpu.enqueue_indirect_dma source(%dma_start3A_106 : memref<128x128xf32, #tpu.memory_space<vmem>>) target(%dma_start3A_112 : memref<10112x128xf32, #tpu.memory_space<vmem_shared>>) offsets(%dma_start3A_109 : memref<128xi32, #tpu.memory_space<vmem>>) semaphore(%run_scoped3A_102 : memref<!tpu.dma_semaphore, #tpu.memory_space<semaphore_mem>>) {add = true}
        %dma_wait3A_113 = arith.constant 0 : i32
        %dma_wait3A_114 = arith.constant 0 : i32
        %dma_wait3A_115 = tpu.memref_slice %arg9[%run_scoped3A, %dma_wait3A_113, %dma_wait3A_114] : memref<2x128x128xf32, #tpu.memory_space<vmem>> -> memref<1x128x128xf32, #tpu.memory_space<vmem>>
        %dma_wait3A_116 = tpu.memref_squeeze %dma_wait3A_115 : memref<1x128x128xf32, #tpu.memory_space<vmem>> -> memref<128x128xf32, #tpu.memory_space<vmem>>
        %dma_wait3A_117 = arith.constant 0 : i32
        %dma_wait3A_118 = tpu.memref_slice %arg8[%add3A_66, %dma_wait3A_117] : memref<40x128xi32, #tpu.memory_space<vmem>> -> memref<1x128xi32, #tpu.memory_space<vmem>>
        %dma_wait3A_119 = tpu.memref_squeeze %dma_wait3A_118 : memref<1x128xi32, #tpu.memory_space<vmem>> -> memref<128xi32, #tpu.memory_space<vmem>>
        %dma_wait3A_120 = arith.constant 0 : i32
        %dma_wait3A_121 = arith.constant 0 : i32
        %dma_wait3A_122 = tpu.memref_slice %arg10[%dma_wait3A_120, %dma_wait3A_121] : memref<10112x128xf32, #tpu.memory_space<vmem_shared>> -> memref<10112x128xf32, #tpu.memory_space<vmem_shared>>
        tpu.wait_indirect_dma semaphore(%run_scoped3A_102 : memref<!tpu.dma_semaphore, #tpu.memory_space<semaphore_mem>>) src(%dma_wait3A_116 : memref<128x128xf32, #tpu.memory_space<vmem>>) dst(%dma_wait3A_122 : memref<10112x128xf32, #tpu.memory_space<vmem_shared>>)
        tpu.yield
      }) : () -> ()
      %add3A_77 = arith.constant 2 : i32
      %add3A_78 = arith.addi %add3A_66, %add3A_77 : i32
      %lt3A = arith.constant 40 : i32
      %lt3A_79 = arith.cmpi slt, %add3A_78, %lt3A : i32
      %convert_element_type3A = arith.extui %lt3A_79 : i1 to i32
      %cond3A = arith.constant 0 : i32
      %cond3A_80 = arith.cmpi ne, %convert_element_type3A, %cond3A : i32
      scf.if %cond3A_80 {
        %add3A_102 = arith.constant 2 : i32
        %add3A_103 = arith.addi %add3A_66, %add3A_102 : i32
        %dma_start3A_104 = arith.constant 0 : i32
        %dma_start3A_105 = arith.constant 0 : i32
        %dma_start3A_106 = arith.constant 0 : i32
        %dma_start3A_107 = tpu.memref_slice %arg9[%dma_start3A_104, %dma_start3A_105, %dma_start3A_106] : memref<2x128x128xf32, #tpu.memory_space<vmem>> -> memref<1x128x128xf32, #tpu.memory_space<vmem>>
        %dma_start3A_108 = tpu.memref_squeeze %dma_start3A_107 : memref<1x128x128xf32, #tpu.memory_space<vmem>> -> memref<128x128xf32, #tpu.memory_space<vmem>>
        %dma_start3A_109 = arith.constant 0 : i32
        %dma_start3A_110 = tpu.memref_slice %arg7[%add3A_103, %dma_start3A_109] : memref<40x128xi32, #tpu.memory_space<vmem>> -> memref<1x128xi32, #tpu.memory_space<vmem>>
        %dma_start3A_111 = tpu.memref_squeeze %dma_start3A_110 : memref<1x128xi32, #tpu.memory_space<vmem>> -> memref<128xi32, #tpu.memory_space<vmem>>
        %dma_start3A_112 = arith.constant 0 : i32
        %dma_start3A_113 = arith.constant 0 : i32
        %dma_start3A_114 = tpu.memref_slice %arg2[%dma_start3A_112, %dma_start3A_113] : memref<10000x128xf32, #tpu.memory_space<hbm>> -> memref<10000x128xf32, #tpu.memory_space<hbm>>
        tpu.enqueue_indirect_dma source(%dma_start3A_114 : memref<10000x128xf32, #tpu.memory_space<hbm>>) target(%dma_start3A_108 : memref<128x128xf32, #tpu.memory_space<vmem>>) offsets(%dma_start3A_111 : memref<128xi32, #tpu.memory_space<vmem>>) semaphore(%arg11 : memref<!tpu.dma_semaphore, #tpu.memory_space<semaphore_mem>>)
      } else {
      }
      %add3A_81 = arith.constant 1 : i32
      %add3A_82 = arith.addi %mul3A_64, %add3A_81 : i32
      %dma_wait3A_83 = arith.constant 1 : i32
      %dma_wait3A_84 = arith.constant 0 : i32
      %dma_wait3A_85 = arith.constant 0 : i32
      %dma_wait3A_86 = tpu.memref_slice %arg9[%dma_wait3A_83, %dma_wait3A_84, %dma_wait3A_85] : memref<2x128x128xf32, #tpu.memory_space<vmem>> -> memref<1x128x128xf32, #tpu.memory_space<vmem>>
      %dma_wait3A_87 = tpu.memref_squeeze %dma_wait3A_86 : memref<1x128x128xf32, #tpu.memory_space<vmem>> -> memref<128x128xf32, #tpu.memory_space<vmem>>
      %dma_wait3A_88 = arith.constant 0 : i32
      %dma_wait3A_89 = tpu.memref_slice %arg7[%add3A_82, %dma_wait3A_88] : memref<40x128xi32, #tpu.memory_space<vmem>> -> memref<1x128xi32, #tpu.memory_space<vmem>>
      %dma_wait3A_90 = tpu.memref_squeeze %dma_wait3A_89 : memref<1x128xi32, #tpu.memory_space<vmem>> -> memref<128xi32, #tpu.memory_space<vmem>>
      %dma_wait3A_91 = arith.constant 0 : i32
      %dma_wait3A_92 = arith.constant 0 : i32
      %dma_wait3A_93 = tpu.memref_slice %arg2[%dma_wait3A_91, %dma_wait3A_92] : memref<10000x128xf32, #tpu.memory_space<hbm>> -> memref<10000x128xf32, #tpu.memory_space<hbm>>
      tpu.wait_indirect_dma semaphore(%arg12 : memref<!tpu.dma_semaphore, #tpu.memory_space<semaphore_mem>>) src(%dma_wait3A_93 : memref<10000x128xf32, #tpu.memory_space<hbm>>) dst(%dma_wait3A_87 : memref<128x128xf32, #tpu.memory_space<vmem>>)
      %run_scoped3A_94 = arith.constant 1 : i32
      "tpu.region"() ({
        %run_scoped3A_102 = tpu.sem_alloc : memref<!tpu.dma_semaphore, #tpu.memory_space<semaphore_mem>>
        %dma_start3A_103 = arith.constant 0 : i32
        %dma_start3A_104 = arith.constant 0 : i32
        %dma_start3A_105 = tpu.memref_slice %arg9[%run_scoped3A_94, %dma_start3A_103, %dma_start3A_104] : memref<2x128x128xf32, #tpu.memory_space<vmem>> -> memref<1x128x128xf32, #tpu.memory_space<vmem>>
        %dma_start3A_106 = tpu.memref_squeeze %dma_start3A_105 : memref<1x128x128xf32, #tpu.memory_space<vmem>> -> memref<128x128xf32, #tpu.memory_space<vmem>>
        %dma_start3A_107 = arith.constant 0 : i32
        %dma_start3A_108 = tpu.memref_slice %arg8[%add3A_82, %dma_start3A_107] : memref<40x128xi32, #tpu.memory_space<vmem>> -> memref<1x128xi32, #tpu.memory_space<vmem>>
        %dma_start3A_109 = tpu.memref_squeeze %dma_start3A_108 : memref<1x128xi32, #tpu.memory_space<vmem>> -> memref<128xi32, #tpu.memory_space<vmem>>
        %dma_start3A_110 = arith.constant 0 : i32
        %dma_start3A_111 = arith.constant 0 : i32
        %dma_start3A_112 = tpu.memref_slice %arg10[%dma_start3A_110, %dma_start3A_111] : memref<10112x128xf32, #tpu.memory_space<vmem_shared>> -> memref<10112x128xf32, #tpu.memory_space<vmem_shared>>
        tpu.enqueue_indirect_dma source(%dma_start3A_106 : memref<128x128xf32, #tpu.memory_space<vmem>>) target(%dma_start3A_112 : memref<10112x128xf32, #tpu.memory_space<vmem_shared>>) offsets(%dma_start3A_109 : memref<128xi32, #tpu.memory_space<vmem>>) semaphore(%run_scoped3A_102 : memref<!tpu.dma_semaphore, #tpu.memory_space<semaphore_mem>>) {add = true}
        %dma_wait3A_113 = arith.constant 0 : i32
        %dma_wait3A_114 = arith.constant 0 : i32
        %dma_wait3A_115 = tpu.memref_slice %arg9[%run_scoped3A_94, %dma_wait3A_113, %dma_wait3A_114] : memref<2x128x128xf32, #tpu.memory_space<vmem>> -> memref<1x128x128xf32, #tpu.memory_space<vmem>>
        %dma_wait3A_116 = tpu.memref_squeeze %dma_wait3A_115 : memref<1x128x128xf32, #tpu.memory_space<vmem>> -> memref<128x128xf32, #tpu.memory_space<vmem>>
        %dma_wait3A_117 = arith.constant 0 : i32
        %dma_wait3A_118 = tpu.memref_slice %arg8[%add3A_82, %dma_wait3A_117] : memref<40x128xi32, #tpu.memory_space<vmem>> -> memref<1x128xi32, #tpu.memory_space<vmem>>
        %dma_wait3A_119 = tpu.memref_squeeze %dma_wait3A_118 : memref<1x128xi32, #tpu.memory_space<vmem>> -> memref<128xi32, #tpu.memory_space<vmem>>
        %dma_wait3A_120 = arith.constant 0 : i32
        %dma_wait3A_121 = arith.constant 0 : i32
        %dma_wait3A_122 = tpu.memref_slice %arg10[%dma_wait3A_120, %dma_wait3A_121] : memref<10112x128xf32, #tpu.memory_space<vmem_shared>> -> memref<10112x128xf32, #tpu.memory_space<vmem_shared>>
        tpu.wait_indirect_dma semaphore(%run_scoped3A_102 : memref<!tpu.dma_semaphore, #tpu.memory_space<semaphore_mem>>) src(%dma_wait3A_116 : memref<128x128xf32, #tpu.memory_space<vmem>>) dst(%dma_wait3A_122 : memref<10112x128xf32, #tpu.memory_space<vmem_shared>>)
        tpu.yield
      }) : () -> ()
      %add3A_95 = arith.constant 2 : i32
      %add3A_96 = arith.addi %add3A_82, %add3A_95 : i32
      %lt3A_97 = arith.constant 40 : i32
      %lt3A_98 = arith.cmpi slt, %add3A_96, %lt3A_97 : i32
      %convert_element_type3A_99 = arith.extui %lt3A_98 : i1 to i32
      %cond3A_100 = arith.constant 0 : i32
      %cond3A_101 = arith.cmpi ne, %convert_element_type3A_99, %cond3A_100 : i32
      scf.if %cond3A_101 {
        %add3A_102 = arith.constant 2 : i32
        %add3A_103 = arith.addi %add3A_82, %add3A_102 : i32
        %dma_start3A_104 = arith.constant 1 : i32
        %dma_start3A_105 = arith.constant 0 : i32
        %dma_start3A_106 = arith.constant 0 : i32
        %dma_start3A_107 = tpu.memref_slice %arg9[%dma_start3A_104, %dma_start3A_105, %dma_start3A_106] : memref<2x128x128xf32, #tpu.memory_space<vmem>> -> memref<1x128x128xf32, #tpu.memory_space<vmem>>
        %dma_start3A_108 = tpu.memref_squeeze %dma_start3A_107 : memref<1x128x128xf32, #tpu.memory_space<vmem>> -> memref<128x128xf32, #tpu.memory_space<vmem>>
        %dma_start3A_109 = arith.constant 0 : i32
        %dma_start3A_110 = tpu.memref_slice %arg7[%add3A_103, %dma_start3A_109] : memref<40x128xi32, #tpu.memory_space<vmem>> -> memref<1x128xi32, #tpu.memory_space<vmem>>
        %dma_start3A_111 = tpu.memref_squeeze %dma_start3A_110 : memref<1x128xi32, #tpu.memory_space<vmem>> -> memref<128xi32, #tpu.memory_space<vmem>>
        %dma_start3A_112 = arith.constant 0 : i32
        %dma_start3A_113 = arith.constant 0 : i32
        %dma_start3A_114 = tpu.memref_slice %arg2[%dma_start3A_112, %dma_start3A_113] : memref<10000x128xf32, #tpu.memory_space<hbm>> -> memref<10000x128xf32, #tpu.memory_space<hbm>>
        tpu.enqueue_indirect_dma source(%dma_start3A_114 : memref<10000x128xf32, #tpu.memory_space<hbm>>) target(%dma_start3A_108 : memref<128x128xf32, #tpu.memory_space<vmem>>) offsets(%dma_start3A_111 : memref<128xi32, #tpu.memory_space<vmem>>) semaphore(%arg12 : memref<!tpu.dma_semaphore, #tpu.memory_space<semaphore_mem>>)
      } else {
      }
    }
    %scan3A_60 = arith.constant 20 : i32
    %barrier3A_61 = arith.constant 0 : index
    tpu.barrier barrier_id(%barrier3A_61)
    "tpu.region"() ({
      %run_scoped3A = tpu.sem_alloc : memref<!tpu.dma_semaphore, #tpu.memory_space<semaphore_mem>>
      %dma_start3A_62 = arith.constant 0 : i32
      %dma_start3A_63 = tpu.memref_slice %arg6[%arg0, %mul3A_2, %dma_start3A_62] : memref<2x10112x128xf32, #tpu.memory_space<hbm>> -> memref<1x632x128xf32, #tpu.memory_space<hbm>>
      %dma_start3A_64 = tpu.memref_squeeze %dma_start3A_63 : memref<1x632x128xf32, #tpu.memory_space<hbm>> -> memref<632x128xf32, #tpu.memory_space<hbm>>
      %dma_start3A_65 = arith.constant 0 : i32
      %dma_start3A_66 = tpu.memref_slice %arg10[%mul3A_2, %dma_start3A_65] : memref<10112x128xf32, #tpu.memory_space<vmem_shared>> -> memref<632x128xf32, #tpu.memory_space<vmem_shared>>
      tpu.enqueue_dma source(%dma_start3A_66 : memref<632x128xf32, #tpu.memory_space<vmem_shared>>) target(%dma_start3A_64 : memref<632x128xf32, #tpu.memory_space<hbm>>) target_semaphore(%run_scoped3A : memref<!tpu.dma_semaphore, #tpu.memory_space<semaphore_mem>>)
      %dma_wait3A = arith.constant 0 : i32
      %dma_wait3A_67 = tpu.memref_slice %arg6[%arg0, %mul3A_2, %dma_wait3A] : memref<2x10112x128xf32, #tpu.memory_space<hbm>> -> memref<1x632x128xf32, #tpu.memory_space<hbm>>
      %dma_wait3A_68 = tpu.memref_squeeze %dma_wait3A_67 : memref<1x632x128xf32, #tpu.memory_space<hbm>> -> memref<632x128xf32, #tpu.memory_space<hbm>>
      %dma_wait3A_69 = arith.constant 0 : i32
      %dma_wait3A_70 = tpu.memref_slice %arg10[%mul3A_2, %dma_wait3A_69] : memref<10112x128xf32, #tpu.memory_space<vmem_shared>> -> memref<632x128xf32, #tpu.memory_space<vmem_shared>>
      tpu.wait_dma2 semaphore(%run_scoped3A : memref<!tpu.dma_semaphore, #tpu.memory_space<semaphore_mem>>) src(%dma_wait3A_70 : memref<632x128xf32, #tpu.memory_space<vmem_shared>>) dst(%dma_wait3A_68 : memref<632x128xf32, #tpu.memory_space<hbm>>)
      tpu.yield
    }) : () -> ()
    return
  }
}

module attributes {stable_mosaic.version = 14 : i64} {
  func.func @body(%arg0: i32, %arg1: memref<1x1000x16xf32, #tpu.memory_space<vmem>>, %arg2: memref<1x1000x16xf32, #tpu.memory_space<vmem>>, %arg3: memref<1000x128xf32, #tpu.memory_space<vmem>>, %arg4: memref<128x128xf32, #tpu.memory_space<vmem>>, %arg5: memref<1000x1xf32, #tpu.memory_space<vmem>>, %arg6: memref<1000x128xf32, #tpu.memory_space<vmem>>) attributes {dimension_semantics = [#tpu.dimension_semantics<arbitrary>], iteration_bounds = array<i64: 10>, scalar_prefetch = 0 : i64, scratch_operands = 0 : i64, tpu.core_type = #tpu.core_type<tc>, window_params = [{transform_indices = @transform_0, window_bounds = array<i64: 1, 1000, 16>}, {transform_indices = @transform_1, window_bounds = array<i64: 1, 1000, 16>}, {transform_indices = @transform_2, window_bounds = array<i64: 1000, 128>}, {pipeline_mode = #tpu.pipeline_mode<synchronous>, transform_indices = @transform_3, window_bounds = array<i64: 128, 128>}, {transform_indices = @transform_4, window_bounds = array<i64: 1000, 1>}, {transform_indices = @transform_5, window_bounds = array<i64: 1000, 128>}]} {
    %get3A = arith.constant 0 : index
    %get3A_0 = arith.constant 0 : index
    %get3A_1 = arith.constant 0 : index
    %get3A_2 = vector.load %arg1[%get3A, %get3A_0, %get3A_1] : memref<1x1000x16xf32, #tpu.memory_space<vmem>>, vector<1x1000x1xf32>
    %get3A_3 = vector.shape_cast %get3A_2 : vector<1x1000x1xf32> to vector<1000x1xf32>
    %get3A_4 = arith.constant 0 : index
    %get3A_5 = arith.constant 0 : index
    %get3A_6 = arith.constant 0 : index
    %get3A_7 = vector.load %arg2[%get3A_4, %get3A_5, %get3A_6] : memref<1x1000x16xf32, #tpu.memory_space<vmem>>, vector<1x1000x1xf32>
    %get3A_8 = vector.shape_cast %get3A_7 : vector<1x1000x1xf32> to vector<1000x1xf32>
    %add3A = arith.addf %get3A_3, %get3A_8 : vector<1000x1xf32>
    %add3A_9 = arith.constant 1.000000e+00 : f32
    %add3A_10 = vector.broadcast %add3A_9 : f32 to vector<1000x1xf32>
    %add3A_11 = arith.addf %add3A, %add3A_10 : vector<1000x1xf32>
    %rsqrt3A = math.rsqrt %add3A_11 : vector<1000x1xf32>
    %swap3A = arith.constant 0 : index
    %swap3A_12 = arith.constant 0 : index
    %swap3A_13 = vector.load %arg5[%swap3A, %swap3A_12] : memref<1000x1xf32, #tpu.memory_space<vmem>>, vector<1000x1xf32>
    tpu.vector_store %arg5[%swap3A, %swap3A_12], %rsqrt3A {strides = array<i32>} : memref<1000x1xf32, #tpu.memory_space<vmem>>, vector<1000x1xf32>,
    %get3A_14 = arith.constant 0 : index
    %get3A_15 = arith.constant 0 : index
    %get3A_16 = vector.load %arg3[%get3A_14, %get3A_15] : memref<1000x128xf32, #tpu.memory_space<vmem>>, vector<1000x128xf32>
    %get3A_17 = arith.constant 0 : index
    %get3A_18 = arith.constant 0 : index
    %get3A_19 = vector.load %arg4[%get3A_17, %get3A_18] : memref<128x128xf32, #tpu.memory_space<vmem>>, vector<128x128xf32>
    %dot_general3A = arith.constant dense<0.000000e+00> : vector<1000x128xf32>
    %dot_general3A_20 = tpu.matmul %get3A_16, %get3A_19, %dot_general3A {dimension_numbers = #tpu.dot_dimension_numbers<[1], [0], [0], [1], [0, 0, 1, 1], [], []>, transpose_lhs_hint = false} : vector<1000x128xf32>, vector<128x128xf32>, vector<1000x128xf32> -> vector<1000x128xf32>
    %mul3A = vector.broadcast %rsqrt3A : vector<1000x1xf32> to vector<1000x128xf32>
    %mul3A_21 = arith.mulf %mul3A, %dot_general3A_20 : vector<1000x128xf32>
    %swap3A_22 = arith.constant 0 : index
    %swap3A_23 = arith.constant 0 : index
    %swap3A_24 = vector.load %arg6[%swap3A_22, %swap3A_23] : memref<1000x128xf32, #tpu.memory_space<vmem>>, vector<1000x128xf32>
    tpu.vector_store %arg6[%swap3A_22, %swap3A_23], %mul3A_21 {strides = array<i32>} : memref<1000x128xf32, #tpu.memory_space<vmem>>, vector<1000x128xf32>,
    return
  }
  func.func @transform_0(%arg0: i32) -> (i32, i32, i32) {
    %c0_i32 = arith.constant 0 : i32
    %c0_i32_0 = arith.constant 0 : i32
    %c0_i32_1 = arith.constant 0 : i32
    return %c0_i32, %arg0, %c0_i32_0 : i32, i32, i32
  }
  func.func @transform_1(%arg0: i32) -> (i32, i32, i32) {
    %c1_i32 = arith.constant 1 : i32
    %c0_i32 = arith.constant 0 : i32
    %c0_i32_0 = arith.constant 0 : i32
    return %c1_i32, %arg0, %c0_i32 : i32, i32, i32
  }
  func.func @transform_2(%arg0: i32) -> (i32, i32) {
    %c0_i32 = arith.constant 0 : i32
    %c0_i32_0 = arith.constant 0 : i32
    return %arg0, %c0_i32 : i32, i32
  }
  func.func @transform_3(%arg0: i32) -> (i32, i32) {
    %c0_i32 = arith.constant 0 : i32
    %c0_i32_0 = arith.constant 0 : i32
    %c0_i32_1 = arith.constant 0 : i32
    return %c0_i32, %c0_i32_0 : i32, i32
  }
  func.func @transform_4(%arg0: i32) -> (i32, i32) {
    %c0_i32 = arith.constant 0 : i32
    %c0_i32_0 = arith.constant 0 : i32
    return %arg0, %c0_i32 : i32, i32
  }
  func.func @transform_5(%arg0: i32) -> (i32, i32) {
    %c0_i32 = arith.constant 0 : i32
    %c0_i32_0 = arith.constant 0 : i32
    return %arg0, %c0_i32 : i32, i32
  }
}

module attributes {stable_mosaic.version = 14 : i64} {
  func.func @body(%arg0: i32, %arg1: memref<1x1000x128xf32, #tpu.memory_space<vmem>>, %arg2: memref<1x1000x128xf32, #tpu.memory_space<vmem>>, %arg3: memref<1000x128xf32, #tpu.memory_space<vmem>>, %arg4: memref<1000x1xf32, #tpu.memory_space<vmem>>, %arg5: memref<1x128xf32, #tpu.memory_space<vmem>>, %arg6: memref<128x64xf32, #tpu.memory_space<vmem>>, %arg7: memref<1000x64xf32, #tpu.memory_space<vmem>>) attributes {dimension_semantics = [#tpu.dimension_semantics<arbitrary>], iteration_bounds = array<i64: 10>, scalar_prefetch = 0 : i64, scratch_operands = 0 : i64, tpu.core_type = #tpu.core_type<tc>, window_params = [{transform_indices = @transform_0, window_bounds = array<i64: 1, 1000, 128>}, {transform_indices = @transform_1, window_bounds = array<i64: 1, 1000, 128>}, {transform_indices = @transform_2, window_bounds = array<i64: 1000, 128>}, {transform_indices = @transform_3, window_bounds = array<i64: 1000, 1>}, {pipeline_mode = #tpu.pipeline_mode<synchronous>, transform_indices = @transform_4, window_bounds = array<i64: 1, 128>}, {pipeline_mode = #tpu.pipeline_mode<synchronous>, transform_indices = @transform_5, window_bounds = array<i64: 128, 64>}, {transform_indices = @transform_6, window_bounds = array<i64: 1000, 64>}]} {
    %get3A = arith.constant 0 : index
    %get3A_0 = arith.constant 0 : index
    %get3A_1 = vector.load %arg4[%get3A, %get3A_0] : memref<1000x1xf32, #tpu.memory_space<vmem>>, vector<1000x1xf32>
    %get3A_2 = arith.constant 0 : index
    %get3A_3 = arith.constant 0 : index
    %get3A_4 = arith.constant 0 : index
    %get3A_5 = vector.load %arg1[%get3A_2, %get3A_3, %get3A_4] : memref<1x1000x128xf32, #tpu.memory_space<vmem>>, vector<1x1000x128xf32>
    %get3A_6 = vector.shape_cast %get3A_5 : vector<1x1000x128xf32> to vector<1000x128xf32>
    %get3A_7 = arith.constant 0 : index
    %get3A_8 = arith.constant 0 : index
    %get3A_9 = arith.constant 0 : index
    %get3A_10 = vector.load %arg2[%get3A_7, %get3A_8, %get3A_9] : memref<1x1000x128xf32, #tpu.memory_space<vmem>>, vector<1x1000x128xf32>
    %get3A_11 = vector.shape_cast %get3A_10 : vector<1x1000x128xf32> to vector<1000x128xf32>
    %add3A = arith.addf %get3A_6, %get3A_11 : vector<1000x128xf32>
    %get3A_12 = arith.constant 0 : index
    %get3A_13 = arith.constant 0 : index
    %get3A_14 = vector.load %arg3[%get3A_12, %get3A_13] : memref<1000x128xf32, #tpu.memory_space<vmem>>, vector<1000x128xf32>
    %add3A_15 = arith.addf %add3A, %get3A_14 : vector<1000x128xf32>
    %mul3A = vector.broadcast %get3A_1 : vector<1000x1xf32> to vector<1000x128xf32>
    %mul3A_16 = arith.mulf %mul3A, %add3A_15 : vector<1000x128xf32>
    %get3A_17 = arith.constant 0 : index
    %get3A_18 = arith.constant 0 : index
    %get3A_19 = vector.load %arg5[%get3A_17, %get3A_18] : memref<1x128xf32, #tpu.memory_space<vmem>>, vector<1x128xf32>
    %add3A_20 = vector.broadcast %get3A_19 : vector<1x128xf32> to vector<1000x128xf32>
    %add3A_21 = arith.addf %mul3A_16, %add3A_20 : vector<1000x128xf32>
    %get3A_22 = arith.constant 0 : index
    %get3A_23 = arith.constant 0 : index
    %get3A_24 = vector.load %arg4[%get3A_22, %get3A_23] : memref<1000x1xf32, #tpu.memory_space<vmem>>, vector<1000x1xf32>
    %get3A_25 = arith.constant 0 : index
    %get3A_26 = arith.constant 0 : index
    %get3A_27 = vector.load %arg6[%get3A_25, %get3A_26] : memref<128x64xf32, #tpu.memory_space<vmem>>, vector<128x64xf32>
    %dot_general3A = arith.constant dense<0.000000e+00> : vector<1000x64xf32>
    %dot_general3A_28 = tpu.matmul %add3A_21, %get3A_27, %dot_general3A {dimension_numbers = #tpu.dot_dimension_numbers<[1], [0], [0], [1], [0, 0, 1, 1], [], []>, transpose_lhs_hint = false} : vector<1000x128xf32>, vector<128x64xf32>, vector<1000x64xf32> -> vector<1000x64xf32>
    %mul3A_29 = vector.broadcast %get3A_24 : vector<1000x1xf32> to vector<1000x64xf32>
    %mul3A_30 = arith.mulf %mul3A_29, %dot_general3A_28 : vector<1000x64xf32>
    %swap3A = arith.constant 0 : index
    %swap3A_31 = arith.constant 0 : index
    %swap3A_32 = vector.load %arg7[%swap3A, %swap3A_31] : memref<1000x64xf32, #tpu.memory_space<vmem>>, vector<1000x64xf32>
    tpu.vector_store %arg7[%swap3A, %swap3A_31], %mul3A_30 {strides = array<i32>} : memref<1000x64xf32, #tpu.memory_space<vmem>>, vector<1000x64xf32>,
    return
  }
  func.func @transform_0(%arg0: i32) -> (i32, i32, i32) {
    %c0_i32 = arith.constant 0 : i32
    %c0_i32_0 = arith.constant 0 : i32
    %c0_i32_1 = arith.constant 0 : i32
    return %c0_i32, %arg0, %c0_i32_0 : i32, i32, i32
  }
  func.func @transform_1(%arg0: i32) -> (i32, i32, i32) {
    %c1_i32 = arith.constant 1 : i32
    %c0_i32 = arith.constant 0 : i32
    %c0_i32_0 = arith.constant 0 : i32
    return %c1_i32, %arg0, %c0_i32 : i32, i32, i32
  }
  func.func @transform_2(%arg0: i32) -> (i32, i32) {
    %c0_i32 = arith.constant 0 : i32
    %c0_i32_0 = arith.constant 0 : i32
    return %arg0, %c0_i32 : i32, i32
  }
  func.func @transform_3(%arg0: i32) -> (i32, i32) {
    %c0_i32 = arith.constant 0 : i32
    %c0_i32_0 = arith.constant 0 : i32
    return %arg0, %c0_i32 : i32, i32
  }
  func.func @transform_4(%arg0: i32) -> (i32, i32) {
    %c0_i32 = arith.constant 0 : i32
    %c0_i32_0 = arith.constant 0 : i32
    %c0_i32_1 = arith.constant 0 : i32
    return %c0_i32, %c0_i32_0 : i32, i32
  }
  func.func @transform_5(%arg0: i32) -> (i32, i32) {
    %c0_i32 = arith.constant 0 : i32
    %c0_i32_0 = arith.constant 0 : i32
    %c0_i32_1 = arith.constant 0 : i32
    return %c0_i32, %c0_i32_0 : i32, i32
  }
  func.func @transform_6(%arg0: i32) -> (i32, i32) {
    %c0_i32 = arith.constant 0 : i32
    %c0_i32_0 = arith.constant 0 : i32
    return %arg0, %c0_i32 : i32, i32
  }
}

module attributes {stable_mosaic.version = 14 : i64} {
  func.func @body(%arg0: i32, %arg1: memref<1x1000x64xf32, #tpu.memory_space<vmem>>, %arg2: memref<1x1000x64xf32, #tpu.memory_space<vmem>>, %arg3: memref<1000x64xf32, #tpu.memory_space<vmem>>, %arg4: memref<1000x1xf32, #tpu.memory_space<vmem>>, %arg5: memref<1x64xf32, #tpu.memory_space<vmem>>, %arg6: memref<64x64xf32, #tpu.memory_space<vmem>>, %arg7: memref<64x128xf32, #tpu.memory_space<vmem>>, %arg8: memref<1000x64xf32, #tpu.memory_space<vmem>>, %arg9: memref<1000x64xf32, #tpu.memory_space<vmem>>, %arg10: memref<1000x128xf32, #tpu.memory_space<vmem>>) attributes {dimension_semantics = [#tpu.dimension_semantics<arbitrary>], iteration_bounds = array<i64: 10>, scalar_prefetch = 0 : i64, scratch_operands = 0 : i64, tpu.core_type = #tpu.core_type<tc>, window_params = [{transform_indices = @transform_0, window_bounds = array<i64: 1, 1000, 64>}, {transform_indices = @transform_1, window_bounds = array<i64: 1, 1000, 64>}, {transform_indices = @transform_2, window_bounds = array<i64: 1000, 64>}, {transform_indices = @transform_3, window_bounds = array<i64: 1000, 1>}, {pipeline_mode = #tpu.pipeline_mode<synchronous>, transform_indices = @transform_4, window_bounds = array<i64: 1, 64>}, {pipeline_mode = #tpu.pipeline_mode<synchronous>, transform_indices = @transform_5, window_bounds = array<i64: 64, 64>}, {pipeline_mode = #tpu.pipeline_mode<synchronous>, transform_indices = @transform_6, window_bounds = array<i64: 64, 128>}, {transform_indices = @transform_7, window_bounds = array<i64: 1000, 64>}, {transform_indices = @transform_8, window_bounds = array<i64: 1000, 64>}, {transform_indices = @transform_9, window_bounds = array<i64: 1000, 128>}]} {
    %get3A = arith.constant 0 : index
    %get3A_0 = arith.constant 0 : index
    %get3A_1 = vector.load %arg4[%get3A, %get3A_0] : memref<1000x1xf32, #tpu.memory_space<vmem>>, vector<1000x1xf32>
    %get3A_2 = arith.constant 0 : index
    %get3A_3 = arith.constant 0 : index
    %get3A_4 = arith.constant 0 : index
    %get3A_5 = vector.load %arg1[%get3A_2, %get3A_3, %get3A_4] : memref<1x1000x64xf32, #tpu.memory_space<vmem>>, vector<1x1000x64xf32>
    %get3A_6 = vector.shape_cast %get3A_5 : vector<1x1000x64xf32> to vector<1000x64xf32>
    %get3A_7 = arith.constant 0 : index
    %get3A_8 = arith.constant 0 : index
    %get3A_9 = arith.constant 0 : index
    %get3A_10 = vector.load %arg2[%get3A_7, %get3A_8, %get3A_9] : memref<1x1000x64xf32, #tpu.memory_space<vmem>>, vector<1x1000x64xf32>
    %get3A_11 = vector.shape_cast %get3A_10 : vector<1x1000x64xf32> to vector<1000x64xf32>
    %add3A = arith.addf %get3A_6, %get3A_11 : vector<1000x64xf32>
    %get3A_12 = arith.constant 0 : index
    %get3A_13 = arith.constant 0 : index
    %get3A_14 = vector.load %arg3[%get3A_12, %get3A_13] : memref<1000x64xf32, #tpu.memory_space<vmem>>, vector<1000x64xf32>
    %add3A_15 = arith.addf %add3A, %get3A_14 : vector<1000x64xf32>
    %mul3A = vector.broadcast %get3A_1 : vector<1000x1xf32> to vector<1000x64xf32>
    %mul3A_16 = arith.mulf %mul3A, %add3A_15 : vector<1000x64xf32>
    %get3A_17 = arith.constant 0 : index
    %get3A_18 = arith.constant 0 : index
    %get3A_19 = vector.load %arg5[%get3A_17, %get3A_18] : memref<1x64xf32, #tpu.memory_space<vmem>>, vector<1x64xf32>
    %add3A_20 = vector.broadcast %get3A_19 : vector<1x64xf32> to vector<1000x64xf32>
    %add3A_21 = arith.addf %mul3A_16, %add3A_20 : vector<1000x64xf32>
    %get3A_22 = arith.constant 0 : index
    %get3A_23 = arith.constant 0 : index
    %get3A_24 = vector.load %arg6[%get3A_22, %get3A_23] : memref<64x64xf32, #tpu.memory_space<vmem>>, vector<64x64xf32>
    %dot_general3A = arith.constant dense<0.000000e+00> : vector<1000x64xf32>
    %dot_general3A_25 = tpu.matmul %add3A_21, %get3A_24, %dot_general3A {dimension_numbers = #tpu.dot_dimension_numbers<[1], [0], [0], [1], [0, 0, 1, 1], [], []>, transpose_lhs_hint = false} : vector<1000x64xf32>, vector<64x64xf32>, vector<1000x64xf32> -> vector<1000x64xf32>
    %swap3A = arith.constant 0 : index
    %swap3A_26 = arith.constant 0 : index
    %swap3A_27 = vector.load %arg8[%swap3A, %swap3A_26] : memref<1000x64xf32, #tpu.memory_space<vmem>>, vector<1000x64xf32>
    tpu.vector_store %arg8[%swap3A, %swap3A_26], %add3A_21 {strides = array<i32>} : memref<1000x64xf32, #tpu.memory_space<vmem>>, vector<1000x64xf32>,
    %swap3A_28 = arith.constant 0 : index
    %swap3A_29 = arith.constant 0 : index
    %swap3A_30 = vector.load %arg9[%swap3A_28, %swap3A_29] : memref<1000x64xf32, #tpu.memory_space<vmem>>, vector<1000x64xf32>
    tpu.vector_store %arg9[%swap3A_28, %swap3A_29], %dot_general3A_25 {strides = array<i32>} : memref<1000x64xf32, #tpu.memory_space<vmem>>, vector<1000x64xf32>,
    %get3A_31 = arith.constant 0 : index
    %get3A_32 = arith.constant 0 : index
    %get3A_33 = vector.load %arg4[%get3A_31, %get3A_32] : memref<1000x1xf32, #tpu.memory_space<vmem>>, vector<1000x1xf32>
    %get3A_34 = arith.constant 0 : index
    %get3A_35 = arith.constant 0 : index
    %get3A_36 = vector.load %arg7[%get3A_34, %get3A_35] : memref<64x128xf32, #tpu.memory_space<vmem>>, vector<64x128xf32>
    %dot_general3A_37 = arith.constant dense<0.000000e+00> : vector<1000x128xf32>
    %dot_general3A_38 = tpu.matmul %dot_general3A_25, %get3A_36, %dot_general3A_37 {dimension_numbers = #tpu.dot_dimension_numbers<[1], [0], [0], [1], [0, 0, 1, 1], [], []>, transpose_lhs_hint = false} : vector<1000x64xf32>, vector<64x128xf32>, vector<1000x128xf32> -> vector<1000x128xf32>
    %mul3A_39 = vector.broadcast %get3A_33 : vector<1000x1xf32> to vector<1000x128xf32>
    %mul3A_40 = arith.mulf %mul3A_39, %dot_general3A_38 : vector<1000x128xf32>
    %swap3A_41 = arith.constant 0 : index
    %swap3A_42 = arith.constant 0 : index
    %swap3A_43 = vector.load %arg10[%swap3A_41, %swap3A_42] : memref<1000x128xf32, #tpu.memory_space<vmem>>, vector<1000x128xf32>
    tpu.vector_store %arg10[%swap3A_41, %swap3A_42], %mul3A_40 {strides = array<i32>} : memref<1000x128xf32, #tpu.memory_space<vmem>>, vector<1000x128xf32>,
    return
  }
  func.func @transform_0(%arg0: i32) -> (i32, i32, i32) {
    %c0_i32 = arith.constant 0 : i32
    %c0_i32_0 = arith.constant 0 : i32
    %c0_i32_1 = arith.constant 0 : i32
    return %c0_i32, %arg0, %c0_i32_0 : i32, i32, i32
  }
  func.func @transform_1(%arg0: i32) -> (i32, i32, i32) {
    %c1_i32 = arith.constant 1 : i32
    %c0_i32 = arith.constant 0 : i32
    %c0_i32_0 = arith.constant 0 : i32
    return %c1_i32, %arg0, %c0_i32 : i32, i32, i32
  }
  func.func @transform_2(%arg0: i32) -> (i32, i32) {
    %c0_i32 = arith.constant 0 : i32
    %c0_i32_0 = arith.constant 0 : i32
    return %arg0, %c0_i32 : i32, i32
  }
  func.func @transform_3(%arg0: i32) -> (i32, i32) {
    %c0_i32 = arith.constant 0 : i32
    %c0_i32_0 = arith.constant 0 : i32
    return %arg0, %c0_i32 : i32, i32
  }
  func.func @transform_4(%arg0: i32) -> (i32, i32) {
    %c0_i32 = arith.constant 0 : i32
    %c0_i32_0 = arith.constant 0 : i32
    %c0_i32_1 = arith.constant 0 : i32
    return %c0_i32, %c0_i32_0 : i32, i32
  }
  func.func @transform_5(%arg0: i32) -> (i32, i32) {
    %c0_i32 = arith.constant 0 : i32
    %c0_i32_0 = arith.constant 0 : i32
    %c0_i32_1 = arith.constant 0 : i32
    return %c0_i32, %c0_i32_0 : i32, i32
  }
  func.func @transform_6(%arg0: i32) -> (i32, i32) {
    %c0_i32 = arith.constant 0 : i32
    %c0_i32_0 = arith.constant 0 : i32
    %c0_i32_1 = arith.constant 0 : i32
    return %c0_i32, %c0_i32_0 : i32, i32
  }
  func.func @transform_7(%arg0: i32) -> (i32, i32) {
    %c0_i32 = arith.constant 0 : i32
    %c0_i32_0 = arith.constant 0 : i32
    return %arg0, %c0_i32 : i32, i32
  }
  func.func @transform_8(%arg0: i32) -> (i32, i32) {
    %c0_i32 = arith.constant 0 : i32
    %c0_i32_0 = arith.constant 0 : i32
    return %arg0, %c0_i32 : i32, i32
  }
  func.func @transform_9(%arg0: i32) -> (i32, i32) {
    %c0_i32 = arith.constant 0 : i32
    %c0_i32_0 = arith.constant 0 : i32
    return %arg0, %c0_i32 : i32, i32
  }
}

module attributes {stable_mosaic.version = 14 : i64} {
  func.func @body(%arg0: i32, %arg1: memref<1x1000x128xf32, #tpu.memory_space<vmem>>, %arg2: memref<1x1000x128xf32, #tpu.memory_space<vmem>>, %arg3: memref<1000x128xf32, #tpu.memory_space<vmem>>, %arg4: memref<1000x1xf32, #tpu.memory_space<vmem>>, %arg5: memref<1x128xf32, #tpu.memory_space<vmem>>, %arg6: memref<128x128xf32, #tpu.memory_space<vmem>>, %arg7: memref<1000x128xf32, #tpu.memory_space<vmem>>) attributes {dimension_semantics = [#tpu.dimension_semantics<arbitrary>], iteration_bounds = array<i64: 10>, scalar_prefetch = 0 : i64, scratch_operands = 0 : i64, tpu.core_type = #tpu.core_type<tc>, window_params = [{transform_indices = @transform_0, window_bounds = array<i64: 1, 1000, 128>}, {transform_indices = @transform_1, window_bounds = array<i64: 1, 1000, 128>}, {transform_indices = @transform_2, window_bounds = array<i64: 1000, 128>}, {transform_indices = @transform_3, window_bounds = array<i64: 1000, 1>}, {pipeline_mode = #tpu.pipeline_mode<synchronous>, transform_indices = @transform_4, window_bounds = array<i64: 1, 128>}, {pipeline_mode = #tpu.pipeline_mode<synchronous>, transform_indices = @transform_5, window_bounds = array<i64: 128, 128>}, {transform_indices = @transform_6, window_bounds = array<i64: 1000, 128>}]} {
    %get3A = arith.constant 0 : index
    %get3A_0 = arith.constant 0 : index
    %get3A_1 = vector.load %arg4[%get3A, %get3A_0] : memref<1000x1xf32, #tpu.memory_space<vmem>>, vector<1000x1xf32>
    %get3A_2 = arith.constant 0 : index
    %get3A_3 = arith.constant 0 : index
    %get3A_4 = arith.constant 0 : index
    %get3A_5 = vector.load %arg1[%get3A_2, %get3A_3, %get3A_4] : memref<1x1000x128xf32, #tpu.memory_space<vmem>>, vector<1x1000x128xf32>
    %get3A_6 = vector.shape_cast %get3A_5 : vector<1x1000x128xf32> to vector<1000x128xf32>
    %get3A_7 = arith.constant 0 : index
    %get3A_8 = arith.constant 0 : index
    %get3A_9 = arith.constant 0 : index
    %get3A_10 = vector.load %arg2[%get3A_7, %get3A_8, %get3A_9] : memref<1x1000x128xf32, #tpu.memory_space<vmem>>, vector<1x1000x128xf32>
    %get3A_11 = vector.shape_cast %get3A_10 : vector<1x1000x128xf32> to vector<1000x128xf32>
    %add3A = arith.addf %get3A_6, %get3A_11 : vector<1000x128xf32>
    %get3A_12 = arith.constant 0 : index
    %get3A_13 = arith.constant 0 : index
    %get3A_14 = vector.load %arg3[%get3A_12, %get3A_13] : memref<1000x128xf32, #tpu.memory_space<vmem>>, vector<1000x128xf32>
    %add3A_15 = arith.addf %add3A, %get3A_14 : vector<1000x128xf32>
    %mul3A = vector.broadcast %get3A_1 : vector<1000x1xf32> to vector<1000x128xf32>
    %mul3A_16 = arith.mulf %mul3A, %add3A_15 : vector<1000x128xf32>
    %get3A_17 = arith.constant 0 : index
    %get3A_18 = arith.constant 0 : index
    %get3A_19 = vector.load %arg5[%get3A_17, %get3A_18] : memref<1x128xf32, #tpu.memory_space<vmem>>, vector<1x128xf32>
    %add3A_20 = vector.broadcast %get3A_19 : vector<1x128xf32> to vector<1000x128xf32>
    %add3A_21 = arith.addf %mul3A_16, %add3A_20 : vector<1000x128xf32>
    %get3A_22 = arith.constant 0 : index
    %get3A_23 = arith.constant 0 : index
    %get3A_24 = vector.load %arg4[%get3A_22, %get3A_23] : memref<1000x1xf32, #tpu.memory_space<vmem>>, vector<1000x1xf32>
    %get3A_25 = arith.constant 0 : index
    %get3A_26 = arith.constant 0 : index
    %get3A_27 = vector.load %arg6[%get3A_25, %get3A_26] : memref<128x128xf32, #tpu.memory_space<vmem>>, vector<128x128xf32>
    %dot_general3A = arith.constant dense<0.000000e+00> : vector<1000x128xf32>
    %dot_general3A_28 = tpu.matmul %add3A_21, %get3A_27, %dot_general3A {dimension_numbers = #tpu.dot_dimension_numbers<[1], [0], [0], [1], [0, 0, 1, 1], [], []>, transpose_lhs_hint = false} : vector<1000x128xf32>, vector<128x128xf32>, vector<1000x128xf32> -> vector<1000x128xf32>
    %mul3A_29 = vector.broadcast %get3A_24 : vector<1000x1xf32> to vector<1000x128xf32>
    %mul3A_30 = arith.mulf %mul3A_29, %dot_general3A_28 : vector<1000x128xf32>
    %swap3A = arith.constant 0 : index
    %swap3A_31 = arith.constant 0 : index
    %swap3A_32 = vector.load %arg7[%swap3A, %swap3A_31] : memref<1000x128xf32, #tpu.memory_space<vmem>>, vector<1000x128xf32>
    tpu.vector_store %arg7[%swap3A, %swap3A_31], %mul3A_30 {strides = array<i32>} : memref<1000x128xf32, #tpu.memory_space<vmem>>, vector<1000x128xf32>,
    return
  }
  func.func @transform_0(%arg0: i32) -> (i32, i32, i32) {
    %c0_i32 = arith.constant 0 : i32
    %c0_i32_0 = arith.constant 0 : i32
    %c0_i32_1 = arith.constant 0 : i32
    return %c0_i32, %arg0, %c0_i32_0 : i32, i32, i32
  }
  func.func @transform_1(%arg0: i32) -> (i32, i32, i32) {
    %c1_i32 = arith.constant 1 : i32
    %c0_i32 = arith.constant 0 : i32
    %c0_i32_0 = arith.constant 0 : i32
    return %c1_i32, %arg0, %c0_i32 : i32, i32, i32
  }
  func.func @transform_2(%arg0: i32) -> (i32, i32) {
    %c0_i32 = arith.constant 0 : i32
    %c0_i32_0 = arith.constant 0 : i32
    return %arg0, %c0_i32 : i32, i32
  }
  func.func @transform_3(%arg0: i32) -> (i32, i32) {
    %c0_i32 = arith.constant 0 : i32
    %c0_i32_0 = arith.constant 0 : i32
    return %arg0, %c0_i32 : i32, i32
  }
  func.func @transform_4(%arg0: i32) -> (i32, i32) {
    %c0_i32 = arith.constant 0 : i32
    %c0_i32_0 = arith.constant 0 : i32
    %c0_i32_1 = arith.constant 0 : i32
    return %c0_i32, %c0_i32_0 : i32, i32
  }
  func.func @transform_5(%arg0: i32) -> (i32, i32) {
    %c0_i32 = arith.constant 0 : i32
    %c0_i32_0 = arith.constant 0 : i32
    %c0_i32_1 = arith.constant 0 : i32
    return %c0_i32, %c0_i32_0 : i32, i32
  }
  func.func @transform_6(%arg0: i32) -> (i32, i32) {
    %c0_i32 = arith.constant 0 : i32
    %c0_i32_0 = arith.constant 0 : i32
    return %arg0, %c0_i32 : i32, i32
  }
}

module attributes {stable_mosaic.version = 14 : i64} {
  func.func @body(%arg0: i32, %arg1: memref<1x1000x128xf32, #tpu.memory_space<vmem>>, %arg2: memref<1x1000x128xf32, #tpu.memory_space<vmem>>, %arg3: memref<1000x128xf32, #tpu.memory_space<vmem>>, %arg4: memref<1000x1xf32, #tpu.memory_space<vmem>>, %arg5: memref<1x128xf32, #tpu.memory_space<vmem>>, %arg6: memref<1000x128xf32, #tpu.memory_space<vmem>>) attributes {dimension_semantics = [#tpu.dimension_semantics<arbitrary>], iteration_bounds = array<i64: 10>, scalar_prefetch = 0 : i64, scratch_operands = 0 : i64, tpu.core_type = #tpu.core_type<tc>, window_params = [{transform_indices = @transform_0, window_bounds = array<i64: 1, 1000, 128>}, {transform_indices = @transform_1, window_bounds = array<i64: 1, 1000, 128>}, {transform_indices = @transform_2, window_bounds = array<i64: 1000, 128>}, {transform_indices = @transform_3, window_bounds = array<i64: 1000, 1>}, {pipeline_mode = #tpu.pipeline_mode<synchronous>, transform_indices = @transform_4, window_bounds = array<i64: 1, 128>}, {transform_indices = @transform_5, window_bounds = array<i64: 1000, 128>}]} {
    %get3A = arith.constant 0 : index
    %get3A_0 = arith.constant 0 : index
    %get3A_1 = vector.load %arg4[%get3A, %get3A_0] : memref<1000x1xf32, #tpu.memory_space<vmem>>, vector<1000x1xf32>
    %get3A_2 = arith.constant 0 : index
    %get3A_3 = arith.constant 0 : index
    %get3A_4 = arith.constant 0 : index
    %get3A_5 = vector.load %arg1[%get3A_2, %get3A_3, %get3A_4] : memref<1x1000x128xf32, #tpu.memory_space<vmem>>, vector<1x1000x128xf32>
    %get3A_6 = vector.shape_cast %get3A_5 : vector<1x1000x128xf32> to vector<1000x128xf32>
    %get3A_7 = arith.constant 0 : index
    %get3A_8 = arith.constant 0 : index
    %get3A_9 = arith.constant 0 : index
    %get3A_10 = vector.load %arg2[%get3A_7, %get3A_8, %get3A_9] : memref<1x1000x128xf32, #tpu.memory_space<vmem>>, vector<1x1000x128xf32>
    %get3A_11 = vector.shape_cast %get3A_10 : vector<1x1000x128xf32> to vector<1000x128xf32>
    %add3A = arith.addf %get3A_6, %get3A_11 : vector<1000x128xf32>
    %get3A_12 = arith.constant 0 : index
    %get3A_13 = arith.constant 0 : index
    %get3A_14 = vector.load %arg3[%get3A_12, %get3A_13] : memref<1000x128xf32, #tpu.memory_space<vmem>>, vector<1000x128xf32>
    %add3A_15 = arith.addf %add3A, %get3A_14 : vector<1000x128xf32>
    %mul3A = vector.broadcast %get3A_1 : vector<1000x1xf32> to vector<1000x128xf32>
    %mul3A_16 = arith.mulf %mul3A, %add3A_15 : vector<1000x128xf32>
    %get3A_17 = arith.constant 0 : index
    %get3A_18 = arith.constant 0 : index
    %get3A_19 = vector.load %arg5[%get3A_17, %get3A_18] : memref<1x128xf32, #tpu.memory_space<vmem>>, vector<1x128xf32>
    %add3A_20 = vector.broadcast %get3A_19 : vector<1x128xf32> to vector<1000x128xf32>
    %add3A_21 = arith.addf %mul3A_16, %add3A_20 : vector<1000x128xf32>
    %swap3A = arith.constant 0 : index
    %swap3A_22 = arith.constant 0 : index
    %swap3A_23 = vector.load %arg6[%swap3A, %swap3A_22] : memref<1000x128xf32, #tpu.memory_space<vmem>>, vector<1000x128xf32>
    tpu.vector_store %arg6[%swap3A, %swap3A_22], %add3A_21 {strides = array<i32>} : memref<1000x128xf32, #tpu.memory_space<vmem>>, vector<1000x128xf32>,
    return
  }
  func.func @transform_0(%arg0: i32) -> (i32, i32, i32) {
    %c0_i32 = arith.constant 0 : i32
    %c0_i32_0 = arith.constant 0 : i32
    %c0_i32_1 = arith.constant 0 : i32
    return %c0_i32, %arg0, %c0_i32_0 : i32, i32, i32
  }
  func.func @transform_1(%arg0: i32) -> (i32, i32, i32) {
    %c1_i32 = arith.constant 1 : i32
    %c0_i32 = arith.constant 0 : i32
    %c0_i32_0 = arith.constant 0 : i32
    return %c1_i32, %arg0, %c0_i32 : i32, i32, i32
  }
  func.func @transform_2(%arg0: i32) -> (i32, i32) {
    %c0_i32 = arith.constant 0 : i32
    %c0_i32_0 = arith.constant 0 : i32
    return %arg0, %c0_i32 : i32, i32
  }
  func.func @transform_3(%arg0: i32) -> (i32, i32) {
    %c0_i32 = arith.constant 0 : i32
    %c0_i32_0 = arith.constant 0 : i32
    return %arg0, %c0_i32 : i32, i32
  }
  func.func @transform_4(%arg0: i32) -> (i32, i32) {
    %c0_i32 = arith.constant 0 : i32
    %c0_i32_0 = arith.constant 0 : i32
    %c0_i32_1 = arith.constant 0 : i32
    return %c0_i32, %c0_i32_0 : i32, i32
  }
  func.func @transform_5(%arg0: i32) -> (i32, i32) {
    %c0_i32 = arith.constant 0 : i32
    %c0_i32_0 = arith.constant 0 : i32
    return %arg0, %c0_i32 : i32, i32
  }
}

</mosaic_0001>

<sc_bundles>
// kernel: kernel.12.cloned.1.call-start
scs
__scs_entry_jumppad:
0x0: {  	(pc) =	sbr.rel $0x88, $3  }
0x1: {  	(tag) =	ssettag $0x0;
	lr =	simm.s32 $0x1  }
0x2: {  	[smem:$0x3F98] =	sst lr;
	_ =	strace $0xD0000000  }
0x3: {  	_ = 	snop  }
0x4: {  	_ = 	snop  }
0x5: {  	_ = 	snop  }
0x6: {  	_ = 	snop  }
0x7: {  	_ = 	snop  }
__scs_overlays_trampoline_lowered:
0x8: {  	[smem:$0x3FA7] =	sst s0  }
0x9: {  	[smem:$0x3FA8] =	sst s1  }
0xa: {  	[smem:$0x3FA9] =	sst s2  }
0xb: {  	[smem:$0x3FAA] =	sst s3  }
0xc: {  	[smem:$0x3FAB] =	sst s4  }
0xd: {  	[smem:$0x3FAC] =	sst s5  }
0xe: {  	[smem:$0x3FAD] =	sst s6  }
0xf: {  	[smem:$0x3FAE] =	sst s7  }
0x10: {  	[smem:$0x3FAF] =	sst s8  }
0x11: {  	[smem:$0x3FB0] =	sst s9;
	s0 =	simm.s32 @!p0 $0x0  }
0x12: {  	s1 =	sld [smem:$0x3F96];
	s0 =	simm.s32 @p0 $0x1  }
0x13: {  	[smem:$0x3FB1] =	sst s0;
	s0 =	simm.s32 @!p1 $0x0  }
0x14: {  	s2 =	sld [smem:$0x3F95];
	s0 =	simm.s32 @p1 $0x1  }
0x15: {  	[smem:$0x3FB2] =	sst s0;
	s0 =	simm.s32 @!p2 $0x0  }
0x16: {  	s3 =	sld [smem:$0x3FDB];
	s0 =	simm.s32 @p2 $0x1  }
0x17: {  	s4 =	simm.s32 $0x1BF5;
	[smem:$0x3FB4] =	sst s0  }
0x18: {  	s0 =	sld [smem:$0x3F97];
	_ =	swait.ge [sflag:s4], $0x0  }
0x19: {  	s7 =	sld [smem:$0x3F98]  }
0x1a: {  	s8 =	sadd.s32 $0xFFFFE003, lr  }
0x1b: {  	s9 =	sadd.s32 $0xFFFFFEF7, lr;
	s5 =	simm.s32 $0xFFFFFFFF;
	p2 =	slt.u32 s8, $0xFFFFF086  }
0x1c: {  	p1 =	slt.u32 s9, $0xF7A;
	s5 =	simm.s32 @!p2 $0x0  }
0x1d: {  	s5 =	simm.s32 @p1 $0x1;
	p0 =	seq.s32 s7, s2  }
0x1e: {  	s7 =	smul.u32 @!p0 $0xF7A, s2;
	p2 =	seq.s32 @!p0 s5, $0x0  }
0x1f: {  	s9 =	smul.u32 $0xF7A, s1;
	s8 =	simm.s32 @!p0 $0x1BF5;
	p2 =	por !p2, p0  }
0x20: {  	[sflag:s8] =	ssyncset.s32 @!p0 $0xFFFFF086;
	s6 =	sadd.s32 @!p0 s3, s7;
	s7 =	simm.s32 @!p0 $0x108  }
0x21: {  	s3 =	sadd.s32 s3, s9;
	s6 =	sadd.s32 @!p0 $0x88, s6;
	s7 =	simm.s32 @p2 $0x1082  }
0x22: {  	[simem:s7], [sflag:s8] =	dma.local @!p0 [hbm:s6], $0xF7A  }
0x23: {  	s9 =	sor.u32 $0xD0000000, s2;
	s6 =	simm.s32 $0x108;
	_ =	swait.ge @!p0 [sflag:s8], $0x0  }
0x24: {  	s3 =	sadd.s32 $0x88, s3;
	s6 =	simm.s32 @!p1 $0x1082;
	[sflag:s4] =	ssyncset.s32 $0xFFFFF086  }
0x25: {  	[simem:s6], [sflag:s4] =	dma.local [hbm:s3], $0xF7A  }
0x26: {  	[smem:$0x3F98] =	sst s1;
	(tag) =	ssettag s2;
	_ =	strace s9  }
0x27: {  	s1 =	sld [smem:$0x3FA8]  }
0x28: {  	s2 =	sld [smem:$0x3FA9]  }
0x29: {  	s4 =	sld [smem:$0x3FAB]  }
0x2a: {  	p0 =	seq.s32 s5, $0x0;
	s5 =	sld [smem:$0x3FAC]  }
0x2b: {  	s6 =	sld [smem:$0x3FAD]  }
0x2c: {  	s7 =	sld [smem:$0x3FAE]  }
0x2d: {  	s3 =	simm.s32 $0x108;
	s8 =	sld [smem:$0x3FAF]  }
0x2e: {  	s3 =	simm.s32 @!p0 $0x1082;
	s9 =	sld [smem:$0x3FB0]  }
0x2f: {  	lr =	sadd.s32 s0, s3;
	s0 =	sld [smem:$0x3FA7]  }
0x30: {  	s3 =	sld [smem:$0x3FAA]  }
0x31: {  	[smem:$0x3FB3] =	sst s10  }
0x32: {  	s10 =	sld [smem:$0x3FB1];
	_ =	sdelay $0x3  }
0x33: {  	p0 =	seq.s32 s10, $0x1;
	s10 =	sld [smem:$0x3FB3];
	_ =	sdelay $0x3  }
0x34: {  	[smem:$0x3FB3] =	sst s10  }
0x35: {  	s10 =	sld [smem:$0x3FB2];
	_ =	sdelay $0x3  }
0x36: {  	p1 =	seq.s32 s10, $0x1;
	s10 =	sld [smem:$0x3FB3];
	_ =	sdelay $0x3  }
0x37: {  	[smem:$0x3FB3] =	sst s10  }
0x38: {  	s10 =	sld [smem:$0x3FB4]  }
0x39: {  	_ = 	snop;
	(pc) =	sbr.ind lr, $3  }
0x3a: {  	_ = 	snop  }
0x3b: {  	_ = 	snop  }
0x3c: {  	p2 =	seq.s32 s10, $0x1;
	s10 =	sld [smem:$0x3FB3]  }
0x3d: {  	_ =	shalt  }
0x3e: {  	_ =	shalt  }
0x3f: {  	_ =	shalt  }
0x40: {  	_ =	shalt  }
0x41: {  	_ =	shalt  }
0x42: {  	_ =	shalt  }
0x43: {  	_ =	shalt  }
0x44: {  	_ =	shalt  }
0x45: {  	_ =	shalt  }
0x46: {  	_ =	shalt  }
0x47: {  	_ =	shalt  }
0x48: {  	_ =	shalt  }
0x49: {  	_ =	shalt  }
0x4a: {  	_ =	shalt  }
0x4b: {  	_ =	shalt  }
0x4c: {  	_ =	shalt  }
0x4d: {  	_ =	shalt  }
0x4e: {  	_ =	shalt  }
0x4f: {  	_ =	shalt  }
0x50: {  	_ =	shalt  }
0x51: {  	_ =	shalt  }
0x52: {  	_ =	shalt  }
0x53: {  	_ =	shalt  }
0x54: {  	_ =	shalt  }
0x55: {  	_ =	shalt  }
0x56: {  	_ =	shalt  }
0x57: {  	_ =	shalt  }
0x58: {  	_ =	shalt  }
0x59: {  	_ =	shalt  }
0x5a: {  	_ =	shalt  }
0x5b: {  	_ =	shalt  }
0x5c: {  	_ =	shalt  }
0x5d: {  	_ =	shalt  }
0x5e: {  	_ =	shalt  }
0x5f: {  	_ =	shalt  }
0x60: {  	_ =	shalt  }
0x61: {  	_ =	shalt  }
0x62: {  	_ =	shalt  }
0x63: {  	_ =	shalt  }
0x64: {  	_ =	shalt  }
0x65: {  	_ =	shalt  }
0x66: {  	_ =	shalt  }
0x67: {  	_ =	shalt  }
0x68: {  	_ =	shalt  }
0x69: {  	_ =	shalt  }
0x6a: {  	_ =	shalt  }
0x6b: {  	_ =	shalt  }
0x6c: {  	_ =	shalt  }
0x6d: {  	_ =	shalt  }
0x6e: {  	_ =	shalt  }
0x6f: {  	_ =	shalt  }
0x70: {  	_ =	shalt  }
0x71: {  	_ =	shalt  }
0x72: {  	_ =	shalt  }
0x73: {  	_ =	shalt  }
0x74: {  	_ =	shalt  }
0x75: {  	_ =	shalt  }
0x76: {  	_ =	shalt  }
0x77: {  	_ =	shalt  }
0x78: {  	_ =	shalt  }
0x79: {  	_ =	shalt  }
0x7a: {  	_ =	shalt  }
0x7b: {  	_ =	shalt  }
0x7c: {  	_ =	shalt  }
0x7d: {  	_ =	shalt  }
0x7e: {  	_ =	shalt  }
0x7f: {  	_ =	shalt  }
0x80: {  	_ =	shalt  }
0x81: {  	_ =	shalt  }
0x82: {  	_ =	shalt  }
0x83: {  	_ =	shalt  }
0x84: {  	_ =	shalt  }
0x85: {  	_ =	shalt  }
0x86: {  	_ =	shalt  }
0x87: {  	_ =	shalt  }
.Lfunc_end0:
.L_simem_size_0:
called_computation_lowered:
.L_overlay_start_0:
0x88: {  	s2 =	sld [smem:$0x3FD9]  }
0x89: {  	s3 =	sld [smem:$0x3FFE];
	_ =	sdelay $0x1  }
0x8a: {  	s1 =	srdreg.scid  }
0x8b: {  	s0 =	sand.u32 $0x1, s1  }
0x8c: {  	s14 =	sshll.u32 s0, $0xA;
	s2 =	sadd.s32 s3, s2  }
0x8d: {  	s2 =	sadd.s32 s2, s14  }
0x8e: {  	[smem:$0x3FBF] =	sst s2  }
0x8f: {  	_ = 	snop  }
0x90: {  	s2 =	sld [smem:$0x3FD0];
	_ =	sdelay $0x2  }
0x91: {  	s15 =	simm.s32 $0xA;
	s4 =	simm.s32 $0x10  }
0x92: {  	[smem:s4], [sflag:s15] =	dma.local [hbm:s2], $0x1  }
0x93: {  	_ =	swait.eq [sflag:s15], $0x1  }
0x94: {  	s16 =	sld [smem:$0x10];
	[sflag:s15] =	ssyncset.done $0x0  }
0x95: {  	s17 =	sld [smem:$0x11];
	[sflag:s15] =	ssyncadd.s32 $0xFFFFFFFF  }
0x96: {  	s18 =	sld [smem:$0x12];
	(tm) =	ssettm $0x1  }
0x97: {  	s5 =	sld [smem:$0x3FFB];
	_ =	sdelay $0x3  }
0x98: {  	_ =	strace s5  }
0x99: {  	s5 =	sld [smem:$0x3FFC];
	_ =	sdelay $0x3  }
0x9a: {  	_ =	strace s5  }
0x9b: {  	s5 =	sld [smem:$0x3FFD];
	_ =	sdelay $0x3  }
0x9c: {  	_ =	strace s5  }
0x9d: {  	_ =	strace $0x8FFFFFFF  }
0x9e: {  	s19 =	sld [smem:$0x3FDB];
	_ =	sdelay $0x1  }
0x9f: {  	s6 =	simm.s32 $_scs_section_size  }
0xa0: {  	s7 =	simm.s32 $_size__tile_overlayer_lowered;
	s8 =	simm.s32 $_tile_overlayer_lowered  }
0xa1: {  	s22 =	simm.s32 $0x1BFF;
	s21 =	sshll.u32 s8, $0x1;
	s5 =	sadd.s32 s6, s19  }
0xa2: {  	s9 =	simm.s32 $0x0;
	s20 =	sshll.u32 s7, $0x1;
	s7 =	sadd.s32 s21, s5  }
0xa3: {  	[timem:s9], [sflag:s22] =	dma.local [hbm:s7], s20  }
0xa4: {  	_ =	swait.ge [sflag:s22], s20  }
0xa5: {  	s6 =	ssub.s32 $0x0, s20;
	[sflag:s22] =	ssyncset.done $0x0  }
0xa6: {  	[sflag:s22] =	ssyncadd.s32 s6;
	_ =	sdelay $0x1  }
0xa7: {  	s23 =	simm.s32 $0x1B8B  }
0xa8: {  	_ =	swait.ge [sflag:s23], $0x1  }
0xa9: {  	[sflag:s23] =	ssyncset.done $0x0  }
0xaa: {  	s25 =	simm.s32 $0x1B8E;
	s24 =	sld [smem:$0x3FFE];
	[sflag:s23] =	ssyncadd.s32 $0xFFFFFFFF  }
0xab: {  	s26 =	simm.s32 $execute0_lowered;
	[smem:$0x3FD2] =	sst s25  }
0xac: {  	s7 =	sshll.u32 s26, $0x1;
	_ =	strace $0x80000046;
	[dreg:$0x1] =	wrdreg $0xFFFFFFFF  }
0xad: {  	s28 =	simm.s32 $_size_execute0_lowered;
	s5 =	sadd.s32 s5, s7;
	[dreg:$0x0] =	wrdreg $0x0  }
0xae: {  	s7 =	sshll.u32 s28, $0x1;
	[dreg:$0x2] =	wrdreg s5  }
0xaf: {  	[dreg:$0x3] =	wrdreg s7  }
0xb0: {  	[dreg:$0x4] =	wrdreg $0xC0  }
0xb1: {  	_ =	task [dreg:s9], $0x5FFFF  }
0xb2: {  	[dreg:$0x1] =	wrdreg $0xFFFFFFFF  }
0xb3: {  	[dreg:$0x0] =	wrdreg $0x60  }
0xb4: {  	[dreg:$0x2] =	wrdreg s24  }
0xb5: {  	[dreg:$0x3] =	wrdreg s18  }
0xb6: {  	[dreg:$0x4] =	wrdreg s16  }
0xb7: {  	[dreg:$0x5] =	wrdreg s17  }
0xb8: {  	[dreg:$0x6] =	wrdreg $0x30000  }
0xb9: {  	[dreg:$0x7] =	wrdreg $0x9  }
0xba: {  	_ =	task.clear_ibuf [dreg:s9], $0x8FFFF;
	_ =	strace $0x90000046  }
0xbb: {  	s29 =	simm.s32 $0x9;
	_ =	strace $0x80000048  }
0xbc: {  	_ =	swait.ge [sflag:s29], $0x1  }
0xbd: {  	[sflag:s29] =	ssyncadd.s32 $0xFFFFFFFF  }
0xbe: {  	_ =	strace $0x90000048  }
0xbf: {  	_ =	sfence  }
0xc0: {  	s30 =	sld [smem:$0x0];
	_ =	sdelay $0x2  }
0xc1: {  	s31 =	sshll.u32 s1, $0xD;
	s1 =	sshrl.u32 s1, $0x2  }
0xc2: {  	s3 =	sand.u32 $0x4000, s31;
	s1 =	sadd.s32 s1, s30  }
0xc3: {  	s0 =	sor.u32 s3, s0;
	s1 =	sshll.u32 s1, $0x11  }
0xc4: {  	s0 =	sor.u32 s1, s0  }
0xc5: {  	s0 =	sadd.s32 $0x8F2B, s0  }
0xc6: {  	[sflag:s0] =	ssyncadd.remote.s32 $0x1  }
0xc7: {  	_ =	sfence.sel $0xFFFF  }
0xc8: {  	[dreg:$0x0] =	wrdreg $0xFFFFFFFF;
	(pc) =	sbr.abs _section_cstart, $3  }
0xc9: {  	[dreg:$0x1] =	wrdreg $0xFFFFFFFF  }
0xca: {  	_ =	task.clear_ibuf [dreg:s9], $0x2FFFF;
	_ =	strace $0x9FFFFFFF  }
0xcb: {  	(tm) =	ssettm $0x7FFFFFFF  }
tec
execute0_lowered:
.L_overlay_start_1:
0x0: {  	(tag) =	ssettag $0x1  }
0x1: {  	s5 =	rddreg [dreg:$0x0]  }
0x2: {  	s1 =	rddreg [dreg:$0x1]  }
0x3: {  	s6 =	rddreg [dreg:$0x2];
	s2 =	srdreg.scid  }
0x4: {  	s0 =	stileid.u32;
	s8 =	rddreg [dreg:$0x3]  }
0x5: {  	s3 =	rddreg [dreg:$0x4];
	s13 =	simm.s32 $0x80;
	s14 =	simm.s32 $0x0  }
0x6: {  	s7 =	sand.u32 $0x1, s2;
	s28 =	sshll.u32 s0, $0x1;
	s11 =	smul.u32 $0x2780, s0  }
0x7: {  	s4 =	sor.u32 s7, s28;
	s10 =	ssub.s32 $0x2, s7;
	s7 =	smul.u32 $0x27800, s7  }
0x8: {  	s2 =	rddreg [dreg:$0x5];
	s31 =	sshll.u32 s0, $0x6;
	s9 =	smul.u32 $0x500, s4  }
0x9: {  	s4 =	simm.s32 $0x0;
	s12 =	sshrl.u32 s10, $0x1;
	s29 =	sadd.s32 s11, s3  }
0xa: {  	s30 =	sshrl.u32 s11, $0x3;
	[smem:$0x7FF] =	sst s4;
	s10 =	ssub.s32 s10, s12  }
0xb: {  	s7 =	sadd.s32 s11, s7;
	s12 =	simm.s32 $0x2800;
	_ =	strace $0x80000047  }
0xc: {  	s9 =	sadd.s32 s9, s5;
	s5 =	sadd.s32 s6, s30;
	s11 =	sshrl.u32 s7, $0x3  }
0xd: {  	s6 =	sor.u32 $0x1C01, s31;
	s7 =	sadd.s32 $0x5400, s9;
	s8 =	sadd.s32 s8, s11  }
0xe: {  	s9 =	smax.u32 s10, $0x1;
	s10 =	sshrl.u32 s29, $0x3;
	s11 =	simm.s32 $0x1  }
.LBB2_1:
0xf: {  	[spmem:s10], [sflag:s6] =	dma.local [hbm:s5], $0x4F0  }
0x10: {  	_ =	swait.ge [sflag:s11], $0x4F0  }
0x11: {  	[sflag:s11] =	ssyncset.done $0x0  }
0x12: {  	[sflag:s11] =	ssyncadd.s32 $0xFFFFFB10  }
0x13: {  	[tilespmem:s4], [sflag:$0x1] =	stream.linear.gather [hbm4b:s7+s4], $0x2800, $0x38;
	[tilespmem:$0x5780] =	vst v63  }
0x14: {  	_ =	swait.ge [sflag:s11], $0x2800  }
0x15: {  	[sflag:s11] =	ssyncset.done $0x0  }
0x16: {  	[sflag:s11] =	ssyncadd.s32 $0xFFFFD800  }
0x17: {  	[tilespmem:s12], [sflag:$0x1] =	stream.linear.gather [hbm4b:s1+s4], $0x800, $0x38;
	[tilespmem:$0x5780] =	vst v63  }
0x18: {  	_ =	swait.ge [sflag:s11], $0x800  }
0x19: {  	[sflag:s11] =	ssyncset.done $0x0  }
0x1a: {  	[sflag:s11] =	ssyncadd.s32 $0xFFFFF800  }
0x1b: {  	s15 =	simm.s32 $0x0;
	[bflag:$0x0] =	sbarrier.arrive $0xFFFF  }
0x1c: {  	[spmem:s3] =	stream.indirect.scatter.add.f32 [tilespmem:s12], [sflag:$0x1], $0x10, s15, s13, $0xb8;
	[tilespmem:$0x5780] =	vst v63  }
0x1d: {  	_ =	swait.ge [sflag:s11], $0x800  }
0x1e: {  	s15 =	simm.s32 $0x200;
	[sflag:s11] =	ssyncset.done $0x0  }
.LBB2_2:
0x1f: {  	s16 =	sshra.s32 s15, $0x2;
	[sflag:s11] =	ssyncadd.s32 $0xFFFFF800;
	p0 =	sne.s32 s15, $0x9E00  }
0x20: {  	[spmem:s3] =	stream.indirect.scatter.add.f32 [tilespmem:s12], [sflag:$0x1], $0x10, s16, s13, $0xb8;
	[tilespmem:$0x5780] =	vst v63  }
.Ltmp0:
0x21: {  	_ = 	snop;
	(pc) =	sbr.rel @p0 .LBB2_2-.Ltmp0, $4  }
0x22: {  	_ = 	snop  }
0x23: {  	s15 =	sadd.s32 $0x200, s15  }
0x24: {  	_ =	swait.ge [sflag:s11], $0x800  }
0x25: {  	[sflag:s11] =	ssyncset.done $0x0  }
0x26: {  	s14 =	sadd.s32 $0x1, s14  }
0x27: {  	[sflag:s11] =	ssyncadd.s32 $0xFFFFF800;
	p0 =	sne.s32 s14, s9  }
.Ltmp1:
0x28: {  	[bflag:$0x0] =	sbarrier.arrive $0xFFFF;
	(pc) =	sbr.rel @p0 .LBB2_1-.Ltmp1, $4  }
0x29: {  	[hbm:s8], [sflag:s6] =	dma.local [spmem:s10], $0x4F0  }
0x2a: {  	_ =	swait.ge [sflag:s11], $0x4F0  }
0x2b: {  	[sflag:s11] =	ssyncset.done $0x0  }
0x2c: {  	[sflag:s11] =	ssyncadd.s32 $0xFFFFFB10  }
0x2d: {  	_ =	sfence.sel $0x180000  }
0x2e: {  	[bflag:$0x0] =	sbarrier.arrive $0xFFFF  }
0x2f: {  	p0 =	sne.s32 s0, $0x0;
	_ =	strace $0x90000047  }
0x30: {  	s0 =	sadd.s32 @!p0 $0x100000, s2;
	[bflag:$0x2] =	sbarrier.arrive $0xFFFF  }
0x31: {  	[sflag:s0] =	ssyncadd.tile.s32 @!p0 $0x1;
	_ =	shalt  }
.Lfunc_end2:
_tile_overlayer_lowered:
.L_overlay_start_2:
0x32: {  	(tag) =	ssettag $0x2  }
0x33: {  	s0 =	rddreg [dreg:$0x0];
	s2 =	stileid.u32  }
0x34: {  	s1 =	rddreg [dreg:$0x1];
	p0 =	sne.s32 s2, $0x0  }
0x35: {  	s3 =	rddreg [dreg:$0x2];
	[bflag:$0x3] =	sbarrier.arrive $0xFFFF;
	s2 =	simm.s32 @!p0 $0x1C01  }
0x36: {  	[timem:s3], [sflag:s2] =	dma.local @!p0 [hbm:s0], s1  }
0x37: {  	s0 =	simm.s32 @!p0 $0x1  }
0x38: {  	_ =	swait.ge @!p0 [sflag:s0], s1  }
0x39: {  	s1 =	ssub.s32 @!p0 $0x0, s1;
	[sflag:s0] =	ssyncset.done @!p0 $0x0  }
0x3a: {  	[sflag:s0] =	ssyncadd.s32 @!p0 s1  }
0x3b: {  	[bflag:$0x3] =	sbarrier.arrive $0xFFFF  }
0x3c: {  	_ =	shalt  }

// kernel: kernel.15.cloned.1.call-start
scs
__scs_entry_jumppad:
0x0: {  	(pc) =	sbr.rel $0x88, $3  }
0x1: {  	(tag) =	ssettag $0x0;
	lr =	simm.s32 $0x1  }
0x2: {  	[smem:$0x3F98] =	sst lr;
	_ =	strace $0xD0000000  }
0x3: {  	_ = 	snop  }
0x4: {  	_ = 	snop  }
0x5: {  	_ = 	snop  }
0x6: {  	_ = 	snop  }
0x7: {  	_ = 	snop  }
__scs_overlays_trampoline_lowered:
0x8: {  	[smem:$0x3FA7] =	sst s0  }
0x9: {  	[smem:$0x3FA8] =	sst s1  }
0xa: {  	[smem:$0x3FA9] =	sst s2  }
0xb: {  	[smem:$0x3FAA] =	sst s3  }
0xc: {  	[smem:$0x3FAB] =	sst s4  }
0xd: {  	[smem:$0x3FAC] =	sst s5  }
0xe: {  	[smem:$0x3FAD] =	sst s6  }
0xf: {  	[smem:$0x3FAE] =	sst s7  }
0x10: {  	[smem:$0x3FAF] =	sst s8  }
0x11: {  	[smem:$0x3FB0] =	sst s9;
	s0 =	simm.s32 @!p0 $0x0  }
0x12: {  	s1 =	sld [smem:$0x3F96];
	s0 =	simm.s32 @p0 $0x1  }
0x13: {  	[smem:$0x3FB1] =	sst s0;
	s0 =	simm.s32 @!p1 $0x0  }
0x14: {  	s2 =	sld [smem:$0x3F95];
	s0 =	simm.s32 @p1 $0x1  }
0x15: {  	[smem:$0x3FB2] =	sst s0;
	s0 =	simm.s32 @!p2 $0x0  }
0x16: {  	s3 =	sld [smem:$0x3FDB];
	s0 =	simm.s32 @p2 $0x1  }
0x17: {  	s4 =	simm.s32 $0x1BF5;
	[smem:$0x3FB4] =	sst s0  }
0x18: {  	s0 =	sld [smem:$0x3F97];
	_ =	swait.ge [sflag:s4], $0x0  }
0x19: {  	s7 =	sld [smem:$0x3F98]  }
0x1a: {  	s8 =	sadd.s32 $0xFFFFE003, lr  }
0x1b: {  	s9 =	sadd.s32 $0xFFFFFEF7, lr;
	s5 =	simm.s32 $0xFFFFFFFF;
	p2 =	slt.u32 s8, $0xFFFFF086  }
0x1c: {  	p1 =	slt.u32 s9, $0xF7A;
	s5 =	simm.s32 @!p2 $0x0  }
0x1d: {  	s5 =	simm.s32 @p1 $0x1;
	p0 =	seq.s32 s7, s2  }
0x1e: {  	s7 =	smul.u32 @!p0 $0xF7A, s2;
	p2 =	seq.s32 @!p0 s5, $0x0  }
0x1f: {  	s9 =	smul.u32 $0xF7A, s1;
	s8 =	simm.s32 @!p0 $0x1BF5;
	p2 =	por !p2, p0  }
0x20: {  	[sflag:s8] =	ssyncset.s32 @!p0 $0xFFFFF086;
	s6 =	sadd.s32 @!p0 s3, s7;
	s7 =	simm.s32 @!p0 $0x108  }
0x21: {  	s3 =	sadd.s32 s3, s9;
	s6 =	sadd.s32 @!p0 $0x88, s6;
	s7 =	simm.s32 @p2 $0x1082  }
0x22: {  	[simem:s7], [sflag:s8] =	dma.local @!p0 [hbm:s6], $0xF7A  }
0x23: {  	s9 =	sor.u32 $0xD0000000, s2;
	s6 =	simm.s32 $0x108;
	_ =	swait.ge @!p0 [sflag:s8], $0x0  }
0x24: {  	s3 =	sadd.s32 $0x88, s3;
	s6 =	simm.s32 @!p1 $0x1082;
	[sflag:s4] =	ssyncset.s32 $0xFFFFF086  }
0x25: {  	[simem:s6], [sflag:s4] =	dma.local [hbm:s3], $0xF7A  }
0x26: {  	[smem:$0x3F98] =	sst s1;
	(tag) =	ssettag s2;
	_ =	strace s9  }
0x27: {  	s1 =	sld [smem:$0x3FA8]  }
0x28: {  	s2 =	sld [smem:$0x3FA9]  }
0x29: {  	s4 =	sld [smem:$0x3FAB]  }
0x2a: {  	p0 =	seq.s32 s5, $0x0;
	s5 =	sld [smem:$0x3FAC]  }
0x2b: {  	s6 =	sld [smem:$0x3FAD]  }
0x2c: {  	s7 =	sld [smem:$0x3FAE]  }
0x2d: {  	s3 =	simm.s32 $0x108;
	s8 =	sld [smem:$0x3FAF]  }
0x2e: {  	s3 =	simm.s32 @!p0 $0x1082;
	s9 =	sld [smem:$0x3FB0]  }
0x2f: {  	lr =	sadd.s32 s0, s3;
	s0 =	sld [smem:$0x3FA7]  }
0x30: {  	s3 =	sld [smem:$0x3FAA]  }
0x31: {  	[smem:$0x3FB3] =	sst s10  }
0x32: {  	s10 =	sld [smem:$0x3FB1];
	_ =	sdelay $0x3  }
0x33: {  	p0 =	seq.s32 s10, $0x1;
	s10 =	sld [smem:$0x3FB3];
	_ =	sdelay $0x3  }
0x34: {  	[smem:$0x3FB3] =	sst s10  }
0x35: {  	s10 =	sld [smem:$0x3FB2];
	_ =	sdelay $0x3  }
0x36: {  	p1 =	seq.s32 s10, $0x1;
	s10 =	sld [smem:$0x3FB3];
	_ =	sdelay $0x3  }
0x37: {  	[smem:$0x3FB3] =	sst s10  }
0x38: {  	s10 =	sld [smem:$0x3FB4]  }
0x39: {  	_ = 	snop;
	(pc) =	sbr.ind lr, $3  }
0x3a: {  	_ = 	snop  }
0x3b: {  	_ = 	snop  }
0x3c: {  	p2 =	seq.s32 s10, $0x1;
	s10 =	sld [smem:$0x3FB3]  }
0x3d: {  	_ =	shalt  }
0x3e: {  	_ =	shalt  }
0x3f: {  	_ =	shalt  }
0x40: {  	_ =	shalt  }
0x41: {  	_ =	shalt  }
0x42: {  	_ =	shalt  }
0x43: {  	_ =	shalt  }
0x44: {  	_ =	shalt  }
0x45: {  	_ =	shalt  }
0x46: {  	_ =	shalt  }
0x47: {  	_ =	shalt  }
0x48: {  	_ =	shalt  }
0x49: {  	_ =	shalt  }
0x4a: {  	_ =	shalt  }
0x4b: {  	_ =	shalt  }
0x4c: {  	_ =	shalt  }
0x4d: {  	_ =	shalt  }
0x4e: {  	_ =	shalt  }
0x4f: {  	_ =	shalt  }
0x50: {  	_ =	shalt  }
0x51: {  	_ =	shalt  }
0x52: {  	_ =	shalt  }
0x53: {  	_ =	shalt  }
0x54: {  	_ =	shalt  }
0x55: {  	_ =	shalt  }
0x56: {  	_ =	shalt  }
0x57: {  	_ =	shalt  }
0x58: {  	_ =	shalt  }
0x59: {  	_ =	shalt  }
0x5a: {  	_ =	shalt  }
0x5b: {  	_ =	shalt  }
0x5c: {  	_ =	shalt  }
0x5d: {  	_ =	shalt  }
0x5e: {  	_ =	shalt  }
0x5f: {  	_ =	shalt  }
0x60: {  	_ =	shalt  }
0x61: {  	_ =	shalt  }
0x62: {  	_ =	shalt  }
0x63: {  	_ =	shalt  }
0x64: {  	_ =	shalt  }
0x65: {  	_ =	shalt  }
0x66: {  	_ =	shalt  }
0x67: {  	_ =	shalt  }
0x68: {  	_ =	shalt  }
0x69: {  	_ =	shalt  }
0x6a: {  	_ =	shalt  }
0x6b: {  	_ =	shalt  }
0x6c: {  	_ =	shalt  }
0x6d: {  	_ =	shalt  }
0x6e: {  	_ =	shalt  }
0x6f: {  	_ =	shalt  }
0x70: {  	_ =	shalt  }
0x71: {  	_ =	shalt  }
0x72: {  	_ =	shalt  }
0x73: {  	_ =	shalt  }
0x74: {  	_ =	shalt  }
0x75: {  	_ =	shalt  }
0x76: {  	_ =	shalt  }
0x77: {  	_ =	shalt  }
0x78: {  	_ =	shalt  }
0x79: {  	_ =	shalt  }
0x7a: {  	_ =	shalt  }
0x7b: {  	_ =	shalt  }
0x7c: {  	_ =	shalt  }
0x7d: {  	_ =	shalt  }
0x7e: {  	_ =	shalt  }
0x7f: {  	_ =	shalt  }
0x80: {  	_ =	shalt  }
0x81: {  	_ =	shalt  }
0x82: {  	_ =	shalt  }
0x83: {  	_ =	shalt  }
0x84: {  	_ =	shalt  }
0x85: {  	_ =	shalt  }
0x86: {  	_ =	shalt  }
0x87: {  	_ =	shalt  }
.Lfunc_end0:
.L_simem_size_0:
called_computation.1_lowered:
.L_overlay_start_0:
0x88: {  	s2 =	sld [smem:$0x3FD9]  }
0x89: {  	s3 =	sld [smem:$0x3FFE];
	_ =	sdelay $0x1  }
0x8a: {  	s1 =	srdreg.scid  }
0x8b: {  	s0 =	sand.u32 $0x1, s1  }
0x8c: {  	s14 =	sshll.u32 s0, $0xA;
	s2 =	sadd.s32 s3, s2  }
0x8d: {  	s2 =	sadd.s32 s2, s14  }
0x8e: {  	[smem:$0x3FBF] =	sst s2  }
0x8f: {  	_ = 	snop  }
0x90: {  	s2 =	sld [smem:$0x3FD0];
	_ =	sdelay $0x2  }
0x91: {  	s15 =	simm.s32 $0xA;
	s4 =	simm.s32 $0x10  }
0x92: {  	[smem:s4], [sflag:s15] =	dma.local [hbm:s2], $0x1  }
0x93: {  	_ =	swait.eq [sflag:s15], $0x1  }
0x94: {  	[sflag:s15] =	ssyncset.done $0x0  }
0x95: {  	[sflag:s15] =	ssyncadd.s32 $0xFFFFFFFF  }
0x96: {  	s16 =	sld [smem:$0x12];
	(tm) =	ssettm $0x1  }
0x97: {  	s17 =	sld [smem:$0x3FFB];
	_ =	sdelay $0x3  }
0x98: {  	_ =	strace s17  }
0x99: {  	s3 =	sld [smem:$0x3FFC];
	_ =	sdelay $0x3  }
0x9a: {  	_ =	strace s3  }
0x9b: {  	s3 =	sld [smem:$0x3FFD];
	_ =	sdelay $0x3  }
0x9c: {  	_ =	strace s3  }
0x9d: {  	_ =	strace $0x8FFFFFFF  }
0x9e: {  	s18 =	sld [smem:$0x3FDB];
	_ =	sdelay $0x1  }
0x9f: {  	s19 =	simm.s32 $_scs_section_size  }
0xa0: {  	s5 =	simm.s32 $_size__tile_overlayer_lowered;
	s6 =	simm.s32 $_tile_overlayer_lowered  }
0xa1: {  	s22 =	simm.s32 $0x1BFF;
	s21 =	sshll.u32 s6, $0x1;
	s3 =	sadd.s32 s19, s18  }
0xa2: {  	s7 =	simm.s32 $0x0;
	s20 =	sshll.u32 s5, $0x1;
	s5 =	sadd.s32 s21, s3  }
0xa3: {  	[timem:s7], [sflag:s22] =	dma.local [hbm:s5], s20  }
0xa4: {  	_ =	swait.ge [sflag:s22], s20  }
0xa5: {  	s4 =	ssub.s32 $0x0, s20;
	[sflag:s22] =	ssyncset.done $0x0  }
0xa6: {  	[sflag:s22] =	ssyncadd.s32 s4;
	_ =	sdelay $0x1  }
0xa7: {  	s23 =	simm.s32 $0x1B8B  }
0xa8: {  	_ =	swait.ge [sflag:s23], $0x1  }
0xa9: {  	[sflag:s23] =	ssyncset.done $0x0  }
0xaa: {  	s25 =	simm.s32 $0x1B8E;
	s24 =	sld [smem:$0x3FFE];
	[sflag:s23] =	ssyncadd.s32 $0xFFFFFFFF  }
0xab: {  	s26 =	simm.s32 $execute0_lowered;
	[smem:$0x3FD2] =	sst s25  }
0xac: {  	s5 =	sshll.u32 s26, $0x1;
	_ =	strace $0x80000049;
	[dreg:$0x1] =	wrdreg $0xFFFFFFFF  }
0xad: {  	s28 =	simm.s32 $_size_execute0_lowered;
	s3 =	sadd.s32 s3, s5;
	[dreg:$0x0] =	wrdreg $0x0  }
0xae: {  	s5 =	sshll.u32 s28, $0x1;
	[dreg:$0x2] =	wrdreg s3  }
0xaf: {  	[dreg:$0x3] =	wrdreg s5  }
0xb0: {  	[dreg:$0x4] =	wrdreg $0xC0  }
0xb1: {  	_ =	task [dreg:s7], $0x5FFFF  }
0xb2: {  	[dreg:$0x1] =	wrdreg $0xFFFFFFFF  }
0xb3: {  	[dreg:$0x0] =	wrdreg $0x60  }
0xb4: {  	[dreg:$0x2] =	wrdreg s16  }
0xb5: {  	[dreg:$0x3] =	wrdreg s24  }
0xb6: {  	[dreg:$0x4] =	wrdreg $0xA8000  }
0xb7: {  	[dreg:$0x5] =	wrdreg $0x9  }
0xb8: {  	_ =	task.clear_ibuf [dreg:s7], $0x6FFFF;
	_ =	strace $0x90000049  }
0xb9: {  	s29 =	simm.s32 $0x9;
	_ =	strace $0x8000004B  }
0xba: {  	_ =	swait.ge [sflag:s29], $0x1  }
0xbb: {  	[sflag:s29] =	ssyncadd.s32 $0xFFFFFFFF  }
0xbc: {  	_ =	strace $0x9000004B  }
0xbd: {  	_ =	sfence  }
0xbe: {  	s30 =	sld [smem:$0x0];
	_ =	sdelay $0x2  }
0xbf: {  	s31 =	sshll.u32 s1, $0xD;
	s1 =	sshrl.u32 s1, $0x2  }
0xc0: {  	s3 =	sand.u32 $0x4000, s31;
	s1 =	sadd.s32 s1, s30  }
0xc1: {  	s0 =	sor.u32 s3, s0;
	s1 =	sshll.u32 s1, $0x11  }
0xc2: {  	s0 =	sor.u32 s1, s0  }
0xc3: {  	s0 =	sadd.s32 $0x8F2B, s0  }
0xc4: {  	[sflag:s0] =	ssyncadd.remote.s32 $0x1  }
0xc5: {  	_ =	sfence.sel $0xFFFF  }
0xc6: {  	[dreg:$0x0] =	wrdreg $0xFFFFFFFF;
	(pc) =	sbr.abs _section_cstart, $3  }
0xc7: {  	[dreg:$0x1] =	wrdreg $0xFFFFFFFF  }
0xc8: {  	_ =	task.clear_ibuf [dreg:s7], $0x2FFFF;
	_ =	strace $0x9FFFFFFF  }
0xc9: {  	(tm) =	ssettm $0x7FFFFFFF  }
tec
execute0_lowered:
.L_overlay_start_1:
0x0: {  	(tag) =	ssettag $0x1  }
0x1: {  	s1 =	rddreg [dreg:$0x0]  }
0x2: {  	s5 =	rddreg [dreg:$0x1]  }
0x3: {  	s3 =	rddreg [dreg:$0x2]  }
0x4: {  	s0 =	rddreg [dreg:$0x3];
	s4 =	simm.s32 $0x0;
	s2 =	stileid.u32  }
0x5: {  	s6 =	srdreg.scid;
	s15 =	simm.s32 $0x1400;
	s16 =	simm.s32 $0x80  }
0x6: {  	s17 =	simm.s32 $0x2800;
	s18 =	simm.s32 $0x6800;
	s19 =	simm.s32 $0x1  }
0x7: {  	s20 =	simm.s32 $0x2;
	s21 =	simm.s32 $0x2700;
	s22 =	simm.s32 $0x2780  }
0x8: {  	s23 =	simm.s32 $0x0;
	[smem:$0x7FF] =	sst s4;
	s7 =	smul.u32 $0x13C00, s2  }
0x9: {  	s6 =	sand.u32 $0x1, s6;
	s9 =	sadd.s32 $0xF400, s5;
	s10 =	sadd.s32 $0x5400, s5  }
0xa: {  	s12 =	sshll.u32 s2, $0x1;
	s30 =	sshll.u32 s2, $0x6;
	_ =	strace $0x8000004A  }
0xb: {  	s8 =	smul.u32 $0x13C000, s6;
	s13 =	ssub.s32 $0x2, s6;
	s6 =	sor.u32 s6, s12  }
0xc: {  	s11 =	sshrl.u32 s7, $0x3;
	s28 =	sshrl.u32 s13, $0x1;
	s29 =	smul.u32 $0x2800, s6  }
0xd: {  	s14 =	sadd.s32 s7, s3;
	s6 =	sor.u32 $0x1C03, s30;
	s8 =	sadd.s32 s7, s8  }
0xe: {  	s11 =	sadd.s32 s11, s5;
	s13 =	ssub.s32 s13, s28;
	s8 =	sshrl.u32 s8, $0x3  }
0xf: {  	s31 =	sshrl.u32 s29, $0x3;
	s12 =	smax.u32 s13, $0x1;
	s13 =	sshrl.u32 s14, $0x3  }
0x10: {  	s14 =	simm.s32 $0x3;
	s26 =	sadd.s32 s8, s5;
	s5 =	sadd.s32 $0x40600, s11  }
0x11: {  	s7 =	sadd.s32 s9, s31;
	s8 =	sadd.s32 s10, s31;
	s11 =	sadd.s32 $0x280, s31  }
0x12: {  	s9 =	sadd.s32 s9, s11;
	s10 =	sadd.s32 s10, s11;
	s11 =	sadd.s32 $0x67E00, s26  }
.LBB2_1:
0x13: {  	[spmem:s13], [sflag:s6] =	dma.local [hbm:s5], $0x2780  }
0x14: {  	_ =	swait.ge [sflag:s14], $0x2780  }
0x15: {  	[sflag:s14] =	ssyncset.done $0x0  }
0x16: {  	[sflag:s14] =	ssyncadd.s32 $0xFFFFD880  }
0x17: {  	[bflag:$0x0] =	sbarrier.arrive $0xFFFF  }
0x18: {  	[tilespmem:s4], [sflag:$0x3] =	stream.linear.gather [hbm4b:s7+s4], $0x1400, $0x38;
	[tilespmem:$0x1E400] =	vst v63  }
0x19: {  	_ =	swait.ge [sflag:s14], $0x1400  }
0x1a: {  	[sflag:s14] =	ssyncset.done $0x0  }
0x1b: {  	[sflag:s14] =	ssyncadd.s32 $0xFFFFEC00  }
0x1c: {  	[tilespmem:s15], [sflag:$0x3] =	stream.linear.gather [hbm4b:s8+s4], $0x1400, $0x38;
	[tilespmem:$0x1E400] =	vst v63  }
0x1d: {  	_ =	swait.ge [sflag:s14], $0x1400  }
0x1e: {  	[sflag:s14] =	ssyncset.done $0x0  }
0x1f: {  	[sflag:s14] =	ssyncadd.s32 $0xFFFFEC00  }
0x20: {  	[tilespmem:s17], [sflag:$0x1] =	stream.indirect.gather [hbm4b:s1+s16], $0x80, s4, s16, $0xb8;
	[tilespmem:$0x1E400] =	vst v63  }
0x21: {  	_ = 	snop  }
0x22: {  	[tilespmem:s18], [sflag:$0x2] =	stream.indirect.gather [hbm4b:s1+s16], $0x80, s16, s16, $0xb8;
	[tilespmem:$0x1E400] =	vst v63  }
0x23: {  	_ =	swait.ge [sflag:s19], $0x4000  }
0x24: {  	[sflag:s19] =	ssyncset.done $0x0  }
0x25: {  	s24 =	simm.s32 $0x1400;
	[sflag:s19] =	ssyncadd.s32 $0xFFFFC000  }
0x26: {  	[spmem:s3] =	stream.indirect.scatter.add.f32 [tilespmem:s17], [sflag:$0x3], $0x80, s24, s16, $0xb8;
	[tilespmem:$0x1E400] =	vst v63  }
0x27: {  	_ =	swait.ge [sflag:s14], $0x4000  }
0x28: {  	[sflag:s14] =	ssyncset.done $0x0  }
0x29: {  	s30 =	simm.s32 $0x100;
	[sflag:s14] =	ssyncadd.s32 $0xFFFFC000  }
0x2a: {  	[tilespmem:s17], [sflag:$0x1] =	stream.indirect.gather [hbm4b:s1+s16], $0x80, s30, s16, $0xb8;
	[tilespmem:$0x1E400] =	vst v63  }
0x2b: {  	_ =	swait.ge [sflag:s20], $0x4000  }
0x2c: {  	[sflag:s20] =	ssyncset.done $0x0  }
0x2d: {  	s31 =	simm.s32 $0x1480;
	[sflag:s20] =	ssyncadd.s32 $0xFFFFC000  }
0x2e: {  	[spmem:s3] =	stream.indirect.scatter.add.f32 [tilespmem:s18], [sflag:$0x3], $0x80, s31, s16, $0xb8;
	[tilespmem:$0x1E400] =	vst v63  }
0x2f: {  	_ =	swait.ge [sflag:s14], $0x4000  }
0x30: {  	[sflag:s14] =	ssyncset.done $0x0  }
0x31: {  	s25 =	simm.s32 $0x180;
	s24 =	simm.s32 $0x400;
	[sflag:s14] =	ssyncadd.s32 $0xFFFFC000  }
.LBB2_2:
0x32: {  	[tilespmem:s18], [sflag:$0x2] =	stream.indirect.gather [hbm4b:s1+s16], $0x80, s25, s16, $0xb8;
	[tilespmem:$0x1E400] =	vst v63  }
0x33: {  	s25 =	smov.u32 s24  }
0x34: {  	p0 =	sne.s32 s24, $0x4800;
	s24 =	sadd.s32 $0x400, s24;
	_ =	swait.ge [sflag:s19], $0x4000  }
0x35: {  	s25 =	sshra.s32 s25, $0x2;
	[sflag:s19] =	ssyncset.done $0x0  }
0x36: {  	s26 =	sadd.s32 $0x1400, s25;
	[sflag:s19] =	ssyncadd.s32 $0xFFFFC000  }
0x37: {  	[spmem:s3] =	stream.indirect.scatter.add.f32 [tilespmem:s17], [sflag:$0x3], $0x80, s26, s16, $0xb8;
	[tilespmem:$0x1E400] =	vst v63  }
0x38: {  	_ =	swait.ge [sflag:s14], $0x4000  }
0x39: {  	[sflag:s14] =	ssyncset.done $0x0  }
0x3a: {  	s26 =	sadd.s32 $0x100, s25;
	[sflag:s14] =	ssyncadd.s32 $0xFFFFC000  }
0x3b: {  	[tilespmem:s17], [sflag:$0x1] =	stream.indirect.gather [hbm4b:s1+s16], $0x80, s26, s16, $0xb8;
	[tilespmem:$0x1E400] =	vst v63  }
0x3c: {  	_ =	swait.ge [sflag:s20], $0x4000  }
0x3d: {  	[sflag:s20] =	ssyncset.done $0x0  }
.Ltmp0:
0x3e: {  	s26 =	sadd.s32 $0x1480, s25;
	[sflag:s20] =	ssyncadd.s32 $0xFFFFC000;
	(pc) =	sbr.rel @p0 .LBB2_2-.Ltmp0, $4  }
0x3f: {  	[spmem:s3] =	stream.indirect.scatter.add.f32 [tilespmem:s18], [sflag:$0x3], $0x80, s26, s16, $0xb8;
	[tilespmem:$0x1E400] =	vst v63  }
0x40: {  	_ =	swait.ge [sflag:s14], $0x4000  }
0x41: {  	[sflag:s14] =	ssyncset.done $0x0  }
0x42: {  	s25 =	sadd.s32 $0x180, s25;
	[sflag:s14] =	ssyncadd.s32 $0xFFFFC000  }
0x43: {  	[tilespmem:s18], [sflag:$0x2] =	stream.indirect.gather [hbm4b:s1+s16], $0x80, s25, s16, $0xb8;
	[tilespmem:$0x1E400] =	vst v63  }
0x44: {  	_ =	swait.ge [sflag:s19], $0x4000  }
0x45: {  	[sflag:s19] =	ssyncset.done $0x0  }
0x46: {  	[sflag:s19] =	ssyncadd.s32 $0xFFFFC000  }
0x47: {  	[spmem:s3] =	stream.indirect.scatter.add.f32 [tilespmem:s17], [sflag:$0x3], $0x80, s21, s16, $0xb8;
	[tilespmem:$0x1E400] =	vst v63  }
0x48: {  	_ =	swait.ge [sflag:s14], $0x4000  }
0x49: {  	[sflag:s14] =	ssyncset.done $0x0  }
0x4a: {  	[sflag:s14] =	ssyncadd.s32 $0xFFFFC000  }
0x4b: {  	_ =	swait.ge [sflag:s20], $0x4000  }
0x4c: {  	[sflag:s20] =	ssyncset.done $0x0  }
0x4d: {  	[sflag:s20] =	ssyncadd.s32 $0xFFFFC000  }
0x4e: {  	[spmem:s3] =	stream.indirect.scatter.add.f32 [tilespmem:s18], [sflag:$0x3], $0x80, s22, s16, $0xb8;
	[tilespmem:$0x1E400] =	vst v63  }
0x4f: {  	_ =	swait.ge [sflag:s14], $0x4000  }
0x50: {  	[sflag:s14] =	ssyncset.done $0x0  }
0x51: {  	s24 =	simm.s32 $0x0;
	[sflag:s14] =	ssyncadd.s32 $0xFFFFC000  }
0x52: {  	[tilespmem:s24], [sflag:$0x3] =	stream.linear.gather [hbm4b:s9+s24], $0x1400, $0x38;
	[tilespmem:$0x1E400] =	vst v63  }
0x53: {  	_ =	swait.ge [sflag:s14], $0x1400  }
0x54: {  	[sflag:s14] =	ssyncset.done $0x0  }
0x55: {  	[sflag:s14] =	ssyncadd.s32 $0xFFFFEC00  }
0x56: {  	[tilespmem:s15], [sflag:$0x3] =	stream.linear.gather [hbm4b:s10+s24], $0x1400, $0x38;
	[tilespmem:$0x1E400] =	vst v63  }
0x57: {  	_ =	swait.ge [sflag:s14], $0x1400  }
0x58: {  	[sflag:s14] =	ssyncset.done $0x0  }
0x59: {  	[sflag:s14] =	ssyncadd.s32 $0xFFFFEC00  }
0x5a: {  	[tilespmem:s17], [sflag:$0x1] =	stream.indirect.gather [hbm4b:s1+s16], $0x80, s24, s16, $0xb8;
	[tilespmem:$0x1E400] =	vst v63  }
0x5b: {  	_ = 	snop  }
0x5c: {  	[tilespmem:s18], [sflag:$0x2] =	stream.indirect.gather [hbm4b:s1+s16], $0x80, s16, s16, $0xb8;
	[tilespmem:$0x1E400] =	vst v63  }
0x5d: {  	_ =	swait.ge [sflag:s19], $0x4000  }
0x5e: {  	[sflag:s19] =	ssyncset.done $0x0  }
0x5f: {  	s29 =	simm.s32 $0x1400;
	[sflag:s19] =	ssyncadd.s32 $0xFFFFC000  }
0x60: {  	[spmem:s3] =	stream.indirect.scatter.add.f32 [tilespmem:s17], [sflag:$0x3], $0x80, s29, s16, $0xb8;
	[tilespmem:$0x1E400] =	vst v63  }
0x61: {  	_ =	swait.ge [sflag:s14], $0x4000  }
0x62: {  	[sflag:s14] =	ssyncset.done $0x0  }
0x63: {  	s30 =	simm.s32 $0x100;
	[sflag:s14] =	ssyncadd.s32 $0xFFFFC000  }
0x64: {  	[tilespmem:s17], [sflag:$0x1] =	stream.indirect.gather [hbm4b:s1+s16], $0x80, s30, s16, $0xb8;
	[tilespmem:$0x1E400] =	vst v63  }
0x65: {  	_ =	swait.ge [sflag:s20], $0x4000  }
0x66: {  	[sflag:s20] =	ssyncset.done $0x0  }
0x67: {  	s31 =	simm.s32 $0x1480;
	[sflag:s20] =	ssyncadd.s32 $0xFFFFC000  }
0x68: {  	[spmem:s3] =	stream.indirect.scatter.add.f32 [tilespmem:s18], [sflag:$0x3], $0x80, s31, s16, $0xb8;
	[tilespmem:$0x1E400] =	vst v63  }
0x69: {  	_ =	swait.ge [sflag:s14], $0x4000  }
0x6a: {  	[sflag:s14] =	ssyncset.done $0x0  }
0x6b: {  	s25 =	simm.s32 $0x180;
	s24 =	simm.s32 $0x400;
	[sflag:s14] =	ssyncadd.s32 $0xFFFFC000  }
.LBB2_4:
0x6c: {  	[tilespmem:s18], [sflag:$0x2] =	stream.indirect.gather [hbm4b:s1+s16], $0x80, s25, s16, $0xb8;
	[tilespmem:$0x1E400] =	vst v63  }
0x6d: {  	s25 =	smov.u32 s24  }
0x6e: {  	p0 =	sne.s32 s24, $0x4800;
	s24 =	sadd.s32 $0x400, s24;
	_ =	swait.ge [sflag:s19], $0x4000  }
0x6f: {  	s25 =	sshra.s32 s25, $0x2;
	[sflag:s19] =	ssyncset.done $0x0  }
0x70: {  	s26 =	sadd.s32 $0x1400, s25;
	[sflag:s19] =	ssyncadd.s32 $0xFFFFC000  }
0x71: {  	[spmem:s3] =	stream.indirect.scatter.add.f32 [tilespmem:s17], [sflag:$0x3], $0x80, s26, s16, $0xb8;
	[tilespmem:$0x1E400] =	vst v63  }
0x72: {  	_ =	swait.ge [sflag:s14], $0x4000  }
0x73: {  	[sflag:s14] =	ssyncset.done $0x0  }
0x74: {  	s26 =	sadd.s32 $0x100, s25;
	[sflag:s14] =	ssyncadd.s32 $0xFFFFC000  }
0x75: {  	[tilespmem:s17], [sflag:$0x1] =	stream.indirect.gather [hbm4b:s1+s16], $0x80, s26, s16, $0xb8;
	[tilespmem:$0x1E400] =	vst v63  }
0x76: {  	_ =	swait.ge [sflag:s20], $0x4000  }
0x77: {  	[sflag:s20] =	ssyncset.done $0x0  }
.Ltmp1:
0x78: {  	s26 =	sadd.s32 $0x1480, s25;
	[sflag:s20] =	ssyncadd.s32 $0xFFFFC000;
	(pc) =	sbr.rel @p0 .LBB2_4-.Ltmp1, $4  }
0x79: {  	[spmem:s3] =	stream.indirect.scatter.add.f32 [tilespmem:s18], [sflag:$0x3], $0x80, s26, s16, $0xb8;
	[tilespmem:$0x1E400] =	vst v63  }
0x7a: {  	_ =	swait.ge [sflag:s14], $0x4000  }
0x7b: {  	[sflag:s14] =	ssyncset.done $0x0  }
0x7c: {  	s25 =	sadd.s32 $0x180, s25;
	[sflag:s14] =	ssyncadd.s32 $0xFFFFC000  }
0x7d: {  	[tilespmem:s18], [sflag:$0x2] =	stream.indirect.gather [hbm4b:s1+s16], $0x80, s25, s16, $0xb8;
	[tilespmem:$0x1E400] =	vst v63  }
0x7e: {  	_ =	swait.ge [sflag:s19], $0x4000  }
0x7f: {  	[sflag:s19] =	ssyncset.done $0x0  }
0x80: {  	[sflag:s19] =	ssyncadd.s32 $0xFFFFC000  }
0x81: {  	[spmem:s3] =	stream.indirect.scatter.add.f32 [tilespmem:s17], [sflag:$0x3], $0x80, s21, s16, $0xb8;
	[tilespmem:$0x1E400] =	vst v63  }
0x82: {  	_ =	swait.ge [sflag:s14], $0x4000  }
0x83: {  	[sflag:s14] =	ssyncset.done $0x0  }
0x84: {  	[sflag:s14] =	ssyncadd.s32 $0xFFFFC000  }
0x85: {  	_ =	swait.ge [sflag:s20], $0x4000  }
0x86: {  	[sflag:s20] =	ssyncset.done $0x0  }
0x87: {  	[sflag:s20] =	ssyncadd.s32 $0xFFFFC000  }
0x88: {  	[spmem:s3] =	stream.indirect.scatter.add.f32 [tilespmem:s18], [sflag:$0x3], $0x80, s22, s16, $0xb8;
	[tilespmem:$0x1E400] =	vst v63  }
0x89: {  	_ =	swait.ge [sflag:s14], $0x4000  }
0x8a: {  	s23 =	sadd.s32 $0x1, s23;
	[sflag:s14] =	ssyncset.done $0x0  }
0x8b: {  	p0 =	sne.s32 s23, s12;
	[sflag:s14] =	ssyncadd.s32 $0xFFFFC000  }
.Ltmp2:
0x8c: {  	[bflag:$0x0] =	sbarrier.arrive $0xFFFF;
	(pc) =	sbr.rel @p0 .LBB2_1-.Ltmp2, $4  }
0x8d: {  	[hbm:s11], [sflag:s6] =	dma.local [spmem:s13], $0x2780  }
0x8e: {  	_ =	swait.ge [sflag:s14], $0x2780  }
0x8f: {  	[sflag:s14] =	ssyncset.done $0x0  }
0x90: {  	[sflag:s14] =	ssyncadd.s32 $0xFFFFD880  }
0x91: {  	_ =	sfence.sel $0x180000  }
0x92: {  	[bflag:$0x0] =	sbarrier.arrive $0xFFFF  }
0x93: {  	p0 =	sne.s32 s2, $0x0;
	_ =	strace $0x9000004A  }
0x94: {  	s0 =	sadd.s32 @!p0 $0x100000, s0;
	[bflag:$0x2] =	sbarrier.arrive $0xFFFF  }
0x95: {  	[sflag:s0] =	ssyncadd.tile.s32 @!p0 $0x1;
	_ =	shalt  }
.Lfunc_end2:
_tile_overlayer_lowered:
.L_overlay_start_2:
0x96: {  	(tag) =	ssettag $0x2  }
0x97: {  	s0 =	rddreg [dreg:$0x0];
	s2 =	stileid.u32  }
0x98: {  	s1 =	rddreg [dreg:$0x1];
	p0 =	sne.s32 s2, $0x0  }
0x99: {  	s3 =	rddreg [dreg:$0x2];
	[bflag:$0x3] =	sbarrier.arrive $0xFFFF;
	s2 =	simm.s32 @!p0 $0x1C03  }
0x9a: {  	[timem:s3], [sflag:s2] =	dma.local @!p0 [hbm:s0], s1  }
0x9b: {  	s0 =	simm.s32 @!p0 $0x3  }
0x9c: {  	_ =	swait.ge @!p0 [sflag:s0], s1  }
0x9d: {  	s1 =	ssub.s32 @!p0 $0x0, s1;
	[sflag:s0] =	ssyncset.done @!p0 $0x0  }
0x9e: {  	[sflag:s0] =	ssyncadd.s32 @!p0 s1  }
0x9f: {  	[bflag:$0x3] =	sbarrier.arrive $0xFFFF  }
0xa0: {  	_ =	shalt  }

// kernel: kernel.18.cloned.1.call-start
scs
__scs_entry_jumppad:
0x0: {  	(pc) =	sbr.rel $0x88, $3  }
0x1: {  	(tag) =	ssettag $0x0;
	lr =	simm.s32 $0x1  }
0x2: {  	[smem:$0x3F98] =	sst lr;
	_ =	strace $0xD0000000  }
0x3: {  	_ = 	snop  }
0x4: {  	_ = 	snop  }
0x5: {  	_ = 	snop  }
0x6: {  	_ = 	snop  }
0x7: {  	_ = 	snop  }
__scs_overlays_trampoline_lowered:
0x8: {  	[smem:$0x3FA7] =	sst s0  }
0x9: {  	[smem:$0x3FA8] =	sst s1  }
0xa: {  	[smem:$0x3FA9] =	sst s2  }
0xb: {  	[smem:$0x3FAA] =	sst s3  }
0xc: {  	[smem:$0x3FAB] =	sst s4  }
0xd: {  	[smem:$0x3FAC] =	sst s5  }
0xe: {  	[smem:$0x3FAD] =	sst s6  }
0xf: {  	[smem:$0x3FAE] =	sst s7  }
0x10: {  	[smem:$0x3FAF] =	sst s8  }
0x11: {  	[smem:$0x3FB0] =	sst s9;
	s0 =	simm.s32 @!p0 $0x0  }
0x12: {  	s1 =	sld [smem:$0x3F96];
	s0 =	simm.s32 @p0 $0x1  }
0x13: {  	[smem:$0x3FB1] =	sst s0;
	s0 =	simm.s32 @!p1 $0x0  }
0x14: {  	s2 =	sld [smem:$0x3F95];
	s0 =	simm.s32 @p1 $0x1  }
0x15: {  	[smem:$0x3FB2] =	sst s0;
	s0 =	simm.s32 @!p2 $0x0  }
0x16: {  	s3 =	sld [smem:$0x3FDB];
	s0 =	simm.s32 @p2 $0x1  }
0x17: {  	s4 =	simm.s32 $0x1BF5;
	[smem:$0x3FB4] =	sst s0  }
0x18: {  	s0 =	sld [smem:$0x3F97];
	_ =	swait.ge [sflag:s4], $0x0  }
0x19: {  	s7 =	sld [smem:$0x3F98]  }
0x1a: {  	s8 =	sadd.s32 $0xFFFFE003, lr  }
0x1b: {  	s9 =	sadd.s32 $0xFFFFFEF7, lr;
	s5 =	simm.s32 $0xFFFFFFFF;
	p2 =	slt.u32 s8, $0xFFFFF086  }
0x1c: {  	p1 =	slt.u32 s9, $0xF7A;
	s5 =	simm.s32 @!p2 $0x0  }
0x1d: {  	s5 =	simm.s32 @p1 $0x1;
	p0 =	seq.s32 s7, s2  }
0x1e: {  	s7 =	smul.u32 @!p0 $0xF7A, s2;
	p2 =	seq.s32 @!p0 s5, $0x0  }
0x1f: {  	s9 =	smul.u32 $0xF7A, s1;
	s8 =	simm.s32 @!p0 $0x1BF5;
	p2 =	por !p2, p0  }
0x20: {  	[sflag:s8] =	ssyncset.s32 @!p0 $0xFFFFF086;
	s6 =	sadd.s32 @!p0 s3, s7;
	s7 =	simm.s32 @!p0 $0x108  }
0x21: {  	s3 =	sadd.s32 s3, s9;
	s6 =	sadd.s32 @!p0 $0x88, s6;
	s7 =	simm.s32 @p2 $0x1082  }
0x22: {  	[simem:s7], [sflag:s8] =	dma.local @!p0 [hbm:s6], $0xF7A  }
0x23: {  	s9 =	sor.u32 $0xD0000000, s2;
	s6 =	simm.s32 $0x108;
	_ =	swait.ge @!p0 [sflag:s8], $0x0  }
0x24: {  	s3 =	sadd.s32 $0x88, s3;
	s6 =	simm.s32 @!p1 $0x1082;
	[sflag:s4] =	ssyncset.s32 $0xFFFFF086  }
0x25: {  	[simem:s6], [sflag:s4] =	dma.local [hbm:s3], $0xF7A  }
0x26: {  	[smem:$0x3F98] =	sst s1;
	(tag) =	ssettag s2;
	_ =	strace s9  }
0x27: {  	s1 =	sld [smem:$0x3FA8]  }
0x28: {  	s2 =	sld [smem:$0x3FA9]  }
0x29: {  	s4 =	sld [smem:$0x3FAB]  }
0x2a: {  	p0 =	seq.s32 s5, $0x0;
	s5 =	sld [smem:$0x3FAC]  }
0x2b: {  	s6 =	sld [smem:$0x3FAD]  }
0x2c: {  	s7 =	sld [smem:$0x3FAE]  }
0x2d: {  	s3 =	simm.s32 $0x108;
	s8 =	sld [smem:$0x3FAF]  }
0x2e: {  	s3 =	simm.s32 @!p0 $0x1082;
	s9 =	sld [smem:$0x3FB0]  }
0x2f: {  	lr =	sadd.s32 s0, s3;
	s0 =	sld [smem:$0x3FA7]  }
0x30: {  	s3 =	sld [smem:$0x3FAA]  }
0x31: {  	[smem:$0x3FB3] =	sst s10  }
0x32: {  	s10 =	sld [smem:$0x3FB1];
	_ =	sdelay $0x3  }
0x33: {  	p0 =	seq.s32 s10, $0x1;
	s10 =	sld [smem:$0x3FB3];
	_ =	sdelay $0x3  }
0x34: {  	[smem:$0x3FB3] =	sst s10  }
0x35: {  	s10 =	sld [smem:$0x3FB2];
	_ =	sdelay $0x3  }
0x36: {  	p1 =	seq.s32 s10, $0x1;
	s10 =	sld [smem:$0x3FB3];
	_ =	sdelay $0x3  }
0x37: {  	[smem:$0x3FB3] =	sst s10  }
0x38: {  	s10 =	sld [smem:$0x3FB4]  }
0x39: {  	_ = 	snop;
	(pc) =	sbr.ind lr, $3  }
0x3a: {  	_ = 	snop  }
0x3b: {  	_ = 	snop  }
0x3c: {  	p2 =	seq.s32 s10, $0x1;
	s10 =	sld [smem:$0x3FB3]  }
0x3d: {  	_ =	shalt  }
0x3e: {  	_ =	shalt  }
0x3f: {  	_ =	shalt  }
0x40: {  	_ =	shalt  }
0x41: {  	_ =	shalt  }
0x42: {  	_ =	shalt  }
0x43: {  	_ =	shalt  }
0x44: {  	_ =	shalt  }
0x45: {  	_ =	shalt  }
0x46: {  	_ =	shalt  }
0x47: {  	_ =	shalt  }
0x48: {  	_ =	shalt  }
0x49: {  	_ =	shalt  }
0x4a: {  	_ =	shalt  }
0x4b: {  	_ =	shalt  }
0x4c: {  	_ =	shalt  }
0x4d: {  	_ =	shalt  }
0x4e: {  	_ =	shalt  }
0x4f: {  	_ =	shalt  }
0x50: {  	_ =	shalt  }
0x51: {  	_ =	shalt  }
0x52: {  	_ =	shalt  }
0x53: {  	_ =	shalt  }
0x54: {  	_ =	shalt  }
0x55: {  	_ =	shalt  }
0x56: {  	_ =	shalt  }
0x57: {  	_ =	shalt  }
0x58: {  	_ =	shalt  }
0x59: {  	_ =	shalt  }
0x5a: {  	_ =	shalt  }
0x5b: {  	_ =	shalt  }
0x5c: {  	_ =	shalt  }
0x5d: {  	_ =	shalt  }
0x5e: {  	_ =	shalt  }
0x5f: {  	_ =	shalt  }
0x60: {  	_ =	shalt  }
0x61: {  	_ =	shalt  }
0x62: {  	_ =	shalt  }
0x63: {  	_ =	shalt  }
0x64: {  	_ =	shalt  }
0x65: {  	_ =	shalt  }
0x66: {  	_ =	shalt  }
0x67: {  	_ =	shalt  }
0x68: {  	_ =	shalt  }
0x69: {  	_ =	shalt  }
0x6a: {  	_ =	shalt  }
0x6b: {  	_ =	shalt  }
0x6c: {  	_ =	shalt  }
0x6d: {  	_ =	shalt  }
0x6e: {  	_ =	shalt  }
0x6f: {  	_ =	shalt  }
0x70: {  	_ =	shalt  }
0x71: {  	_ =	shalt  }
0x72: {  	_ =	shalt  }
0x73: {  	_ =	shalt  }
0x74: {  	_ =	shalt  }
0x75: {  	_ =	shalt  }
0x76: {  	_ =	shalt  }
0x77: {  	_ =	shalt  }
0x78: {  	_ =	shalt  }
0x79: {  	_ =	shalt  }
0x7a: {  	_ =	shalt  }
0x7b: {  	_ =	shalt  }
0x7c: {  	_ =	shalt  }
0x7d: {  	_ =	shalt  }
0x7e: {  	_ =	shalt  }
0x7f: {  	_ =	shalt  }
0x80: {  	_ =	shalt  }
0x81: {  	_ =	shalt  }
0x82: {  	_ =	shalt  }
0x83: {  	_ =	shalt  }
0x84: {  	_ =	shalt  }
0x85: {  	_ =	shalt  }
0x86: {  	_ =	shalt  }
0x87: {  	_ =	shalt  }
.Lfunc_end0:
.L_simem_size_0:
called_computation.2_lowered:
.L_overlay_start_0:
0x88: {  	s2 =	sld [smem:$0x3FD9]  }
0x89: {  	s3 =	sld [smem:$0x3FFE];
	_ =	sdelay $0x1  }
0x8a: {  	s1 =	srdreg.scid  }
0x8b: {  	s0 =	sand.u32 $0x1, s1  }
0x8c: {  	s14 =	sshll.u32 s0, $0xA;
	s2 =	sadd.s32 s3, s2  }
0x8d: {  	s2 =	sadd.s32 s2, s14  }
0x8e: {  	[smem:$0x3FBF] =	sst s2  }
0x8f: {  	_ = 	snop  }
0x90: {  	s2 =	sld [smem:$0x3FD0];
	_ =	sdelay $0x2  }
0x91: {  	s15 =	simm.s32 $0xA;
	s4 =	simm.s32 $0x10  }
0x92: {  	[smem:s4], [sflag:s15] =	dma.local [hbm:s2], $0x1  }
0x93: {  	_ =	swait.eq [sflag:s15], $0x1  }
0x94: {  	[sflag:s15] =	ssyncset.done $0x0  }
0x95: {  	s16 =	sld [smem:$0x10];
	[sflag:s15] =	ssyncadd.s32 $0xFFFFFFFF  }
0x96: {  	s17 =	sld [smem:$0x11];
	(tm) =	ssettm $0x1  }
0x97: {  	s18 =	sld [smem:$0x3FFB];
	_ =	sdelay $0x3  }
0x98: {  	_ =	strace s18  }
0x99: {  	s4 =	sld [smem:$0x3FFC];
	_ =	sdelay $0x3  }
0x9a: {  	_ =	strace s4  }
0x9b: {  	s4 =	sld [smem:$0x3FFD];
	_ =	sdelay $0x3  }
0x9c: {  	_ =	strace s4  }
0x9d: {  	_ =	strace $0x8FFFFFFF  }
0x9e: {  	s19 =	sld [smem:$0x3FDB];
	_ =	sdelay $0x1  }
0x9f: {  	s5 =	simm.s32 $_scs_section_size  }
0xa0: {  	s6 =	simm.s32 $_size__tile_overlayer_lowered;
	s7 =	simm.s32 $_tile_overlayer_lowered  }
0xa1: {  	s22 =	simm.s32 $0x1BFF;
	s21 =	sshll.u32 s7, $0x1;
	s4 =	sadd.s32 s5, s19  }
0xa2: {  	s8 =	simm.s32 $0x0;
	s20 =	sshll.u32 s6, $0x1;
	s6 =	sadd.s32 s21, s4  }
0xa3: {  	[timem:s8], [sflag:s22] =	dma.local [hbm:s6], s20  }
0xa4: {  	_ =	swait.ge [sflag:s22], s20  }
0xa5: {  	s5 =	ssub.s32 $0x0, s20;
	[sflag:s22] =	ssyncset.done $0x0  }
0xa6: {  	[sflag:s22] =	ssyncadd.s32 s5;
	_ =	sdelay $0x1  }
0xa7: {  	s23 =	simm.s32 $0x1B8B  }
0xa8: {  	_ =	swait.ge [sflag:s23], $0x1  }
0xa9: {  	[sflag:s23] =	ssyncset.done $0x0  }
0xaa: {  	s25 =	simm.s32 $0x1B8E;
	s24 =	sld [smem:$0x3FFE];
	[sflag:s23] =	ssyncadd.s32 $0xFFFFFFFF  }
0xab: {  	s26 =	simm.s32 $execute0_lowered;
	[smem:$0x3FD2] =	sst s25  }
0xac: {  	s6 =	sshll.u32 s26, $0x1;
	_ =	strace $0x8000004C;
	[dreg:$0x1] =	wrdreg $0xFFFFFFFF  }
0xad: {  	s28 =	simm.s32 $_size_execute0_lowered;
	s4 =	sadd.s32 s4, s6;
	[dreg:$0x0] =	wrdreg $0x0  }
0xae: {  	s6 =	sshll.u32 s28, $0x1;
	[dreg:$0x2] =	wrdreg s4  }
0xaf: {  	[dreg:$0x3] =	wrdreg s6  }
0xb0: {  	[dreg:$0x4] =	wrdreg $0xC0  }
0xb1: {  	_ =	task [dreg:s8], $0x5FFFF  }
0xb2: {  	[dreg:$0x1] =	wrdreg $0xFFFFFFFF  }
0xb3: {  	[dreg:$0x0] =	wrdreg $0x60  }
0xb4: {  	[dreg:$0x2] =	wrdreg s16  }
0xb5: {  	[dreg:$0x3] =	wrdreg s24  }
0xb6: {  	[dreg:$0x4] =	wrdreg s17  }
0xb7: {  	[dreg:$0x5] =	wrdreg $0xD0000  }
0xb8: {  	[dreg:$0x6] =	wrdreg $0x9  }
0xb9: {  	_ =	task.clear_ibuf [dreg:s8], $0x7FFFF;
	_ =	strace $0x9000004C  }
0xba: {  	s29 =	simm.s32 $0x9;
	_ =	strace $0x8000004E  }
0xbb: {  	_ =	swait.ge [sflag:s29], $0x1  }
0xbc: {  	[sflag:s29] =	ssyncadd.s32 $0xFFFFFFFF  }
0xbd: {  	_ =	strace $0x9000004E  }
0xbe: {  	_ =	sfence  }
0xbf: {  	s30 =	sld [smem:$0x0];
	_ =	sdelay $0x2  }
0xc0: {  	s31 =	sshll.u32 s1, $0xD;
	s1 =	sshrl.u32 s1, $0x2  }
0xc1: {  	s3 =	sand.u32 $0x4000, s31;
	s1 =	sadd.s32 s1, s30  }
0xc2: {  	s0 =	sor.u32 s3, s0;
	s1 =	sshll.u32 s1, $0x11  }
0xc3: {  	s0 =	sor.u32 s1, s0  }
0xc4: {  	s0 =	sadd.s32 $0x8F2B, s0  }
0xc5: {  	[sflag:s0] =	ssyncadd.remote.s32 $0x1  }
0xc6: {  	_ =	sfence.sel $0xFFFF  }
0xc7: {  	[dreg:$0x0] =	wrdreg $0xFFFFFFFF;
	(pc) =	sbr.abs _section_cstart, $3  }
0xc8: {  	[dreg:$0x1] =	wrdreg $0xFFFFFFFF  }
0xc9: {  	_ =	task.clear_ibuf [dreg:s8], $0x2FFFF;
	_ =	strace $0x9FFFFFFF  }
0xca: {  	(tm) =	ssettm $0x7FFFFFFF  }
0xcb: {  	_ =	shalt  }
tec
execute0_lowered:
.L_overlay_start_1:
0x0: {  	(tag) =	ssettag $0x1  }
0x1: {  	s1 =	rddreg [dreg:$0x0]  }
0x2: {  	s0 =	rddreg [dreg:$0x1]  }
0x3: {  	s2 =	rddreg [dreg:$0x2]  }
0x4: {  	s3 =	rddreg [dreg:$0x3];
	s4 =	srdreg.scid  }
0x5: {  	s13 =	stileid.u32;
	s14 =	simm.s32 $0x80;
	s15 =	simm.s32 $0x5000  }
0x6: {  	s16 =	simm.s32 $0x7000;
	s17 =	simm.s32 $0x1;
	s19 =	simm.s32 $0x9000  }
0x7: {  	s20 =	simm.s32 $0x2;
	s23 =	simm.s32 $0xB000;
	s24 =	simm.s32 $0x3  }
0x8: {  	s26 =	simm.s32 $0x5;
	s29 =	simm.s32 $0x4;
	s31 =	simm.s32 $0x6  }
0x9: {  	s18 =	simm.s32 $0x8;
	s21 =	simm.s32 $0x0;
	s5 =	sand.u32 $0x1, s4  }
0xa: {  	s6 =	smul.u32 $0x9E00, s13;
	s4 =	simm.s32 $0x0;
	s7 =	sshll.u32 s13, $0x1  }
0xb: {  	s30 =	sshll.u32 s13, $0x6;
	s13 =	simm.s32 $0x2800;
	s8 =	smul.u32 $0x9E000, s5  }
0xc: {  	[smem:$0x7FF] =	sst s4;
	s7 =	sor.u32 s5, s7;
	s5 =	ssub.s32 $0x2, s5  }
0xd: {  	s7 =	smul.u32 $0x500, s7;
	_ =	strace $0x8000004D;
	s9 =	sshrl.u32 s5, $0x1  }
0xe: {  	s12 =	sadd.s32 s6, s3;
	s28 =	sshrl.u32 s6, $0x3;
	s8 =	sadd.s32 s6, s8  }
.Ltmp0:
0xf: {  	s11 =	ssub.s32 s5, s9;
	s5 =	sadd.s32 s2, s28;
	(pc) =	sbr.rel .LBB2_1-.Ltmp0, $4  }
0x10: {  	s6 =	sor.u32 $0x1C09, s30;
	s8 =	sshrl.u32 s8, $0x3;
	s10 =	sadd.s32 s7, s0  }
0x11: {  	s2 =	simm.s32 $0x7;
	s0 =	sadd.s32 s8, s0;
	s7 =	sadd.s32 $0xF400, s10  }
0x12: {  	s8 =	sadd.s32 $0x5400, s10;
	s10 =	smax.u32 s11, $0x1;
	s11 =	sshrl.u32 s12, $0x3  }
0x13: {  	s12 =	simm.s32 $0x9;
	s9 =	sadd.s32 $0x67E00, s0;
	s0 =	simm.s32 $0x280  }
.LBB2_4:
0x14: {  	_ =	swait.ge [sflag:s29], $0x2000  }
0x15: {  	[sflag:s29] =	ssyncset.done $0x0  }
0x16: {  	[sflag:s29] =	ssyncadd.s32 $0xFFFFE000  }
0x17: {  	[spmem:s3] =	stream.indirect.scatter.add.f32 [tilespmem:s23], [sflag:$0x8], $0x40, s28, s14, $0xb8;
	[tilespmem:$0x16E00] =	vst v63  }
0x18: {  	_ =	swait.ge [sflag:s26], $0x2000  }
0x19: {  	[sflag:s26] =	ssyncset.done $0x0  }
0x1a: {  	[sflag:s26] =	ssyncadd.s32 $0xFFFFE000  }
0x1b: {  	_ =	swait.ge [sflag:s31], $0x2000  }
0x1c: {  	[sflag:s31] =	ssyncset.done $0x0  }
0x1d: {  	[sflag:s31] =	ssyncadd.s32 $0xFFFFE000  }
0x1e: {  	_ =	swait.ge [sflag:s2], $0x2000  }
0x1f: {  	[sflag:s2] =	ssyncset.done $0x0  }
0x20: {  	[sflag:s2] =	ssyncadd.s32 $0xFFFFE000  }
0x21: {  	_ =	swait.ge [sflag:s18], $0x2000  }
0x22: {  	s21 =	sadd.s32 $0x1, s21;
	[sflag:s18] =	ssyncset.done $0x0  }
0x23: {  	p0 =	sne.s32 s21, s10;
	[sflag:s18] =	ssyncadd.s32 $0xFFFFE000  }
.Ltmp1:
0x24: {  	[bflag:$0x0] =	sbarrier.arrive $0xFFFF;
	(pc) =	sbr.rel @!p0 .LBB2_5-.Ltmp1, $4  }
0x25: {  	[hbm:s9], [sflag:s6] =	dma.local [spmem:s11], $0x13C0  }
0x26: {  	_ =	swait.ge [sflag:s12], $0x13C0  }
0x27: {  	[sflag:s12] =	ssyncset.done $0x0  }
0x28: {  	[sflag:s12] =	ssyncadd.s32 $0xFFFFEC40  }
.LBB2_1:
0x29: {  	[spmem:s11], [sflag:s6] =	dma.local [hbm:s5], $0x13C0  }
0x2a: {  	_ =	swait.ge [sflag:s12], $0x13C0  }
0x2b: {  	[sflag:s12] =	ssyncset.done $0x0  }
0x2c: {  	[sflag:s12] =	ssyncadd.s32 $0xFFFFEC40  }
0x2d: {  	[tilespmem:s4], [sflag:$0x9] =	stream.linear.gather [hbm4b:s7+s4], $0x2800, $0x38;
	[tilespmem:$0x16E00] =	vst v63  }
0x2e: {  	_ =	swait.ge [sflag:s12], $0x2800  }
0x2f: {  	[sflag:s12] =	ssyncset.done $0x0  }
0x30: {  	[sflag:s12] =	ssyncadd.s32 $0xFFFFD800  }
0x31: {  	[tilespmem:s13], [sflag:$0x9] =	stream.linear.gather [hbm4b:s8+s4], $0x2800, $0x38;
	[tilespmem:$0x16E00] =	vst v63  }
0x32: {  	_ =	swait.ge [sflag:s12], $0x2800  }
0x33: {  	[sflag:s12] =	ssyncset.done $0x0  }
0x34: {  	[sflag:s12] =	ssyncadd.s32 $0xFFFFD800  }
0x35: {  	[bflag:$0x0] =	sbarrier.arrive $0xFFFF  }
0x36: {  	[tilespmem:s15], [sflag:$0x1] =	stream.indirect.gather [hbm4b:s1+s14], $0x40, s4, s14, $0xb8;
	[tilespmem:$0x16E00] =	vst v63  }
0x37: {  	_ = 	snop  }
0x38: {  	[tilespmem:s16], [sflag:$0x2] =	stream.indirect.gather [hbm4b:s1+s14], $0x40, s14, s14, $0xb8;
	[tilespmem:$0x16E00] =	vst v63  }
0x39: {  	_ =	swait.ge [sflag:s17], $0x2000  }
0x3a: {  	[sflag:s17] =	ssyncset.done $0x0  }
0x3b: {  	[sflag:s17] =	ssyncadd.s32 $0xFFFFE000  }
0x3c: {  	[spmem:s3] =	stream.indirect.scatter.add.f32 [tilespmem:s15], [sflag:$0x5], $0x40, s13, s14, $0xb8;
	[tilespmem:$0x16E00] =	vst v63  }
0x3d: {  	s22 =	simm.s32 $0x100  }
0x3e: {  	[tilespmem:s19], [sflag:$0x3] =	stream.indirect.gather [hbm4b:s1+s14], $0x40, s22, s14, $0xb8;
	[tilespmem:$0x16E00] =	vst v63  }
0x3f: {  	_ =	swait.ge [sflag:s20], $0x2000  }
0x40: {  	[sflag:s20] =	ssyncset.done $0x0  }
0x41: {  	s28 =	simm.s32 $0x2880;
	[sflag:s20] =	ssyncadd.s32 $0xFFFFE000  }
0x42: {  	[spmem:s3] =	stream.indirect.scatter.add.f32 [tilespmem:s16], [sflag:$0x6], $0x40, s28, s14, $0xb8;
	[tilespmem:$0x16E00] =	vst v63  }
0x43: {  	s30 =	simm.s32 $0x180  }
0x44: {  	[tilespmem:s23], [sflag:$0x4] =	stream.indirect.gather [hbm4b:s1+s14], $0x40, s30, s14, $0xb8;
	[tilespmem:$0x16E00] =	vst v63  }
0x45: {  	_ =	swait.ge [sflag:s24], $0x2000  }
0x46: {  	[sflag:s24] =	ssyncset.done $0x0  }
0x47: {  	s25 =	simm.s32 $0x2900;
	[sflag:s24] =	ssyncadd.s32 $0xFFFFE000  }
0x48: {  	[spmem:s3] =	stream.indirect.scatter.add.f32 [tilespmem:s19], [sflag:$0x7], $0x40, s25, s14, $0xb8;
	[tilespmem:$0x16E00] =	vst v63  }
0x49: {  	_ =	swait.ge [sflag:s26], $0x2000  }
0x4a: {  	[sflag:s26] =	ssyncset.done $0x0  }
0x4b: {  	s28 =	simm.s32 $0x200;
	[sflag:s26] =	ssyncadd.s32 $0xFFFFE000  }
0x4c: {  	[tilespmem:s15], [sflag:$0x1] =	stream.indirect.gather [hbm4b:s1+s14], $0x40, s28, s14, $0xb8;
	[tilespmem:$0x16E00] =	vst v63  }
0x4d: {  	_ =	swait.ge [sflag:s29], $0x2000  }
0x4e: {  	[sflag:s29] =	ssyncset.done $0x0  }
0x4f: {  	s30 =	simm.s32 $0x2980;
	[sflag:s29] =	ssyncadd.s32 $0xFFFFE000  }
0x50: {  	[spmem:s3] =	stream.indirect.scatter.add.f32 [tilespmem:s23], [sflag:$0x8], $0x40, s30, s14, $0xb8;
	[tilespmem:$0x16E00] =	vst v63  }
0x51: {  	_ =	swait.ge [sflag:s31], $0x2000  }
0x52: {  	[sflag:s31] =	ssyncset.done $0x0  }
0x53: {  	s22 =	simm.s32 $0x0;
	[sflag:s31] =	ssyncadd.s32 $0xFFFFE000  }
0x54: {  	[tilespmem:s16], [sflag:$0x2] =	stream.indirect.gather [hbm4b:s1+s14], $0x40, s0, s14, $0xb8;
	[tilespmem:$0x16E00] =	vst v63  }
.LBB2_2:
0x55: {  	_ =	swait.ge [sflag:s17], $0x2000  }
0x56: {  	s25 =	sshra.s32 s22, $0x2;
	[sflag:s17] =	ssyncset.done $0x0  }
0x57: {  	s28 =	sadd.s32 $0x2A00, s25;
	[sflag:s17] =	ssyncadd.s32 $0xFFFFE000  }
0x58: {  	[spmem:s3] =	stream.indirect.scatter.add.f32 [tilespmem:s15], [sflag:$0x5], $0x40, s28, s14, $0xb8;
	[tilespmem:$0x16E00] =	vst v63  }
0x59: {  	_ =	swait.ge [sflag:s2], $0x2000  }
0x5a: {  	[sflag:s2] =	ssyncset.done $0x0  }
0x5b: {  	s28 =	sadd.s32 $0x300, s25;
	[sflag:s2] =	ssyncadd.s32 $0xFFFFE000  }
0x5c: {  	[tilespmem:s19], [sflag:$0x3] =	stream.indirect.gather [hbm4b:s1+s14], $0x40, s28, s14, $0xb8;
	[tilespmem:$0x16E00] =	vst v63  }
0x5d: {  	_ =	swait.ge [sflag:s20], $0x2000  }
0x5e: {  	[sflag:s20] =	ssyncset.done $0x0  }
0x5f: {  	s28 =	sadd.s32 $0x2A80, s25;
	[sflag:s20] =	ssyncadd.s32 $0xFFFFE000  }
0x60: {  	[spmem:s3] =	stream.indirect.scatter.add.f32 [tilespmem:s16], [sflag:$0x6], $0x40, s28, s14, $0xb8;
	[tilespmem:$0x16E00] =	vst v63  }
0x61: {  	_ =	swait.ge [sflag:s18], $0x2000  }
0x62: {  	[sflag:s18] =	ssyncset.done $0x0  }
0x63: {  	p0 =	seq.s32 s22, $0x9000;
	s28 =	sadd.s32 $0x380, s25;
	[sflag:s18] =	ssyncadd.s32 $0xFFFFE000  }
0x64: {  	[tilespmem:s23], [sflag:$0x4] =	stream.indirect.gather [hbm4b:s1+s14], $0x40, s28, s14, $0xb8;
	[tilespmem:$0x16E00] =	vst v63  }
.Ltmp2:
0x65: {  	_ =	swait.ge [sflag:s24], $0x2000;
	(pc) =	sbr.rel @p0 .LBB2_4-.Ltmp2, $4  }
0x66: {  	[sflag:s24] =	ssyncset.done $0x0  }
0x67: {  	s28 =	sadd.s32 $0x2B00, s25;
	[sflag:s24] =	ssyncadd.s32 $0xFFFFE000  }
0x68: {  	[spmem:s3] =	stream.indirect.scatter.add.f32 [tilespmem:s19], [sflag:$0x7], $0x40, s28, s14, $0xb8;
	[tilespmem:$0x16E00] =	vst v63  }
0x69: {  	s28 =	sadd.s32 $0x2B80, s25  }
0x6a: {  	_ =	swait.ge [sflag:s26], $0x2000  }
0x6b: {  	[sflag:s26] =	ssyncset.done $0x0  }
0x6c: {  	s30 =	sadd.s32 $0x400, s25;
	[sflag:s26] =	ssyncadd.s32 $0xFFFFE000  }
0x6d: {  	[tilespmem:s15], [sflag:$0x1] =	stream.indirect.gather [hbm4b:s1+s14], $0x40, s30, s14, $0xb8;
	[tilespmem:$0x16E00] =	vst v63  }
0x6e: {  	_ =	swait.ge [sflag:s29], $0x2000  }
0x6f: {  	[sflag:s29] =	ssyncset.done $0x0  }
0x70: {  	[sflag:s29] =	ssyncadd.s32 $0xFFFFE000  }
0x71: {  	[spmem:s3] =	stream.indirect.scatter.add.f32 [tilespmem:s23], [sflag:$0x8], $0x40, s28, s14, $0xb8;
	[tilespmem:$0x16E00] =	vst v63  }
.Ltmp3:
0x72: {  	_ = 	snop;
	(pc) =	sbr.rel .LBB2_2-.Ltmp3, $4  }
0x73: {  	_ =	swait.ge [sflag:s31], $0x2000  }
0x74: {  	[sflag:s31] =	ssyncset.done $0x0  }
0x75: {  	s22 =	sadd.s32 $0x800, s22;
	s30 =	sadd.s32 $0x480, s25;
	[sflag:s31] =	ssyncadd.s32 $0xFFFFE000  }
0x76: {  	[tilespmem:s16], [sflag:$0x2] =	stream.indirect.gather [hbm4b:s1+s14], $0x40, s30, s14, $0xb8;
	[tilespmem:$0x16E00] =	vst v63  }
.LBB2_5:
0x77: {  	_ =	sfence.sel $0x180000  }
0x78: {  	[bflag:$0x0] =	sbarrier.arrive $0xFFFF  }
0x79: {  	_ =	strace $0x9000004D  }
0x7a: {  	s0 =	stileid.u32;
	[bflag:$0x2] =	sbarrier.arrive $0xFFFF  }
0x7b: {  	p0 =	sne.s32 s0, $0x0;
	s0 =	rddreg [dreg:$0x4]  }
0x7c: {  	s0 =	sadd.s32 @!p0 $0x100000, s0  }
0x7d: {  	[sflag:s0] =	ssyncadd.tile.s32 @!p0 $0x1;
	_ =	shalt  }
.Lfunc_end2:
_tile_overlayer_lowered:
.L_overlay_start_2:
0x7e: {  	(tag) =	ssettag $0x2  }
0x7f: {  	s0 =	rddreg [dreg:$0x0];
	s2 =	stileid.u32  }
0x80: {  	s1 =	rddreg [dreg:$0x1];
	p0 =	sne.s32 s2, $0x0  }
0x81: {  	s3 =	rddreg [dreg:$0x2];
	[bflag:$0x3] =	sbarrier.arrive $0xFFFF;
	s2 =	simm.s32 @!p0 $0x1C09  }
0x82: {  	[timem:s3], [sflag:s2] =	dma.local @!p0 [hbm:s0], s1  }
0x83: {  	s0 =	simm.s32 @!p0 $0x9  }
0x84: {  	_ =	swait.ge @!p0 [sflag:s0], s1  }
0x85: {  	s1 =	ssub.s32 @!p0 $0x0, s1;
	[sflag:s0] =	ssyncset.done @!p0 $0x0  }
0x86: {  	[sflag:s0] =	ssyncadd.s32 @!p0 s1  }
0x87: {  	[bflag:$0x3] =	sbarrier.arrive $0xFFFF  }
0x88: {  	_ =	shalt  }

// kernel: kernel.21.cloned.1.call-start
scs
__scs_entry_jumppad:
0x0: {  	(pc) =	sbr.rel $0x88, $3  }
0x1: {  	(tag) =	ssettag $0x0;
	lr =	simm.s32 $0x1  }
0x2: {  	[smem:$0x3F98] =	sst lr;
	_ =	strace $0xD0000000  }
0x3: {  	_ = 	snop  }
0x4: {  	_ = 	snop  }
0x5: {  	_ = 	snop  }
0x6: {  	_ = 	snop  }
0x7: {  	_ = 	snop  }
__scs_overlays_trampoline_lowered:
0x8: {  	[smem:$0x3FA7] =	sst s0  }
0x9: {  	[smem:$0x3FA8] =	sst s1  }
0xa: {  	[smem:$0x3FA9] =	sst s2  }
0xb: {  	[smem:$0x3FAA] =	sst s3  }
0xc: {  	[smem:$0x3FAB] =	sst s4  }
0xd: {  	[smem:$0x3FAC] =	sst s5  }
0xe: {  	[smem:$0x3FAD] =	sst s6  }
0xf: {  	[smem:$0x3FAE] =	sst s7  }
0x10: {  	[smem:$0x3FAF] =	sst s8  }
0x11: {  	[smem:$0x3FB0] =	sst s9;
	s0 =	simm.s32 @!p0 $0x0  }
0x12: {  	s1 =	sld [smem:$0x3F96];
	s0 =	simm.s32 @p0 $0x1  }
0x13: {  	[smem:$0x3FB1] =	sst s0;
	s0 =	simm.s32 @!p1 $0x0  }
0x14: {  	s2 =	sld [smem:$0x3F95];
	s0 =	simm.s32 @p1 $0x1  }
0x15: {  	[smem:$0x3FB2] =	sst s0;
	s0 =	simm.s32 @!p2 $0x0  }
0x16: {  	s3 =	sld [smem:$0x3FDB];
	s0 =	simm.s32 @p2 $0x1  }
0x17: {  	s4 =	simm.s32 $0x1BF5;
	[smem:$0x3FB4] =	sst s0  }
0x18: {  	s0 =	sld [smem:$0x3F97];
	_ =	swait.ge [sflag:s4], $0x0  }
0x19: {  	s7 =	sld [smem:$0x3F98]  }
0x1a: {  	s8 =	sadd.s32 $0xFFFFE003, lr  }
0x1b: {  	s9 =	sadd.s32 $0xFFFFFEF7, lr;
	s5 =	simm.s32 $0xFFFFFFFF;
	p2 =	slt.u32 s8, $0xFFFFF086  }
0x1c: {  	p1 =	slt.u32 s9, $0xF7A;
	s5 =	simm.s32 @!p2 $0x0  }
0x1d: {  	s5 =	simm.s32 @p1 $0x1;
	p0 =	seq.s32 s7, s2  }
0x1e: {  	s7 =	smul.u32 @!p0 $0xF7A, s2;
	p2 =	seq.s32 @!p0 s5, $0x0  }
0x1f: {  	s9 =	smul.u32 $0xF7A, s1;
	s8 =	simm.s32 @!p0 $0x1BF5;
	p2 =	por !p2, p0  }
0x20: {  	[sflag:s8] =	ssyncset.s32 @!p0 $0xFFFFF086;
	s6 =	sadd.s32 @!p0 s3, s7;
	s7 =	simm.s32 @!p0 $0x108  }
0x21: {  	s3 =	sadd.s32 s3, s9;
	s6 =	sadd.s32 @!p0 $0x88, s6;
	s7 =	simm.s32 @p2 $0x1082  }
0x22: {  	[simem:s7], [sflag:s8] =	dma.local @!p0 [hbm:s6], $0xF7A  }
0x23: {  	s9 =	sor.u32 $0xD0000000, s2;
	s6 =	simm.s32 $0x108;
	_ =	swait.ge @!p0 [sflag:s8], $0x0  }
0x24: {  	s3 =	sadd.s32 $0x88, s3;
	s6 =	simm.s32 @!p1 $0x1082;
	[sflag:s4] =	ssyncset.s32 $0xFFFFF086  }
0x25: {  	[simem:s6], [sflag:s4] =	dma.local [hbm:s3], $0xF7A  }
0x26: {  	[smem:$0x3F98] =	sst s1;
	(tag) =	ssettag s2;
	_ =	strace s9  }
0x27: {  	s1 =	sld [smem:$0x3FA8]  }
0x28: {  	s2 =	sld [smem:$0x3FA9]  }
0x29: {  	s4 =	sld [smem:$0x3FAB]  }
0x2a: {  	p0 =	seq.s32 s5, $0x0;
	s5 =	sld [smem:$0x3FAC]  }
0x2b: {  	s6 =	sld [smem:$0x3FAD]  }
0x2c: {  	s7 =	sld [smem:$0x3FAE]  }
0x2d: {  	s3 =	simm.s32 $0x108;
	s8 =	sld [smem:$0x3FAF]  }
0x2e: {  	s3 =	simm.s32 @!p0 $0x1082;
	s9 =	sld [smem:$0x3FB0]  }
0x2f: {  	lr =	sadd.s32 s0, s3;
	s0 =	sld [smem:$0x3FA7]  }
0x30: {  	s3 =	sld [smem:$0x3FAA]  }
0x31: {  	[smem:$0x3FB3] =	sst s10  }
0x32: {  	s10 =	sld [smem:$0x3FB1];
	_ =	sdelay $0x3  }
0x33: {  	p0 =	seq.s32 s10, $0x1;
	s10 =	sld [smem:$0x3FB3];
	_ =	sdelay $0x3  }
0x34: {  	[smem:$0x3FB3] =	sst s10  }
0x35: {  	s10 =	sld [smem:$0x3FB2];
	_ =	sdelay $0x3  }
0x36: {  	p1 =	seq.s32 s10, $0x1;
	s10 =	sld [smem:$0x3FB3];
	_ =	sdelay $0x3  }
0x37: {  	[smem:$0x3FB3] =	sst s10  }
0x38: {  	s10 =	sld [smem:$0x3FB4]  }
0x39: {  	_ = 	snop;
	(pc) =	sbr.ind lr, $3  }
0x3a: {  	_ = 	snop  }
0x3b: {  	_ = 	snop  }
0x3c: {  	p2 =	seq.s32 s10, $0x1;
	s10 =	sld [smem:$0x3FB3]  }
0x3d: {  	_ =	shalt  }
0x3e: {  	_ =	shalt  }
0x3f: {  	_ =	shalt  }
0x40: {  	_ =	shalt  }
0x41: {  	_ =	shalt  }
0x42: {  	_ =	shalt  }
0x43: {  	_ =	shalt  }
0x44: {  	_ =	shalt  }
0x45: {  	_ =	shalt  }
0x46: {  	_ =	shalt  }
0x47: {  	_ =	shalt  }
0x48: {  	_ =	shalt  }
0x49: {  	_ =	shalt  }
0x4a: {  	_ =	shalt  }
0x4b: {  	_ =	shalt  }
0x4c: {  	_ =	shalt  }
0x4d: {  	_ =	shalt  }
0x4e: {  	_ =	shalt  }
0x4f: {  	_ =	shalt  }
0x50: {  	_ =	shalt  }
0x51: {  	_ =	shalt  }
0x52: {  	_ =	shalt  }
0x53: {  	_ =	shalt  }
0x54: {  	_ =	shalt  }
0x55: {  	_ =	shalt  }
0x56: {  	_ =	shalt  }
0x57: {  	_ =	shalt  }
0x58: {  	_ =	shalt  }
0x59: {  	_ =	shalt  }
0x5a: {  	_ =	shalt  }
0x5b: {  	_ =	shalt  }
0x5c: {  	_ =	shalt  }
0x5d: {  	_ =	shalt  }
0x5e: {  	_ =	shalt  }
0x5f: {  	_ =	shalt  }
0x60: {  	_ =	shalt  }
0x61: {  	_ =	shalt  }
0x62: {  	_ =	shalt  }
0x63: {  	_ =	shalt  }
0x64: {  	_ =	shalt  }
0x65: {  	_ =	shalt  }
0x66: {  	_ =	shalt  }
0x67: {  	_ =	shalt  }
0x68: {  	_ =	shalt  }
0x69: {  	_ =	shalt  }
0x6a: {  	_ =	shalt  }
0x6b: {  	_ =	shalt  }
0x6c: {  	_ =	shalt  }
0x6d: {  	_ =	shalt  }
0x6e: {  	_ =	shalt  }
0x6f: {  	_ =	shalt  }
0x70: {  	_ =	shalt  }
0x71: {  	_ =	shalt  }
0x72: {  	_ =	shalt  }
0x73: {  	_ =	shalt  }
0x74: {  	_ =	shalt  }
0x75: {  	_ =	shalt  }
0x76: {  	_ =	shalt  }
0x77: {  	_ =	shalt  }
0x78: {  	_ =	shalt  }
0x79: {  	_ =	shalt  }
0x7a: {  	_ =	shalt  }
0x7b: {  	_ =	shalt  }
0x7c: {  	_ =	shalt  }
0x7d: {  	_ =	shalt  }
0x7e: {  	_ =	shalt  }
0x7f: {  	_ =	shalt  }
0x80: {  	_ =	shalt  }
0x81: {  	_ =	shalt  }
0x82: {  	_ =	shalt  }
0x83: {  	_ =	shalt  }
0x84: {  	_ =	shalt  }
0x85: {  	_ =	shalt  }
0x86: {  	_ =	shalt  }
0x87: {  	_ =	shalt  }
.Lfunc_end0:
.L_simem_size_0:
called_computation.3_lowered:
.L_overlay_start_0:
0x88: {  	s2 =	sld [smem:$0x3FD9]  }
0x89: {  	s3 =	sld [smem:$0x3FFE];
	_ =	sdelay $0x1  }
0x8a: {  	s1 =	srdreg.scid  }
0x8b: {  	s0 =	sand.u32 $0x1, s1  }
0x8c: {  	s16 =	sshll.u32 s0, $0xA;
	s2 =	sadd.s32 s3, s2  }
0x8d: {  	s2 =	sadd.s32 s2, s16  }
0x8e: {  	[smem:$0x3FBF] =	sst s2  }
0x8f: {  	_ = 	snop  }
0x90: {  	(tm) =	ssettm $0x1  }
0x91: {  	s17 =	sld [smem:$0x3FFB];
	_ =	sdelay $0x3  }
0x92: {  	_ =	strace s17  }
0x93: {  	s2 =	sld [smem:$0x3FFC];
	_ =	sdelay $0x3  }
0x94: {  	_ =	strace s2  }
0x95: {  	s2 =	sld [smem:$0x3FFD];
	_ =	sdelay $0x3  }
0x96: {  	_ =	strace s2  }
0x97: {  	_ =	strace $0x8FFFFFFF  }
0x98: {  	s18 =	sld [smem:$0x3FDB];
	_ =	sdelay $0x1  }
0x99: {  	s19 =	simm.s32 $_scs_section_size  }
0x9a: {  	s4 =	simm.s32 $_size__tile_overlayer_lowered;
	s5 =	simm.s32 $_tile_overlayer_lowered  }
0x9b: {  	s22 =	simm.s32 $0x1BFF;
	s21 =	sshll.u32 s5, $0x1;
	s2 =	sadd.s32 s19, s18  }
0x9c: {  	s6 =	simm.s32 $0x0;
	s20 =	sshll.u32 s4, $0x1;
	s4 =	sadd.s32 s21, s2  }
0x9d: {  	[timem:s6], [sflag:s22] =	dma.local [hbm:s4], s20  }
0x9e: {  	_ =	swait.ge [sflag:s22], s20  }
0x9f: {  	s3 =	ssub.s32 $0x0, s20;
	[sflag:s22] =	ssyncset.done $0x0  }
0xa0: {  	[sflag:s22] =	ssyncadd.s32 s3;
	_ =	sdelay $0x1  }
0xa1: {  	s23 =	simm.s32 $0x1B8B  }
0xa2: {  	_ =	swait.ge [sflag:s23], $0x1  }
0xa3: {  	[sflag:s23] =	ssyncset.done $0x0  }
0xa4: {  	s25 =	simm.s32 $0x1B8E;
	s24 =	sld [smem:$0x3FFE];
	[sflag:s23] =	ssyncadd.s32 $0xFFFFFFFF  }
0xa5: {  	s26 =	simm.s32 $execute0_lowered;
	[smem:$0x3FD2] =	sst s25  }
0xa6: {  	s4 =	sshll.u32 s26, $0x1;
	_ =	strace $0x8000004F;
	[dreg:$0x1] =	wrdreg $0xFFFFFFFF  }
0xa7: {  	s28 =	simm.s32 $_size_execute0_lowered;
	s2 =	sadd.s32 s2, s4;
	[dreg:$0x0] =	wrdreg $0x0  }
0xa8: {  	s4 =	sshll.u32 s28, $0x1;
	[dreg:$0x2] =	wrdreg s2  }
0xa9: {  	[dreg:$0x3] =	wrdreg s4  }
0xaa: {  	[dreg:$0x4] =	wrdreg $0xC0  }
0xab: {  	_ =	task [dreg:s6], $0x5FFFF  }
0xac: {  	[dreg:$0x1] =	wrdreg $0xFFFFFFFF  }
0xad: {  	[dreg:$0x0] =	wrdreg $0x60  }
0xae: {  	[dreg:$0x2] =	wrdreg s24  }
0xaf: {  	[dreg:$0x3] =	wrdreg $0xA8000  }
0xb0: {  	[dreg:$0x4] =	wrdreg $0x9  }
0xb1: {  	_ =	task.clear_ibuf [dreg:s6], $0x5FFFF;
	_ =	strace $0x9000004F  }
0xb2: {  	s29 =	simm.s32 $0x9;
	_ =	strace $0x80000051  }
0xb3: {  	_ =	swait.ge [sflag:s29], $0x1  }
0xb4: {  	[sflag:s29] =	ssyncadd.s32 $0xFFFFFFFF  }
0xb5: {  	_ =	strace $0x90000051  }
0xb6: {  	_ =	sfence  }
0xb7: {  	s30 =	sld [smem:$0x0];
	_ =	sdelay $0x2  }
0xb8: {  	s31 =	sshll.u32 s1, $0xD;
	s1 =	sshrl.u32 s1, $0x2  }
0xb9: {  	s3 =	sand.u32 $0x4000, s31;
	s1 =	sadd.s32 s1, s30  }
0xba: {  	s0 =	sor.u32 s3, s0;
	s1 =	sshll.u32 s1, $0x11  }
0xbb: {  	s0 =	sor.u32 s1, s0  }
0xbc: {  	s0 =	sadd.s32 $0x8F2B, s0  }
0xbd: {  	[sflag:s0] =	ssyncadd.remote.s32 $0x1  }
0xbe: {  	_ =	sfence.sel $0xFFFF  }
0xbf: {  	[dreg:$0x0] =	wrdreg $0xFFFFFFFF;
	(pc) =	sbr.abs _section_cstart, $3  }
0xc0: {  	[dreg:$0x1] =	wrdreg $0xFFFFFFFF  }
0xc1: {  	_ =	task.clear_ibuf [dreg:s6], $0x2FFFF;
	_ =	strace $0x9FFFFFFF  }
0xc2: {  	(tm) =	ssettm $0x7FFFFFFF  }
0xc3: {  	_ =	shalt  }
tec
execute0_lowered:
.L_overlay_start_1:
0x0: {  	(tag) =	ssettag $0x1  }
0x1: {  	s5 =	rddreg [dreg:$0x0]  }
0x2: {  	s2 =	rddreg [dreg:$0x1]  }
0x3: {  	s0 =	rddreg [dreg:$0x2]  }
0x4: {  	s3 =	simm.s32 $0x0;
	s1 =	stileid.u32;
	s4 =	srdreg.scid  }
0x5: {  	s15 =	simm.s32 $0x1400;
	s16 =	simm.s32 $0x80;
	s17 =	simm.s32 $0x2800  }
0x6: {  	s18 =	simm.s32 $0x6800;
	s19 =	simm.s32 $0x1;
	s20 =	simm.s32 $0x2  }
0x7: {  	s21 =	simm.s32 $0x2700;
	s22 =	simm.s32 $0x2780;
	s23 =	simm.s32 $0x0  }
0x8: {  	[smem:$0x7FF] =	sst s3;
	s6 =	smul.u32 $0x13C00, s1;
	s7 =	sand.u32 $0x1, s4  }
0x9: {  	s4 =	sadd.s32 $0x67E00, s5;
	s9 =	sadd.s32 $0xF400, s5;
	s10 =	sadd.s32 $0x5400, s5  }
0xa: {  	s12 =	sshll.u32 s1, $0x1;
	s30 =	sshll.u32 s1, $0x6;
	_ =	strace $0x80000050  }
0xb: {  	s8 =	smul.u32 $0x13C000, s7;
	s13 =	ssub.s32 $0x2, s7;
	s7 =	sor.u32 s7, s12  }
0xc: {  	s11 =	sshrl.u32 s6, $0x3;
	s29 =	sshrl.u32 s13, $0x1;
	s7 =	smul.u32 $0x2800, s7  }
0xd: {  	s14 =	sadd.s32 s6, s2;
	s11 =	sadd.s32 s11, s5;
	s8 =	sadd.s32 s6, s8  }
0xe: {  	s13 =	ssub.s32 s13, s29;
	s6 =	sor.u32 $0x1C03, s30;
	s8 =	sshrl.u32 s8, $0x3  }
0xf: {  	s31 =	sshrl.u32 s7, $0x3;
	s12 =	smax.u32 s13, $0x1;
	s13 =	sshrl.u32 s14, $0x3  }
0x10: {  	s14 =	simm.s32 $0x3;
	s28 =	sadd.s32 s8, s5;
	s5 =	sadd.s32 $0x40600, s11  }
0x11: {  	s7 =	sadd.s32 s9, s31;
	s8 =	sadd.s32 s10, s31;
	s11 =	sadd.s32 $0x280, s31  }
0x12: {  	s9 =	sadd.s32 s9, s11;
	s10 =	sadd.s32 s10, s11;
	s11 =	sadd.s32 $0x8F000, s28  }
.LBB2_1:
0x13: {  	[spmem:s13], [sflag:s6] =	dma.local [hbm:s5], $0x2780  }
0x14: {  	_ =	swait.ge [sflag:s14], $0x2780  }
0x15: {  	[sflag:s14] =	ssyncset.done $0x0  }
0x16: {  	[sflag:s14] =	ssyncadd.s32 $0xFFFFD880  }
0x17: {  	[bflag:$0x0] =	sbarrier.arrive $0xFFFF  }
0x18: {  	[tilespmem:s3], [sflag:$0x3] =	stream.linear.gather [hbm4b:s7+s3], $0x1400, $0x38;
	[tilespmem:$0x1E400] =	vst v63  }
0x19: {  	_ =	swait.ge [sflag:s14], $0x1400  }
0x1a: {  	[sflag:s14] =	ssyncset.done $0x0  }
0x1b: {  	[sflag:s14] =	ssyncadd.s32 $0xFFFFEC00  }
0x1c: {  	[tilespmem:s15], [sflag:$0x3] =	stream.linear.gather [hbm4b:s8+s3], $0x1400, $0x38;
	[tilespmem:$0x1E400] =	vst v63  }
0x1d: {  	_ =	swait.ge [sflag:s14], $0x1400  }
0x1e: {  	[sflag:s14] =	ssyncset.done $0x0  }
0x1f: {  	[sflag:s14] =	ssyncadd.s32 $0xFFFFEC00  }
0x20: {  	[tilespmem:s17], [sflag:$0x1] =	stream.indirect.gather [hbm4b:s4+s16], $0x80, s3, s16, $0xb8;
	[tilespmem:$0x1E400] =	vst v63  }
0x21: {  	_ = 	snop  }
0x22: {  	[tilespmem:s18], [sflag:$0x2] =	stream.indirect.gather [hbm4b:s4+s16], $0x80, s16, s16, $0xb8;
	[tilespmem:$0x1E400] =	vst v63  }
0x23: {  	_ =	swait.ge [sflag:s19], $0x4000  }
0x24: {  	[sflag:s19] =	ssyncset.done $0x0  }
0x25: {  	s24 =	simm.s32 $0x1400;
	[sflag:s19] =	ssyncadd.s32 $0xFFFFC000  }
0x26: {  	[spmem:s2] =	stream.indirect.scatter.add.f32 [tilespmem:s17], [sflag:$0x3], $0x80, s24, s16, $0xb8;
	[tilespmem:$0x1E400] =	vst v63  }
0x27: {  	_ =	swait.ge [sflag:s14], $0x4000  }
0x28: {  	[sflag:s14] =	ssyncset.done $0x0  }
0x29: {  	s30 =	simm.s32 $0x100;
	[sflag:s14] =	ssyncadd.s32 $0xFFFFC000  }
0x2a: {  	[tilespmem:s17], [sflag:$0x1] =	stream.indirect.gather [hbm4b:s4+s16], $0x80, s30, s16, $0xb8;
	[tilespmem:$0x1E400] =	vst v63  }
0x2b: {  	_ =	swait.ge [sflag:s20], $0x4000  }
0x2c: {  	[sflag:s20] =	ssyncset.done $0x0  }
0x2d: {  	s31 =	simm.s32 $0x1480;
	[sflag:s20] =	ssyncadd.s32 $0xFFFFC000  }
0x2e: {  	[spmem:s2] =	stream.indirect.scatter.add.f32 [tilespmem:s18], [sflag:$0x3], $0x80, s31, s16, $0xb8;
	[tilespmem:$0x1E400] =	vst v63  }
0x2f: {  	_ =	swait.ge [sflag:s14], $0x4000  }
0x30: {  	[sflag:s14] =	ssyncset.done $0x0  }
0x31: {  	s25 =	simm.s32 $0x180;
	s24 =	simm.s32 $0x400;
	[sflag:s14] =	ssyncadd.s32 $0xFFFFC000  }
.LBB2_2:
0x32: {  	[tilespmem:s18], [sflag:$0x2] =	stream.indirect.gather [hbm4b:s4+s16], $0x80, s25, s16, $0xb8;
	[tilespmem:$0x1E400] =	vst v63  }
0x33: {  	s25 =	smov.u32 s24  }
0x34: {  	p0 =	sne.s32 s24, $0x4800;
	s24 =	sadd.s32 $0x400, s24;
	_ =	swait.ge [sflag:s19], $0x4000  }
0x35: {  	s25 =	sshra.s32 s25, $0x2;
	[sflag:s19] =	ssyncset.done $0x0  }
0x36: {  	s26 =	sadd.s32 $0x1400, s25;
	[sflag:s19] =	ssyncadd.s32 $0xFFFFC000  }
0x37: {  	[spmem:s2] =	stream.indirect.scatter.add.f32 [tilespmem:s17], [sflag:$0x3], $0x80, s26, s16, $0xb8;
	[tilespmem:$0x1E400] =	vst v63  }
0x38: {  	_ =	swait.ge [sflag:s14], $0x4000  }
0x39: {  	[sflag:s14] =	ssyncset.done $0x0  }
0x3a: {  	s26 =	sadd.s32 $0x100, s25;
	[sflag:s14] =	ssyncadd.s32 $0xFFFFC000  }
0x3b: {  	[tilespmem:s17], [sflag:$0x1] =	stream.indirect.gather [hbm4b:s4+s16], $0x80, s26, s16, $0xb8;
	[tilespmem:$0x1E400] =	vst v63  }
0x3c: {  	_ =	swait.ge [sflag:s20], $0x4000  }
0x3d: {  	[sflag:s20] =	ssyncset.done $0x0  }
.Ltmp0:
0x3e: {  	s26 =	sadd.s32 $0x1480, s25;
	[sflag:s20] =	ssyncadd.s32 $0xFFFFC000;
	(pc) =	sbr.rel @p0 .LBB2_2-.Ltmp0, $4  }
0x3f: {  	[spmem:s2] =	stream.indirect.scatter.add.f32 [tilespmem:s18], [sflag:$0x3], $0x80, s26, s16, $0xb8;
	[tilespmem:$0x1E400] =	vst v63  }
0x40: {  	_ =	swait.ge [sflag:s14], $0x4000  }
0x41: {  	[sflag:s14] =	ssyncset.done $0x0  }
0x42: {  	s25 =	sadd.s32 $0x180, s25;
	[sflag:s14] =	ssyncadd.s32 $0xFFFFC000  }
0x43: {  	[tilespmem:s18], [sflag:$0x2] =	stream.indirect.gather [hbm4b:s4+s16], $0x80, s25, s16, $0xb8;
	[tilespmem:$0x1E400] =	vst v63  }
0x44: {  	_ =	swait.ge [sflag:s19], $0x4000  }
0x45: {  	[sflag:s19] =	ssyncset.done $0x0  }
0x46: {  	[sflag:s19] =	ssyncadd.s32 $0xFFFFC000  }
0x47: {  	[spmem:s2] =	stream.indirect.scatter.add.f32 [tilespmem:s17], [sflag:$0x3], $0x80, s21, s16, $0xb8;
	[tilespmem:$0x1E400] =	vst v63  }
0x48: {  	_ =	swait.ge [sflag:s14], $0x4000  }
0x49: {  	[sflag:s14] =	ssyncset.done $0x0  }
0x4a: {  	[sflag:s14] =	ssyncadd.s32 $0xFFFFC000  }
0x4b: {  	_ =	swait.ge [sflag:s20], $0x4000  }
0x4c: {  	[sflag:s20] =	ssyncset.done $0x0  }
0x4d: {  	[sflag:s20] =	ssyncadd.s32 $0xFFFFC000  }
0x4e: {  	[spmem:s2] =	stream.indirect.scatter.add.f32 [tilespmem:s18], [sflag:$0x3], $0x80, s22, s16, $0xb8;
	[tilespmem:$0x1E400] =	vst v63  }
0x4f: {  	_ =	swait.ge [sflag:s14], $0x4000  }
0x50: {  	[sflag:s14] =	ssyncset.done $0x0  }
0x51: {  	s24 =	simm.s32 $0x0;
	[sflag:s14] =	ssyncadd.s32 $0xFFFFC000  }
0x52: {  	[tilespmem:s24], [sflag:$0x3] =	stream.linear.gather [hbm4b:s9+s24], $0x1400, $0x38;
	[tilespmem:$0x1E400] =	vst v63  }
0x53: {  	_ =	swait.ge [sflag:s14], $0x1400  }
0x54: {  	[sflag:s14] =	ssyncset.done $0x0  }
0x55: {  	[sflag:s14] =	ssyncadd.s32 $0xFFFFEC00  }
0x56: {  	[tilespmem:s15], [sflag:$0x3] =	stream.linear.gather [hbm4b:s10+s24], $0x1400, $0x38;
	[tilespmem:$0x1E400] =	vst v63  }
0x57: {  	_ =	swait.ge [sflag:s14], $0x1400  }
0x58: {  	[sflag:s14] =	ssyncset.done $0x0  }
0x59: {  	[sflag:s14] =	ssyncadd.s32 $0xFFFFEC00  }
0x5a: {  	[tilespmem:s17], [sflag:$0x1] =	stream.indirect.gather [hbm4b:s4+s16], $0x80, s24, s16, $0xb8;
	[tilespmem:$0x1E400] =	vst v63  }
0x5b: {  	_ = 	snop  }
0x5c: {  	[tilespmem:s18], [sflag:$0x2] =	stream.indirect.gather [hbm4b:s4+s16], $0x80, s16, s16, $0xb8;
	[tilespmem:$0x1E400] =	vst v63  }
0x5d: {  	_ =	swait.ge [sflag:s19], $0x4000  }
0x5e: {  	[sflag:s19] =	ssyncset.done $0x0  }
0x5f: {  	s29 =	simm.s32 $0x1400;
	[sflag:s19] =	ssyncadd.s32 $0xFFFFC000  }
0x60: {  	[spmem:s2] =	stream.indirect.scatter.add.f32 [tilespmem:s17], [sflag:$0x3], $0x80, s29, s16, $0xb8;
	[tilespmem:$0x1E400] =	vst v63  }
0x61: {  	_ =	swait.ge [sflag:s14], $0x4000  }
0x62: {  	[sflag:s14] =	ssyncset.done $0x0  }
0x63: {  	s30 =	simm.s32 $0x100;
	[sflag:s14] =	ssyncadd.s32 $0xFFFFC000  }
0x64: {  	[tilespmem:s17], [sflag:$0x1] =	stream.indirect.gather [hbm4b:s4+s16], $0x80, s30, s16, $0xb8;
	[tilespmem:$0x1E400] =	vst v63  }
0x65: {  	_ =	swait.ge [sflag:s20], $0x4000  }
0x66: {  	[sflag:s20] =	ssyncset.done $0x0  }
0x67: {  	s31 =	simm.s32 $0x1480;
	[sflag:s20] =	ssyncadd.s32 $0xFFFFC000  }
0x68: {  	[spmem:s2] =	stream.indirect.scatter.add.f32 [tilespmem:s18], [sflag:$0x3], $0x80, s31, s16, $0xb8;
	[tilespmem:$0x1E400] =	vst v63  }
0x69: {  	_ =	swait.ge [sflag:s14], $0x4000  }
0x6a: {  	[sflag:s14] =	ssyncset.done $0x0  }
0x6b: {  	s25 =	simm.s32 $0x180;
	s24 =	simm.s32 $0x400;
	[sflag:s14] =	ssyncadd.s32 $0xFFFFC000  }
.LBB2_4:
0x6c: {  	[tilespmem:s18], [sflag:$0x2] =	stream.indirect.gather [hbm4b:s4+s16], $0x80, s25, s16, $0xb8;
	[tilespmem:$0x1E400] =	vst v63  }
0x6d: {  	s25 =	smov.u32 s24  }
0x6e: {  	p0 =	sne.s32 s24, $0x4800;
	s24 =	sadd.s32 $0x400, s24;
	_ =	swait.ge [sflag:s19], $0x4000  }
0x6f: {  	s25 =	sshra.s32 s25, $0x2;
	[sflag:s19] =	ssyncset.done $0x0  }
0x70: {  	s26 =	sadd.s32 $0x1400, s25;
	[sflag:s19] =	ssyncadd.s32 $0xFFFFC000  }
0x71: {  	[spmem:s2] =	stream.indirect.scatter.add.f32 [tilespmem:s17], [sflag:$0x3], $0x80, s26, s16, $0xb8;
	[tilespmem:$0x1E400] =	vst v63  }
0x72: {  	_ =	swait.ge [sflag:s14], $0x4000  }
0x73: {  	[sflag:s14] =	ssyncset.done $0x0  }
0x74: {  	s26 =	sadd.s32 $0x100, s25;
	[sflag:s14] =	ssyncadd.s32 $0xFFFFC000  }
0x75: {  	[tilespmem:s17], [sflag:$0x1] =	stream.indirect.gather [hbm4b:s4+s16], $0x80, s26, s16, $0xb8;
	[tilespmem:$0x1E400] =	vst v63  }
0x76: {  	_ =	swait.ge [sflag:s20], $0x4000  }
0x77: {  	[sflag:s20] =	ssyncset.done $0x0  }
.Ltmp1:
0x78: {  	s26 =	sadd.s32 $0x1480, s25;
	[sflag:s20] =	ssyncadd.s32 $0xFFFFC000;
	(pc) =	sbr.rel @p0 .LBB2_4-.Ltmp1, $4  }
0x79: {  	[spmem:s2] =	stream.indirect.scatter.add.f32 [tilespmem:s18], [sflag:$0x3], $0x80, s26, s16, $0xb8;
	[tilespmem:$0x1E400] =	vst v63  }
0x7a: {  	_ =	swait.ge [sflag:s14], $0x4000  }
0x7b: {  	[sflag:s14] =	ssyncset.done $0x0  }
0x7c: {  	s25 =	sadd.s32 $0x180, s25;
	[sflag:s14] =	ssyncadd.s32 $0xFFFFC000  }
0x7d: {  	[tilespmem:s18], [sflag:$0x2] =	stream.indirect.gather [hbm4b:s4+s16], $0x80, s25, s16, $0xb8;
	[tilespmem:$0x1E400] =	vst v63  }
0x7e: {  	_ =	swait.ge [sflag:s19], $0x4000  }
0x7f: {  	[sflag:s19] =	ssyncset.done $0x0  }
0x80: {  	[sflag:s19] =	ssyncadd.s32 $0xFFFFC000  }
0x81: {  	[spmem:s2] =	stream.indirect.scatter.add.f32 [tilespmem:s17], [sflag:$0x3], $0x80, s21, s16, $0xb8;
	[tilespmem:$0x1E400] =	vst v63  }
0x82: {  	_ =	swait.ge [sflag:s14], $0x4000  }
0x83: {  	[sflag:s14] =	ssyncset.done $0x0  }
0x84: {  	[sflag:s14] =	ssyncadd.s32 $0xFFFFC000  }
0x85: {  	_ =	swait.ge [sflag:s20], $0x4000  }
0x86: {  	[sflag:s20] =	ssyncset.done $0x0  }
0x87: {  	[sflag:s20] =	ssyncadd.s32 $0xFFFFC000  }
0x88: {  	[spmem:s2] =	stream.indirect.scatter.add.f32 [tilespmem:s18], [sflag:$0x3], $0x80, s22, s16, $0xb8;
	[tilespmem:$0x1E400] =	vst v63  }
0x89: {  	_ =	swait.ge [sflag:s14], $0x4000  }
0x8a: {  	s23 =	sadd.s32 $0x1, s23;
	[sflag:s14] =	ssyncset.done $0x0  }
0x8b: {  	p0 =	sne.s32 s23, s12;
	[sflag:s14] =	ssyncadd.s32 $0xFFFFC000  }
.Ltmp2:
0x8c: {  	[bflag:$0x0] =	sbarrier.arrive $0xFFFF;
	(pc) =	sbr.rel @p0 .LBB2_1-.Ltmp2, $4  }
0x8d: {  	[hbm:s11], [sflag:s6] =	dma.local [spmem:s13], $0x2780  }
0x8e: {  	_ =	swait.ge [sflag:s14], $0x2780  }
0x8f: {  	[sflag:s14] =	ssyncset.done $0x0  }
0x90: {  	[sflag:s14] =	ssyncadd.s32 $0xFFFFD880  }
0x91: {  	_ =	sfence.sel $0x180000  }
0x92: {  	[bflag:$0x0] =	sbarrier.arrive $0xFFFF  }
0x93: {  	p0 =	sne.s32 s1, $0x0;
	_ =	strace $0x90000050  }
0x94: {  	s0 =	sadd.s32 @!p0 $0x100000, s0;
	[bflag:$0x2] =	sbarrier.arrive $0xFFFF  }
0x95: {  	[sflag:s0] =	ssyncadd.tile.s32 @!p0 $0x1;
	_ =	shalt  }
.Lfunc_end2:
_tile_overlayer_lowered:
.L_overlay_start_2:
0x96: {  	(tag) =	ssettag $0x2  }
0x97: {  	s0 =	rddreg [dreg:$0x0];
	s2 =	stileid.u32  }
0x98: {  	s1 =	rddreg [dreg:$0x1];
	p0 =	sne.s32 s2, $0x0  }
0x99: {  	s3 =	rddreg [dreg:$0x2];
	[bflag:$0x3] =	sbarrier.arrive $0xFFFF;
	s2 =	simm.s32 @!p0 $0x1C03  }
0x9a: {  	[timem:s3], [sflag:s2] =	dma.local @!p0 [hbm:s0], s1  }
0x9b: {  	s0 =	simm.s32 @!p0 $0x3  }
0x9c: {  	_ =	swait.ge @!p0 [sflag:s0], s1  }
0x9d: {  	s1 =	ssub.s32 @!p0 $0x0, s1;
	[sflag:s0] =	ssyncset.done @!p0 $0x0  }
0x9e: {  	[sflag:s0] =	ssyncadd.s32 @!p0 s1  }
0x9f: {  	[bflag:$0x3] =	sbarrier.arrive $0xFFFF  }
0xa0: {  	_ =	shalt  }

// kernel: kernel.24.cloned.1.call-start
scs
__scs_entry_jumppad:
0x0: {  	(pc) =	sbr.rel $0x88, $3  }
0x1: {  	(tag) =	ssettag $0x0;
	lr =	simm.s32 $0x1  }
0x2: {  	[smem:$0x3F98] =	sst lr;
	_ =	strace $0xD0000000  }
0x3: {  	_ = 	snop  }
0x4: {  	_ = 	snop  }
0x5: {  	_ = 	snop  }
0x6: {  	_ = 	snop  }
0x7: {  	_ = 	snop  }
__scs_overlays_trampoline_lowered:
0x8: {  	[smem:$0x3FA7] =	sst s0  }
0x9: {  	[smem:$0x3FA8] =	sst s1  }
0xa: {  	[smem:$0x3FA9] =	sst s2  }
0xb: {  	[smem:$0x3FAA] =	sst s3  }
0xc: {  	[smem:$0x3FAB] =	sst s4  }
0xd: {  	[smem:$0x3FAC] =	sst s5  }
0xe: {  	[smem:$0x3FAD] =	sst s6  }
0xf: {  	[smem:$0x3FAE] =	sst s7  }
0x10: {  	[smem:$0x3FAF] =	sst s8  }
0x11: {  	[smem:$0x3FB0] =	sst s9;
	s0 =	simm.s32 @!p0 $0x0  }
0x12: {  	s1 =	sld [smem:$0x3F96];
	s0 =	simm.s32 @p0 $0x1  }
0x13: {  	[smem:$0x3FB1] =	sst s0;
	s0 =	simm.s32 @!p1 $0x0  }
0x14: {  	s2 =	sld [smem:$0x3F95];
	s0 =	simm.s32 @p1 $0x1  }
0x15: {  	[smem:$0x3FB2] =	sst s0;
	s0 =	simm.s32 @!p2 $0x0  }
0x16: {  	s3 =	sld [smem:$0x3FDB];
	s0 =	simm.s32 @p2 $0x1  }
0x17: {  	s4 =	simm.s32 $0x1BF5;
	[smem:$0x3FB4] =	sst s0  }
0x18: {  	s0 =	sld [smem:$0x3F97];
	_ =	swait.ge [sflag:s4], $0x0  }
0x19: {  	s7 =	sld [smem:$0x3F98]  }
0x1a: {  	s8 =	sadd.s32 $0xFFFFE003, lr  }
0x1b: {  	s9 =	sadd.s32 $0xFFFFFEF7, lr;
	s5 =	simm.s32 $0xFFFFFFFF;
	p2 =	slt.u32 s8, $0xFFFFF086  }
0x1c: {  	p1 =	slt.u32 s9, $0xF7A;
	s5 =	simm.s32 @!p2 $0x0  }
0x1d: {  	s5 =	simm.s32 @p1 $0x1;
	p0 =	seq.s32 s7, s2  }
0x1e: {  	s7 =	smul.u32 @!p0 $0xF7A, s2;
	p2 =	seq.s32 @!p0 s5, $0x0  }
0x1f: {  	s9 =	smul.u32 $0xF7A, s1;
	s8 =	simm.s32 @!p0 $0x1BF5;
	p2 =	por !p2, p0  }
0x20: {  	[sflag:s8] =	ssyncset.s32 @!p0 $0xFFFFF086;
	s6 =	sadd.s32 @!p0 s3, s7;
	s7 =	simm.s32 @!p0 $0x108  }
0x21: {  	s3 =	sadd.s32 s3, s9;
	s6 =	sadd.s32 @!p0 $0x88, s6;
	s7 =	simm.s32 @p2 $0x1082  }
0x22: {  	[simem:s7], [sflag:s8] =	dma.local @!p0 [hbm:s6], $0xF7A  }
0x23: {  	s9 =	sor.u32 $0xD0000000, s2;
	s6 =	simm.s32 $0x108;
	_ =	swait.ge @!p0 [sflag:s8], $0x0  }
0x24: {  	s3 =	sadd.s32 $0x88, s3;
	s6 =	simm.s32 @!p1 $0x1082;
	[sflag:s4] =	ssyncset.s32 $0xFFFFF086  }
0x25: {  	[simem:s6], [sflag:s4] =	dma.local [hbm:s3], $0xF7A  }
0x26: {  	[smem:$0x3F98] =	sst s1;
	(tag) =	ssettag s2;
	_ =	strace s9  }
0x27: {  	s1 =	sld [smem:$0x3FA8]  }
0x28: {  	s2 =	sld [smem:$0x3FA9]  }
0x29: {  	s4 =	sld [smem:$0x3FAB]  }
0x2a: {  	p0 =	seq.s32 s5, $0x0;
	s5 =	sld [smem:$0x3FAC]  }
0x2b: {  	s6 =	sld [smem:$0x3FAD]  }
0x2c: {  	s7 =	sld [smem:$0x3FAE]  }
0x2d: {  	s3 =	simm.s32 $0x108;
	s8 =	sld [smem:$0x3FAF]  }
0x2e: {  	s3 =	simm.s32 @!p0 $0x1082;
	s9 =	sld [smem:$0x3FB0]  }
0x2f: {  	lr =	sadd.s32 s0, s3;
	s0 =	sld [smem:$0x3FA7]  }
0x30: {  	s3 =	sld [smem:$0x3FAA]  }
0x31: {  	[smem:$0x3FB3] =	sst s10  }
0x32: {  	s10 =	sld [smem:$0x3FB1];
	_ =	sdelay $0x3  }
0x33: {  	p0 =	seq.s32 s10, $0x1;
	s10 =	sld [smem:$0x3FB3];
	_ =	sdelay $0x3  }
0x34: {  	[smem:$0x3FB3] =	sst s10  }
0x35: {  	s10 =	sld [smem:$0x3FB2];
	_ =	sdelay $0x3  }
0x36: {  	p1 =	seq.s32 s10, $0x1;
	s10 =	sld [smem:$0x3FB3];
	_ =	sdelay $0x3  }
0x37: {  	[smem:$0x3FB3] =	sst s10  }
0x38: {  	s10 =	sld [smem:$0x3FB4]  }
0x39: {  	_ = 	snop;
	(pc) =	sbr.ind lr, $3  }
0x3a: {  	_ = 	snop  }
0x3b: {  	_ = 	snop  }
0x3c: {  	p2 =	seq.s32 s10, $0x1;
	s10 =	sld [smem:$0x3FB3]  }
0x3d: {  	_ =	shalt  }
0x3e: {  	_ =	shalt  }
0x3f: {  	_ =	shalt  }
0x40: {  	_ =	shalt  }
0x41: {  	_ =	shalt  }
0x42: {  	_ =	shalt  }
0x43: {  	_ =	shalt  }
0x44: {  	_ =	shalt  }
0x45: {  	_ =	shalt  }
0x46: {  	_ =	shalt  }
0x47: {  	_ =	shalt  }
0x48: {  	_ =	shalt  }
0x49: {  	_ =	shalt  }
0x4a: {  	_ =	shalt  }
0x4b: {  	_ =	shalt  }
0x4c: {  	_ =	shalt  }
0x4d: {  	_ =	shalt  }
0x4e: {  	_ =	shalt  }
0x4f: {  	_ =	shalt  }
0x50: {  	_ =	shalt  }
0x51: {  	_ =	shalt  }
0x52: {  	_ =	shalt  }
0x53: {  	_ =	shalt  }
0x54: {  	_ =	shalt  }
0x55: {  	_ =	shalt  }
0x56: {  	_ =	shalt  }
0x57: {  	_ =	shalt  }
0x58: {  	_ =	shalt  }
0x59: {  	_ =	shalt  }
0x5a: {  	_ =	shalt  }
0x5b: {  	_ =	shalt  }
0x5c: {  	_ =	shalt  }
0x5d: {  	_ =	shalt  }
0x5e: {  	_ =	shalt  }
0x5f: {  	_ =	shalt  }
0x60: {  	_ =	shalt  }
0x61: {  	_ =	shalt  }
0x62: {  	_ =	shalt  }
0x63: {  	_ =	shalt  }
0x64: {  	_ =	shalt  }
0x65: {  	_ =	shalt  }
0x66: {  	_ =	shalt  }
0x67: {  	_ =	shalt  }
0x68: {  	_ =	shalt  }
0x69: {  	_ =	shalt  }
0x6a: {  	_ =	shalt  }
0x6b: {  	_ =	shalt  }
0x6c: {  	_ =	shalt  }
0x6d: {  	_ =	shalt  }
0x6e: {  	_ =	shalt  }
0x6f: {  	_ =	shalt  }
0x70: {  	_ =	shalt  }
0x71: {  	_ =	shalt  }
0x72: {  	_ =	shalt  }
0x73: {  	_ =	shalt  }
0x74: {  	_ =	shalt  }
0x75: {  	_ =	shalt  }
0x76: {  	_ =	shalt  }
0x77: {  	_ =	shalt  }
0x78: {  	_ =	shalt  }
0x79: {  	_ =	shalt  }
0x7a: {  	_ =	shalt  }
0x7b: {  	_ =	shalt  }
0x7c: {  	_ =	shalt  }
0x7d: {  	_ =	shalt  }
0x7e: {  	_ =	shalt  }
0x7f: {  	_ =	shalt  }
0x80: {  	_ =	shalt  }
0x81: {  	_ =	shalt  }
0x82: {  	_ =	shalt  }
0x83: {  	_ =	shalt  }
0x84: {  	_ =	shalt  }
0x85: {  	_ =	shalt  }
0x86: {  	_ =	shalt  }
0x87: {  	_ =	shalt  }
.Lfunc_end0:
.L_simem_size_0:
called_computation.4_lowered:
.L_overlay_start_0:
0x88: {  	s2 =	sld [smem:$0x3FD9]  }
0x89: {  	s3 =	sld [smem:$0x3FFE];
	_ =	sdelay $0x1  }
0x8a: {  	s1 =	srdreg.scid  }
0x8b: {  	s0 =	sand.u32 $0x1, s1  }
0x8c: {  	s16 =	sshll.u32 s0, $0xA;
	s2 =	sadd.s32 s3, s2  }
0x8d: {  	s2 =	sadd.s32 s2, s16  }
0x8e: {  	[smem:$0x3FBF] =	sst s2  }
0x8f: {  	_ = 	snop  }
0x90: {  	(tm) =	ssettm $0x1  }
0x91: {  	s17 =	sld [smem:$0x3FFB];
	_ =	sdelay $0x3  }
0x92: {  	_ =	strace s17  }
0x93: {  	s2 =	sld [smem:$0x3FFC];
	_ =	sdelay $0x3  }
0x94: {  	_ =	strace s2  }
0x95: {  	s2 =	sld [smem:$0x3FFD];
	_ =	sdelay $0x3  }
0x96: {  	_ =	strace s2  }
0x97: {  	_ =	strace $0x8FFFFFFF  }
0x98: {  	s18 =	sld [smem:$0x3FDB];
	_ =	sdelay $0x1  }
0x99: {  	s19 =	simm.s32 $_scs_section_size  }
0x9a: {  	s4 =	simm.s32 $_size__tile_overlayer_lowered;
	s5 =	simm.s32 $_tile_overlayer_lowered  }
0x9b: {  	s22 =	simm.s32 $0x1BFF;
	s21 =	sshll.u32 s5, $0x1;
	s2 =	sadd.s32 s19, s18  }
0x9c: {  	s6 =	simm.s32 $0x0;
	s20 =	sshll.u32 s4, $0x1;
	s4 =	sadd.s32 s21, s2  }
0x9d: {  	[timem:s6], [sflag:s22] =	dma.local [hbm:s4], s20  }
0x9e: {  	_ =	swait.ge [sflag:s22], s20  }
0x9f: {  	s3 =	ssub.s32 $0x0, s20;
	[sflag:s22] =	ssyncset.done $0x0  }
0xa0: {  	[sflag:s22] =	ssyncadd.s32 s3;
	_ =	sdelay $0x1  }
0xa1: {  	s23 =	simm.s32 $0x1B8B  }
0xa2: {  	_ =	swait.ge [sflag:s23], $0x1  }
0xa3: {  	[sflag:s23] =	ssyncset.done $0x0  }
0xa4: {  	s25 =	simm.s32 $0x1B8E;
	s24 =	sld [smem:$0x3FFE];
	[sflag:s23] =	ssyncadd.s32 $0xFFFFFFFF  }
0xa5: {  	s26 =	simm.s32 $execute0_lowered;
	[smem:$0x3FD2] =	sst s25  }
0xa6: {  	s4 =	sshll.u32 s26, $0x1;
	_ =	strace $0x80000052;
	[dreg:$0x1] =	wrdreg $0xFFFFFFFF  }
0xa7: {  	s28 =	simm.s32 $_size_execute0_lowered;
	s2 =	sadd.s32 s2, s4;
	[dreg:$0x0] =	wrdreg $0x0  }
0xa8: {  	s4 =	sshll.u32 s28, $0x1;
	[dreg:$0x2] =	wrdreg s2  }
0xa9: {  	[dreg:$0x3] =	wrdreg s4  }
0xaa: {  	[dreg:$0x4] =	wrdreg $0xC0  }
0xab: {  	_ =	task [dreg:s6], $0x5FFFF  }
0xac: {  	[dreg:$0x1] =	wrdreg $0xFFFFFFFF  }
0xad: {  	[dreg:$0x0] =	wrdreg $0x60  }
0xae: {  	[dreg:$0x2] =	wrdreg s24  }
0xaf: {  	[dreg:$0x3] =	wrdreg $0xA8000  }
0xb0: {  	[dreg:$0x4] =	wrdreg $0x9  }
0xb1: {  	_ =	task.clear_ibuf [dreg:s6], $0x5FFFF;
	_ =	strace $0x90000052  }
0xb2: {  	s29 =	simm.s32 $0x9;
	_ =	strace $0x80000054  }
0xb3: {  	_ =	swait.ge [sflag:s29], $0x1  }
0xb4: {  	[sflag:s29] =	ssyncadd.s32 $0xFFFFFFFF  }
0xb5: {  	_ =	strace $0x90000054  }
0xb6: {  	_ =	sfence  }
0xb7: {  	s30 =	sld [smem:$0x0];
	_ =	sdelay $0x2  }
0xb8: {  	s31 =	sshll.u32 s1, $0xD;
	s1 =	sshrl.u32 s1, $0x2  }
0xb9: {  	s3 =	sand.u32 $0x4000, s31;
	s1 =	sadd.s32 s1, s30  }
0xba: {  	s0 =	sor.u32 s3, s0;
	s1 =	sshll.u32 s1, $0x11  }
0xbb: {  	s0 =	sor.u32 s1, s0  }
0xbc: {  	s0 =	sadd.s32 $0x8F2B, s0  }
0xbd: {  	[sflag:s0] =	ssyncadd.remote.s32 $0x1  }
0xbe: {  	_ =	sfence.sel $0xFFFF  }
0xbf: {  	[dreg:$0x0] =	wrdreg $0xFFFFFFFF;
	(pc) =	sbr.abs _section_cstart, $3  }
0xc0: {  	[dreg:$0x1] =	wrdreg $0xFFFFFFFF  }
0xc1: {  	_ =	task.clear_ibuf [dreg:s6], $0x2FFFF;
	_ =	strace $0x9FFFFFFF  }
0xc2: {  	(tm) =	ssettm $0x7FFFFFFF  }
0xc3: {  	_ =	shalt  }
tec
execute0_lowered:
.L_overlay_start_1:
0x0: {  	(tag) =	ssettag $0x1  }
0x1: {  	s5 =	rddreg [dreg:$0x0]  }
0x2: {  	s2 =	rddreg [dreg:$0x1]  }
0x3: {  	s0 =	rddreg [dreg:$0x2]  }
0x4: {  	s3 =	simm.s32 $0x0;
	s1 =	stileid.u32;
	s4 =	srdreg.scid  }
0x5: {  	s15 =	simm.s32 $0x1400;
	s16 =	simm.s32 $0x80;
	s17 =	simm.s32 $0x2800  }
0x6: {  	s18 =	simm.s32 $0x6800;
	s19 =	simm.s32 $0x1;
	s20 =	simm.s32 $0x2  }
0x7: {  	s21 =	simm.s32 $0x2700;
	s22 =	simm.s32 $0x2780;
	s23 =	simm.s32 $0x0  }
0x8: {  	[smem:$0x7FF] =	sst s3;
	s6 =	smul.u32 $0x13C00, s1;
	s7 =	sand.u32 $0x1, s4  }
0x9: {  	s4 =	sadd.s32 $0x19400, s5;
	s9 =	sadd.s32 $0xF400, s5;
	s10 =	sadd.s32 $0x5400, s5  }
0xa: {  	s12 =	sshll.u32 s1, $0x1;
	s30 =	sshll.u32 s1, $0x6;
	_ =	strace $0x80000053  }
0xb: {  	s8 =	smul.u32 $0x13C000, s7;
	s13 =	ssub.s32 $0x2, s7;
	s7 =	sor.u32 s7, s12  }
0xc: {  	s11 =	sshrl.u32 s6, $0x3;
	s29 =	sshrl.u32 s13, $0x1;
	s7 =	smul.u32 $0x2800, s7  }
0xd: {  	s14 =	sadd.s32 s6, s2;
	s11 =	sadd.s32 s11, s5;
	s8 =	sadd.s32 s6, s8  }
0xe: {  	s13 =	ssub.s32 s13, s29;
	s6 =	sor.u32 $0x1C03, s30;
	s8 =	sshrl.u32 s8, $0x3  }
0xf: {  	s31 =	sshrl.u32 s7, $0x3;
	s12 =	smax.u32 s13, $0x1;
	s13 =	sshrl.u32 s14, $0x3  }
0x10: {  	s14 =	simm.s32 $0x3;
	s28 =	sadd.s32 s8, s5;
	s5 =	sadd.s32 $0x40600, s11  }
0x11: {  	s7 =	sadd.s32 s9, s31;
	s8 =	sadd.s32 s10, s31;
	s11 =	sadd.s32 $0x280, s31  }
0x12: {  	s9 =	sadd.s32 s9, s11;
	s10 =	sadd.s32 s10, s11;
	s11 =	sadd.s32 $0x67E00, s28  }
.LBB2_1:
0x13: {  	[spmem:s13], [sflag:s6] =	dma.local [hbm:s5], $0x2780  }
0x14: {  	_ =	swait.ge [sflag:s14], $0x2780  }
0x15: {  	[sflag:s14] =	ssyncset.done $0x0  }
0x16: {  	[sflag:s14] =	ssyncadd.s32 $0xFFFFD880  }
0x17: {  	[bflag:$0x0] =	sbarrier.arrive $0xFFFF  }
0x18: {  	[tilespmem:s3], [sflag:$0x3] =	stream.linear.gather [hbm4b:s7+s3], $0x1400, $0x38;
	[tilespmem:$0x1E400] =	vst v63  }
0x19: {  	_ =	swait.ge [sflag:s14], $0x1400  }
0x1a: {  	[sflag:s14] =	ssyncset.done $0x0  }
0x1b: {  	[sflag:s14] =	ssyncadd.s32 $0xFFFFEC00  }
0x1c: {  	[tilespmem:s15], [sflag:$0x3] =	stream.linear.gather [hbm4b:s8+s3], $0x1400, $0x38;
	[tilespmem:$0x1E400] =	vst v63  }
0x1d: {  	_ =	swait.ge [sflag:s14], $0x1400  }
0x1e: {  	[sflag:s14] =	ssyncset.done $0x0  }
0x1f: {  	[sflag:s14] =	ssyncadd.s32 $0xFFFFEC00  }
0x20: {  	[tilespmem:s17], [sflag:$0x1] =	stream.indirect.gather [hbm4b:s4+s16], $0x80, s3, s16, $0xb8;
	[tilespmem:$0x1E400] =	vst v63  }
0x21: {  	_ = 	snop  }
0x22: {  	[tilespmem:s18], [sflag:$0x2] =	stream.indirect.gather [hbm4b:s4+s16], $0x80, s16, s16, $0xb8;
	[tilespmem:$0x1E400] =	vst v63  }
0x23: {  	_ =	swait.ge [sflag:s19], $0x4000  }
0x24: {  	[sflag:s19] =	ssyncset.done $0x0  }
0x25: {  	s24 =	simm.s32 $0x1400;
	[sflag:s19] =	ssyncadd.s32 $0xFFFFC000  }
0x26: {  	[spmem:s2] =	stream.indirect.scatter.add.f32 [tilespmem:s17], [sflag:$0x3], $0x80, s24, s16, $0xb8;
	[tilespmem:$0x1E400] =	vst v63  }
0x27: {  	_ =	swait.ge [sflag:s14], $0x4000  }
0x28: {  	[sflag:s14] =	ssyncset.done $0x0  }
0x29: {  	s30 =	simm.s32 $0x100;
	[sflag:s14] =	ssyncadd.s32 $0xFFFFC000  }
0x2a: {  	[tilespmem:s17], [sflag:$0x1] =	stream.indirect.gather [hbm4b:s4+s16], $0x80, s30, s16, $0xb8;
	[tilespmem:$0x1E400] =	vst v63  }
0x2b: {  	_ =	swait.ge [sflag:s20], $0x4000  }
0x2c: {  	[sflag:s20] =	ssyncset.done $0x0  }
0x2d: {  	s31 =	simm.s32 $0x1480;
	[sflag:s20] =	ssyncadd.s32 $0xFFFFC000  }
0x2e: {  	[spmem:s2] =	stream.indirect.scatter.add.f32 [tilespmem:s18], [sflag:$0x3], $0x80, s31, s16, $0xb8;
	[tilespmem:$0x1E400] =	vst v63  }
0x2f: {  	_ =	swait.ge [sflag:s14], $0x4000  }
0x30: {  	[sflag:s14] =	ssyncset.done $0x0  }
0x31: {  	s25 =	simm.s32 $0x180;
	s24 =	simm.s32 $0x400;
	[sflag:s14] =	ssyncadd.s32 $0xFFFFC000  }
.LBB2_2:
0x32: {  	[tilespmem:s18], [sflag:$0x2] =	stream.indirect.gather [hbm4b:s4+s16], $0x80, s25, s16, $0xb8;
	[tilespmem:$0x1E400] =	vst v63  }
0x33: {  	s25 =	smov.u32 s24  }
0x34: {  	p0 =	sne.s32 s24, $0x4800;
	s24 =	sadd.s32 $0x400, s24;
	_ =	swait.ge [sflag:s19], $0x4000  }
0x35: {  	s25 =	sshra.s32 s25, $0x2;
	[sflag:s19] =	ssyncset.done $0x0  }
0x36: {  	s26 =	sadd.s32 $0x1400, s25;
	[sflag:s19] =	ssyncadd.s32 $0xFFFFC000  }
0x37: {  	[spmem:s2] =	stream.indirect.scatter.add.f32 [tilespmem:s17], [sflag:$0x3], $0x80, s26, s16, $0xb8;
	[tilespmem:$0x1E400] =	vst v63  }
0x38: {  	_ =	swait.ge [sflag:s14], $0x4000  }
0x39: {  	[sflag:s14] =	ssyncset.done $0x0  }
0x3a: {  	s26 =	sadd.s32 $0x100, s25;
	[sflag:s14] =	ssyncadd.s32 $0xFFFFC000  }
0x3b: {  	[tilespmem:s17], [sflag:$0x1] =	stream.indirect.gather [hbm4b:s4+s16], $0x80, s26, s16, $0xb8;
	[tilespmem:$0x1E400] =	vst v63  }
0x3c: {  	_ =	swait.ge [sflag:s20], $0x4000  }
0x3d: {  	[sflag:s20] =	ssyncset.done $0x0  }
.Ltmp0:
0x3e: {  	s26 =	sadd.s32 $0x1480, s25;
	[sflag:s20] =	ssyncadd.s32 $0xFFFFC000;
	(pc) =	sbr.rel @p0 .LBB2_2-.Ltmp0, $4  }
0x3f: {  	[spmem:s2] =	stream.indirect.scatter.add.f32 [tilespmem:s18], [sflag:$0x3], $0x80, s26, s16, $0xb8;
	[tilespmem:$0x1E400] =	vst v63  }
0x40: {  	_ =	swait.ge [sflag:s14], $0x4000  }
0x41: {  	[sflag:s14] =	ssyncset.done $0x0  }
0x42: {  	s25 =	sadd.s32 $0x180, s25;
	[sflag:s14] =	ssyncadd.s32 $0xFFFFC000  }
0x43: {  	[tilespmem:s18], [sflag:$0x2] =	stream.indirect.gather [hbm4b:s4+s16], $0x80, s25, s16, $0xb8;
	[tilespmem:$0x1E400] =	vst v63  }
0x44: {  	_ =	swait.ge [sflag:s19], $0x4000  }
0x45: {  	[sflag:s19] =	ssyncset.done $0x0  }
0x46: {  	[sflag:s19] =	ssyncadd.s32 $0xFFFFC000  }
0x47: {  	[spmem:s2] =	stream.indirect.scatter.add.f32 [tilespmem:s17], [sflag:$0x3], $0x80, s21, s16, $0xb8;
	[tilespmem:$0x1E400] =	vst v63  }
0x48: {  	_ =	swait.ge [sflag:s14], $0x4000  }
0x49: {  	[sflag:s14] =	ssyncset.done $0x0  }
0x4a: {  	[sflag:s14] =	ssyncadd.s32 $0xFFFFC000  }
0x4b: {  	_ =	swait.ge [sflag:s20], $0x4000  }
0x4c: {  	[sflag:s20] =	ssyncset.done $0x0  }
0x4d: {  	[sflag:s20] =	ssyncadd.s32 $0xFFFFC000  }
0x4e: {  	[spmem:s2] =	stream.indirect.scatter.add.f32 [tilespmem:s18], [sflag:$0x3], $0x80, s22, s16, $0xb8;
	[tilespmem:$0x1E400] =	vst v63  }
0x4f: {  	_ =	swait.ge [sflag:s14], $0x4000  }
0x50: {  	[sflag:s14] =	ssyncset.done $0x0  }
0x51: {  	s24 =	simm.s32 $0x0;
	[sflag:s14] =	ssyncadd.s32 $0xFFFFC000  }
0x52: {  	[tilespmem:s24], [sflag:$0x3] =	stream.linear.gather [hbm4b:s9+s24], $0x1400, $0x38;
	[tilespmem:$0x1E400] =	vst v63  }
0x53: {  	_ =	swait.ge [sflag:s14], $0x1400  }
0x54: {  	[sflag:s14] =	ssyncset.done $0x0  }
0x55: {  	[sflag:s14] =	ssyncadd.s32 $0xFFFFEC00  }
0x56: {  	[tilespmem:s15], [sflag:$0x3] =	stream.linear.gather [hbm4b:s10+s24], $0x1400, $0x38;
	[tilespmem:$0x1E400] =	vst v63  }
0x57: {  	_ =	swait.ge [sflag:s14], $0x1400  }
0x58: {  	[sflag:s14] =	ssyncset.done $0x0  }
0x59: {  	[sflag:s14] =	ssyncadd.s32 $0xFFFFEC00  }
0x5a: {  	[tilespmem:s17], [sflag:$0x1] =	stream.indirect.gather [hbm4b:s4+s16], $0x80, s24, s16, $0xb8;
	[tilespmem:$0x1E400] =	vst v63  }
0x5b: {  	_ = 	snop  }
0x5c: {  	[tilespmem:s18], [sflag:$0x2] =	stream.indirect.gather [hbm4b:s4+s16], $0x80, s16, s16, $0xb8;
	[tilespmem:$0x1E400] =	vst v63  }
0x5d: {  	_ =	swait.ge [sflag:s19], $0x4000  }
0x5e: {  	[sflag:s19] =	ssyncset.done $0x0  }
0x5f: {  	s29 =	simm.s32 $0x1400;
	[sflag:s19] =	ssyncadd.s32 $0xFFFFC000  }
0x60: {  	[spmem:s2] =	stream.indirect.scatter.add.f32 [tilespmem:s17], [sflag:$0x3], $0x80, s29, s16, $0xb8;
	[tilespmem:$0x1E400] =	vst v63  }
0x61: {  	_ =	swait.ge [sflag:s14], $0x4000  }
0x62: {  	[sflag:s14] =	ssyncset.done $0x0  }
0x63: {  	s30 =	simm.s32 $0x100;
	[sflag:s14] =	ssyncadd.s32 $0xFFFFC000  }
0x64: {  	[tilespmem:s17], [sflag:$0x1] =	stream.indirect.gather [hbm4b:s4+s16], $0x80, s30, s16, $0xb8;
	[tilespmem:$0x1E400] =	vst v63  }
0x65: {  	_ =	swait.ge [sflag:s20], $0x4000  }
0x66: {  	[sflag:s20] =	ssyncset.done $0x0  }
0x67: {  	s31 =	simm.s32 $0x1480;
	[sflag:s20] =	ssyncadd.s32 $0xFFFFC000  }
0x68: {  	[spmem:s2] =	stream.indirect.scatter.add.f32 [tilespmem:s18], [sflag:$0x3], $0x80, s31, s16, $0xb8;
	[tilespmem:$0x1E400] =	vst v63  }
0x69: {  	_ =	swait.ge [sflag:s14], $0x4000  }
0x6a: {  	[sflag:s14] =	ssyncset.done $0x0  }
0x6b: {  	s25 =	simm.s32 $0x180;
	s24 =	simm.s32 $0x400;
	[sflag:s14] =	ssyncadd.s32 $0xFFFFC000  }
.LBB2_4:
0x6c: {  	[tilespmem:s18], [sflag:$0x2] =	stream.indirect.gather [hbm4b:s4+s16], $0x80, s25, s16, $0xb8;
	[tilespmem:$0x1E400] =	vst v63  }
0x6d: {  	s25 =	smov.u32 s24  }
0x6e: {  	p0 =	sne.s32 s24, $0x4800;
	s24 =	sadd.s32 $0x400, s24;
	_ =	swait.ge [sflag:s19], $0x4000  }
0x6f: {  	s25 =	sshra.s32 s25, $0x2;
	[sflag:s19] =	ssyncset.done $0x0  }
0x70: {  	s26 =	sadd.s32 $0x1400, s25;
	[sflag:s19] =	ssyncadd.s32 $0xFFFFC000  }
0x71: {  	[spmem:s2] =	stream.indirect.scatter.add.f32 [tilespmem:s17], [sflag:$0x3], $0x80, s26, s16, $0xb8;
	[tilespmem:$0x1E400] =	vst v63  }
0x72: {  	_ =	swait.ge [sflag:s14], $0x4000  }
0x73: {  	[sflag:s14] =	ssyncset.done $0x0  }
0x74: {  	s26 =	sadd.s32 $0x100, s25;
	[sflag:s14] =	ssyncadd.s32 $0xFFFFC000  }
0x75: {  	[tilespmem:s17], [sflag:$0x1] =	stream.indirect.gather [hbm4b:s4+s16], $0x80, s26, s16, $0xb8;
	[tilespmem:$0x1E400] =	vst v63  }
0x76: {  	_ =	swait.ge [sflag:s20], $0x4000  }
0x77: {  	[sflag:s20] =	ssyncset.done $0x0  }
.Ltmp1:
0x78: {  	s26 =	sadd.s32 $0x1480, s25;
	[sflag:s20] =	ssyncadd.s32 $0xFFFFC000;
	(pc) =	sbr.rel @p0 .LBB2_4-.Ltmp1, $4  }
0x79: {  	[spmem:s2] =	stream.indirect.scatter.add.f32 [tilespmem:s18], [sflag:$0x3], $0x80, s26, s16, $0xb8;
	[tilespmem:$0x1E400] =	vst v63  }
0x7a: {  	_ =	swait.ge [sflag:s14], $0x4000  }
0x7b: {  	[sflag:s14] =	ssyncset.done $0x0  }
0x7c: {  	s25 =	sadd.s32 $0x180, s25;
	[sflag:s14] =	ssyncadd.s32 $0xFFFFC000  }
0x7d: {  	[tilespmem:s18], [sflag:$0x2] =	stream.indirect.gather [hbm4b:s4+s16], $0x80, s25, s16, $0xb8;
	[tilespmem:$0x1E400] =	vst v63  }
0x7e: {  	_ =	swait.ge [sflag:s19], $0x4000  }
0x7f: {  	[sflag:s19] =	ssyncset.done $0x0  }
0x80: {  	[sflag:s19] =	ssyncadd.s32 $0xFFFFC000  }
0x81: {  	[spmem:s2] =	stream.indirect.scatter.add.f32 [tilespmem:s17], [sflag:$0x3], $0x80, s21, s16, $0xb8;
	[tilespmem:$0x1E400] =	vst v63  }
0x82: {  	_ =	swait.ge [sflag:s14], $0x4000  }
0x83: {  	[sflag:s14] =	ssyncset.done $0x0  }
0x84: {  	[sflag:s14] =	ssyncadd.s32 $0xFFFFC000  }
0x85: {  	_ =	swait.ge [sflag:s20], $0x4000  }
0x86: {  	[sflag:s20] =	ssyncset.done $0x0  }
0x87: {  	[sflag:s20] =	ssyncadd.s32 $0xFFFFC000  }
0x88: {  	[spmem:s2] =	stream.indirect.scatter.add.f32 [tilespmem:s18], [sflag:$0x3], $0x80, s22, s16, $0xb8;
	[tilespmem:$0x1E400] =	vst v63  }
0x89: {  	_ =	swait.ge [sflag:s14], $0x4000  }
0x8a: {  	s23 =	sadd.s32 $0x1, s23;
	[sflag:s14] =	ssyncset.done $0x0  }
0x8b: {  	p0 =	sne.s32 s23, s12;
	[sflag:s14] =	ssyncadd.s32 $0xFFFFC000  }
.Ltmp2:
0x8c: {  	[bflag:$0x0] =	sbarrier.arrive $0xFFFF;
	(pc) =	sbr.rel @p0 .LBB2_1-.Ltmp2, $4  }
0x8d: {  	[hbm:s11], [sflag:s6] =	dma.local [spmem:s13], $0x2780  }
0x8e: {  	_ =	swait.ge [sflag:s14], $0x2780  }
0x8f: {  	[sflag:s14] =	ssyncset.done $0x0  }
0x90: {  	[sflag:s14] =	ssyncadd.s32 $0xFFFFD880  }
0x91: {  	_ =	sfence.sel $0x180000  }
0x92: {  	[bflag:$0x0] =	sbarrier.arrive $0xFFFF  }
0x93: {  	p0 =	sne.s32 s1, $0x0;
	_ =	strace $0x90000053  }
0x94: {  	s0 =	sadd.s32 @!p0 $0x100000, s0;
	[bflag:$0x2] =	sbarrier.arrive $0xFFFF  }
0x95: {  	[sflag:s0] =	ssyncadd.tile.s32 @!p0 $0x1;
	_ =	shalt  }
.Lfunc_end2:
_tile_overlayer_lowered:
.L_overlay_start_2:
0x96: {  	(tag) =	ssettag $0x2  }
0x97: {  	s0 =	rddreg [dreg:$0x0];
	s2 =	stileid.u32  }
0x98: {  	s1 =	rddreg [dreg:$0x1];
	p0 =	sne.s32 s2, $0x0  }
0x99: {  	s3 =	rddreg [dreg:$0x2];
	[bflag:$0x3] =	sbarrier.arrive $0xFFFF;
	s2 =	simm.s32 @!p0 $0x1C03  }
0x9a: {  	[timem:s3], [sflag:s2] =	dma.local @!p0 [hbm:s0], s1  }
0x9b: {  	s0 =	simm.s32 @!p0 $0x3  }
0x9c: {  	_ =	swait.ge @!p0 [sflag:s0], s1  }
0x9d: {  	s1 =	ssub.s32 @!p0 $0x0, s1;
	[sflag:s0] =	ssyncset.done @!p0 $0x0  }
0x9e: {  	[sflag:s0] =	ssyncadd.s32 @!p0 s1  }
0x9f: {  	[bflag:$0x3] =	sbarrier.arrive $0xFFFF  }
0xa0: {  	_ =	shalt  }

</sc_bundles>
